<compile_context>
chip_gen: v7x
topology: tpu7x:2x2x1
jax: 0.10.2.dev20260603
libtpu: 0.0.44.dev20260713+nightly
codegen_flags: <defaults>
</compile_context>

<pallas_src>
import functools

import numpy as np
import jax
import jax.numpy as jnp
from jax import lax
from jax.experimental import pallas as pl
from jax.experimental.pallas import tpu as pltpu
from jax.experimental.pallas import tpu_sc as plsc

L = 3
B = 2048
D = 512
P = 768
TOPK = 8
BR = 256
NB = B // BR

_NT = (((1,), (1,)), ((), ()))
_NN = (((1,), (0,)), ((), ()))


def _rows_cols(i):
    rows = jax.lax.broadcasted_iota(jnp.int32, (BR, B), 0) + i * BR
    cols = jax.lax.broadcasted_iota(jnp.int32, (BR, B), 1)
    return rows, cols


def _l2norm_kernel(x_ref, o_ref):
    x = x_ref[...]
    n = jnp.sqrt(jnp.sum(x * x, axis=1, keepdims=True))
    o_ref[...] = x / jnp.maximum(n, 1e-12)


def _l2norm_rows(x):
    n2 = x.shape[1]
    return pl.pallas_call(
        _l2norm_kernel,
        grid=(NB,),
        in_specs=[pl.BlockSpec((BR, n2), lambda i: (i, 0))],
        out_specs=pl.BlockSpec((BR, n2), lambda i: (i, 0)),
        out_shape=jax.ShapeDtypeStruct((B, n2), jnp.float32),
    )(x)


def _simtopk_kernel(labc_ref, labr_ref, xb_ref, xf_ref, idx_ref, val_ref):
    i = pl.program_id(0)
    xb = xb_ref[...]
    xf = xf_ref[...]
    s = jax.lax.dot_general(xb, xf, _NT, preferred_element_type=jnp.float32)
    s = jnp.clip(s, -1.0 + 1e-8, 1.0 - 1e-8)
    rows, cols = _rows_cols(i)
    okm = (labc_ref[...] == labr_ref[...]) & (rows != cols)
    vq = jnp.where(okm, (s * 524288.0).astype(jnp.int32),
                   jnp.int32(-1048576))
    tk = vq * 2048 + (jnp.int32(2047) - cols)
    for k in range(TOPK):
        mx = jnp.max(tk, axis=1, keepdims=True)
        pick = tk == mx
        idx_ref[:, k:k + 1] = jnp.int32(2047) - (mx & jnp.int32(2047))
        val_ref[:, k:k + 1] = (mx >> 11).astype(jnp.float32) * (1.0 / 524288.0)
        tk = jnp.where(pick, jnp.iinfo(jnp.int32).min, tk)


def _simtopk(xn, labc, labr):
    return pl.pallas_call(
        _simtopk_kernel,
        grid=(NB,),
        in_specs=[
            pl.BlockSpec((BR, 1), lambda i: (i, 0)),
            pl.BlockSpec((1, B), lambda i: (0, 0)),
            pl.BlockSpec((BR, D), lambda i: (i, 0)),
            pl.BlockSpec((B, D), lambda i: (0, 0)),
        ],
        out_specs=[
            pl.BlockSpec((BR, TOPK), lambda i: (i, 0)),
            pl.BlockSpec((BR, TOPK), lambda i: (i, 0)),
        ],
        out_shape=[
            jax.ShapeDtypeStruct((B, TOPK), jnp.int32),
            jax.ShapeDtypeStruct((B, TOPK), jnp.float32),
        ],
    )(labc, labr, xn, xn)


_ROWSW = 32
_NW = 32
_NEDGE = B * TOPK


def _sc_scatter_body(idx_hbm, val_hbm, out_hbm, rows_v, ibuf, vbuf):
    info = plsc.get_sparse_core_info()
    wid = lax.axis_index("s") * info.num_cores + lax.axis_index("c")
    pltpu.sync_copy(idx_hbm, ibuf)
    pltpu.sync_copy(val_hbm, vbuf)
    lanes = jnp.arange(16, dtype=jnp.int32)
    zeros16 = jnp.zeros((16,), jnp.float32)
    for w in range(2):
        lo = wid * (2 * _ROWSW) + w * _ROWSW

        def zero_body(j, _):
            for u in range(8):
                rows_v[pl.ds(j * 128 + u * 16, 16)] = zeros16
            return 0

        lax.fori_loop(0, _ROWSW * B // 128, zero_body, 0)

        for t in range(_ROWSW * TOPK // 16):
            e0 = lo * TOPK + t * 16
            c = ibuf[pl.ds(e0, 16)]
            v = jnp.maximum(vbuf[pl.ds(e0, 16)], 0.0)
            r = jnp.right_shift(e0 + lanes, 3)
            plsc.store_scatter(rows_v, [(r - lo) * B + c], v)

        def scan_body(i, _):
            for u in range(2):
                i0 = i * 32 + u * 16
                c = ibuf[pl.ds(i0, 16)]
                v = jnp.maximum(vbuf[pl.ds(i0, 16)], 0.0)
                r = jnp.right_shift(i0 + lanes, 3)
                m2 = (c >= lo) & (c < lo + _ROWSW)
                o2 = jnp.where(m2, (c - lo) * B + r, 0)
                plsc.store_scatter(rows_v, [o2], v, mask=m2)
            return 0

        lax.fori_loop(0, _NEDGE // 32, scan_body, 0)
        pltpu.sync_copy(rows_v, out_hbm.at[pl.ds(lo * B, _ROWSW * B)])


def _sc_scatter(idxf, valf):
    mesh = plsc.VectorSubcoreMesh(core_axis_name="c", subcore_axis_name="s")
    fn = pl.kernel(
        _sc_scatter_body,
        out_type=jax.ShapeDtypeStruct((B * B,), jnp.float32),
        mesh=mesh,
        scratch_types=[
            pltpu.VMEM((_ROWSW * B,), jnp.float32),
            pltpu.VMEM((_NEDGE,), jnp.int32),
            pltpu.VMEM((_NEDGE,), jnp.float32),
        ],
        compiler_params=pltpu.CompilerParams(needs_layout_passes=False),
    )
    return fn(idxf, valf)


def _deg_kernel(aun_ref, d_ref, *, alpha):
    d_ref[...] = alpha * jnp.sum(aun_ref[...], axis=1, keepdims=True) + 1e-6


def _degree(aun, alpha):
    return pl.pallas_call(
        functools.partial(_deg_kernel, alpha=alpha),
        grid=(NB,),
        in_specs=[pl.BlockSpec((BR, B), lambda i: (i, 0))],
        out_specs=pl.BlockSpec((BR, 1), lambda i: (i, 0)),
        out_shape=jax.ShapeDtypeStruct((B, 1), jnp.float32),
    )(aun)


def _knorm_mm_kernel(aun_ref, dc_ref, dr_ref, h1_ref, k_ref, z1_ref, *,
                     alpha):
    i = pl.program_id(0)
    rows, cols = _rows_cols(i)
    a = aun_ref[...] * alpha + jnp.where(rows == cols, 1e-6, 0.0)
    dinv_c = jax.lax.rsqrt(jnp.maximum(dc_ref[...], 1e-8))
    dinv_r = jax.lax.rsqrt(jnp.maximum(dr_ref[...], 1e-8))
    k_blk = a * dinv_c * dinv_r
    k_ref[...] = k_blk
    z1_ref[...] = jax.lax.dot_general(k_blk, h1_ref[...], _NN,
                                      preferred_element_type=jnp.float32)


def _knorm_mm(aun, d, h1, alpha):
    return pl.pallas_call(
        functools.partial(_knorm_mm_kernel, alpha=alpha),
        grid=(NB,),
        in_specs=[
            pl.BlockSpec((BR, B), lambda i: (i, 0)),
            pl.BlockSpec((BR, 1), lambda i: (i, 0)),
            pl.BlockSpec((1, B), lambda i: (0, 0)),
            pl.BlockSpec((B, D), lambda i: (0, 0)),
        ],
        out_specs=[
            pl.BlockSpec((BR, B), lambda i: (i, 0)),
            pl.BlockSpec((BR, D), lambda i: (i, 0)),
        ],
        out_shape=[
            jax.ShapeDtypeStruct((B, B), jnp.float32),
            jax.ShapeDtypeStruct((B, D), jnp.float32),
        ],
    )(aun, d, d.reshape(1, B), h1)


def _mm_nt_kernel(a_ref, b_ref, o_ref):
    o_ref[...] = jax.lax.dot_general(a_ref[...], b_ref[...], _NT,
                                     preferred_element_type=jnp.float32)


def _mm_nt(a, b):
    kd = a.shape[1]
    n2 = b.shape[0]
    return pl.pallas_call(
        _mm_nt_kernel,
        grid=(NB,),
        in_specs=[
            pl.BlockSpec((BR, kd), lambda i: (i, 0)),
            pl.BlockSpec((n2, kd), lambda i: (0, 0)),
        ],
        out_specs=pl.BlockSpec((BR, n2), lambda i: (i, 0)),
        out_shape=jax.ShapeDtypeStruct((B, n2), jnp.float32),
    )(a, b)


def _mm_nn_kernel(a_ref, b_ref, o_ref):
    o_ref[...] = jax.lax.dot_general(a_ref[...], b_ref[...], _NN,
                                     preferred_element_type=jnp.float32)


def _mm_nn_add_kernel(a_ref, b_ref, c_ref, o_ref):
    o_ref[...] = jax.lax.dot_general(a_ref[...], b_ref[...], _NN,
                                     preferred_element_type=jnp.float32) + c_ref[...]


def _mm_nn_add_loss_kernel(a_ref, b_ref, c_ref, kp_ref, labc_ref, labr_ref,
                           o_ref, p_ref, *, with_idea):
    k_blk = a_ref[...]
    o_ref[...] = jax.lax.dot_general(k_blk, b_ref[...], _NN,
                                     preferred_element_type=jnp.float32) + c_ref[...]
    d1 = kp_ref[...] - k_blk
    s1 = jnp.sum(d1 * d1)
    if with_idea:
        same = (labc_ref[...] == labr_ref[...]).astype(jnp.float32)
        d2 = k_blk - 0.99 * same
        s2 = jnp.sum(d2 * d2)
    else:
        s2 = jnp.float32(0.0)
    lane = jax.lax.broadcasted_iota(jnp.int32, (1, 1, 128), 2)
    p_ref[...] = jnp.where(lane == 0, s1, jnp.where(lane == 1, s2, 0.0))


def _mm_nn_add_loss(a, b, add, kprev, labc, labr, with_idea):
    n2 = b.shape[1]
    return pl.pallas_call(
        functools.partial(_mm_nn_add_loss_kernel, with_idea=with_idea),
        grid=(NB,),
        in_specs=[
            pl.BlockSpec((BR, B), lambda i: (i, 0)),
            pl.BlockSpec((B, n2), lambda i: (0, 0)),
            pl.BlockSpec((BR, n2), lambda i: (i, 0)),
            pl.BlockSpec((BR, B), lambda i: (i, 0)),
            pl.BlockSpec((BR, 1), lambda i: (i, 0)),
            pl.BlockSpec((1, B), lambda i: (0, 0)),
        ],
        out_specs=[
            pl.BlockSpec((BR, n2), lambda i: (i, 0)),
            pl.BlockSpec((1, 1, 128), lambda i: (i, 0, 0)),
        ],
        out_shape=[
            jax.ShapeDtypeStruct((B, n2), jnp.float32),
            jax.ShapeDtypeStruct((NB, 1, 128), jnp.float32),
        ],
    )(a, b, add, kprev, labc, labr)


def _mm_nn(a, b, add=None):
    n2 = b.shape[1]
    if add is None:
        return pl.pallas_call(
            _mm_nn_kernel,
            grid=(NB,),
            in_specs=[
                pl.BlockSpec((BR, B), lambda i: (i, 0)),
                pl.BlockSpec((B, n2), lambda i: (0, 0)),
            ],
            out_specs=pl.BlockSpec((BR, n2), lambda i: (i, 0)),
            out_shape=jax.ShapeDtypeStruct((B, n2), jnp.float32),
        )(a, b)
    return pl.pallas_call(
        _mm_nn_add_kernel,
        grid=(NB,),
        in_specs=[
            pl.BlockSpec((BR, B), lambda i: (i, 0)),
            pl.BlockSpec((B, n2), lambda i: (0, 0)),
            pl.BlockSpec((BR, n2), lambda i: (i, 0)),
        ],
        out_specs=pl.BlockSpec((BR, n2), lambda i: (i, 0)),
        out_shape=jax.ShapeDtypeStruct((B, n2), jnp.float32),
    )(a, b, add)


def _bnstats_kernel(z_ref, mu_ref, var_ref):
    z = z_ref[...]
    mu = jnp.mean(z, axis=0, keepdims=True)
    var = jnp.mean((z - mu) ** 2, axis=0, keepdims=True)
    mu_ref[...] = mu
    var_ref[...] = var


def _bnstats(z):
    return pl.pallas_call(
        _bnstats_kernel,
        grid=(1,),
        in_specs=[pl.BlockSpec((B, D), lambda i: (0, 0))],
        out_specs=[
            pl.BlockSpec((1, D), lambda i: (0, 0)),
            pl.BlockSpec((1, D), lambda i: (0, 0)),
        ],
        out_shape=[
            jax.ShapeDtypeStruct((1, D), jnp.float32),
            jax.ShapeDtypeStruct((1, D), jnp.float32),
        ],
    )(z)


def _bnmm_kernel(z_ref, mu_ref, var_ref, g_ref, b_ref, w_ref, o_ref):
    zn = (z_ref[...] - mu_ref[...]) / jnp.sqrt(var_ref[...] + 1e-5)
    zn = zn * g_ref[...] + b_ref[...]
    zr = jnp.maximum(zn, 0.0)
    o_ref[...] = jax.lax.dot_general(zr, w_ref[...], _NT,
                                     preferred_element_type=jnp.float32)


def _bn_relu_mm(z, mu, var, gamma, beta, w2):
    return pl.pallas_call(
        _bnmm_kernel,
        grid=(NB,),
        in_specs=[
            pl.BlockSpec((BR, D), lambda i: (i, 0)),
            pl.BlockSpec((1, D), lambda i: (0, 0)),
            pl.BlockSpec((1, D), lambda i: (0, 0)),
            pl.BlockSpec((1, D), lambda i: (0, 0)),
            pl.BlockSpec((1, D), lambda i: (0, 0)),
            pl.BlockSpec((D, D), lambda i: (0, 0)),
        ],
        out_specs=pl.BlockSpec((BR, D), lambda i: (i, 0)),
        out_shape=jax.ShapeDtypeStruct((B, D), jnp.float32),
    )(z, mu, var, gamma, beta, w2)


def _proj_kernel(z_ref, w_ref, o_ref):
    t = jax.lax.dot_general(z_ref[...], w_ref[...], _NT,
                            preferred_element_type=jnp.float32)
    n = jnp.sqrt(jnp.sum(t * t, axis=1, keepdims=True))
    o_ref[...] = t / jnp.maximum(n, 1e-12)


def _proj_norm(z, proj_w):
    return pl.pallas_call(
        _proj_kernel,
        grid=(NB,),
        in_specs=[
            pl.BlockSpec((BR, D), lambda i: (i, 0)),
            pl.BlockSpec((P, D), lambda i: (0, 0)),
        ],
        out_specs=pl.BlockSpec((BR, P), lambda i: (i, 0)),
        out_shape=jax.ShapeDtypeStruct((B, P), jnp.float32),
    )(z, proj_w)


def _lossz_kernel(z0_ref, z1_ref, z2_ref, o_ref):
    d1 = z0_ref[...] - z1_ref[...]
    d2 = z1_ref[...] - z2_ref[...]
    s1 = jnp.sum(d1 * d1)
    s2 = jnp.sum(d2 * d2)
    lane = jax.lax.broadcasted_iota(jnp.int32, (1, 1, 128), 2)
    o_ref[...] = jnp.where(lane == 0, s1, jnp.where(lane == 1, s2, 0.0))


def _loss_z(z0, z1, z2):
    return pl.pallas_call(
        _lossz_kernel,
        grid=(NB,),
        in_specs=[
            pl.BlockSpec((BR, P), lambda i: (i, 0)),
            pl.BlockSpec((BR, P), lambda i: (i, 0)),
            pl.BlockSpec((BR, P), lambda i: (i, 0)),
        ],
        out_specs=pl.BlockSpec((1, 1, 128), lambda i: (i, 0, 0)),
        out_shape=jax.ShapeDtypeStruct((NB, 1, 128), jnp.float32),
    )(z0, z1, z2)


def kernel(feats_final, labels, fc1_W, fc2_W, bn_gamma, bn_beta, proj_W):
    alphas = np.linspace(1.0, 1.2, L).astype(np.float32)
    labf = labels.astype(jnp.float32)
    labc = labf.reshape(B, 1)
    labr = labf.reshape(1, B)

    K_list = []
    Zp_list = []
    pk_list = []
    for i in range(L):
        X = feats_final[i]
        alpha = float(max(alphas[i], 0.0))
        xn = _l2norm_rows(X)
        idx, val = _simtopk(xn, labc, labr)
        aun = _sc_scatter(idx.reshape(-1), val.reshape(-1)).reshape(B, B)
        d = _degree(aun, alpha)
        h1 = _mm_nt(X, fc1_W[i])
        k_mat, z1 = _knorm_mm(aun, d, h1, alpha)
        mu, var = _bnstats(z1)
        h2 = _bn_relu_mm(z1, mu, var, bn_gamma[i].reshape(1, D),
                         bn_beta[i].reshape(1, D), fc2_W[i])
        if i == 0:
            z = _mm_nn(k_mat, h2, add=X)
        else:
            z, pk = _mm_nn_add_loss(k_mat, h2, X, K_list[i - 1], labc, labr,
                                    with_idea=(i == L - 1))
            pk_list.append(pk)
        K_list.append(k_mat)
        Zp_list.append(_proj_norm(z, proj_W))

    pz = _loss_z(Zp_list[0], Zp_list[1], Zp_list[2])

    denom_k = float(B) * float(B)
    denom_z = float(B) * float(P)
    loss_align_K = (jnp.sum(pk_list[0][:, 0, 0]) +
                    jnp.sum(pk_list[1][:, 0, 0])) / denom_k
    loss_idea = jnp.sum(pk_list[1][:, 0, 1]) / denom_k
    loss_align_Z = (jnp.sum(pz[:, 0, 0]) + jnp.sum(pz[:, 0, 1])) / denom_z
    loss_pga = 64.0 * loss_align_K + 16.0 * loss_align_Z + 1.0 * loss_idea
    return jnp.stack([loss_align_K, loss_align_Z, loss_idea, loss_pga])

# --- scband reference (transcript-rebuilt; emitter-appended) ---
"""Pipeline reference for scband-pgahead-28690381538129 (READ-ONLY COPY).

The authoritative reference and input builder live on the scoring server;
editing this copy changes nothing except your own understanding.
"""

import jax, jax.numpy as jnp
import numpy as np

L = 3
B = 2048
D = 512
P = 768
TOPK = 8
NUM_CLASSES = 64


def _l2norm(x, eps=1e-12):
    n = jnp.linalg.norm(x, axis=-1, keepdims=True)
    return x / jnp.maximum(n, eps)


def pairwise_cosine(X, eps=1e-8):
    Xn = _l2norm(X)
    sim = Xn @ Xn.T
    return jnp.clip(sim, -1.0 + eps, 1.0 - eps)


def knn_mask(sim, base_mask, topk=TOPK):
    Bn = sim.shape[0]
    sim_nd = sim - jnp.eye(Bn, dtype=sim.dtype) * 1e9
    masked = sim_nd * base_mask - (1.0 - base_mask) * 1e9
    k = min(topk, max(Bn - 1, 1))
    _, idx = jax.lax.top_k(masked, k)
    m = jnp.zeros_like(sim).at[jnp.arange(Bn)[:, None], idx].set(1.0)
    return jnp.maximum(m, m.T)


def normalize_sym(A, eps=1e-8):
    d = jnp.maximum(A.sum(axis=1), eps)
    dinv = d ** -0.5
    return A * dinv[:, None] * dinv[None, :]


def gam_forward(A_norm, X, W1, W2, gamma, beta):
    Z = A_norm @ (X @ W1.T)
    mu = Z.mean(axis=0)
    var = Z.var(axis=0)
    Zn = (Z - mu) / jnp.sqrt(var + 1e-5) * gamma + beta
    Z = jax.nn.relu(Zn)
    Z = A_norm @ (Z @ W2.T)
    return Z + X


def setup_inputs(seed: int = 0):
    key = jax.random.key(seed)
    ks = jax.random.split(key, 6)
    feats_final = jax.random.normal(ks[0], (L, B, D), dtype=jnp.float32)
    labels = jax.random.randint(ks[1], (B,), 0, NUM_CLASSES, dtype=jnp.int64 if jax.config.jax_enable_x64 else jnp.int32)
    s = 1.0 / np.sqrt(D)
    fc1_W = jax.random.uniform(ks[2], (L, D, D), minval=-s, maxval=s, dtype=jnp.float32)
    fc2_W = jax.random.uniform(ks[3], (L, D, D), minval=-s, maxval=s, dtype=jnp.float32)
    bn_gamma = jnp.ones((L, D), dtype=jnp.float32)
    bn_beta = jnp.zeros((L, D), dtype=jnp.float32)
    proj_W = jax.random.uniform(ks[4], (P, D), minval=-s, maxval=s, dtype=jnp.float32)
    return {"feats_final": feats_final, "labels": labels, "fc1_W": fc1_W, "fc2_W": fc2_W,
            "bn_gamma": bn_gamma, "bn_beta": bn_beta, "proj_W": proj_W}


def reference(feats_final, labels, fc1_W, fc2_W, bn_gamma, bn_beta, proj_W):
    same = (labels[None, :] == labels[:, None]).astype(jnp.float32)
    diff = 1.0 - same
    alpha = jnp.linspace(1.0, 1.2, L)
    beta_sched = jnp.zeros((L,))
    eye = jnp.eye(B, dtype=jnp.float32)

    K_list = []
    Z_list = []
    for i in range(L):
        X = feats_final[i]
        S = pairwise_cosine(X)
        M_intra = knn_mask(S, same, TOPK)
        M_inter = knn_mask(S, diff, TOPK)
        A_intra = jnp.clip(S * M_intra, 0.0, None)
        A_inter = jnp.clip(S * M_inter, 0.0, None)
        a = jnp.maximum(alpha[i], 0.0)
        b = jnp.maximum(beta_sched[i], 0.0)
        A = a * A_intra + b * A_inter + 1e-6 * eye
        A_norm = normalize_sym(A)
        K = A_norm  # t_diff = 1
        Z = gam_forward(A_norm, X, fc1_W[i], fc2_W[i], bn_gamma[i], bn_beta[i])
        K_list.append(K)
        Z_list.append(Z)

    # use_ema: after init + EMA update on first step, ema_K[i] == K_list[i] (detached)
    loss_align_K = jnp.zeros(())
    loss_align_Z = jnp.zeros(())
    for i in range(1, L):
        Ki_prev = K_list[i - 1]
        Ki_tgt = jax.lax.stop_gradient(K_list[i])
        loss_align_K = loss_align_K + jnp.mean((Ki_prev - Ki_tgt) ** 2)
        Zi_prev = _l2norm(Z_list[i - 1] @ proj_W.T)
        Zi_curr = _l2norm(Z_list[i] @ proj_W.T)
        loss_align_Z = loss_align_Z + jnp.mean((Zi_prev - jax.lax.stop_gradient(Zi_curr)) ** 2)

    K_idea = same * 0.99 + diff * 0.0
    loss_idea = jnp.mean((K_list[-1] - K_idea) ** 2)
    loss_pga = 64.0 * loss_align_K + 16.0 * loss_align_Z + 1.0 * loss_idea
    return jnp.stack([loss_align_K, loss_align_Z, loss_idea, loss_pga])


if False:  # reference __main__ guard neutralized (emitter)
    out = reference(**setup_inputs())
    print(out)

if __name__ == "__main__":
    import jax
    _d = setup_inputs()
    print(jax.jit(kernel)(*tuple(_d.values())))

</pallas_src>

<mosaic_0001>
#map = affine_map<(d0, d1) -> (0)>
module attributes {stable_mosaic.version = 14 : i64} {
  func.func @_sc_scatter_body(%arg0: i32, %arg1: i32, %arg2: memref<16384xi32, #tpu.memory_space<hbm>>, %arg3: memref<16384xf32, #tpu.memory_space<hbm>>, %arg4: memref<4194304xf32, #tpu.memory_space<hbm>>, %arg5: memref<65536xf32, #tpu.memory_space<vmem>>, %arg6: memref<16384xi32, #tpu.memory_space<vmem>>, %arg7: memref<16384xf32, #tpu.memory_space<vmem>>) attributes {dimension_semantics = [#tpu.dimension_semantics<core_parallel>, #tpu.dimension_semantics<subcore_parallel>], iteration_bounds = array<i64: 2, 16>, scalar_prefetch = 0 : i64, scratch_operands = 3 : i64, tpu.core_type = #tpu.core_type<sc_vector_subcore>, window_params = [{transform_indices = #map}, {transform_indices = #map}, {transform_indices = #map}]} {
    %mul3A = arith.constant 2 : i32
    %mul3A_0 = arith.muli %arg1, %mul3A : i32
    %add3A = arith.addi %mul3A_0, %arg0 : i32
    "tpu.region"() ({
      %run_scoped3A = tpu.sem_alloc : memref<!tpu.dma_semaphore, #tpu.memory_space<semaphore_mem>>
      tpu.enqueue_dma source(%arg2 : memref<16384xi32, #tpu.memory_space<hbm>>) target(%arg6 : memref<16384xi32, #tpu.memory_space<vmem>>) target_semaphore(%run_scoped3A : memref<!tpu.dma_semaphore, #tpu.memory_space<semaphore_mem>>)
      tpu.wait_dma2 semaphore(%run_scoped3A : memref<!tpu.dma_semaphore, #tpu.memory_space<semaphore_mem>>) src(%arg2 : memref<16384xi32, #tpu.memory_space<hbm>>) dst(%arg6 : memref<16384xi32, #tpu.memory_space<vmem>>)
      tpu.yield
    }) : () -> ()
    "tpu.region"() ({
      %run_scoped3A = tpu.sem_alloc : memref<!tpu.dma_semaphore, #tpu.memory_space<semaphore_mem>>
      tpu.enqueue_dma source(%arg3 : memref<16384xf32, #tpu.memory_space<hbm>>) target(%arg7 : memref<16384xf32, #tpu.memory_space<vmem>>) target_semaphore(%run_scoped3A : memref<!tpu.dma_semaphore, #tpu.memory_space<semaphore_mem>>)
      tpu.wait_dma2 semaphore(%run_scoped3A : memref<!tpu.dma_semaphore, #tpu.memory_space<semaphore_mem>>) src(%arg3 : memref<16384xf32, #tpu.memory_space<hbm>>) dst(%arg7 : memref<16384xf32, #tpu.memory_space<vmem>>)
      tpu.yield
    }) : () -> ()
    %iota3A = tpu.iota {dimensions = array<i32: 0>} : vector<16xi32>
    %broadcast_in_dim3A = arith.constant 0.000000e+00 : f32
    %broadcast_in_dim3A_1 = vector.broadcast %broadcast_in_dim3A : f32 to vector<16xf32>
    %mul3A_2 = arith.constant 64 : i32
    %mul3A_3 = arith.muli %add3A, %mul3A_2 : i32
    %add3A_4 = arith.constant 0 : i32
    %add3A_5 = arith.addi %mul3A_3, %add3A_4 : i32
    %scan3A = arith.constant 0 : i32
    %scan3A_6 = arith.constant 0 : i32
    %scan3A_7 = arith.constant 512 : i32
    %scan3A_8 = arith.addi %scan3A_6, %scan3A_7 : i32
    %scan3A_9 = arith.constant 1 : i32
    %scan3A_10 = scf.for %scan3A_741 = %scan3A_6 to %scan3A_8 step %scan3A_9 iter_args(%scan3A_742 = %scan3A) -> (i32)  : i32 {
      %mul3A_743 = arith.constant 128 : i32
      %mul3A_744 = arith.muli %scan3A_741, %mul3A_743 : i32
      %add3A_745 = arith.constant 0 : i32
      %add3A_746 = arith.addi %mul3A_744, %add3A_745 : i32
      %swap3A = arith.index_cast %add3A_746 : i32 to index
      %swap3A_747 = tpu.vector_load %arg5[%swap3A] {strides = array<i32>} : memref<65536xf32, #tpu.memory_space<vmem>>, vector<16xf32>,
      tpu.vector_store %arg5[%swap3A], %broadcast_in_dim3A_1 {strides = array<i32>} : memref<65536xf32, #tpu.memory_space<vmem>>, vector<16xf32>,
      %mul3A_748 = arith.constant 128 : i32
      %mul3A_749 = arith.muli %scan3A_741, %mul3A_748 : i32
      %add3A_750 = arith.constant 16 : i32
      %add3A_751 = arith.addi %mul3A_749, %add3A_750 : i32
      %swap3A_752 = arith.index_cast %add3A_751 : i32 to index
      %swap3A_753 = tpu.vector_load %arg5[%swap3A_752] {strides = array<i32>} : memref<65536xf32, #tpu.memory_space<vmem>>, vector<16xf32>,
      tpu.vector_store %arg5[%swap3A_752], %broadcast_in_dim3A_1 {strides = array<i32>} : memref<65536xf32, #tpu.memory_space<vmem>>, vector<16xf32>,
      %mul3A_754 = arith.constant 128 : i32
      %mul3A_755 = arith.muli %scan3A_741, %mul3A_754 : i32
      %add3A_756 = arith.constant 32 : i32
      %add3A_757 = arith.addi %mul3A_755, %add3A_756 : i32
      %swap3A_758 = arith.index_cast %add3A_757 : i32 to index
      %swap3A_759 = tpu.vector_load %arg5[%swap3A_758] {strides = array<i32>} : memref<65536xf32, #tpu.memory_space<vmem>>, vector<16xf32>,
      tpu.vector_store %arg5[%swap3A_758], %broadcast_in_dim3A_1 {strides = array<i32>} : memref<65536xf32, #tpu.memory_space<vmem>>, vector<16xf32>,
      %mul3A_760 = arith.constant 128 : i32
      %mul3A_761 = arith.muli %scan3A_741, %mul3A_760 : i32
      %add3A_762 = arith.constant 48 : i32
      %add3A_763 = arith.addi %mul3A_761, %add3A_762 : i32
      %swap3A_764 = arith.index_cast %add3A_763 : i32 to index
      %swap3A_765 = tpu.vector_load %arg5[%swap3A_764] {strides = array<i32>} : memref<65536xf32, #tpu.memory_space<vmem>>, vector<16xf32>,
      tpu.vector_store %arg5[%swap3A_764], %broadcast_in_dim3A_1 {strides = array<i32>} : memref<65536xf32, #tpu.memory_space<vmem>>, vector<16xf32>,
      %mul3A_766 = arith.constant 128 : i32
      %mul3A_767 = arith.muli %scan3A_741, %mul3A_766 : i32
      %add3A_768 = arith.constant 64 : i32
      %add3A_769 = arith.addi %mul3A_767, %add3A_768 : i32
      %swap3A_770 = arith.index_cast %add3A_769 : i32 to index
      %swap3A_771 = tpu.vector_load %arg5[%swap3A_770] {strides = array<i32>} : memref<65536xf32, #tpu.memory_space<vmem>>, vector<16xf32>,
      tpu.vector_store %arg5[%swap3A_770], %broadcast_in_dim3A_1 {strides = array<i32>} : memref<65536xf32, #tpu.memory_space<vmem>>, vector<16xf32>,
      %mul3A_772 = arith.constant 128 : i32
      %mul3A_773 = arith.muli %scan3A_741, %mul3A_772 : i32
      %add3A_774 = arith.constant 80 : i32
      %add3A_775 = arith.addi %mul3A_773, %add3A_774 : i32
      %swap3A_776 = arith.index_cast %add3A_775 : i32 to index
      %swap3A_777 = tpu.vector_load %arg5[%swap3A_776] {strides = array<i32>} : memref<65536xf32, #tpu.memory_space<vmem>>, vector<16xf32>,
      tpu.vector_store %arg5[%swap3A_776], %broadcast_in_dim3A_1 {strides = array<i32>} : memref<65536xf32, #tpu.memory_space<vmem>>, vector<16xf32>,
      %mul3A_778 = arith.constant 128 : i32
      %mul3A_779 = arith.muli %scan3A_741, %mul3A_778 : i32
      %add3A_780 = arith.constant 96 : i32
      %add3A_781 = arith.addi %mul3A_779, %add3A_780 : i32
      %swap3A_782 = arith.index_cast %add3A_781 : i32 to index
      %swap3A_783 = tpu.vector_load %arg5[%swap3A_782] {strides = array<i32>} : memref<65536xf32, #tpu.memory_space<vmem>>, vector<16xf32>,
      tpu.vector_store %arg5[%swap3A_782], %broadcast_in_dim3A_1 {strides = array<i32>} : memref<65536xf32, #tpu.memory_space<vmem>>, vector<16xf32>,
      %mul3A_784 = arith.constant 128 : i32
      %mul3A_785 = arith.muli %scan3A_741, %mul3A_784 : i32
      %add3A_786 = arith.constant 112 : i32
      %add3A_787 = arith.addi %mul3A_785, %add3A_786 : i32
      %swap3A_788 = arith.index_cast %add3A_787 : i32 to index
      %swap3A_789 = tpu.vector_load %arg5[%swap3A_788] {strides = array<i32>} : memref<65536xf32, #tpu.memory_space<vmem>>, vector<16xf32>,
      tpu.vector_store %arg5[%swap3A_788], %broadcast_in_dim3A_1 {strides = array<i32>} : memref<65536xf32, #tpu.memory_space<vmem>>, vector<16xf32>,
      %scan3A_790 = arith.constant 0 : i32
      scf.yield %scan3A_790 : i32
    }
    %scan3A_11 = arith.constant 512 : i32
    %mul3A_12 = arith.constant 8 : i32
    %mul3A_13 = arith.muli %add3A_5, %mul3A_12 : i32
    %add3A_14 = arith.constant 0 : i32
    %add3A_15 = arith.addi %mul3A_13, %add3A_14 : i32
    %get3A = arith.index_cast %add3A_15 : i32 to index
    %get3A_16 = tpu.vector_load %arg6[%get3A] {strides = array<i32>} : memref<16384xi32, #tpu.memory_space<vmem>>, vector<16xi32>,
    %get3A_17 = arith.index_cast %add3A_15 : i32 to index
    %get3A_18 = tpu.vector_load %arg7[%get3A_17] {strides = array<i32>} : memref<16384xf32, #tpu.memory_space<vmem>>, vector<16xf32>,
    %max3A = arith.constant 0.000000e+00 : f32
    %max3A_19 = vector.broadcast %max3A : f32 to vector<16xf32>
    %max3A_20 = arith.maximumf %get3A_18, %max3A_19 : vector<16xf32>
    %add3A_21 = vector.broadcast %add3A_15 : i32 to vector<16xi32>
    %add3A_22 = arith.addi %add3A_21, %iota3A : vector<16xi32>
    %shift_right_arithmetic3A = arith.constant 3 : i32
    %shift_right_arithmetic3A_23 = vector.broadcast %shift_right_arithmetic3A : i32 to vector<16xi32>
    %shift_right_arithmetic3A_24 = arith.shrsi %add3A_22, %shift_right_arithmetic3A_23 : vector<16xi32>
    %sub3A = vector.broadcast %add3A_5 : i32 to vector<16xi32>
    %sub3A_25 = arith.subi %shift_right_arithmetic3A_24, %sub3A : vector<16xi32>
    %mul3A_26 = arith.constant 2048 : i32
    %mul3A_27 = vector.broadcast %mul3A_26 : i32 to vector<16xi32>
    %mul3A_28 = arith.muli %sub3A_25, %mul3A_27 : vector<16xi32>
    %add3A_29 = arith.addi %mul3A_28, %get3A_16 : vector<16xi32>
    tpu.vector_store_idx %arg5[%add3A_29], %max3A_20 : memref<65536xf32, #tpu.memory_space<vmem>>[vector<16xi32>], vector<16xf32>,
    %mul3A_30 = arith.constant 8 : i32
    %mul3A_31 = arith.muli %add3A_5, %mul3A_30 : i32
    %add3A_32 = arith.constant 16 : i32
    %add3A_33 = arith.addi %mul3A_31, %add3A_32 : i32
    %get3A_34 = arith.index_cast %add3A_33 : i32 to index
    %get3A_35 = tpu.vector_load %arg6[%get3A_34] {strides = array<i32>} : memref<16384xi32, #tpu.memory_space<vmem>>, vector<16xi32>,
    %get3A_36 = arith.index_cast %add3A_33 : i32 to index
    %get3A_37 = tpu.vector_load %arg7[%get3A_36] {strides = array<i32>} : memref<16384xf32, #tpu.memory_space<vmem>>, vector<16xf32>,
    %max3A_38 = arith.constant 0.000000e+00 : f32
    %max3A_39 = vector.broadcast %max3A_38 : f32 to vector<16xf32>
    %max3A_40 = arith.maximumf %get3A_37, %max3A_39 : vector<16xf32>
    %add3A_41 = vector.broadcast %add3A_33 : i32 to vector<16xi32>
    %add3A_42 = arith.addi %add3A_41, %iota3A : vector<16xi32>
    %shift_right_arithmetic3A_43 = arith.constant 3 : i32
    %shift_right_arithmetic3A_44 = vector.broadcast %shift_right_arithmetic3A_43 : i32 to vector<16xi32>
    %shift_right_arithmetic3A_45 = arith.shrsi %add3A_42, %shift_right_arithmetic3A_44 : vector<16xi32>
    %sub3A_46 = vector.broadcast %add3A_5 : i32 to vector<16xi32>
    %sub3A_47 = arith.subi %shift_right_arithmetic3A_45, %sub3A_46 : vector<16xi32>
    %mul3A_48 = arith.constant 2048 : i32
    %mul3A_49 = vector.broadcast %mul3A_48 : i32 to vector<16xi32>
    %mul3A_50 = arith.muli %sub3A_47, %mul3A_49 : vector<16xi32>
    %add3A_51 = arith.addi %mul3A_50, %get3A_35 : vector<16xi32>
    tpu.vector_store_idx %arg5[%add3A_51], %max3A_40 : memref<65536xf32, #tpu.memory_space<vmem>>[vector<16xi32>], vector<16xf32>,
    %mul3A_52 = arith.constant 8 : i32
    %mul3A_53 = arith.muli %add3A_5, %mul3A_52 : i32
    %add3A_54 = arith.constant 32 : i32
    %add3A_55 = arith.addi %mul3A_53, %add3A_54 : i32
    %get3A_56 = arith.index_cast %add3A_55 : i32 to index
    %get3A_57 = tpu.vector_load %arg6[%get3A_56] {strides = array<i32>} : memref<16384xi32, #tpu.memory_space<vmem>>, vector<16xi32>,
    %get3A_58 = arith.index_cast %add3A_55 : i32 to index
    %get3A_59 = tpu.vector_load %arg7[%get3A_58] {strides = array<i32>} : memref<16384xf32, #tpu.memory_space<vmem>>, vector<16xf32>,
    %max3A_60 = arith.constant 0.000000e+00 : f32
    %max3A_61 = vector.broadcast %max3A_60 : f32 to vector<16xf32>
    %max3A_62 = arith.maximumf %get3A_59, %max3A_61 : vector<16xf32>
    %add3A_63 = vector.broadcast %add3A_55 : i32 to vector<16xi32>
    %add3A_64 = arith.addi %add3A_63, %iota3A : vector<16xi32>
    %shift_right_arithmetic3A_65 = arith.constant 3 : i32
    %shift_right_arithmetic3A_66 = vector.broadcast %shift_right_arithmetic3A_65 : i32 to vector<16xi32>
    %shift_right_arithmetic3A_67 = arith.shrsi %add3A_64, %shift_right_arithmetic3A_66 : vector<16xi32>
    %sub3A_68 = vector.broadcast %add3A_5 : i32 to vector<16xi32>
    %sub3A_69 = arith.subi %shift_right_arithmetic3A_67, %sub3A_68 : vector<16xi32>
    %mul3A_70 = arith.constant 2048 : i32
    %mul3A_71 = vector.broadcast %mul3A_70 : i32 to vector<16xi32>
    %mul3A_72 = arith.muli %sub3A_69, %mul3A_71 : vector<16xi32>
    %add3A_73 = arith.addi %mul3A_72, %get3A_57 : vector<16xi32>
    tpu.vector_store_idx %arg5[%add3A_73], %max3A_62 : memref<65536xf32, #tpu.memory_space<vmem>>[vector<16xi32>], vector<16xf32>,
    %mul3A_74 = arith.constant 8 : i32
    %mul3A_75 = arith.muli %add3A_5, %mul3A_74 : i32
    %add3A_76 = arith.constant 48 : i32
    %add3A_77 = arith.addi %mul3A_75, %add3A_76 : i32
    %get3A_78 = arith.index_cast %add3A_77 : i32 to index
    %get3A_79 = tpu.vector_load %arg6[%get3A_78] {strides = array<i32>} : memref<16384xi32, #tpu.memory_space<vmem>>, vector<16xi32>,
    %get3A_80 = arith.index_cast %add3A_77 : i32 to index
    %get3A_81 = tpu.vector_load %arg7[%get3A_80] {strides = array<i32>} : memref<16384xf32, #tpu.memory_space<vmem>>, vector<16xf32>,
    %max3A_82 = arith.constant 0.000000e+00 : f32
    %max3A_83 = vector.broadcast %max3A_82 : f32 to vector<16xf32>
    %max3A_84 = arith.maximumf %get3A_81, %max3A_83 : vector<16xf32>
    %add3A_85 = vector.broadcast %add3A_77 : i32 to vector<16xi32>
    %add3A_86 = arith.addi %add3A_85, %iota3A : vector<16xi32>
    %shift_right_arithmetic3A_87 = arith.constant 3 : i32
    %shift_right_arithmetic3A_88 = vector.broadcast %shift_right_arithmetic3A_87 : i32 to vector<16xi32>
    %shift_right_arithmetic3A_89 = arith.shrsi %add3A_86, %shift_right_arithmetic3A_88 : vector<16xi32>
    %sub3A_90 = vector.broadcast %add3A_5 : i32 to vector<16xi32>
    %sub3A_91 = arith.subi %shift_right_arithmetic3A_89, %sub3A_90 : vector<16xi32>
    %mul3A_92 = arith.constant 2048 : i32
    %mul3A_93 = vector.broadcast %mul3A_92 : i32 to vector<16xi32>
    %mul3A_94 = arith.muli %sub3A_91, %mul3A_93 : vector<16xi32>
    %add3A_95 = arith.addi %mul3A_94, %get3A_79 : vector<16xi32>
    tpu.vector_store_idx %arg5[%add3A_95], %max3A_84 : memref<65536xf32, #tpu.memory_space<vmem>>[vector<16xi32>], vector<16xf32>,
    %mul3A_96 = arith.constant 8 : i32
    %mul3A_97 = arith.muli %add3A_5, %mul3A_96 : i32
    %add3A_98 = arith.constant 64 : i32
    %add3A_99 = arith.addi %mul3A_97, %add3A_98 : i32
    %get3A_100 = arith.index_cast %add3A_99 : i32 to index
    %get3A_101 = tpu.vector_load %arg6[%get3A_100] {strides = array<i32>} : memref<16384xi32, #tpu.memory_space<vmem>>, vector<16xi32>,
    %get3A_102 = arith.index_cast %add3A_99 : i32 to index
    %get3A_103 = tpu.vector_load %arg7[%get3A_102] {strides = array<i32>} : memref<16384xf32, #tpu.memory_space<vmem>>, vector<16xf32>,
    %max3A_104 = arith.constant 0.000000e+00 : f32
    %max3A_105 = vector.broadcast %max3A_104 : f32 to vector<16xf32>
    %max3A_106 = arith.maximumf %get3A_103, %max3A_105 : vector<16xf32>
    %add3A_107 = vector.broadcast %add3A_99 : i32 to vector<16xi32>
    %add3A_108 = arith.addi %add3A_107, %iota3A : vector<16xi32>
    %shift_right_arithmetic3A_109 = arith.constant 3 : i32
    %shift_right_arithmetic3A_110 = vector.broadcast %shift_right_arithmetic3A_109 : i32 to vector<16xi32>
    %shift_right_arithmetic3A_111 = arith.shrsi %add3A_108, %shift_right_arithmetic3A_110 : vector<16xi32>
    %sub3A_112 = vector.broadcast %add3A_5 : i32 to vector<16xi32>
    %sub3A_113 = arith.subi %shift_right_arithmetic3A_111, %sub3A_112 : vector<16xi32>
    %mul3A_114 = arith.constant 2048 : i32
    %mul3A_115 = vector.broadcast %mul3A_114 : i32 to vector<16xi32>
    %mul3A_116 = arith.muli %sub3A_113, %mul3A_115 : vector<16xi32>
    %add3A_117 = arith.addi %mul3A_116, %get3A_101 : vector<16xi32>
    tpu.vector_store_idx %arg5[%add3A_117], %max3A_106 : memref<65536xf32, #tpu.memory_space<vmem>>[vector<16xi32>], vector<16xf32>,
    %mul3A_118 = arith.constant 8 : i32
    %mul3A_119 = arith.muli %add3A_5, %mul3A_118 : i32
    %add3A_120 = arith.constant 80 : i32
    %add3A_121 = arith.addi %mul3A_119, %add3A_120 : i32
    %get3A_122 = arith.index_cast %add3A_121 : i32 to index
    %get3A_123 = tpu.vector_load %arg6[%get3A_122] {strides = array<i32>} : memref<16384xi32, #tpu.memory_space<vmem>>, vector<16xi32>,
    %get3A_124 = arith.index_cast %add3A_121 : i32 to index
    %get3A_125 = tpu.vector_load %arg7[%get3A_124] {strides = array<i32>} : memref<16384xf32, #tpu.memory_space<vmem>>, vector<16xf32>,
    %max3A_126 = arith.constant 0.000000e+00 : f32
    %max3A_127 = vector.broadcast %max3A_126 : f32 to vector<16xf32>
    %max3A_128 = arith.maximumf %get3A_125, %max3A_127 : vector<16xf32>
    %add3A_129 = vector.broadcast %add3A_121 : i32 to vector<16xi32>
    %add3A_130 = arith.addi %add3A_129, %iota3A : vector<16xi32>
    %shift_right_arithmetic3A_131 = arith.constant 3 : i32
    %shift_right_arithmetic3A_132 = vector.broadcast %shift_right_arithmetic3A_131 : i32 to vector<16xi32>
    %shift_right_arithmetic3A_133 = arith.shrsi %add3A_130, %shift_right_arithmetic3A_132 : vector<16xi32>
    %sub3A_134 = vector.broadcast %add3A_5 : i32 to vector<16xi32>
    %sub3A_135 = arith.subi %shift_right_arithmetic3A_133, %sub3A_134 : vector<16xi32>
    %mul3A_136 = arith.constant 2048 : i32
    %mul3A_137 = vector.broadcast %mul3A_136 : i32 to vector<16xi32>
    %mul3A_138 = arith.muli %sub3A_135, %mul3A_137 : vector<16xi32>
    %add3A_139 = arith.addi %mul3A_138, %get3A_123 : vector<16xi32>
    tpu.vector_store_idx %arg5[%add3A_139], %max3A_128 : memref<65536xf32, #tpu.memory_space<vmem>>[vector<16xi32>], vector<16xf32>,
    %mul3A_140 = arith.constant 8 : i32
    %mul3A_141 = arith.muli %add3A_5, %mul3A_140 : i32
    %add3A_142 = arith.constant 96 : i32
    %add3A_143 = arith.addi %mul3A_141, %add3A_142 : i32
    %get3A_144 = arith.index_cast %add3A_143 : i32 to index
    %get3A_145 = tpu.vector_load %arg6[%get3A_144] {strides = array<i32>} : memref<16384xi32, #tpu.memory_space<vmem>>, vector<16xi32>,
    %get3A_146 = arith.index_cast %add3A_143 : i32 to index
    %get3A_147 = tpu.vector_load %arg7[%get3A_146] {strides = array<i32>} : memref<16384xf32, #tpu.memory_space<vmem>>, vector<16xf32>,
    %max3A_148 = arith.constant 0.000000e+00 : f32
    %max3A_149 = vector.broadcast %max3A_148 : f32 to vector<16xf32>
    %max3A_150 = arith.maximumf %get3A_147, %max3A_149 : vector<16xf32>
    %add3A_151 = vector.broadcast %add3A_143 : i32 to vector<16xi32>
    %add3A_152 = arith.addi %add3A_151, %iota3A : vector<16xi32>
    %shift_right_arithmetic3A_153 = arith.constant 3 : i32
    %shift_right_arithmetic3A_154 = vector.broadcast %shift_right_arithmetic3A_153 : i32 to vector<16xi32>
    %shift_right_arithmetic3A_155 = arith.shrsi %add3A_152, %shift_right_arithmetic3A_154 : vector<16xi32>
    %sub3A_156 = vector.broadcast %add3A_5 : i32 to vector<16xi32>
    %sub3A_157 = arith.subi %shift_right_arithmetic3A_155, %sub3A_156 : vector<16xi32>
    %mul3A_158 = arith.constant 2048 : i32
    %mul3A_159 = vector.broadcast %mul3A_158 : i32 to vector<16xi32>
    %mul3A_160 = arith.muli %sub3A_157, %mul3A_159 : vector<16xi32>
    %add3A_161 = arith.addi %mul3A_160, %get3A_145 : vector<16xi32>
    tpu.vector_store_idx %arg5[%add3A_161], %max3A_150 : memref<65536xf32, #tpu.memory_space<vmem>>[vector<16xi32>], vector<16xf32>,
    %mul3A_162 = arith.constant 8 : i32
    %mul3A_163 = arith.muli %add3A_5, %mul3A_162 : i32
    %add3A_164 = arith.constant 112 : i32
    %add3A_165 = arith.addi %mul3A_163, %add3A_164 : i32
    %get3A_166 = arith.index_cast %add3A_165 : i32 to index
    %get3A_167 = tpu.vector_load %arg6[%get3A_166] {strides = array<i32>} : memref<16384xi32, #tpu.memory_space<vmem>>, vector<16xi32>,
    %get3A_168 = arith.index_cast %add3A_165 : i32 to index
    %get3A_169 = tpu.vector_load %arg7[%get3A_168] {strides = array<i32>} : memref<16384xf32, #tpu.memory_space<vmem>>, vector<16xf32>,
    %max3A_170 = arith.constant 0.000000e+00 : f32
    %max3A_171 = vector.broadcast %max3A_170 : f32 to vector<16xf32>
    %max3A_172 = arith.maximumf %get3A_169, %max3A_171 : vector<16xf32>
    %add3A_173 = vector.broadcast %add3A_165 : i32 to vector<16xi32>
    %add3A_174 = arith.addi %add3A_173, %iota3A : vector<16xi32>
    %shift_right_arithmetic3A_175 = arith.constant 3 : i32
    %shift_right_arithmetic3A_176 = vector.broadcast %shift_right_arithmetic3A_175 : i32 to vector<16xi32>
    %shift_right_arithmetic3A_177 = arith.shrsi %add3A_174, %shift_right_arithmetic3A_176 : vector<16xi32>
    %sub3A_178 = vector.broadcast %add3A_5 : i32 to vector<16xi32>
    %sub3A_179 = arith.subi %shift_right_arithmetic3A_177, %sub3A_178 : vector<16xi32>
    %mul3A_180 = arith.constant 2048 : i32
    %mul3A_181 = vector.broadcast %mul3A_180 : i32 to vector<16xi32>
    %mul3A_182 = arith.muli %sub3A_179, %mul3A_181 : vector<16xi32>
    %add3A_183 = arith.addi %mul3A_182, %get3A_167 : vector<16xi32>
    tpu.vector_store_idx %arg5[%add3A_183], %max3A_172 : memref<65536xf32, #tpu.memory_space<vmem>>[vector<16xi32>], vector<16xf32>,
    %mul3A_184 = arith.constant 8 : i32
    %mul3A_185 = arith.muli %add3A_5, %mul3A_184 : i32
    %add3A_186 = arith.constant 128 : i32
    %add3A_187 = arith.addi %mul3A_185, %add3A_186 : i32
    %get3A_188 = arith.index_cast %add3A_187 : i32 to index
    %get3A_189 = tpu.vector_load %arg6[%get3A_188] {strides = array<i32>} : memref<16384xi32, #tpu.memory_space<vmem>>, vector<16xi32>,
    %get3A_190 = arith.index_cast %add3A_187 : i32 to index
    %get3A_191 = tpu.vector_load %arg7[%get3A_190] {strides = array<i32>} : memref<16384xf32, #tpu.memory_space<vmem>>, vector<16xf32>,
    %max3A_192 = arith.constant 0.000000e+00 : f32
    %max3A_193 = vector.broadcast %max3A_192 : f32 to vector<16xf32>
    %max3A_194 = arith.maximumf %get3A_191, %max3A_193 : vector<16xf32>
    %add3A_195 = vector.broadcast %add3A_187 : i32 to vector<16xi32>
    %add3A_196 = arith.addi %add3A_195, %iota3A : vector<16xi32>
    %shift_right_arithmetic3A_197 = arith.constant 3 : i32
    %shift_right_arithmetic3A_198 = vector.broadcast %shift_right_arithmetic3A_197 : i32 to vector<16xi32>
    %shift_right_arithmetic3A_199 = arith.shrsi %add3A_196, %shift_right_arithmetic3A_198 : vector<16xi32>
    %sub3A_200 = vector.broadcast %add3A_5 : i32 to vector<16xi32>
    %sub3A_201 = arith.subi %shift_right_arithmetic3A_199, %sub3A_200 : vector<16xi32>
    %mul3A_202 = arith.constant 2048 : i32
    %mul3A_203 = vector.broadcast %mul3A_202 : i32 to vector<16xi32>
    %mul3A_204 = arith.muli %sub3A_201, %mul3A_203 : vector<16xi32>
    %add3A_205 = arith.addi %mul3A_204, %get3A_189 : vector<16xi32>
    tpu.vector_store_idx %arg5[%add3A_205], %max3A_194 : memref<65536xf32, #tpu.memory_space<vmem>>[vector<16xi32>], vector<16xf32>,
    %mul3A_206 = arith.constant 8 : i32
    %mul3A_207 = arith.muli %add3A_5, %mul3A_206 : i32
    %add3A_208 = arith.constant 144 : i32
    %add3A_209 = arith.addi %mul3A_207, %add3A_208 : i32
    %get3A_210 = arith.index_cast %add3A_209 : i32 to index
    %get3A_211 = tpu.vector_load %arg6[%get3A_210] {strides = array<i32>} : memref<16384xi32, #tpu.memory_space<vmem>>, vector<16xi32>,
    %get3A_212 = arith.index_cast %add3A_209 : i32 to index
    %get3A_213 = tpu.vector_load %arg7[%get3A_212] {strides = array<i32>} : memref<16384xf32, #tpu.memory_space<vmem>>, vector<16xf32>,
    %max3A_214 = arith.constant 0.000000e+00 : f32
    %max3A_215 = vector.broadcast %max3A_214 : f32 to vector<16xf32>
    %max3A_216 = arith.maximumf %get3A_213, %max3A_215 : vector<16xf32>
    %add3A_217 = vector.broadcast %add3A_209 : i32 to vector<16xi32>
    %add3A_218 = arith.addi %add3A_217, %iota3A : vector<16xi32>
    %shift_right_arithmetic3A_219 = arith.constant 3 : i32
    %shift_right_arithmetic3A_220 = vector.broadcast %shift_right_arithmetic3A_219 : i32 to vector<16xi32>
    %shift_right_arithmetic3A_221 = arith.shrsi %add3A_218, %shift_right_arithmetic3A_220 : vector<16xi32>
    %sub3A_222 = vector.broadcast %add3A_5 : i32 to vector<16xi32>
    %sub3A_223 = arith.subi %shift_right_arithmetic3A_221, %sub3A_222 : vector<16xi32>
    %mul3A_224 = arith.constant 2048 : i32
    %mul3A_225 = vector.broadcast %mul3A_224 : i32 to vector<16xi32>
    %mul3A_226 = arith.muli %sub3A_223, %mul3A_225 : vector<16xi32>
    %add3A_227 = arith.addi %mul3A_226, %get3A_211 : vector<16xi32>
    tpu.vector_store_idx %arg5[%add3A_227], %max3A_216 : memref<65536xf32, #tpu.memory_space<vmem>>[vector<16xi32>], vector<16xf32>,
    %mul3A_228 = arith.constant 8 : i32
    %mul3A_229 = arith.muli %add3A_5, %mul3A_228 : i32
    %add3A_230 = arith.constant 160 : i32
    %add3A_231 = arith.addi %mul3A_229, %add3A_230 : i32
    %get3A_232 = arith.index_cast %add3A_231 : i32 to index
    %get3A_233 = tpu.vector_load %arg6[%get3A_232] {strides = array<i32>} : memref<16384xi32, #tpu.memory_space<vmem>>, vector<16xi32>,
    %get3A_234 = arith.index_cast %add3A_231 : i32 to index
    %get3A_235 = tpu.vector_load %arg7[%get3A_234] {strides = array<i32>} : memref<16384xf32, #tpu.memory_space<vmem>>, vector<16xf32>,
    %max3A_236 = arith.constant 0.000000e+00 : f32
    %max3A_237 = vector.broadcast %max3A_236 : f32 to vector<16xf32>
    %max3A_238 = arith.maximumf %get3A_235, %max3A_237 : vector<16xf32>
    %add3A_239 = vector.broadcast %add3A_231 : i32 to vector<16xi32>
    %add3A_240 = arith.addi %add3A_239, %iota3A : vector<16xi32>
    %shift_right_arithmetic3A_241 = arith.constant 3 : i32
    %shift_right_arithmetic3A_242 = vector.broadcast %shift_right_arithmetic3A_241 : i32 to vector<16xi32>
    %shift_right_arithmetic3A_243 = arith.shrsi %add3A_240, %shift_right_arithmetic3A_242 : vector<16xi32>
    %sub3A_244 = vector.broadcast %add3A_5 : i32 to vector<16xi32>
    %sub3A_245 = arith.subi %shift_right_arithmetic3A_243, %sub3A_244 : vector<16xi32>
    %mul3A_246 = arith.constant 2048 : i32
    %mul3A_247 = vector.broadcast %mul3A_246 : i32 to vector<16xi32>
    %mul3A_248 = arith.muli %sub3A_245, %mul3A_247 : vector<16xi32>
    %add3A_249 = arith.addi %mul3A_248, %get3A_233 : vector<16xi32>
    tpu.vector_store_idx %arg5[%add3A_249], %max3A_238 : memref<65536xf32, #tpu.memory_space<vmem>>[vector<16xi32>], vector<16xf32>,
    %mul3A_250 = arith.constant 8 : i32
    %mul3A_251 = arith.muli %add3A_5, %mul3A_250 : i32
    %add3A_252 = arith.constant 176 : i32
    %add3A_253 = arith.addi %mul3A_251, %add3A_252 : i32
    %get3A_254 = arith.index_cast %add3A_253 : i32 to index
    %get3A_255 = tpu.vector_load %arg6[%get3A_254] {strides = array<i32>} : memref<16384xi32, #tpu.memory_space<vmem>>, vector<16xi32>,
    %get3A_256 = arith.index_cast %add3A_253 : i32 to index
    %get3A_257 = tpu.vector_load %arg7[%get3A_256] {strides = array<i32>} : memref<16384xf32, #tpu.memory_space<vmem>>, vector<16xf32>,
    %max3A_258 = arith.constant 0.000000e+00 : f32
    %max3A_259 = vector.broadcast %max3A_258 : f32 to vector<16xf32>
    %max3A_260 = arith.maximumf %get3A_257, %max3A_259 : vector<16xf32>
    %add3A_261 = vector.broadcast %add3A_253 : i32 to vector<16xi32>
    %add3A_262 = arith.addi %add3A_261, %iota3A : vector<16xi32>
    %shift_right_arithmetic3A_263 = arith.constant 3 : i32
    %shift_right_arithmetic3A_264 = vector.broadcast %shift_right_arithmetic3A_263 : i32 to vector<16xi32>
    %shift_right_arithmetic3A_265 = arith.shrsi %add3A_262, %shift_right_arithmetic3A_264 : vector<16xi32>
    %sub3A_266 = vector.broadcast %add3A_5 : i32 to vector<16xi32>
    %sub3A_267 = arith.subi %shift_right_arithmetic3A_265, %sub3A_266 : vector<16xi32>
    %mul3A_268 = arith.constant 2048 : i32
    %mul3A_269 = vector.broadcast %mul3A_268 : i32 to vector<16xi32>
    %mul3A_270 = arith.muli %sub3A_267, %mul3A_269 : vector<16xi32>
    %add3A_271 = arith.addi %mul3A_270, %get3A_255 : vector<16xi32>
    tpu.vector_store_idx %arg5[%add3A_271], %max3A_260 : memref<65536xf32, #tpu.memory_space<vmem>>[vector<16xi32>], vector<16xf32>,
    %mul3A_272 = arith.constant 8 : i32
    %mul3A_273 = arith.muli %add3A_5, %mul3A_272 : i32
    %add3A_274 = arith.constant 192 : i32
    %add3A_275 = arith.addi %mul3A_273, %add3A_274 : i32
    %get3A_276 = arith.index_cast %add3A_275 : i32 to index
    %get3A_277 = tpu.vector_load %arg6[%get3A_276] {strides = array<i32>} : memref<16384xi32, #tpu.memory_space<vmem>>, vector<16xi32>,
    %get3A_278 = arith.index_cast %add3A_275 : i32 to index
    %get3A_279 = tpu.vector_load %arg7[%get3A_278] {strides = array<i32>} : memref<16384xf32, #tpu.memory_space<vmem>>, vector<16xf32>,
    %max3A_280 = arith.constant 0.000000e+00 : f32
    %max3A_281 = vector.broadcast %max3A_280 : f32 to vector<16xf32>
    %max3A_282 = arith.maximumf %get3A_279, %max3A_281 : vector<16xf32>
    %add3A_283 = vector.broadcast %add3A_275 : i32 to vector<16xi32>
    %add3A_284 = arith.addi %add3A_283, %iota3A : vector<16xi32>
    %shift_right_arithmetic3A_285 = arith.constant 3 : i32
    %shift_right_arithmetic3A_286 = vector.broadcast %shift_right_arithmetic3A_285 : i32 to vector<16xi32>
    %shift_right_arithmetic3A_287 = arith.shrsi %add3A_284, %shift_right_arithmetic3A_286 : vector<16xi32>
    %sub3A_288 = vector.broadcast %add3A_5 : i32 to vector<16xi32>
    %sub3A_289 = arith.subi %shift_right_arithmetic3A_287, %sub3A_288 : vector<16xi32>
    %mul3A_290 = arith.constant 2048 : i32
    %mul3A_291 = vector.broadcast %mul3A_290 : i32 to vector<16xi32>
    %mul3A_292 = arith.muli %sub3A_289, %mul3A_291 : vector<16xi32>
    %add3A_293 = arith.addi %mul3A_292, %get3A_277 : vector<16xi32>
    tpu.vector_store_idx %arg5[%add3A_293], %max3A_282 : memref<65536xf32, #tpu.memory_space<vmem>>[vector<16xi32>], vector<16xf32>,
    %mul3A_294 = arith.constant 8 : i32
    %mul3A_295 = arith.muli %add3A_5, %mul3A_294 : i32
    %add3A_296 = arith.constant 208 : i32
    %add3A_297 = arith.addi %mul3A_295, %add3A_296 : i32
    %get3A_298 = arith.index_cast %add3A_297 : i32 to index
    %get3A_299 = tpu.vector_load %arg6[%get3A_298] {strides = array<i32>} : memref<16384xi32, #tpu.memory_space<vmem>>, vector<16xi32>,
    %get3A_300 = arith.index_cast %add3A_297 : i32 to index
    %get3A_301 = tpu.vector_load %arg7[%get3A_300] {strides = array<i32>} : memref<16384xf32, #tpu.memory_space<vmem>>, vector<16xf32>,
    %max3A_302 = arith.constant 0.000000e+00 : f32
    %max3A_303 = vector.broadcast %max3A_302 : f32 to vector<16xf32>
    %max3A_304 = arith.maximumf %get3A_301, %max3A_303 : vector<16xf32>
    %add3A_305 = vector.broadcast %add3A_297 : i32 to vector<16xi32>
    %add3A_306 = arith.addi %add3A_305, %iota3A : vector<16xi32>
    %shift_right_arithmetic3A_307 = arith.constant 3 : i32
    %shift_right_arithmetic3A_308 = vector.broadcast %shift_right_arithmetic3A_307 : i32 to vector<16xi32>
    %shift_right_arithmetic3A_309 = arith.shrsi %add3A_306, %shift_right_arithmetic3A_308 : vector<16xi32>
    %sub3A_310 = vector.broadcast %add3A_5 : i32 to vector<16xi32>
    %sub3A_311 = arith.subi %shift_right_arithmetic3A_309, %sub3A_310 : vector<16xi32>
    %mul3A_312 = arith.constant 2048 : i32
    %mul3A_313 = vector.broadcast %mul3A_312 : i32 to vector<16xi32>
    %mul3A_314 = arith.muli %sub3A_311, %mul3A_313 : vector<16xi32>
    %add3A_315 = arith.addi %mul3A_314, %get3A_299 : vector<16xi32>
    tpu.vector_store_idx %arg5[%add3A_315], %max3A_304 : memref<65536xf32, #tpu.memory_space<vmem>>[vector<16xi32>], vector<16xf32>,
    %mul3A_316 = arith.constant 8 : i32
    %mul3A_317 = arith.muli %add3A_5, %mul3A_316 : i32
    %add3A_318 = arith.constant 224 : i32
    %add3A_319 = arith.addi %mul3A_317, %add3A_318 : i32
    %get3A_320 = arith.index_cast %add3A_319 : i32 to index
    %get3A_321 = tpu.vector_load %arg6[%get3A_320] {strides = array<i32>} : memref<16384xi32, #tpu.memory_space<vmem>>, vector<16xi32>,
    %get3A_322 = arith.index_cast %add3A_319 : i32 to index
    %get3A_323 = tpu.vector_load %arg7[%get3A_322] {strides = array<i32>} : memref<16384xf32, #tpu.memory_space<vmem>>, vector<16xf32>,
    %max3A_324 = arith.constant 0.000000e+00 : f32
    %max3A_325 = vector.broadcast %max3A_324 : f32 to vector<16xf32>
    %max3A_326 = arith.maximumf %get3A_323, %max3A_325 : vector<16xf32>
    %add3A_327 = vector.broadcast %add3A_319 : i32 to vector<16xi32>
    %add3A_328 = arith.addi %add3A_327, %iota3A : vector<16xi32>
    %shift_right_arithmetic3A_329 = arith.constant 3 : i32
    %shift_right_arithmetic3A_330 = vector.broadcast %shift_right_arithmetic3A_329 : i32 to vector<16xi32>
    %shift_right_arithmetic3A_331 = arith.shrsi %add3A_328, %shift_right_arithmetic3A_330 : vector<16xi32>
    %sub3A_332 = vector.broadcast %add3A_5 : i32 to vector<16xi32>
    %sub3A_333 = arith.subi %shift_right_arithmetic3A_331, %sub3A_332 : vector<16xi32>
    %mul3A_334 = arith.constant 2048 : i32
    %mul3A_335 = vector.broadcast %mul3A_334 : i32 to vector<16xi32>
    %mul3A_336 = arith.muli %sub3A_333, %mul3A_335 : vector<16xi32>
    %add3A_337 = arith.addi %mul3A_336, %get3A_321 : vector<16xi32>
    tpu.vector_store_idx %arg5[%add3A_337], %max3A_326 : memref<65536xf32, #tpu.memory_space<vmem>>[vector<16xi32>], vector<16xf32>,
    %mul3A_338 = arith.constant 8 : i32
    %mul3A_339 = arith.muli %add3A_5, %mul3A_338 : i32
    %add3A_340 = arith.constant 240 : i32
    %add3A_341 = arith.addi %mul3A_339, %add3A_340 : i32
    %get3A_342 = arith.index_cast %add3A_341 : i32 to index
    %get3A_343 = tpu.vector_load %arg6[%get3A_342] {strides = array<i32>} : memref<16384xi32, #tpu.memory_space<vmem>>, vector<16xi32>,
    %get3A_344 = arith.index_cast %add3A_341 : i32 to index
    %get3A_345 = tpu.vector_load %arg7[%get3A_344] {strides = array<i32>} : memref<16384xf32, #tpu.memory_space<vmem>>, vector<16xf32>,
    %max3A_346 = arith.constant 0.000000e+00 : f32
    %max3A_347 = vector.broadcast %max3A_346 : f32 to vector<16xf32>
    %max3A_348 = arith.maximumf %get3A_345, %max3A_347 : vector<16xf32>
    %add3A_349 = vector.broadcast %add3A_341 : i32 to vector<16xi32>
    %add3A_350 = arith.addi %add3A_349, %iota3A : vector<16xi32>
    %shift_right_arithmetic3A_351 = arith.constant 3 : i32
    %shift_right_arithmetic3A_352 = vector.broadcast %shift_right_arithmetic3A_351 : i32 to vector<16xi32>
    %shift_right_arithmetic3A_353 = arith.shrsi %add3A_350, %shift_right_arithmetic3A_352 : vector<16xi32>
    %sub3A_354 = vector.broadcast %add3A_5 : i32 to vector<16xi32>
    %sub3A_355 = arith.subi %shift_right_arithmetic3A_353, %sub3A_354 : vector<16xi32>
    %mul3A_356 = arith.constant 2048 : i32
    %mul3A_357 = vector.broadcast %mul3A_356 : i32 to vector<16xi32>
    %mul3A_358 = arith.muli %sub3A_355, %mul3A_357 : vector<16xi32>
    %add3A_359 = arith.addi %mul3A_358, %get3A_343 : vector<16xi32>
    tpu.vector_store_idx %arg5[%add3A_359], %max3A_348 : memref<65536xf32, #tpu.memory_space<vmem>>[vector<16xi32>], vector<16xf32>,
    %scan3A_360 = arith.constant 0 : i32
    %scan3A_361 = arith.constant 0 : i32
    %scan3A_362 = arith.constant 512 : i32
    %scan3A_363 = arith.addi %scan3A_361, %scan3A_362 : i32
    %scan3A_364 = arith.constant 1 : i32
    %scan3A_365 = scf.for %scan3A_741 = %scan3A_361 to %scan3A_363 step %scan3A_364 iter_args(%scan3A_742 = %scan3A_360) -> (i32)  : i32 {
      %mul3A_743 = arith.constant 32 : i32
      %mul3A_744 = arith.muli %scan3A_741, %mul3A_743 : i32
      %add3A_745 = arith.constant 0 : i32
      %add3A_746 = arith.addi %mul3A_744, %add3A_745 : i32
      %get3A_747 = arith.index_cast %add3A_746 : i32 to index
      %get3A_748 = tpu.vector_load %arg6[%get3A_747] {strides = array<i32>} : memref<16384xi32, #tpu.memory_space<vmem>>, vector<16xi32>,
      %get3A_749 = arith.index_cast %add3A_746 : i32 to index
      %get3A_750 = tpu.vector_load %arg7[%get3A_749] {strides = array<i32>} : memref<16384xf32, #tpu.memory_space<vmem>>, vector<16xf32>,
      %max3A_751 = arith.constant 0.000000e+00 : f32
      %max3A_752 = vector.broadcast %max3A_751 : f32 to vector<16xf32>
      %max3A_753 = arith.maximumf %get3A_750, %max3A_752 : vector<16xf32>
      %add3A_754 = vector.broadcast %add3A_746 : i32 to vector<16xi32>
      %add3A_755 = arith.addi %add3A_754, %iota3A : vector<16xi32>
      %shift_right_arithmetic3A_756 = arith.constant 3 : i32
      %shift_right_arithmetic3A_757 = vector.broadcast %shift_right_arithmetic3A_756 : i32 to vector<16xi32>
      %shift_right_arithmetic3A_758 = arith.shrsi %add3A_755, %shift_right_arithmetic3A_757 : vector<16xi32>
      %ge3A = vector.broadcast %add3A_5 : i32 to vector<16xi32>
      %ge3A_759 = arith.cmpi sge, %get3A_748, %ge3A : vector<16xi32>
      %add3A_760 = arith.constant 32 : i32
      %add3A_761 = arith.addi %add3A_5, %add3A_760 : i32
      %lt3A = vector.broadcast %add3A_761 : i32 to vector<16xi32>
      %lt3A_762 = arith.cmpi slt, %get3A_748, %lt3A : vector<16xi32>
      %and3A = arith.andi %ge3A_759, %lt3A_762 : vector<16xi1>
      %sub3A_763 = vector.broadcast %add3A_5 : i32 to vector<16xi32>
      %sub3A_764 = arith.subi %get3A_748, %sub3A_763 : vector<16xi32>
      %mul3A_765 = arith.constant 2048 : i32
      %mul3A_766 = vector.broadcast %mul3A_765 : i32 to vector<16xi32>
      %mul3A_767 = arith.muli %sub3A_764, %mul3A_766 : vector<16xi32>
      %add3A_768 = arith.addi %mul3A_767, %shift_right_arithmetic3A_758 : vector<16xi32>
      %jit3A = arith.constant 0 : i32
      %broadcast_in_dim3A_769 = vector.broadcast %jit3A : i32 to vector<16xi32>
      %select_n3A = arith.select %and3A, %add3A_768, %broadcast_in_dim3A_769 : vector<16xi1>, vector<16xi32>
      tpu.vector_store_idx %arg5[%select_n3A], %max3A_753 masked %and3A : memref<65536xf32, #tpu.memory_space<vmem>>[vector<16xi32>], vector<16xf32>, vector<16xi1>
      %mul3A_770 = arith.constant 32 : i32
      %mul3A_771 = arith.muli %scan3A_741, %mul3A_770 : i32
      %add3A_772 = arith.constant 16 : i32
      %add3A_773 = arith.addi %mul3A_771, %add3A_772 : i32
      %get3A_774 = arith.index_cast %add3A_773 : i32 to index
      %get3A_775 = tpu.vector_load %arg6[%get3A_774] {strides = array<i32>} : memref<16384xi32, #tpu.memory_space<vmem>>, vector<16xi32>,
      %get3A_776 = arith.index_cast %add3A_773 : i32 to index
      %get3A_777 = tpu.vector_load %arg7[%get3A_776] {strides = array<i32>} : memref<16384xf32, #tpu.memory_space<vmem>>, vector<16xf32>,
      %max3A_778 = arith.constant 0.000000e+00 : f32
      %max3A_779 = vector.broadcast %max3A_778 : f32 to vector<16xf32>
      %max3A_780 = arith.maximumf %get3A_777, %max3A_779 : vector<16xf32>
      %add3A_781 = vector.broadcast %add3A_773 : i32 to vector<16xi32>
      %add3A_782 = arith.addi %add3A_781, %iota3A : vector<16xi32>
      %shift_right_arithmetic3A_783 = arith.constant 3 : i32
      %shift_right_arithmetic3A_784 = vector.broadcast %shift_right_arithmetic3A_783 : i32 to vector<16xi32>
      %shift_right_arithmetic3A_785 = arith.shrsi %add3A_782, %shift_right_arithmetic3A_784 : vector<16xi32>
      %ge3A_786 = vector.broadcast %add3A_5 : i32 to vector<16xi32>
      %ge3A_787 = arith.cmpi sge, %get3A_775, %ge3A_786 : vector<16xi32>
      %add3A_788 = arith.constant 32 : i32
      %add3A_789 = arith.addi %add3A_5, %add3A_788 : i32
      %lt3A_790 = vector.broadcast %add3A_789 : i32 to vector<16xi32>
      %lt3A_791 = arith.cmpi slt, %get3A_775, %lt3A_790 : vector<16xi32>
      %and3A_792 = arith.andi %ge3A_787, %lt3A_791 : vector<16xi1>
      %sub3A_793 = vector.broadcast %add3A_5 : i32 to vector<16xi32>
      %sub3A_794 = arith.subi %get3A_775, %sub3A_793 : vector<16xi32>
      %mul3A_795 = arith.constant 2048 : i32
      %mul3A_796 = vector.broadcast %mul3A_795 : i32 to vector<16xi32>
      %mul3A_797 = arith.muli %sub3A_794, %mul3A_796 : vector<16xi32>
      %add3A_798 = arith.addi %mul3A_797, %shift_right_arithmetic3A_785 : vector<16xi32>
      %jit3A_799 = arith.constant 0 : i32
      %broadcast_in_dim3A_800 = vector.broadcast %jit3A_799 : i32 to vector<16xi32>
      %select_n3A_801 = arith.select %and3A_792, %add3A_798, %broadcast_in_dim3A_800 : vector<16xi1>, vector<16xi32>
      tpu.vector_store_idx %arg5[%select_n3A_801], %max3A_780 masked %and3A_792 : memref<65536xf32, #tpu.memory_space<vmem>>[vector<16xi32>], vector<16xf32>, vector<16xi1>
      %scan3A_802 = arith.constant 0 : i32
      scf.yield %scan3A_802 : i32
    }
    %scan3A_366 = arith.constant 512 : i32
    %mul3A_367 = arith.constant 2048 : i32
    %mul3A_368 = arith.muli %add3A_5, %mul3A_367 : i32
    "tpu.region"() ({
      %run_scoped3A = tpu.sem_alloc : memref<!tpu.dma_semaphore, #tpu.memory_space<semaphore_mem>>
      %dma_start3A = tpu.memref_slice %arg4[%mul3A_368] : memref<4194304xf32, #tpu.memory_space<hbm>> -> memref<65536xf32, #tpu.memory_space<hbm>>
      %dma_start3A_741 = tpu.memref_slice %arg4[%mul3A_368] : memref<4194304xf32, #tpu.memory_space<hbm>> -> memref<65536xf32, #tpu.memory_space<hbm>>
      tpu.enqueue_dma source(%arg5 : memref<65536xf32, #tpu.memory_space<vmem>>) target(%dma_start3A_741 : memref<65536xf32, #tpu.memory_space<hbm>>) target_semaphore(%run_scoped3A : memref<!tpu.dma_semaphore, #tpu.memory_space<semaphore_mem>>)
      %dma_wait3A = tpu.memref_slice %arg4[%mul3A_368] : memref<4194304xf32, #tpu.memory_space<hbm>> -> memref<65536xf32, #tpu.memory_space<hbm>>
      %dma_wait3A_742 = tpu.memref_slice %arg4[%mul3A_368] : memref<4194304xf32, #tpu.memory_space<hbm>> -> memref<65536xf32, #tpu.memory_space<hbm>>
      tpu.wait_dma2 semaphore(%run_scoped3A : memref<!tpu.dma_semaphore, #tpu.memory_space<semaphore_mem>>) src(%arg5 : memref<65536xf32, #tpu.memory_space<vmem>>) dst(%dma_wait3A_742 : memref<65536xf32, #tpu.memory_space<hbm>>)
      tpu.yield
    }) : () -> ()
    %mul3A_369 = arith.constant 64 : i32
    %mul3A_370 = arith.muli %add3A, %mul3A_369 : i32
    %add3A_371 = arith.constant 32 : i32
    %add3A_372 = arith.addi %mul3A_370, %add3A_371 : i32
    %scan3A_373 = arith.constant 0 : i32
    %scan3A_374 = arith.constant 0 : i32
    %scan3A_375 = arith.constant 512 : i32
    %scan3A_376 = arith.addi %scan3A_374, %scan3A_375 : i32
    %scan3A_377 = arith.constant 1 : i32
    %scan3A_378 = scf.for %scan3A_741 = %scan3A_374 to %scan3A_376 step %scan3A_377 iter_args(%scan3A_742 = %scan3A_373) -> (i32)  : i32 {
      %mul3A_743 = arith.constant 128 : i32
      %mul3A_744 = arith.muli %scan3A_741, %mul3A_743 : i32
      %add3A_745 = arith.constant 0 : i32
      %add3A_746 = arith.addi %mul3A_744, %add3A_745 : i32
      %swap3A = arith.index_cast %add3A_746 : i32 to index
      %swap3A_747 = tpu.vector_load %arg5[%swap3A] {strides = array<i32>} : memref<65536xf32, #tpu.memory_space<vmem>>, vector<16xf32>,
      tpu.vector_store %arg5[%swap3A], %broadcast_in_dim3A_1 {strides = array<i32>} : memref<65536xf32, #tpu.memory_space<vmem>>, vector<16xf32>,
      %mul3A_748 = arith.constant 128 : i32
      %mul3A_749 = arith.muli %scan3A_741, %mul3A_748 : i32
      %add3A_750 = arith.constant 16 : i32
      %add3A_751 = arith.addi %mul3A_749, %add3A_750 : i32
      %swap3A_752 = arith.index_cast %add3A_751 : i32 to index
      %swap3A_753 = tpu.vector_load %arg5[%swap3A_752] {strides = array<i32>} : memref<65536xf32, #tpu.memory_space<vmem>>, vector<16xf32>,
      tpu.vector_store %arg5[%swap3A_752], %broadcast_in_dim3A_1 {strides = array<i32>} : memref<65536xf32, #tpu.memory_space<vmem>>, vector<16xf32>,
      %mul3A_754 = arith.constant 128 : i32
      %mul3A_755 = arith.muli %scan3A_741, %mul3A_754 : i32
      %add3A_756 = arith.constant 32 : i32
      %add3A_757 = arith.addi %mul3A_755, %add3A_756 : i32
      %swap3A_758 = arith.index_cast %add3A_757 : i32 to index
      %swap3A_759 = tpu.vector_load %arg5[%swap3A_758] {strides = array<i32>} : memref<65536xf32, #tpu.memory_space<vmem>>, vector<16xf32>,
      tpu.vector_store %arg5[%swap3A_758], %broadcast_in_dim3A_1 {strides = array<i32>} : memref<65536xf32, #tpu.memory_space<vmem>>, vector<16xf32>,
      %mul3A_760 = arith.constant 128 : i32
      %mul3A_761 = arith.muli %scan3A_741, %mul3A_760 : i32
      %add3A_762 = arith.constant 48 : i32
      %add3A_763 = arith.addi %mul3A_761, %add3A_762 : i32
      %swap3A_764 = arith.index_cast %add3A_763 : i32 to index
      %swap3A_765 = tpu.vector_load %arg5[%swap3A_764] {strides = array<i32>} : memref<65536xf32, #tpu.memory_space<vmem>>, vector<16xf32>,
      tpu.vector_store %arg5[%swap3A_764], %broadcast_in_dim3A_1 {strides = array<i32>} : memref<65536xf32, #tpu.memory_space<vmem>>, vector<16xf32>,
      %mul3A_766 = arith.constant 128 : i32
      %mul3A_767 = arith.muli %scan3A_741, %mul3A_766 : i32
      %add3A_768 = arith.constant 64 : i32
      %add3A_769 = arith.addi %mul3A_767, %add3A_768 : i32
      %swap3A_770 = arith.index_cast %add3A_769 : i32 to index
      %swap3A_771 = tpu.vector_load %arg5[%swap3A_770] {strides = array<i32>} : memref<65536xf32, #tpu.memory_space<vmem>>, vector<16xf32>,
      tpu.vector_store %arg5[%swap3A_770], %broadcast_in_dim3A_1 {strides = array<i32>} : memref<65536xf32, #tpu.memory_space<vmem>>, vector<16xf32>,
      %mul3A_772 = arith.constant 128 : i32
      %mul3A_773 = arith.muli %scan3A_741, %mul3A_772 : i32
      %add3A_774 = arith.constant 80 : i32
      %add3A_775 = arith.addi %mul3A_773, %add3A_774 : i32
      %swap3A_776 = arith.index_cast %add3A_775 : i32 to index
      %swap3A_777 = tpu.vector_load %arg5[%swap3A_776] {strides = array<i32>} : memref<65536xf32, #tpu.memory_space<vmem>>, vector<16xf32>,
      tpu.vector_store %arg5[%swap3A_776], %broadcast_in_dim3A_1 {strides = array<i32>} : memref<65536xf32, #tpu.memory_space<vmem>>, vector<16xf32>,
      %mul3A_778 = arith.constant 128 : i32
      %mul3A_779 = arith.muli %scan3A_741, %mul3A_778 : i32
      %add3A_780 = arith.constant 96 : i32
      %add3A_781 = arith.addi %mul3A_779, %add3A_780 : i32
      %swap3A_782 = arith.index_cast %add3A_781 : i32 to index
      %swap3A_783 = tpu.vector_load %arg5[%swap3A_782] {strides = array<i32>} : memref<65536xf32, #tpu.memory_space<vmem>>, vector<16xf32>,
      tpu.vector_store %arg5[%swap3A_782], %broadcast_in_dim3A_1 {strides = array<i32>} : memref<65536xf32, #tpu.memory_space<vmem>>, vector<16xf32>,
      %mul3A_784 = arith.constant 128 : i32
      %mul3A_785 = arith.muli %scan3A_741, %mul3A_784 : i32
      %add3A_786 = arith.constant 112 : i32
      %add3A_787 = arith.addi %mul3A_785, %add3A_786 : i32
      %swap3A_788 = arith.index_cast %add3A_787 : i32 to index
      %swap3A_789 = tpu.vector_load %arg5[%swap3A_788] {strides = array<i32>} : memref<65536xf32, #tpu.memory_space<vmem>>, vector<16xf32>,
      tpu.vector_store %arg5[%swap3A_788], %broadcast_in_dim3A_1 {strides = array<i32>} : memref<65536xf32, #tpu.memory_space<vmem>>, vector<16xf32>,
      %scan3A_790 = arith.constant 0 : i32
      scf.yield %scan3A_790 : i32
    }
    %scan3A_379 = arith.constant 512 : i32
    %mul3A_380 = arith.constant 8 : i32
    %mul3A_381 = arith.muli %add3A_372, %mul3A_380 : i32
    %add3A_382 = arith.constant 0 : i32
    %add3A_383 = arith.addi %mul3A_381, %add3A_382 : i32
    %get3A_384 = arith.index_cast %add3A_383 : i32 to index
    %get3A_385 = tpu.vector_load %arg6[%get3A_384] {strides = array<i32>} : memref<16384xi32, #tpu.memory_space<vmem>>, vector<16xi32>,
    %get3A_386 = arith.index_cast %add3A_383 : i32 to index
    %get3A_387 = tpu.vector_load %arg7[%get3A_386] {strides = array<i32>} : memref<16384xf32, #tpu.memory_space<vmem>>, vector<16xf32>,
    %max3A_388 = arith.constant 0.000000e+00 : f32
    %max3A_389 = vector.broadcast %max3A_388 : f32 to vector<16xf32>
    %max3A_390 = arith.maximumf %get3A_387, %max3A_389 : vector<16xf32>
    %add3A_391 = vector.broadcast %add3A_383 : i32 to vector<16xi32>
    %add3A_392 = arith.addi %add3A_391, %iota3A : vector<16xi32>
    %shift_right_arithmetic3A_393 = arith.constant 3 : i32
    %shift_right_arithmetic3A_394 = vector.broadcast %shift_right_arithmetic3A_393 : i32 to vector<16xi32>
    %shift_right_arithmetic3A_395 = arith.shrsi %add3A_392, %shift_right_arithmetic3A_394 : vector<16xi32>
    %sub3A_396 = vector.broadcast %add3A_372 : i32 to vector<16xi32>
    %sub3A_397 = arith.subi %shift_right_arithmetic3A_395, %sub3A_396 : vector<16xi32>
    %mul3A_398 = arith.constant 2048 : i32
    %mul3A_399 = vector.broadcast %mul3A_398 : i32 to vector<16xi32>
    %mul3A_400 = arith.muli %sub3A_397, %mul3A_399 : vector<16xi32>
    %add3A_401 = arith.addi %mul3A_400, %get3A_385 : vector<16xi32>
    tpu.vector_store_idx %arg5[%add3A_401], %max3A_390 : memref<65536xf32, #tpu.memory_space<vmem>>[vector<16xi32>], vector<16xf32>,
    %mul3A_402 = arith.constant 8 : i32
    %mul3A_403 = arith.muli %add3A_372, %mul3A_402 : i32
    %add3A_404 = arith.constant 16 : i32
    %add3A_405 = arith.addi %mul3A_403, %add3A_404 : i32
    %get3A_406 = arith.index_cast %add3A_405 : i32 to index
    %get3A_407 = tpu.vector_load %arg6[%get3A_406] {strides = array<i32>} : memref<16384xi32, #tpu.memory_space<vmem>>, vector<16xi32>,
    %get3A_408 = arith.index_cast %add3A_405 : i32 to index
    %get3A_409 = tpu.vector_load %arg7[%get3A_408] {strides = array<i32>} : memref<16384xf32, #tpu.memory_space<vmem>>, vector<16xf32>,
    %max3A_410 = arith.constant 0.000000e+00 : f32
    %max3A_411 = vector.broadcast %max3A_410 : f32 to vector<16xf32>
    %max3A_412 = arith.maximumf %get3A_409, %max3A_411 : vector<16xf32>
    %add3A_413 = vector.broadcast %add3A_405 : i32 to vector<16xi32>
    %add3A_414 = arith.addi %add3A_413, %iota3A : vector<16xi32>
    %shift_right_arithmetic3A_415 = arith.constant 3 : i32
    %shift_right_arithmetic3A_416 = vector.broadcast %shift_right_arithmetic3A_415 : i32 to vector<16xi32>
    %shift_right_arithmetic3A_417 = arith.shrsi %add3A_414, %shift_right_arithmetic3A_416 : vector<16xi32>
    %sub3A_418 = vector.broadcast %add3A_372 : i32 to vector<16xi32>
    %sub3A_419 = arith.subi %shift_right_arithmetic3A_417, %sub3A_418 : vector<16xi32>
    %mul3A_420 = arith.constant 2048 : i32
    %mul3A_421 = vector.broadcast %mul3A_420 : i32 to vector<16xi32>
    %mul3A_422 = arith.muli %sub3A_419, %mul3A_421 : vector<16xi32>
    %add3A_423 = arith.addi %mul3A_422, %get3A_407 : vector<16xi32>
    tpu.vector_store_idx %arg5[%add3A_423], %max3A_412 : memref<65536xf32, #tpu.memory_space<vmem>>[vector<16xi32>], vector<16xf32>,
    %mul3A_424 = arith.constant 8 : i32
    %mul3A_425 = arith.muli %add3A_372, %mul3A_424 : i32
    %add3A_426 = arith.constant 32 : i32
    %add3A_427 = arith.addi %mul3A_425, %add3A_426 : i32
    %get3A_428 = arith.index_cast %add3A_427 : i32 to index
    %get3A_429 = tpu.vector_load %arg6[%get3A_428] {strides = array<i32>} : memref<16384xi32, #tpu.memory_space<vmem>>, vector<16xi32>,
    %get3A_430 = arith.index_cast %add3A_427 : i32 to index
    %get3A_431 = tpu.vector_load %arg7[%get3A_430] {strides = array<i32>} : memref<16384xf32, #tpu.memory_space<vmem>>, vector<16xf32>,
    %max3A_432 = arith.constant 0.000000e+00 : f32
    %max3A_433 = vector.broadcast %max3A_432 : f32 to vector<16xf32>
    %max3A_434 = arith.maximumf %get3A_431, %max3A_433 : vector<16xf32>
    %add3A_435 = vector.broadcast %add3A_427 : i32 to vector<16xi32>
    %add3A_436 = arith.addi %add3A_435, %iota3A : vector<16xi32>
    %shift_right_arithmetic3A_437 = arith.constant 3 : i32
    %shift_right_arithmetic3A_438 = vector.broadcast %shift_right_arithmetic3A_437 : i32 to vector<16xi32>
    %shift_right_arithmetic3A_439 = arith.shrsi %add3A_436, %shift_right_arithmetic3A_438 : vector<16xi32>
    %sub3A_440 = vector.broadcast %add3A_372 : i32 to vector<16xi32>
    %sub3A_441 = arith.subi %shift_right_arithmetic3A_439, %sub3A_440 : vector<16xi32>
    %mul3A_442 = arith.constant 2048 : i32
    %mul3A_443 = vector.broadcast %mul3A_442 : i32 to vector<16xi32>
    %mul3A_444 = arith.muli %sub3A_441, %mul3A_443 : vector<16xi32>
    %add3A_445 = arith.addi %mul3A_444, %get3A_429 : vector<16xi32>
    tpu.vector_store_idx %arg5[%add3A_445], %max3A_434 : memref<65536xf32, #tpu.memory_space<vmem>>[vector<16xi32>], vector<16xf32>,
    %mul3A_446 = arith.constant 8 : i32
    %mul3A_447 = arith.muli %add3A_372, %mul3A_446 : i32
    %add3A_448 = arith.constant 48 : i32
    %add3A_449 = arith.addi %mul3A_447, %add3A_448 : i32
    %get3A_450 = arith.index_cast %add3A_449 : i32 to index
    %get3A_451 = tpu.vector_load %arg6[%get3A_450] {strides = array<i32>} : memref<16384xi32, #tpu.memory_space<vmem>>, vector<16xi32>,
    %get3A_452 = arith.index_cast %add3A_449 : i32 to index
    %get3A_453 = tpu.vector_load %arg7[%get3A_452] {strides = array<i32>} : memref<16384xf32, #tpu.memory_space<vmem>>, vector<16xf32>,
    %max3A_454 = arith.constant 0.000000e+00 : f32
    %max3A_455 = vector.broadcast %max3A_454 : f32 to vector<16xf32>
    %max3A_456 = arith.maximumf %get3A_453, %max3A_455 : vector<16xf32>
    %add3A_457 = vector.broadcast %add3A_449 : i32 to vector<16xi32>
    %add3A_458 = arith.addi %add3A_457, %iota3A : vector<16xi32>
    %shift_right_arithmetic3A_459 = arith.constant 3 : i32
    %shift_right_arithmetic3A_460 = vector.broadcast %shift_right_arithmetic3A_459 : i32 to vector<16xi32>
    %shift_right_arithmetic3A_461 = arith.shrsi %add3A_458, %shift_right_arithmetic3A_460 : vector<16xi32>
    %sub3A_462 = vector.broadcast %add3A_372 : i32 to vector<16xi32>
    %sub3A_463 = arith.subi %shift_right_arithmetic3A_461, %sub3A_462 : vector<16xi32>
    %mul3A_464 = arith.constant 2048 : i32
    %mul3A_465 = vector.broadcast %mul3A_464 : i32 to vector<16xi32>
    %mul3A_466 = arith.muli %sub3A_463, %mul3A_465 : vector<16xi32>
    %add3A_467 = arith.addi %mul3A_466, %get3A_451 : vector<16xi32>
    tpu.vector_store_idx %arg5[%add3A_467], %max3A_456 : memref<65536xf32, #tpu.memory_space<vmem>>[vector<16xi32>], vector<16xf32>,
    %mul3A_468 = arith.constant 8 : i32
    %mul3A_469 = arith.muli %add3A_372, %mul3A_468 : i32
    %add3A_470 = arith.constant 64 : i32
    %add3A_471 = arith.addi %mul3A_469, %add3A_470 : i32
    %get3A_472 = arith.index_cast %add3A_471 : i32 to index
    %get3A_473 = tpu.vector_load %arg6[%get3A_472] {strides = array<i32>} : memref<16384xi32, #tpu.memory_space<vmem>>, vector<16xi32>,
    %get3A_474 = arith.index_cast %add3A_471 : i32 to index
    %get3A_475 = tpu.vector_load %arg7[%get3A_474] {strides = array<i32>} : memref<16384xf32, #tpu.memory_space<vmem>>, vector<16xf32>,
    %max3A_476 = arith.constant 0.000000e+00 : f32
    %max3A_477 = vector.broadcast %max3A_476 : f32 to vector<16xf32>
    %max3A_478 = arith.maximumf %get3A_475, %max3A_477 : vector<16xf32>
    %add3A_479 = vector.broadcast %add3A_471 : i32 to vector<16xi32>
    %add3A_480 = arith.addi %add3A_479, %iota3A : vector<16xi32>
    %shift_right_arithmetic3A_481 = arith.constant 3 : i32
    %shift_right_arithmetic3A_482 = vector.broadcast %shift_right_arithmetic3A_481 : i32 to vector<16xi32>
    %shift_right_arithmetic3A_483 = arith.shrsi %add3A_480, %shift_right_arithmetic3A_482 : vector<16xi32>
    %sub3A_484 = vector.broadcast %add3A_372 : i32 to vector<16xi32>
    %sub3A_485 = arith.subi %shift_right_arithmetic3A_483, %sub3A_484 : vector<16xi32>
    %mul3A_486 = arith.constant 2048 : i32
    %mul3A_487 = vector.broadcast %mul3A_486 : i32 to vector<16xi32>
    %mul3A_488 = arith.muli %sub3A_485, %mul3A_487 : vector<16xi32>
    %add3A_489 = arith.addi %mul3A_488, %get3A_473 : vector<16xi32>
    tpu.vector_store_idx %arg5[%add3A_489], %max3A_478 : memref<65536xf32, #tpu.memory_space<vmem>>[vector<16xi32>], vector<16xf32>,
    %mul3A_490 = arith.constant 8 : i32
    %mul3A_491 = arith.muli %add3A_372, %mul3A_490 : i32
    %add3A_492 = arith.constant 80 : i32
    %add3A_493 = arith.addi %mul3A_491, %add3A_492 : i32
    %get3A_494 = arith.index_cast %add3A_493 : i32 to index
    %get3A_495 = tpu.vector_load %arg6[%get3A_494] {strides = array<i32>} : memref<16384xi32, #tpu.memory_space<vmem>>, vector<16xi32>,
    %get3A_496 = arith.index_cast %add3A_493 : i32 to index
    %get3A_497 = tpu.vector_load %arg7[%get3A_496] {strides = array<i32>} : memref<16384xf32, #tpu.memory_space<vmem>>, vector<16xf32>,
    %max3A_498 = arith.constant 0.000000e+00 : f32
    %max3A_499 = vector.broadcast %max3A_498 : f32 to vector<16xf32>
    %max3A_500 = arith.maximumf %get3A_497, %max3A_499 : vector<16xf32>
    %add3A_501 = vector.broadcast %add3A_493 : i32 to vector<16xi32>
    %add3A_502 = arith.addi %add3A_501, %iota3A : vector<16xi32>
    %shift_right_arithmetic3A_503 = arith.constant 3 : i32
    %shift_right_arithmetic3A_504 = vector.broadcast %shift_right_arithmetic3A_503 : i32 to vector<16xi32>
    %shift_right_arithmetic3A_505 = arith.shrsi %add3A_502, %shift_right_arithmetic3A_504 : vector<16xi32>
    %sub3A_506 = vector.broadcast %add3A_372 : i32 to vector<16xi32>
    %sub3A_507 = arith.subi %shift_right_arithmetic3A_505, %sub3A_506 : vector<16xi32>
    %mul3A_508 = arith.constant 2048 : i32
    %mul3A_509 = vector.broadcast %mul3A_508 : i32 to vector<16xi32>
    %mul3A_510 = arith.muli %sub3A_507, %mul3A_509 : vector<16xi32>
    %add3A_511 = arith.addi %mul3A_510, %get3A_495 : vector<16xi32>
    tpu.vector_store_idx %arg5[%add3A_511], %max3A_500 : memref<65536xf32, #tpu.memory_space<vmem>>[vector<16xi32>], vector<16xf32>,
    %mul3A_512 = arith.constant 8 : i32
    %mul3A_513 = arith.muli %add3A_372, %mul3A_512 : i32
    %add3A_514 = arith.constant 96 : i32
    %add3A_515 = arith.addi %mul3A_513, %add3A_514 : i32
    %get3A_516 = arith.index_cast %add3A_515 : i32 to index
    %get3A_517 = tpu.vector_load %arg6[%get3A_516] {strides = array<i32>} : memref<16384xi32, #tpu.memory_space<vmem>>, vector<16xi32>,
    %get3A_518 = arith.index_cast %add3A_515 : i32 to index
    %get3A_519 = tpu.vector_load %arg7[%get3A_518] {strides = array<i32>} : memref<16384xf32, #tpu.memory_space<vmem>>, vector<16xf32>,
    %max3A_520 = arith.constant 0.000000e+00 : f32
    %max3A_521 = vector.broadcast %max3A_520 : f32 to vector<16xf32>
    %max3A_522 = arith.maximumf %get3A_519, %max3A_521 : vector<16xf32>
    %add3A_523 = vector.broadcast %add3A_515 : i32 to vector<16xi32>
    %add3A_524 = arith.addi %add3A_523, %iota3A : vector<16xi32>
    %shift_right_arithmetic3A_525 = arith.constant 3 : i32
    %shift_right_arithmetic3A_526 = vector.broadcast %shift_right_arithmetic3A_525 : i32 to vector<16xi32>
    %shift_right_arithmetic3A_527 = arith.shrsi %add3A_524, %shift_right_arithmetic3A_526 : vector<16xi32>
    %sub3A_528 = vector.broadcast %add3A_372 : i32 to vector<16xi32>
    %sub3A_529 = arith.subi %shift_right_arithmetic3A_527, %sub3A_528 : vector<16xi32>
    %mul3A_530 = arith.constant 2048 : i32
    %mul3A_531 = vector.broadcast %mul3A_530 : i32 to vector<16xi32>
    %mul3A_532 = arith.muli %sub3A_529, %mul3A_531 : vector<16xi32>
    %add3A_533 = arith.addi %mul3A_532, %get3A_517 : vector<16xi32>
    tpu.vector_store_idx %arg5[%add3A_533], %max3A_522 : memref<65536xf32, #tpu.memory_space<vmem>>[vector<16xi32>], vector<16xf32>,
    %mul3A_534 = arith.constant 8 : i32
    %mul3A_535 = arith.muli %add3A_372, %mul3A_534 : i32
    %add3A_536 = arith.constant 112 : i32
    %add3A_537 = arith.addi %mul3A_535, %add3A_536 : i32
    %get3A_538 = arith.index_cast %add3A_537 : i32 to index
    %get3A_539 = tpu.vector_load %arg6[%get3A_538] {strides = array<i32>} : memref<16384xi32, #tpu.memory_space<vmem>>, vector<16xi32>,
    %get3A_540 = arith.index_cast %add3A_537 : i32 to index
    %get3A_541 = tpu.vector_load %arg7[%get3A_540] {strides = array<i32>} : memref<16384xf32, #tpu.memory_space<vmem>>, vector<16xf32>,
    %max3A_542 = arith.constant 0.000000e+00 : f32
    %max3A_543 = vector.broadcast %max3A_542 : f32 to vector<16xf32>
    %max3A_544 = arith.maximumf %get3A_541, %max3A_543 : vector<16xf32>
    %add3A_545 = vector.broadcast %add3A_537 : i32 to vector<16xi32>
    %add3A_546 = arith.addi %add3A_545, %iota3A : vector<16xi32>
    %shift_right_arithmetic3A_547 = arith.constant 3 : i32
    %shift_right_arithmetic3A_548 = vector.broadcast %shift_right_arithmetic3A_547 : i32 to vector<16xi32>
    %shift_right_arithmetic3A_549 = arith.shrsi %add3A_546, %shift_right_arithmetic3A_548 : vector<16xi32>
    %sub3A_550 = vector.broadcast %add3A_372 : i32 to vector<16xi32>
    %sub3A_551 = arith.subi %shift_right_arithmetic3A_549, %sub3A_550 : vector<16xi32>
    %mul3A_552 = arith.constant 2048 : i32
    %mul3A_553 = vector.broadcast %mul3A_552 : i32 to vector<16xi32>
    %mul3A_554 = arith.muli %sub3A_551, %mul3A_553 : vector<16xi32>
    %add3A_555 = arith.addi %mul3A_554, %get3A_539 : vector<16xi32>
    tpu.vector_store_idx %arg5[%add3A_555], %max3A_544 : memref<65536xf32, #tpu.memory_space<vmem>>[vector<16xi32>], vector<16xf32>,
    %mul3A_556 = arith.constant 8 : i32
    %mul3A_557 = arith.muli %add3A_372, %mul3A_556 : i32
    %add3A_558 = arith.constant 128 : i32
    %add3A_559 = arith.addi %mul3A_557, %add3A_558 : i32
    %get3A_560 = arith.index_cast %add3A_559 : i32 to index
    %get3A_561 = tpu.vector_load %arg6[%get3A_560] {strides = array<i32>} : memref<16384xi32, #tpu.memory_space<vmem>>, vector<16xi32>,
    %get3A_562 = arith.index_cast %add3A_559 : i32 to index
    %get3A_563 = tpu.vector_load %arg7[%get3A_562] {strides = array<i32>} : memref<16384xf32, #tpu.memory_space<vmem>>, vector<16xf32>,
    %max3A_564 = arith.constant 0.000000e+00 : f32
    %max3A_565 = vector.broadcast %max3A_564 : f32 to vector<16xf32>
    %max3A_566 = arith.maximumf %get3A_563, %max3A_565 : vector<16xf32>
    %add3A_567 = vector.broadcast %add3A_559 : i32 to vector<16xi32>
    %add3A_568 = arith.addi %add3A_567, %iota3A : vector<16xi32>
    %shift_right_arithmetic3A_569 = arith.constant 3 : i32
    %shift_right_arithmetic3A_570 = vector.broadcast %shift_right_arithmetic3A_569 : i32 to vector<16xi32>
    %shift_right_arithmetic3A_571 = arith.shrsi %add3A_568, %shift_right_arithmetic3A_570 : vector<16xi32>
    %sub3A_572 = vector.broadcast %add3A_372 : i32 to vector<16xi32>
    %sub3A_573 = arith.subi %shift_right_arithmetic3A_571, %sub3A_572 : vector<16xi32>
    %mul3A_574 = arith.constant 2048 : i32
    %mul3A_575 = vector.broadcast %mul3A_574 : i32 to vector<16xi32>
    %mul3A_576 = arith.muli %sub3A_573, %mul3A_575 : vector<16xi32>
    %add3A_577 = arith.addi %mul3A_576, %get3A_561 : vector<16xi32>
    tpu.vector_store_idx %arg5[%add3A_577], %max3A_566 : memref<65536xf32, #tpu.memory_space<vmem>>[vector<16xi32>], vector<16xf32>,
    %mul3A_578 = arith.constant 8 : i32
    %mul3A_579 = arith.muli %add3A_372, %mul3A_578 : i32
    %add3A_580 = arith.constant 144 : i32
    %add3A_581 = arith.addi %mul3A_579, %add3A_580 : i32
    %get3A_582 = arith.index_cast %add3A_581 : i32 to index
    %get3A_583 = tpu.vector_load %arg6[%get3A_582] {strides = array<i32>} : memref<16384xi32, #tpu.memory_space<vmem>>, vector<16xi32>,
    %get3A_584 = arith.index_cast %add3A_581 : i32 to index
    %get3A_585 = tpu.vector_load %arg7[%get3A_584] {strides = array<i32>} : memref<16384xf32, #tpu.memory_space<vmem>>, vector<16xf32>,
    %max3A_586 = arith.constant 0.000000e+00 : f32
    %max3A_587 = vector.broadcast %max3A_586 : f32 to vector<16xf32>
    %max3A_588 = arith.maximumf %get3A_585, %max3A_587 : vector<16xf32>
    %add3A_589 = vector.broadcast %add3A_581 : i32 to vector<16xi32>
    %add3A_590 = arith.addi %add3A_589, %iota3A : vector<16xi32>
    %shift_right_arithmetic3A_591 = arith.constant 3 : i32
    %shift_right_arithmetic3A_592 = vector.broadcast %shift_right_arithmetic3A_591 : i32 to vector<16xi32>
    %shift_right_arithmetic3A_593 = arith.shrsi %add3A_590, %shift_right_arithmetic3A_592 : vector<16xi32>
    %sub3A_594 = vector.broadcast %add3A_372 : i32 to vector<16xi32>
    %sub3A_595 = arith.subi %shift_right_arithmetic3A_593, %sub3A_594 : vector<16xi32>
    %mul3A_596 = arith.constant 2048 : i32
    %mul3A_597 = vector.broadcast %mul3A_596 : i32 to vector<16xi32>
    %mul3A_598 = arith.muli %sub3A_595, %mul3A_597 : vector<16xi32>
    %add3A_599 = arith.addi %mul3A_598, %get3A_583 : vector<16xi32>
    tpu.vector_store_idx %arg5[%add3A_599], %max3A_588 : memref<65536xf32, #tpu.memory_space<vmem>>[vector<16xi32>], vector<16xf32>,
    %mul3A_600 = arith.constant 8 : i32
    %mul3A_601 = arith.muli %add3A_372, %mul3A_600 : i32
    %add3A_602 = arith.constant 160 : i32
    %add3A_603 = arith.addi %mul3A_601, %add3A_602 : i32
    %get3A_604 = arith.index_cast %add3A_603 : i32 to index
    %get3A_605 = tpu.vector_load %arg6[%get3A_604] {strides = array<i32>} : memref<16384xi32, #tpu.memory_space<vmem>>, vector<16xi32>,
    %get3A_606 = arith.index_cast %add3A_603 : i32 to index
    %get3A_607 = tpu.vector_load %arg7[%get3A_606] {strides = array<i32>} : memref<16384xf32, #tpu.memory_space<vmem>>, vector<16xf32>,
    %max3A_608 = arith.constant 0.000000e+00 : f32
    %max3A_609 = vector.broadcast %max3A_608 : f32 to vector<16xf32>
    %max3A_610 = arith.maximumf %get3A_607, %max3A_609 : vector<16xf32>
    %add3A_611 = vector.broadcast %add3A_603 : i32 to vector<16xi32>
    %add3A_612 = arith.addi %add3A_611, %iota3A : vector<16xi32>
    %shift_right_arithmetic3A_613 = arith.constant 3 : i32
    %shift_right_arithmetic3A_614 = vector.broadcast %shift_right_arithmetic3A_613 : i32 to vector<16xi32>
    %shift_right_arithmetic3A_615 = arith.shrsi %add3A_612, %shift_right_arithmetic3A_614 : vector<16xi32>
    %sub3A_616 = vector.broadcast %add3A_372 : i32 to vector<16xi32>
    %sub3A_617 = arith.subi %shift_right_arithmetic3A_615, %sub3A_616 : vector<16xi32>
    %mul3A_618 = arith.constant 2048 : i32
    %mul3A_619 = vector.broadcast %mul3A_618 : i32 to vector<16xi32>
    %mul3A_620 = arith.muli %sub3A_617, %mul3A_619 : vector<16xi32>
    %add3A_621 = arith.addi %mul3A_620, %get3A_605 : vector<16xi32>
    tpu.vector_store_idx %arg5[%add3A_621], %max3A_610 : memref<65536xf32, #tpu.memory_space<vmem>>[vector<16xi32>], vector<16xf32>,
    %mul3A_622 = arith.constant 8 : i32
    %mul3A_623 = arith.muli %add3A_372, %mul3A_622 : i32
    %add3A_624 = arith.constant 176 : i32
    %add3A_625 = arith.addi %mul3A_623, %add3A_624 : i32
    %get3A_626 = arith.index_cast %add3A_625 : i32 to index
    %get3A_627 = tpu.vector_load %arg6[%get3A_626] {strides = array<i32>} : memref<16384xi32, #tpu.memory_space<vmem>>, vector<16xi32>,
    %get3A_628 = arith.index_cast %add3A_625 : i32 to index
    %get3A_629 = tpu.vector_load %arg7[%get3A_628] {strides = array<i32>} : memref<16384xf32, #tpu.memory_space<vmem>>, vector<16xf32>,
    %max3A_630 = arith.constant 0.000000e+00 : f32
    %max3A_631 = vector.broadcast %max3A_630 : f32 to vector<16xf32>
    %max3A_632 = arith.maximumf %get3A_629, %max3A_631 : vector<16xf32>
    %add3A_633 = vector.broadcast %add3A_625 : i32 to vector<16xi32>
    %add3A_634 = arith.addi %add3A_633, %iota3A : vector<16xi32>
    %shift_right_arithmetic3A_635 = arith.constant 3 : i32
    %shift_right_arithmetic3A_636 = vector.broadcast %shift_right_arithmetic3A_635 : i32 to vector<16xi32>
    %shift_right_arithmetic3A_637 = arith.shrsi %add3A_634, %shift_right_arithmetic3A_636 : vector<16xi32>
    %sub3A_638 = vector.broadcast %add3A_372 : i32 to vector<16xi32>
    %sub3A_639 = arith.subi %shift_right_arithmetic3A_637, %sub3A_638 : vector<16xi32>
    %mul3A_640 = arith.constant 2048 : i32
    %mul3A_641 = vector.broadcast %mul3A_640 : i32 to vector<16xi32>
    %mul3A_642 = arith.muli %sub3A_639, %mul3A_641 : vector<16xi32>
    %add3A_643 = arith.addi %mul3A_642, %get3A_627 : vector<16xi32>
    tpu.vector_store_idx %arg5[%add3A_643], %max3A_632 : memref<65536xf32, #tpu.memory_space<vmem>>[vector<16xi32>], vector<16xf32>,
    %mul3A_644 = arith.constant 8 : i32
    %mul3A_645 = arith.muli %add3A_372, %mul3A_644 : i32
    %add3A_646 = arith.constant 192 : i32
    %add3A_647 = arith.addi %mul3A_645, %add3A_646 : i32
    %get3A_648 = arith.index_cast %add3A_647 : i32 to index
    %get3A_649 = tpu.vector_load %arg6[%get3A_648] {strides = array<i32>} : memref<16384xi32, #tpu.memory_space<vmem>>, vector<16xi32>,
    %get3A_650 = arith.index_cast %add3A_647 : i32 to index
    %get3A_651 = tpu.vector_load %arg7[%get3A_650] {strides = array<i32>} : memref<16384xf32, #tpu.memory_space<vmem>>, vector<16xf32>,
    %max3A_652 = arith.constant 0.000000e+00 : f32
    %max3A_653 = vector.broadcast %max3A_652 : f32 to vector<16xf32>
    %max3A_654 = arith.maximumf %get3A_651, %max3A_653 : vector<16xf32>
    %add3A_655 = vector.broadcast %add3A_647 : i32 to vector<16xi32>
    %add3A_656 = arith.addi %add3A_655, %iota3A : vector<16xi32>
    %shift_right_arithmetic3A_657 = arith.constant 3 : i32
    %shift_right_arithmetic3A_658 = vector.broadcast %shift_right_arithmetic3A_657 : i32 to vector<16xi32>
    %shift_right_arithmetic3A_659 = arith.shrsi %add3A_656, %shift_right_arithmetic3A_658 : vector<16xi32>
    %sub3A_660 = vector.broadcast %add3A_372 : i32 to vector<16xi32>
    %sub3A_661 = arith.subi %shift_right_arithmetic3A_659, %sub3A_660 : vector<16xi32>
    %mul3A_662 = arith.constant 2048 : i32
    %mul3A_663 = vector.broadcast %mul3A_662 : i32 to vector<16xi32>
    %mul3A_664 = arith.muli %sub3A_661, %mul3A_663 : vector<16xi32>
    %add3A_665 = arith.addi %mul3A_664, %get3A_649 : vector<16xi32>
    tpu.vector_store_idx %arg5[%add3A_665], %max3A_654 : memref<65536xf32, #tpu.memory_space<vmem>>[vector<16xi32>], vector<16xf32>,
    %mul3A_666 = arith.constant 8 : i32
    %mul3A_667 = arith.muli %add3A_372, %mul3A_666 : i32
    %add3A_668 = arith.constant 208 : i32
    %add3A_669 = arith.addi %mul3A_667, %add3A_668 : i32
    %get3A_670 = arith.index_cast %add3A_669 : i32 to index
    %get3A_671 = tpu.vector_load %arg6[%get3A_670] {strides = array<i32>} : memref<16384xi32, #tpu.memory_space<vmem>>, vector<16xi32>,
    %get3A_672 = arith.index_cast %add3A_669 : i32 to index
    %get3A_673 = tpu.vector_load %arg7[%get3A_672] {strides = array<i32>} : memref<16384xf32, #tpu.memory_space<vmem>>, vector<16xf32>,
    %max3A_674 = arith.constant 0.000000e+00 : f32
    %max3A_675 = vector.broadcast %max3A_674 : f32 to vector<16xf32>
    %max3A_676 = arith.maximumf %get3A_673, %max3A_675 : vector<16xf32>
    %add3A_677 = vector.broadcast %add3A_669 : i32 to vector<16xi32>
    %add3A_678 = arith.addi %add3A_677, %iota3A : vector<16xi32>
    %shift_right_arithmetic3A_679 = arith.constant 3 : i32
    %shift_right_arithmetic3A_680 = vector.broadcast %shift_right_arithmetic3A_679 : i32 to vector<16xi32>
    %shift_right_arithmetic3A_681 = arith.shrsi %add3A_678, %shift_right_arithmetic3A_680 : vector<16xi32>
    %sub3A_682 = vector.broadcast %add3A_372 : i32 to vector<16xi32>
    %sub3A_683 = arith.subi %shift_right_arithmetic3A_681, %sub3A_682 : vector<16xi32>
    %mul3A_684 = arith.constant 2048 : i32
    %mul3A_685 = vector.broadcast %mul3A_684 : i32 to vector<16xi32>
    %mul3A_686 = arith.muli %sub3A_683, %mul3A_685 : vector<16xi32>
    %add3A_687 = arith.addi %mul3A_686, %get3A_671 : vector<16xi32>
    tpu.vector_store_idx %arg5[%add3A_687], %max3A_676 : memref<65536xf32, #tpu.memory_space<vmem>>[vector<16xi32>], vector<16xf32>,
    %mul3A_688 = arith.constant 8 : i32
    %mul3A_689 = arith.muli %add3A_372, %mul3A_688 : i32
    %add3A_690 = arith.constant 224 : i32
    %add3A_691 = arith.addi %mul3A_689, %add3A_690 : i32
    %get3A_692 = arith.index_cast %add3A_691 : i32 to index
    %get3A_693 = tpu.vector_load %arg6[%get3A_692] {strides = array<i32>} : memref<16384xi32, #tpu.memory_space<vmem>>, vector<16xi32>,
    %get3A_694 = arith.index_cast %add3A_691 : i32 to index
    %get3A_695 = tpu.vector_load %arg7[%get3A_694] {strides = array<i32>} : memref<16384xf32, #tpu.memory_space<vmem>>, vector<16xf32>,
    %max3A_696 = arith.constant 0.000000e+00 : f32
    %max3A_697 = vector.broadcast %max3A_696 : f32 to vector<16xf32>
    %max3A_698 = arith.maximumf %get3A_695, %max3A_697 : vector<16xf32>
    %add3A_699 = vector.broadcast %add3A_691 : i32 to vector<16xi32>
    %add3A_700 = arith.addi %add3A_699, %iota3A : vector<16xi32>
    %shift_right_arithmetic3A_701 = arith.constant 3 : i32
    %shift_right_arithmetic3A_702 = vector.broadcast %shift_right_arithmetic3A_701 : i32 to vector<16xi32>
    %shift_right_arithmetic3A_703 = arith.shrsi %add3A_700, %shift_right_arithmetic3A_702 : vector<16xi32>
    %sub3A_704 = vector.broadcast %add3A_372 : i32 to vector<16xi32>
    %sub3A_705 = arith.subi %shift_right_arithmetic3A_703, %sub3A_704 : vector<16xi32>
    %mul3A_706 = arith.constant 2048 : i32
    %mul3A_707 = vector.broadcast %mul3A_706 : i32 to vector<16xi32>
    %mul3A_708 = arith.muli %sub3A_705, %mul3A_707 : vector<16xi32>
    %add3A_709 = arith.addi %mul3A_708, %get3A_693 : vector<16xi32>
    tpu.vector_store_idx %arg5[%add3A_709], %max3A_698 : memref<65536xf32, #tpu.memory_space<vmem>>[vector<16xi32>], vector<16xf32>,
    %mul3A_710 = arith.constant 8 : i32
    %mul3A_711 = arith.muli %add3A_372, %mul3A_710 : i32
    %add3A_712 = arith.constant 240 : i32
    %add3A_713 = arith.addi %mul3A_711, %add3A_712 : i32
    %get3A_714 = arith.index_cast %add3A_713 : i32 to index
    %get3A_715 = tpu.vector_load %arg6[%get3A_714] {strides = array<i32>} : memref<16384xi32, #tpu.memory_space<vmem>>, vector<16xi32>,
    %get3A_716 = arith.index_cast %add3A_713 : i32 to index
    %get3A_717 = tpu.vector_load %arg7[%get3A_716] {strides = array<i32>} : memref<16384xf32, #tpu.memory_space<vmem>>, vector<16xf32>,
    %max3A_718 = arith.constant 0.000000e+00 : f32
    %max3A_719 = vector.broadcast %max3A_718 : f32 to vector<16xf32>
    %max3A_720 = arith.maximumf %get3A_717, %max3A_719 : vector<16xf32>
    %add3A_721 = vector.broadcast %add3A_713 : i32 to vector<16xi32>
    %add3A_722 = arith.addi %add3A_721, %iota3A : vector<16xi32>
    %shift_right_arithmetic3A_723 = arith.constant 3 : i32
    %shift_right_arithmetic3A_724 = vector.broadcast %shift_right_arithmetic3A_723 : i32 to vector<16xi32>
    %shift_right_arithmetic3A_725 = arith.shrsi %add3A_722, %shift_right_arithmetic3A_724 : vector<16xi32>
    %sub3A_726 = vector.broadcast %add3A_372 : i32 to vector<16xi32>
    %sub3A_727 = arith.subi %shift_right_arithmetic3A_725, %sub3A_726 : vector<16xi32>
    %mul3A_728 = arith.constant 2048 : i32
    %mul3A_729 = vector.broadcast %mul3A_728 : i32 to vector<16xi32>
    %mul3A_730 = arith.muli %sub3A_727, %mul3A_729 : vector<16xi32>
    %add3A_731 = arith.addi %mul3A_730, %get3A_715 : vector<16xi32>
    tpu.vector_store_idx %arg5[%add3A_731], %max3A_720 : memref<65536xf32, #tpu.memory_space<vmem>>[vector<16xi32>], vector<16xf32>,
    %scan3A_732 = arith.constant 0 : i32
    %scan3A_733 = arith.constant 0 : i32
    %scan3A_734 = arith.constant 512 : i32
    %scan3A_735 = arith.addi %scan3A_733, %scan3A_734 : i32
    %scan3A_736 = arith.constant 1 : i32
    %scan3A_737 = scf.for %scan3A_741 = %scan3A_733 to %scan3A_735 step %scan3A_736 iter_args(%scan3A_742 = %scan3A_732) -> (i32)  : i32 {
      %mul3A_743 = arith.constant 32 : i32
      %mul3A_744 = arith.muli %scan3A_741, %mul3A_743 : i32
      %add3A_745 = arith.constant 0 : i32
      %add3A_746 = arith.addi %mul3A_744, %add3A_745 : i32
      %get3A_747 = arith.index_cast %add3A_746 : i32 to index
      %get3A_748 = tpu.vector_load %arg6[%get3A_747] {strides = array<i32>} : memref<16384xi32, #tpu.memory_space<vmem>>, vector<16xi32>,
      %get3A_749 = arith.index_cast %add3A_746 : i32 to index
      %get3A_750 = tpu.vector_load %arg7[%get3A_749] {strides = array<i32>} : memref<16384xf32, #tpu.memory_space<vmem>>, vector<16xf32>,
      %max3A_751 = arith.constant 0.000000e+00 : f32
      %max3A_752 = vector.broadcast %max3A_751 : f32 to vector<16xf32>
      %max3A_753 = arith.maximumf %get3A_750, %max3A_752 : vector<16xf32>
      %add3A_754 = vector.broadcast %add3A_746 : i32 to vector<16xi32>
      %add3A_755 = arith.addi %add3A_754, %iota3A : vector<16xi32>
      %shift_right_arithmetic3A_756 = arith.constant 3 : i32
      %shift_right_arithmetic3A_757 = vector.broadcast %shift_right_arithmetic3A_756 : i32 to vector<16xi32>
      %shift_right_arithmetic3A_758 = arith.shrsi %add3A_755, %shift_right_arithmetic3A_757 : vector<16xi32>
      %ge3A = vector.broadcast %add3A_372 : i32 to vector<16xi32>
      %ge3A_759 = arith.cmpi sge, %get3A_748, %ge3A : vector<16xi32>
      %add3A_760 = arith.constant 32 : i32
      %add3A_761 = arith.addi %add3A_372, %add3A_760 : i32
      %lt3A = vector.broadcast %add3A_761 : i32 to vector<16xi32>
      %lt3A_762 = arith.cmpi slt, %get3A_748, %lt3A : vector<16xi32>
      %and3A = arith.andi %ge3A_759, %lt3A_762 : vector<16xi1>
      %sub3A_763 = vector.broadcast %add3A_372 : i32 to vector<16xi32>
      %sub3A_764 = arith.subi %get3A_748, %sub3A_763 : vector<16xi32>
      %mul3A_765 = arith.constant 2048 : i32
      %mul3A_766 = vector.broadcast %mul3A_765 : i32 to vector<16xi32>
      %mul3A_767 = arith.muli %sub3A_764, %mul3A_766 : vector<16xi32>
      %add3A_768 = arith.addi %mul3A_767, %shift_right_arithmetic3A_758 : vector<16xi32>
      %jit3A = arith.constant 0 : i32
      %broadcast_in_dim3A_769 = vector.broadcast %jit3A : i32 to vector<16xi32>
      %select_n3A = arith.select %and3A, %add3A_768, %broadcast_in_dim3A_769 : vector<16xi1>, vector<16xi32>
      tpu.vector_store_idx %arg5[%select_n3A], %max3A_753 masked %and3A : memref<65536xf32, #tpu.memory_space<vmem>>[vector<16xi32>], vector<16xf32>, vector<16xi1>
      %mul3A_770 = arith.constant 32 : i32
      %mul3A_771 = arith.muli %scan3A_741, %mul3A_770 : i32
      %add3A_772 = arith.constant 16 : i32
      %add3A_773 = arith.addi %mul3A_771, %add3A_772 : i32
      %get3A_774 = arith.index_cast %add3A_773 : i32 to index
      %get3A_775 = tpu.vector_load %arg6[%get3A_774] {strides = array<i32>} : memref<16384xi32, #tpu.memory_space<vmem>>, vector<16xi32>,
      %get3A_776 = arith.index_cast %add3A_773 : i32 to index
      %get3A_777 = tpu.vector_load %arg7[%get3A_776] {strides = array<i32>} : memref<16384xf32, #tpu.memory_space<vmem>>, vector<16xf32>,
      %max3A_778 = arith.constant 0.000000e+00 : f32
      %max3A_779 = vector.broadcast %max3A_778 : f32 to vector<16xf32>
      %max3A_780 = arith.maximumf %get3A_777, %max3A_779 : vector<16xf32>
      %add3A_781 = vector.broadcast %add3A_773 : i32 to vector<16xi32>
      %add3A_782 = arith.addi %add3A_781, %iota3A : vector<16xi32>
      %shift_right_arithmetic3A_783 = arith.constant 3 : i32
      %shift_right_arithmetic3A_784 = vector.broadcast %shift_right_arithmetic3A_783 : i32 to vector<16xi32>
      %shift_right_arithmetic3A_785 = arith.shrsi %add3A_782, %shift_right_arithmetic3A_784 : vector<16xi32>
      %ge3A_786 = vector.broadcast %add3A_372 : i32 to vector<16xi32>
      %ge3A_787 = arith.cmpi sge, %get3A_775, %ge3A_786 : vector<16xi32>
      %add3A_788 = arith.constant 32 : i32
      %add3A_789 = arith.addi %add3A_372, %add3A_788 : i32
      %lt3A_790 = vector.broadcast %add3A_789 : i32 to vector<16xi32>
      %lt3A_791 = arith.cmpi slt, %get3A_775, %lt3A_790 : vector<16xi32>
      %and3A_792 = arith.andi %ge3A_787, %lt3A_791 : vector<16xi1>
      %sub3A_793 = vector.broadcast %add3A_372 : i32 to vector<16xi32>
      %sub3A_794 = arith.subi %get3A_775, %sub3A_793 : vector<16xi32>
      %mul3A_795 = arith.constant 2048 : i32
      %mul3A_796 = vector.broadcast %mul3A_795 : i32 to vector<16xi32>
      %mul3A_797 = arith.muli %sub3A_794, %mul3A_796 : vector<16xi32>
      %add3A_798 = arith.addi %mul3A_797, %shift_right_arithmetic3A_785 : vector<16xi32>
      %jit3A_799 = arith.constant 0 : i32
      %broadcast_in_dim3A_800 = vector.broadcast %jit3A_799 : i32 to vector<16xi32>
      %select_n3A_801 = arith.select %and3A_792, %add3A_798, %broadcast_in_dim3A_800 : vector<16xi1>, vector<16xi32>
      tpu.vector_store_idx %arg5[%select_n3A_801], %max3A_780 masked %and3A_792 : memref<65536xf32, #tpu.memory_space<vmem>>[vector<16xi32>], vector<16xf32>, vector<16xi1>
      %scan3A_802 = arith.constant 0 : i32
      scf.yield %scan3A_802 : i32
    }
    %scan3A_738 = arith.constant 512 : i32
    %mul3A_739 = arith.constant 2048 : i32
    %mul3A_740 = arith.muli %add3A_372, %mul3A_739 : i32
    "tpu.region"() ({
      %run_scoped3A = tpu.sem_alloc : memref<!tpu.dma_semaphore, #tpu.memory_space<semaphore_mem>>
      %dma_start3A = tpu.memref_slice %arg4[%mul3A_740] : memref<4194304xf32, #tpu.memory_space<hbm>> -> memref<65536xf32, #tpu.memory_space<hbm>>
      %dma_start3A_741 = tpu.memref_slice %arg4[%mul3A_740] : memref<4194304xf32, #tpu.memory_space<hbm>> -> memref<65536xf32, #tpu.memory_space<hbm>>
      tpu.enqueue_dma source(%arg5 : memref<65536xf32, #tpu.memory_space<vmem>>) target(%dma_start3A_741 : memref<65536xf32, #tpu.memory_space<hbm>>) target_semaphore(%run_scoped3A : memref<!tpu.dma_semaphore, #tpu.memory_space<semaphore_mem>>)
      %dma_wait3A = tpu.memref_slice %arg4[%mul3A_740] : memref<4194304xf32, #tpu.memory_space<hbm>> -> memref<65536xf32, #tpu.memory_space<hbm>>
      %dma_wait3A_742 = tpu.memref_slice %arg4[%mul3A_740] : memref<4194304xf32, #tpu.memory_space<hbm>> -> memref<65536xf32, #tpu.memory_space<hbm>>
      tpu.wait_dma2 semaphore(%run_scoped3A : memref<!tpu.dma_semaphore, #tpu.memory_space<semaphore_mem>>) src(%arg5 : memref<65536xf32, #tpu.memory_space<vmem>>) dst(%dma_wait3A_742 : memref<65536xf32, #tpu.memory_space<hbm>>)
      tpu.yield
    }) : () -> ()
    return
  }
}

#map = affine_map<(d0, d1) -> (0)>
module attributes {stable_mosaic.version = 14 : i64} {
  func.func @_sc_scatter_body(%arg0: i32, %arg1: i32, %arg2: memref<16384xi32, #tpu.memory_space<hbm>>, %arg3: memref<16384xf32, #tpu.memory_space<hbm>>, %arg4: memref<4194304xf32, #tpu.memory_space<hbm>>, %arg5: memref<65536xf32, #tpu.memory_space<vmem>>, %arg6: memref<16384xi32, #tpu.memory_space<vmem>>, %arg7: memref<16384xf32, #tpu.memory_space<vmem>>) attributes {dimension_semantics = [#tpu.dimension_semantics<core_parallel>, #tpu.dimension_semantics<subcore_parallel>], iteration_bounds = array<i64: 2, 16>, scalar_prefetch = 0 : i64, scratch_operands = 3 : i64, tpu.core_type = #tpu.core_type<sc_vector_subcore>, window_params = [{transform_indices = #map}, {transform_indices = #map}, {transform_indices = #map}]} {
    %mul3A = arith.constant 2 : i32
    %mul3A_0 = arith.muli %arg1, %mul3A : i32
    %add3A = arith.addi %mul3A_0, %arg0 : i32
    "tpu.region"() ({
      %run_scoped3A = tpu.sem_alloc : memref<!tpu.dma_semaphore, #tpu.memory_space<semaphore_mem>>
      tpu.enqueue_dma source(%arg2 : memref<16384xi32, #tpu.memory_space<hbm>>) target(%arg6 : memref<16384xi32, #tpu.memory_space<vmem>>) target_semaphore(%run_scoped3A : memref<!tpu.dma_semaphore, #tpu.memory_space<semaphore_mem>>)
      tpu.wait_dma2 semaphore(%run_scoped3A : memref<!tpu.dma_semaphore, #tpu.memory_space<semaphore_mem>>) src(%arg2 : memref<16384xi32, #tpu.memory_space<hbm>>) dst(%arg6 : memref<16384xi32, #tpu.memory_space<vmem>>)
      tpu.yield
    }) : () -> ()
    "tpu.region"() ({
      %run_scoped3A = tpu.sem_alloc : memref<!tpu.dma_semaphore, #tpu.memory_space<semaphore_mem>>
      tpu.enqueue_dma source(%arg3 : memref<16384xf32, #tpu.memory_space<hbm>>) target(%arg7 : memref<16384xf32, #tpu.memory_space<vmem>>) target_semaphore(%run_scoped3A : memref<!tpu.dma_semaphore, #tpu.memory_space<semaphore_mem>>)
      tpu.wait_dma2 semaphore(%run_scoped3A : memref<!tpu.dma_semaphore, #tpu.memory_space<semaphore_mem>>) src(%arg3 : memref<16384xf32, #tpu.memory_space<hbm>>) dst(%arg7 : memref<16384xf32, #tpu.memory_space<vmem>>)
      tpu.yield
    }) : () -> ()
    %iota3A = tpu.iota {dimensions = array<i32: 0>} : vector<16xi32>
    %broadcast_in_dim3A = arith.constant 0.000000e+00 : f32
    %broadcast_in_dim3A_1 = vector.broadcast %broadcast_in_dim3A : f32 to vector<16xf32>
    %mul3A_2 = arith.constant 64 : i32
    %mul3A_3 = arith.muli %add3A, %mul3A_2 : i32
    %add3A_4 = arith.constant 0 : i32
    %add3A_5 = arith.addi %mul3A_3, %add3A_4 : i32
    %scan3A = arith.constant 0 : i32
    %scan3A_6 = arith.constant 0 : i32
    %scan3A_7 = arith.constant 512 : i32
    %scan3A_8 = arith.addi %scan3A_6, %scan3A_7 : i32
    %scan3A_9 = arith.constant 1 : i32
    %scan3A_10 = scf.for %scan3A_741 = %scan3A_6 to %scan3A_8 step %scan3A_9 iter_args(%scan3A_742 = %scan3A) -> (i32)  : i32 {
      %mul3A_743 = arith.constant 128 : i32
      %mul3A_744 = arith.muli %scan3A_741, %mul3A_743 : i32
      %add3A_745 = arith.constant 0 : i32
      %add3A_746 = arith.addi %mul3A_744, %add3A_745 : i32
      %swap3A = arith.index_cast %add3A_746 : i32 to index
      %swap3A_747 = tpu.vector_load %arg5[%swap3A] {strides = array<i32>} : memref<65536xf32, #tpu.memory_space<vmem>>, vector<16xf32>,
      tpu.vector_store %arg5[%swap3A], %broadcast_in_dim3A_1 {strides = array<i32>} : memref<65536xf32, #tpu.memory_space<vmem>>, vector<16xf32>,
      %mul3A_748 = arith.constant 128 : i32
      %mul3A_749 = arith.muli %scan3A_741, %mul3A_748 : i32
      %add3A_750 = arith.constant 16 : i32
      %add3A_751 = arith.addi %mul3A_749, %add3A_750 : i32
      %swap3A_752 = arith.index_cast %add3A_751 : i32 to index
      %swap3A_753 = tpu.vector_load %arg5[%swap3A_752] {strides = array<i32>} : memref<65536xf32, #tpu.memory_space<vmem>>, vector<16xf32>,
      tpu.vector_store %arg5[%swap3A_752], %broadcast_in_dim3A_1 {strides = array<i32>} : memref<65536xf32, #tpu.memory_space<vmem>>, vector<16xf32>,
      %mul3A_754 = arith.constant 128 : i32
      %mul3A_755 = arith.muli %scan3A_741, %mul3A_754 : i32
      %add3A_756 = arith.constant 32 : i32
      %add3A_757 = arith.addi %mul3A_755, %add3A_756 : i32
      %swap3A_758 = arith.index_cast %add3A_757 : i32 to index
      %swap3A_759 = tpu.vector_load %arg5[%swap3A_758] {strides = array<i32>} : memref<65536xf32, #tpu.memory_space<vmem>>, vector<16xf32>,
      tpu.vector_store %arg5[%swap3A_758], %broadcast_in_dim3A_1 {strides = array<i32>} : memref<65536xf32, #tpu.memory_space<vmem>>, vector<16xf32>,
      %mul3A_760 = arith.constant 128 : i32
      %mul3A_761 = arith.muli %scan3A_741, %mul3A_760 : i32
      %add3A_762 = arith.constant 48 : i32
      %add3A_763 = arith.addi %mul3A_761, %add3A_762 : i32
      %swap3A_764 = arith.index_cast %add3A_763 : i32 to index
      %swap3A_765 = tpu.vector_load %arg5[%swap3A_764] {strides = array<i32>} : memref<65536xf32, #tpu.memory_space<vmem>>, vector<16xf32>,
      tpu.vector_store %arg5[%swap3A_764], %broadcast_in_dim3A_1 {strides = array<i32>} : memref<65536xf32, #tpu.memory_space<vmem>>, vector<16xf32>,
      %mul3A_766 = arith.constant 128 : i32
      %mul3A_767 = arith.muli %scan3A_741, %mul3A_766 : i32
      %add3A_768 = arith.constant 64 : i32
      %add3A_769 = arith.addi %mul3A_767, %add3A_768 : i32
      %swap3A_770 = arith.index_cast %add3A_769 : i32 to index
      %swap3A_771 = tpu.vector_load %arg5[%swap3A_770] {strides = array<i32>} : memref<65536xf32, #tpu.memory_space<vmem>>, vector<16xf32>,
      tpu.vector_store %arg5[%swap3A_770], %broadcast_in_dim3A_1 {strides = array<i32>} : memref<65536xf32, #tpu.memory_space<vmem>>, vector<16xf32>,
      %mul3A_772 = arith.constant 128 : i32
      %mul3A_773 = arith.muli %scan3A_741, %mul3A_772 : i32
      %add3A_774 = arith.constant 80 : i32
      %add3A_775 = arith.addi %mul3A_773, %add3A_774 : i32
      %swap3A_776 = arith.index_cast %add3A_775 : i32 to index
      %swap3A_777 = tpu.vector_load %arg5[%swap3A_776] {strides = array<i32>} : memref<65536xf32, #tpu.memory_space<vmem>>, vector<16xf32>,
      tpu.vector_store %arg5[%swap3A_776], %broadcast_in_dim3A_1 {strides = array<i32>} : memref<65536xf32, #tpu.memory_space<vmem>>, vector<16xf32>,
      %mul3A_778 = arith.constant 128 : i32
      %mul3A_779 = arith.muli %scan3A_741, %mul3A_778 : i32
      %add3A_780 = arith.constant 96 : i32
      %add3A_781 = arith.addi %mul3A_779, %add3A_780 : i32
      %swap3A_782 = arith.index_cast %add3A_781 : i32 to index
      %swap3A_783 = tpu.vector_load %arg5[%swap3A_782] {strides = array<i32>} : memref<65536xf32, #tpu.memory_space<vmem>>, vector<16xf32>,
      tpu.vector_store %arg5[%swap3A_782], %broadcast_in_dim3A_1 {strides = array<i32>} : memref<65536xf32, #tpu.memory_space<vmem>>, vector<16xf32>,
      %mul3A_784 = arith.constant 128 : i32
      %mul3A_785 = arith.muli %scan3A_741, %mul3A_784 : i32
      %add3A_786 = arith.constant 112 : i32
      %add3A_787 = arith.addi %mul3A_785, %add3A_786 : i32
      %swap3A_788 = arith.index_cast %add3A_787 : i32 to index
      %swap3A_789 = tpu.vector_load %arg5[%swap3A_788] {strides = array<i32>} : memref<65536xf32, #tpu.memory_space<vmem>>, vector<16xf32>,
      tpu.vector_store %arg5[%swap3A_788], %broadcast_in_dim3A_1 {strides = array<i32>} : memref<65536xf32, #tpu.memory_space<vmem>>, vector<16xf32>,
      %scan3A_790 = arith.constant 0 : i32
      scf.yield %scan3A_790 : i32
    }
    %scan3A_11 = arith.constant 512 : i32
    %mul3A_12 = arith.constant 8 : i32
    %mul3A_13 = arith.muli %add3A_5, %mul3A_12 : i32
    %add3A_14 = arith.constant 0 : i32
    %add3A_15 = arith.addi %mul3A_13, %add3A_14 : i32
    %get3A = arith.index_cast %add3A_15 : i32 to index
    %get3A_16 = tpu.vector_load %arg6[%get3A] {strides = array<i32>} : memref<16384xi32, #tpu.memory_space<vmem>>, vector<16xi32>,
    %get3A_17 = arith.index_cast %add3A_15 : i32 to index
    %get3A_18 = tpu.vector_load %arg7[%get3A_17] {strides = array<i32>} : memref<16384xf32, #tpu.memory_space<vmem>>, vector<16xf32>,
    %max3A = arith.constant 0.000000e+00 : f32
    %max3A_19 = vector.broadcast %max3A : f32 to vector<16xf32>
    %max3A_20 = arith.maximumf %get3A_18, %max3A_19 : vector<16xf32>
    %add3A_21 = vector.broadcast %add3A_15 : i32 to vector<16xi32>
    %add3A_22 = arith.addi %add3A_21, %iota3A : vector<16xi32>
    %shift_right_arithmetic3A = arith.constant 3 : i32
    %shift_right_arithmetic3A_23 = vector.broadcast %shift_right_arithmetic3A : i32 to vector<16xi32>
    %shift_right_arithmetic3A_24 = arith.shrsi %add3A_22, %shift_right_arithmetic3A_23 : vector<16xi32>
    %sub3A = vector.broadcast %add3A_5 : i32 to vector<16xi32>
    %sub3A_25 = arith.subi %shift_right_arithmetic3A_24, %sub3A : vector<16xi32>
    %mul3A_26 = arith.constant 2048 : i32
    %mul3A_27 = vector.broadcast %mul3A_26 : i32 to vector<16xi32>
    %mul3A_28 = arith.muli %sub3A_25, %mul3A_27 : vector<16xi32>
    %add3A_29 = arith.addi %mul3A_28, %get3A_16 : vector<16xi32>
    tpu.vector_store_idx %arg5[%add3A_29], %max3A_20 : memref<65536xf32, #tpu.memory_space<vmem>>[vector<16xi32>], vector<16xf32>,
    %mul3A_30 = arith.constant 8 : i32
    %mul3A_31 = arith.muli %add3A_5, %mul3A_30 : i32
    %add3A_32 = arith.constant 16 : i32
    %add3A_33 = arith.addi %mul3A_31, %add3A_32 : i32
    %get3A_34 = arith.index_cast %add3A_33 : i32 to index
    %get3A_35 = tpu.vector_load %arg6[%get3A_34] {strides = array<i32>} : memref<16384xi32, #tpu.memory_space<vmem>>, vector<16xi32>,
    %get3A_36 = arith.index_cast %add3A_33 : i32 to index
    %get3A_37 = tpu.vector_load %arg7[%get3A_36] {strides = array<i32>} : memref<16384xf32, #tpu.memory_space<vmem>>, vector<16xf32>,
    %max3A_38 = arith.constant 0.000000e+00 : f32
    %max3A_39 = vector.broadcast %max3A_38 : f32 to vector<16xf32>
    %max3A_40 = arith.maximumf %get3A_37, %max3A_39 : vector<16xf32>
    %add3A_41 = vector.broadcast %add3A_33 : i32 to vector<16xi32>
    %add3A_42 = arith.addi %add3A_41, %iota3A : vector<16xi32>
    %shift_right_arithmetic3A_43 = arith.constant 3 : i32
    %shift_right_arithmetic3A_44 = vector.broadcast %shift_right_arithmetic3A_43 : i32 to vector<16xi32>
    %shift_right_arithmetic3A_45 = arith.shrsi %add3A_42, %shift_right_arithmetic3A_44 : vector<16xi32>
    %sub3A_46 = vector.broadcast %add3A_5 : i32 to vector<16xi32>
    %sub3A_47 = arith.subi %shift_right_arithmetic3A_45, %sub3A_46 : vector<16xi32>
    %mul3A_48 = arith.constant 2048 : i32
    %mul3A_49 = vector.broadcast %mul3A_48 : i32 to vector<16xi32>
    %mul3A_50 = arith.muli %sub3A_47, %mul3A_49 : vector<16xi32>
    %add3A_51 = arith.addi %mul3A_50, %get3A_35 : vector<16xi32>
    tpu.vector_store_idx %arg5[%add3A_51], %max3A_40 : memref<65536xf32, #tpu.memory_space<vmem>>[vector<16xi32>], vector<16xf32>,
    %mul3A_52 = arith.constant 8 : i32
    %mul3A_53 = arith.muli %add3A_5, %mul3A_52 : i32
    %add3A_54 = arith.constant 32 : i32
    %add3A_55 = arith.addi %mul3A_53, %add3A_54 : i32
    %get3A_56 = arith.index_cast %add3A_55 : i32 to index
    %get3A_57 = tpu.vector_load %arg6[%get3A_56] {strides = array<i32>} : memref<16384xi32, #tpu.memory_space<vmem>>, vector<16xi32>,
    %get3A_58 = arith.index_cast %add3A_55 : i32 to index
    %get3A_59 = tpu.vector_load %arg7[%get3A_58] {strides = array<i32>} : memref<16384xf32, #tpu.memory_space<vmem>>, vector<16xf32>,
    %max3A_60 = arith.constant 0.000000e+00 : f32
    %max3A_61 = vector.broadcast %max3A_60 : f32 to vector<16xf32>
    %max3A_62 = arith.maximumf %get3A_59, %max3A_61 : vector<16xf32>
    %add3A_63 = vector.broadcast %add3A_55 : i32 to vector<16xi32>
    %add3A_64 = arith.addi %add3A_63, %iota3A : vector<16xi32>
    %shift_right_arithmetic3A_65 = arith.constant 3 : i32
    %shift_right_arithmetic3A_66 = vector.broadcast %shift_right_arithmetic3A_65 : i32 to vector<16xi32>
    %shift_right_arithmetic3A_67 = arith.shrsi %add3A_64, %shift_right_arithmetic3A_66 : vector<16xi32>
    %sub3A_68 = vector.broadcast %add3A_5 : i32 to vector<16xi32>
    %sub3A_69 = arith.subi %shift_right_arithmetic3A_67, %sub3A_68 : vector<16xi32>
    %mul3A_70 = arith.constant 2048 : i32
    %mul3A_71 = vector.broadcast %mul3A_70 : i32 to vector<16xi32>
    %mul3A_72 = arith.muli %sub3A_69, %mul3A_71 : vector<16xi32>
    %add3A_73 = arith.addi %mul3A_72, %get3A_57 : vector<16xi32>
    tpu.vector_store_idx %arg5[%add3A_73], %max3A_62 : memref<65536xf32, #tpu.memory_space<vmem>>[vector<16xi32>], vector<16xf32>,
    %mul3A_74 = arith.constant 8 : i32
    %mul3A_75 = arith.muli %add3A_5, %mul3A_74 : i32
    %add3A_76 = arith.constant 48 : i32
    %add3A_77 = arith.addi %mul3A_75, %add3A_76 : i32
    %get3A_78 = arith.index_cast %add3A_77 : i32 to index
    %get3A_79 = tpu.vector_load %arg6[%get3A_78] {strides = array<i32>} : memref<16384xi32, #tpu.memory_space<vmem>>, vector<16xi32>,
    %get3A_80 = arith.index_cast %add3A_77 : i32 to index
    %get3A_81 = tpu.vector_load %arg7[%get3A_80] {strides = array<i32>} : memref<16384xf32, #tpu.memory_space<vmem>>, vector<16xf32>,
    %max3A_82 = arith.constant 0.000000e+00 : f32
    %max3A_83 = vector.broadcast %max3A_82 : f32 to vector<16xf32>
    %max3A_84 = arith.maximumf %get3A_81, %max3A_83 : vector<16xf32>
    %add3A_85 = vector.broadcast %add3A_77 : i32 to vector<16xi32>
    %add3A_86 = arith.addi %add3A_85, %iota3A : vector<16xi32>
    %shift_right_arithmetic3A_87 = arith.constant 3 : i32
    %shift_right_arithmetic3A_88 = vector.broadcast %shift_right_arithmetic3A_87 : i32 to vector<16xi32>
    %shift_right_arithmetic3A_89 = arith.shrsi %add3A_86, %shift_right_arithmetic3A_88 : vector<16xi32>
    %sub3A_90 = vector.broadcast %add3A_5 : i32 to vector<16xi32>
    %sub3A_91 = arith.subi %shift_right_arithmetic3A_89, %sub3A_90 : vector<16xi32>
    %mul3A_92 = arith.constant 2048 : i32
    %mul3A_93 = vector.broadcast %mul3A_92 : i32 to vector<16xi32>
    %mul3A_94 = arith.muli %sub3A_91, %mul3A_93 : vector<16xi32>
    %add3A_95 = arith.addi %mul3A_94, %get3A_79 : vector<16xi32>
    tpu.vector_store_idx %arg5[%add3A_95], %max3A_84 : memref<65536xf32, #tpu.memory_space<vmem>>[vector<16xi32>], vector<16xf32>,
    %mul3A_96 = arith.constant 8 : i32
    %mul3A_97 = arith.muli %add3A_5, %mul3A_96 : i32
    %add3A_98 = arith.constant 64 : i32
    %add3A_99 = arith.addi %mul3A_97, %add3A_98 : i32
    %get3A_100 = arith.index_cast %add3A_99 : i32 to index
    %get3A_101 = tpu.vector_load %arg6[%get3A_100] {strides = array<i32>} : memref<16384xi32, #tpu.memory_space<vmem>>, vector<16xi32>,
    %get3A_102 = arith.index_cast %add3A_99 : i32 to index
    %get3A_103 = tpu.vector_load %arg7[%get3A_102] {strides = array<i32>} : memref<16384xf32, #tpu.memory_space<vmem>>, vector<16xf32>,
    %max3A_104 = arith.constant 0.000000e+00 : f32
    %max3A_105 = vector.broadcast %max3A_104 : f32 to vector<16xf32>
    %max3A_106 = arith.maximumf %get3A_103, %max3A_105 : vector<16xf32>
    %add3A_107 = vector.broadcast %add3A_99 : i32 to vector<16xi32>
    %add3A_108 = arith.addi %add3A_107, %iota3A : vector<16xi32>
    %shift_right_arithmetic3A_109 = arith.constant 3 : i32
    %shift_right_arithmetic3A_110 = vector.broadcast %shift_right_arithmetic3A_109 : i32 to vector<16xi32>
    %shift_right_arithmetic3A_111 = arith.shrsi %add3A_108, %shift_right_arithmetic3A_110 : vector<16xi32>
    %sub3A_112 = vector.broadcast %add3A_5 : i32 to vector<16xi32>
    %sub3A_113 = arith.subi %shift_right_arithmetic3A_111, %sub3A_112 : vector<16xi32>
    %mul3A_114 = arith.constant 2048 : i32
    %mul3A_115 = vector.broadcast %mul3A_114 : i32 to vector<16xi32>
    %mul3A_116 = arith.muli %sub3A_113, %mul3A_115 : vector<16xi32>
    %add3A_117 = arith.addi %mul3A_116, %get3A_101 : vector<16xi32>
    tpu.vector_store_idx %arg5[%add3A_117], %max3A_106 : memref<65536xf32, #tpu.memory_space<vmem>>[vector<16xi32>], vector<16xf32>,
    %mul3A_118 = arith.constant 8 : i32
    %mul3A_119 = arith.muli %add3A_5, %mul3A_118 : i32
    %add3A_120 = arith.constant 80 : i32
    %add3A_121 = arith.addi %mul3A_119, %add3A_120 : i32
    %get3A_122 = arith.index_cast %add3A_121 : i32 to index
    %get3A_123 = tpu.vector_load %arg6[%get3A_122] {strides = array<i32>} : memref<16384xi32, #tpu.memory_space<vmem>>, vector<16xi32>,
    %get3A_124 = arith.index_cast %add3A_121 : i32 to index
    %get3A_125 = tpu.vector_load %arg7[%get3A_124] {strides = array<i32>} : memref<16384xf32, #tpu.memory_space<vmem>>, vector<16xf32>,
    %max3A_126 = arith.constant 0.000000e+00 : f32
    %max3A_127 = vector.broadcast %max3A_126 : f32 to vector<16xf32>
    %max3A_128 = arith.maximumf %get3A_125, %max3A_127 : vector<16xf32>
    %add3A_129 = vector.broadcast %add3A_121 : i32 to vector<16xi32>
    %add3A_130 = arith.addi %add3A_129, %iota3A : vector<16xi32>
    %shift_right_arithmetic3A_131 = arith.constant 3 : i32
    %shift_right_arithmetic3A_132 = vector.broadcast %shift_right_arithmetic3A_131 : i32 to vector<16xi32>
    %shift_right_arithmetic3A_133 = arith.shrsi %add3A_130, %shift_right_arithmetic3A_132 : vector<16xi32>
    %sub3A_134 = vector.broadcast %add3A_5 : i32 to vector<16xi32>
    %sub3A_135 = arith.subi %shift_right_arithmetic3A_133, %sub3A_134 : vector<16xi32>
    %mul3A_136 = arith.constant 2048 : i32
    %mul3A_137 = vector.broadcast %mul3A_136 : i32 to vector<16xi32>
    %mul3A_138 = arith.muli %sub3A_135, %mul3A_137 : vector<16xi32>
    %add3A_139 = arith.addi %mul3A_138, %get3A_123 : vector<16xi32>
    tpu.vector_store_idx %arg5[%add3A_139], %max3A_128 : memref<65536xf32, #tpu.memory_space<vmem>>[vector<16xi32>], vector<16xf32>,
    %mul3A_140 = arith.constant 8 : i32
    %mul3A_141 = arith.muli %add3A_5, %mul3A_140 : i32
    %add3A_142 = arith.constant 96 : i32
    %add3A_143 = arith.addi %mul3A_141, %add3A_142 : i32
    %get3A_144 = arith.index_cast %add3A_143 : i32 to index
    %get3A_145 = tpu.vector_load %arg6[%get3A_144] {strides = array<i32>} : memref<16384xi32, #tpu.memory_space<vmem>>, vector<16xi32>,
    %get3A_146 = arith.index_cast %add3A_143 : i32 to index
    %get3A_147 = tpu.vector_load %arg7[%get3A_146] {strides = array<i32>} : memref<16384xf32, #tpu.memory_space<vmem>>, vector<16xf32>,
    %max3A_148 = arith.constant 0.000000e+00 : f32
    %max3A_149 = vector.broadcast %max3A_148 : f32 to vector<16xf32>
    %max3A_150 = arith.maximumf %get3A_147, %max3A_149 : vector<16xf32>
    %add3A_151 = vector.broadcast %add3A_143 : i32 to vector<16xi32>
    %add3A_152 = arith.addi %add3A_151, %iota3A : vector<16xi32>
    %shift_right_arithmetic3A_153 = arith.constant 3 : i32
    %shift_right_arithmetic3A_154 = vector.broadcast %shift_right_arithmetic3A_153 : i32 to vector<16xi32>
    %shift_right_arithmetic3A_155 = arith.shrsi %add3A_152, %shift_right_arithmetic3A_154 : vector<16xi32>
    %sub3A_156 = vector.broadcast %add3A_5 : i32 to vector<16xi32>
    %sub3A_157 = arith.subi %shift_right_arithmetic3A_155, %sub3A_156 : vector<16xi32>
    %mul3A_158 = arith.constant 2048 : i32
    %mul3A_159 = vector.broadcast %mul3A_158 : i32 to vector<16xi32>
    %mul3A_160 = arith.muli %sub3A_157, %mul3A_159 : vector<16xi32>
    %add3A_161 = arith.addi %mul3A_160, %get3A_145 : vector<16xi32>
    tpu.vector_store_idx %arg5[%add3A_161], %max3A_150 : memref<65536xf32, #tpu.memory_space<vmem>>[vector<16xi32>], vector<16xf32>,
    %mul3A_162 = arith.constant 8 : i32
    %mul3A_163 = arith.muli %add3A_5, %mul3A_162 : i32
    %add3A_164 = arith.constant 112 : i32
    %add3A_165 = arith.addi %mul3A_163, %add3A_164 : i32
    %get3A_166 = arith.index_cast %add3A_165 : i32 to index
    %get3A_167 = tpu.vector_load %arg6[%get3A_166] {strides = array<i32>} : memref<16384xi32, #tpu.memory_space<vmem>>, vector<16xi32>,
    %get3A_168 = arith.index_cast %add3A_165 : i32 to index
    %get3A_169 = tpu.vector_load %arg7[%get3A_168] {strides = array<i32>} : memref<16384xf32, #tpu.memory_space<vmem>>, vector<16xf32>,
    %max3A_170 = arith.constant 0.000000e+00 : f32
    %max3A_171 = vector.broadcast %max3A_170 : f32 to vector<16xf32>
    %max3A_172 = arith.maximumf %get3A_169, %max3A_171 : vector<16xf32>
    %add3A_173 = vector.broadcast %add3A_165 : i32 to vector<16xi32>
    %add3A_174 = arith.addi %add3A_173, %iota3A : vector<16xi32>
    %shift_right_arithmetic3A_175 = arith.constant 3 : i32
    %shift_right_arithmetic3A_176 = vector.broadcast %shift_right_arithmetic3A_175 : i32 to vector<16xi32>
    %shift_right_arithmetic3A_177 = arith.shrsi %add3A_174, %shift_right_arithmetic3A_176 : vector<16xi32>
    %sub3A_178 = vector.broadcast %add3A_5 : i32 to vector<16xi32>
    %sub3A_179 = arith.subi %shift_right_arithmetic3A_177, %sub3A_178 : vector<16xi32>
    %mul3A_180 = arith.constant 2048 : i32
    %mul3A_181 = vector.broadcast %mul3A_180 : i32 to vector<16xi32>
    %mul3A_182 = arith.muli %sub3A_179, %mul3A_181 : vector<16xi32>
    %add3A_183 = arith.addi %mul3A_182, %get3A_167 : vector<16xi32>
    tpu.vector_store_idx %arg5[%add3A_183], %max3A_172 : memref<65536xf32, #tpu.memory_space<vmem>>[vector<16xi32>], vector<16xf32>,
    %mul3A_184 = arith.constant 8 : i32
    %mul3A_185 = arith.muli %add3A_5, %mul3A_184 : i32
    %add3A_186 = arith.constant 128 : i32
    %add3A_187 = arith.addi %mul3A_185, %add3A_186 : i32
    %get3A_188 = arith.index_cast %add3A_187 : i32 to index
    %get3A_189 = tpu.vector_load %arg6[%get3A_188] {strides = array<i32>} : memref<16384xi32, #tpu.memory_space<vmem>>, vector<16xi32>,
    %get3A_190 = arith.index_cast %add3A_187 : i32 to index
    %get3A_191 = tpu.vector_load %arg7[%get3A_190] {strides = array<i32>} : memref<16384xf32, #tpu.memory_space<vmem>>, vector<16xf32>,
    %max3A_192 = arith.constant 0.000000e+00 : f32
    %max3A_193 = vector.broadcast %max3A_192 : f32 to vector<16xf32>
    %max3A_194 = arith.maximumf %get3A_191, %max3A_193 : vector<16xf32>
    %add3A_195 = vector.broadcast %add3A_187 : i32 to vector<16xi32>
    %add3A_196 = arith.addi %add3A_195, %iota3A : vector<16xi32>
    %shift_right_arithmetic3A_197 = arith.constant 3 : i32
    %shift_right_arithmetic3A_198 = vector.broadcast %shift_right_arithmetic3A_197 : i32 to vector<16xi32>
    %shift_right_arithmetic3A_199 = arith.shrsi %add3A_196, %shift_right_arithmetic3A_198 : vector<16xi32>
    %sub3A_200 = vector.broadcast %add3A_5 : i32 to vector<16xi32>
    %sub3A_201 = arith.subi %shift_right_arithmetic3A_199, %sub3A_200 : vector<16xi32>
    %mul3A_202 = arith.constant 2048 : i32
    %mul3A_203 = vector.broadcast %mul3A_202 : i32 to vector<16xi32>
    %mul3A_204 = arith.muli %sub3A_201, %mul3A_203 : vector<16xi32>
    %add3A_205 = arith.addi %mul3A_204, %get3A_189 : vector<16xi32>
    tpu.vector_store_idx %arg5[%add3A_205], %max3A_194 : memref<65536xf32, #tpu.memory_space<vmem>>[vector<16xi32>], vector<16xf32>,
    %mul3A_206 = arith.constant 8 : i32
    %mul3A_207 = arith.muli %add3A_5, %mul3A_206 : i32
    %add3A_208 = arith.constant 144 : i32
    %add3A_209 = arith.addi %mul3A_207, %add3A_208 : i32
    %get3A_210 = arith.index_cast %add3A_209 : i32 to index
    %get3A_211 = tpu.vector_load %arg6[%get3A_210] {strides = array<i32>} : memref<16384xi32, #tpu.memory_space<vmem>>, vector<16xi32>,
    %get3A_212 = arith.index_cast %add3A_209 : i32 to index
    %get3A_213 = tpu.vector_load %arg7[%get3A_212] {strides = array<i32>} : memref<16384xf32, #tpu.memory_space<vmem>>, vector<16xf32>,
    %max3A_214 = arith.constant 0.000000e+00 : f32
    %max3A_215 = vector.broadcast %max3A_214 : f32 to vector<16xf32>
    %max3A_216 = arith.maximumf %get3A_213, %max3A_215 : vector<16xf32>
    %add3A_217 = vector.broadcast %add3A_209 : i32 to vector<16xi32>
    %add3A_218 = arith.addi %add3A_217, %iota3A : vector<16xi32>
    %shift_right_arithmetic3A_219 = arith.constant 3 : i32
    %shift_right_arithmetic3A_220 = vector.broadcast %shift_right_arithmetic3A_219 : i32 to vector<16xi32>
    %shift_right_arithmetic3A_221 = arith.shrsi %add3A_218, %shift_right_arithmetic3A_220 : vector<16xi32>
    %sub3A_222 = vector.broadcast %add3A_5 : i32 to vector<16xi32>
    %sub3A_223 = arith.subi %shift_right_arithmetic3A_221, %sub3A_222 : vector<16xi32>
    %mul3A_224 = arith.constant 2048 : i32
    %mul3A_225 = vector.broadcast %mul3A_224 : i32 to vector<16xi32>
    %mul3A_226 = arith.muli %sub3A_223, %mul3A_225 : vector<16xi32>
    %add3A_227 = arith.addi %mul3A_226, %get3A_211 : vector<16xi32>
    tpu.vector_store_idx %arg5[%add3A_227], %max3A_216 : memref<65536xf32, #tpu.memory_space<vmem>>[vector<16xi32>], vector<16xf32>,
    %mul3A_228 = arith.constant 8 : i32
    %mul3A_229 = arith.muli %add3A_5, %mul3A_228 : i32
    %add3A_230 = arith.constant 160 : i32
    %add3A_231 = arith.addi %mul3A_229, %add3A_230 : i32
    %get3A_232 = arith.index_cast %add3A_231 : i32 to index
    %get3A_233 = tpu.vector_load %arg6[%get3A_232] {strides = array<i32>} : memref<16384xi32, #tpu.memory_space<vmem>>, vector<16xi32>,
    %get3A_234 = arith.index_cast %add3A_231 : i32 to index
    %get3A_235 = tpu.vector_load %arg7[%get3A_234] {strides = array<i32>} : memref<16384xf32, #tpu.memory_space<vmem>>, vector<16xf32>,
    %max3A_236 = arith.constant 0.000000e+00 : f32
    %max3A_237 = vector.broadcast %max3A_236 : f32 to vector<16xf32>
    %max3A_238 = arith.maximumf %get3A_235, %max3A_237 : vector<16xf32>
    %add3A_239 = vector.broadcast %add3A_231 : i32 to vector<16xi32>
    %add3A_240 = arith.addi %add3A_239, %iota3A : vector<16xi32>
    %shift_right_arithmetic3A_241 = arith.constant 3 : i32
    %shift_right_arithmetic3A_242 = vector.broadcast %shift_right_arithmetic3A_241 : i32 to vector<16xi32>
    %shift_right_arithmetic3A_243 = arith.shrsi %add3A_240, %shift_right_arithmetic3A_242 : vector<16xi32>
    %sub3A_244 = vector.broadcast %add3A_5 : i32 to vector<16xi32>
    %sub3A_245 = arith.subi %shift_right_arithmetic3A_243, %sub3A_244 : vector<16xi32>
    %mul3A_246 = arith.constant 2048 : i32
    %mul3A_247 = vector.broadcast %mul3A_246 : i32 to vector<16xi32>
    %mul3A_248 = arith.muli %sub3A_245, %mul3A_247 : vector<16xi32>
    %add3A_249 = arith.addi %mul3A_248, %get3A_233 : vector<16xi32>
    tpu.vector_store_idx %arg5[%add3A_249], %max3A_238 : memref<65536xf32, #tpu.memory_space<vmem>>[vector<16xi32>], vector<16xf32>,
    %mul3A_250 = arith.constant 8 : i32
    %mul3A_251 = arith.muli %add3A_5, %mul3A_250 : i32
    %add3A_252 = arith.constant 176 : i32
    %add3A_253 = arith.addi %mul3A_251, %add3A_252 : i32
    %get3A_254 = arith.index_cast %add3A_253 : i32 to index
    %get3A_255 = tpu.vector_load %arg6[%get3A_254] {strides = array<i32>} : memref<16384xi32, #tpu.memory_space<vmem>>, vector<16xi32>,
    %get3A_256 = arith.index_cast %add3A_253 : i32 to index
    %get3A_257 = tpu.vector_load %arg7[%get3A_256] {strides = array<i32>} : memref<16384xf32, #tpu.memory_space<vmem>>, vector<16xf32>,
    %max3A_258 = arith.constant 0.000000e+00 : f32
    %max3A_259 = vector.broadcast %max3A_258 : f32 to vector<16xf32>
    %max3A_260 = arith.maximumf %get3A_257, %max3A_259 : vector<16xf32>
    %add3A_261 = vector.broadcast %add3A_253 : i32 to vector<16xi32>
    %add3A_262 = arith.addi %add3A_261, %iota3A : vector<16xi32>
    %shift_right_arithmetic3A_263 = arith.constant 3 : i32
    %shift_right_arithmetic3A_264 = vector.broadcast %shift_right_arithmetic3A_263 : i32 to vector<16xi32>
    %shift_right_arithmetic3A_265 = arith.shrsi %add3A_262, %shift_right_arithmetic3A_264 : vector<16xi32>
    %sub3A_266 = vector.broadcast %add3A_5 : i32 to vector<16xi32>
    %sub3A_267 = arith.subi %shift_right_arithmetic3A_265, %sub3A_266 : vector<16xi32>
    %mul3A_268 = arith.constant 2048 : i32
    %mul3A_269 = vector.broadcast %mul3A_268 : i32 to vector<16xi32>
    %mul3A_270 = arith.muli %sub3A_267, %mul3A_269 : vector<16xi32>
    %add3A_271 = arith.addi %mul3A_270, %get3A_255 : vector<16xi32>
    tpu.vector_store_idx %arg5[%add3A_271], %max3A_260 : memref<65536xf32, #tpu.memory_space<vmem>>[vector<16xi32>], vector<16xf32>,
    %mul3A_272 = arith.constant 8 : i32
    %mul3A_273 = arith.muli %add3A_5, %mul3A_272 : i32
    %add3A_274 = arith.constant 192 : i32
    %add3A_275 = arith.addi %mul3A_273, %add3A_274 : i32
    %get3A_276 = arith.index_cast %add3A_275 : i32 to index
    %get3A_277 = tpu.vector_load %arg6[%get3A_276] {strides = array<i32>} : memref<16384xi32, #tpu.memory_space<vmem>>, vector<16xi32>,
    %get3A_278 = arith.index_cast %add3A_275 : i32 to index
    %get3A_279 = tpu.vector_load %arg7[%get3A_278] {strides = array<i32>} : memref<16384xf32, #tpu.memory_space<vmem>>, vector<16xf32>,
    %max3A_280 = arith.constant 0.000000e+00 : f32
    %max3A_281 = vector.broadcast %max3A_280 : f32 to vector<16xf32>
    %max3A_282 = arith.maximumf %get3A_279, %max3A_281 : vector<16xf32>
    %add3A_283 = vector.broadcast %add3A_275 : i32 to vector<16xi32>
    %add3A_284 = arith.addi %add3A_283, %iota3A : vector<16xi32>
    %shift_right_arithmetic3A_285 = arith.constant 3 : i32
    %shift_right_arithmetic3A_286 = vector.broadcast %shift_right_arithmetic3A_285 : i32 to vector<16xi32>
    %shift_right_arithmetic3A_287 = arith.shrsi %add3A_284, %shift_right_arithmetic3A_286 : vector<16xi32>
    %sub3A_288 = vector.broadcast %add3A_5 : i32 to vector<16xi32>
    %sub3A_289 = arith.subi %shift_right_arithmetic3A_287, %sub3A_288 : vector<16xi32>
    %mul3A_290 = arith.constant 2048 : i32
    %mul3A_291 = vector.broadcast %mul3A_290 : i32 to vector<16xi32>
    %mul3A_292 = arith.muli %sub3A_289, %mul3A_291 : vector<16xi32>
    %add3A_293 = arith.addi %mul3A_292, %get3A_277 : vector<16xi32>
    tpu.vector_store_idx %arg5[%add3A_293], %max3A_282 : memref<65536xf32, #tpu.memory_space<vmem>>[vector<16xi32>], vector<16xf32>,
    %mul3A_294 = arith.constant 8 : i32
    %mul3A_295 = arith.muli %add3A_5, %mul3A_294 : i32
    %add3A_296 = arith.constant 208 : i32
    %add3A_297 = arith.addi %mul3A_295, %add3A_296 : i32
    %get3A_298 = arith.index_cast %add3A_297 : i32 to index
    %get3A_299 = tpu.vector_load %arg6[%get3A_298] {strides = array<i32>} : memref<16384xi32, #tpu.memory_space<vmem>>, vector<16xi32>,
    %get3A_300 = arith.index_cast %add3A_297 : i32 to index
    %get3A_301 = tpu.vector_load %arg7[%get3A_300] {strides = array<i32>} : memref<16384xf32, #tpu.memory_space<vmem>>, vector<16xf32>,
    %max3A_302 = arith.constant 0.000000e+00 : f32
    %max3A_303 = vector.broadcast %max3A_302 : f32 to vector<16xf32>
    %max3A_304 = arith.maximumf %get3A_301, %max3A_303 : vector<16xf32>
    %add3A_305 = vector.broadcast %add3A_297 : i32 to vector<16xi32>
    %add3A_306 = arith.addi %add3A_305, %iota3A : vector<16xi32>
    %shift_right_arithmetic3A_307 = arith.constant 3 : i32
    %shift_right_arithmetic3A_308 = vector.broadcast %shift_right_arithmetic3A_307 : i32 to vector<16xi32>
    %shift_right_arithmetic3A_309 = arith.shrsi %add3A_306, %shift_right_arithmetic3A_308 : vector<16xi32>
    %sub3A_310 = vector.broadcast %add3A_5 : i32 to vector<16xi32>
    %sub3A_311 = arith.subi %shift_right_arithmetic3A_309, %sub3A_310 : vector<16xi32>
    %mul3A_312 = arith.constant 2048 : i32
    %mul3A_313 = vector.broadcast %mul3A_312 : i32 to vector<16xi32>
    %mul3A_314 = arith.muli %sub3A_311, %mul3A_313 : vector<16xi32>
    %add3A_315 = arith.addi %mul3A_314, %get3A_299 : vector<16xi32>
    tpu.vector_store_idx %arg5[%add3A_315], %max3A_304 : memref<65536xf32, #tpu.memory_space<vmem>>[vector<16xi32>], vector<16xf32>,
    %mul3A_316 = arith.constant 8 : i32
    %mul3A_317 = arith.muli %add3A_5, %mul3A_316 : i32
    %add3A_318 = arith.constant 224 : i32
    %add3A_319 = arith.addi %mul3A_317, %add3A_318 : i32
    %get3A_320 = arith.index_cast %add3A_319 : i32 to index
    %get3A_321 = tpu.vector_load %arg6[%get3A_320] {strides = array<i32>} : memref<16384xi32, #tpu.memory_space<vmem>>, vector<16xi32>,
    %get3A_322 = arith.index_cast %add3A_319 : i32 to index
    %get3A_323 = tpu.vector_load %arg7[%get3A_322] {strides = array<i32>} : memref<16384xf32, #tpu.memory_space<vmem>>, vector<16xf32>,
    %max3A_324 = arith.constant 0.000000e+00 : f32
    %max3A_325 = vector.broadcast %max3A_324 : f32 to vector<16xf32>
    %max3A_326 = arith.maximumf %get3A_323, %max3A_325 : vector<16xf32>
    %add3A_327 = vector.broadcast %add3A_319 : i32 to vector<16xi32>
    %add3A_328 = arith.addi %add3A_327, %iota3A : vector<16xi32>
    %shift_right_arithmetic3A_329 = arith.constant 3 : i32
    %shift_right_arithmetic3A_330 = vector.broadcast %shift_right_arithmetic3A_329 : i32 to vector<16xi32>
    %shift_right_arithmetic3A_331 = arith.shrsi %add3A_328, %shift_right_arithmetic3A_330 : vector<16xi32>
    %sub3A_332 = vector.broadcast %add3A_5 : i32 to vector<16xi32>
    %sub3A_333 = arith.subi %shift_right_arithmetic3A_331, %sub3A_332 : vector<16xi32>
    %mul3A_334 = arith.constant 2048 : i32
    %mul3A_335 = vector.broadcast %mul3A_334 : i32 to vector<16xi32>
    %mul3A_336 = arith.muli %sub3A_333, %mul3A_335 : vector<16xi32>
    %add3A_337 = arith.addi %mul3A_336, %get3A_321 : vector<16xi32>
    tpu.vector_store_idx %arg5[%add3A_337], %max3A_326 : memref<65536xf32, #tpu.memory_space<vmem>>[vector<16xi32>], vector<16xf32>,
    %mul3A_338 = arith.constant 8 : i32
    %mul3A_339 = arith.muli %add3A_5, %mul3A_338 : i32
    %add3A_340 = arith.constant 240 : i32
    %add3A_341 = arith.addi %mul3A_339, %add3A_340 : i32
    %get3A_342 = arith.index_cast %add3A_341 : i32 to index
    %get3A_343 = tpu.vector_load %arg6[%get3A_342] {strides = array<i32>} : memref<16384xi32, #tpu.memory_space<vmem>>, vector<16xi32>,
    %get3A_344 = arith.index_cast %add3A_341 : i32 to index
    %get3A_345 = tpu.vector_load %arg7[%get3A_344] {strides = array<i32>} : memref<16384xf32, #tpu.memory_space<vmem>>, vector<16xf32>,
    %max3A_346 = arith.constant 0.000000e+00 : f32
    %max3A_347 = vector.broadcast %max3A_346 : f32 to vector<16xf32>
    %max3A_348 = arith.maximumf %get3A_345, %max3A_347 : vector<16xf32>
    %add3A_349 = vector.broadcast %add3A_341 : i32 to vector<16xi32>
    %add3A_350 = arith.addi %add3A_349, %iota3A : vector<16xi32>
    %shift_right_arithmetic3A_351 = arith.constant 3 : i32
    %shift_right_arithmetic3A_352 = vector.broadcast %shift_right_arithmetic3A_351 : i32 to vector<16xi32>
    %shift_right_arithmetic3A_353 = arith.shrsi %add3A_350, %shift_right_arithmetic3A_352 : vector<16xi32>
    %sub3A_354 = vector.broadcast %add3A_5 : i32 to vector<16xi32>
    %sub3A_355 = arith.subi %shift_right_arithmetic3A_353, %sub3A_354 : vector<16xi32>
    %mul3A_356 = arith.constant 2048 : i32
    %mul3A_357 = vector.broadcast %mul3A_356 : i32 to vector<16xi32>
    %mul3A_358 = arith.muli %sub3A_355, %mul3A_357 : vector<16xi32>
    %add3A_359 = arith.addi %mul3A_358, %get3A_343 : vector<16xi32>
    tpu.vector_store_idx %arg5[%add3A_359], %max3A_348 : memref<65536xf32, #tpu.memory_space<vmem>>[vector<16xi32>], vector<16xf32>,
    %scan3A_360 = arith.constant 0 : i32
    %scan3A_361 = arith.constant 0 : i32
    %scan3A_362 = arith.constant 512 : i32
    %scan3A_363 = arith.addi %scan3A_361, %scan3A_362 : i32
    %scan3A_364 = arith.constant 1 : i32
    %scan3A_365 = scf.for %scan3A_741 = %scan3A_361 to %scan3A_363 step %scan3A_364 iter_args(%scan3A_742 = %scan3A_360) -> (i32)  : i32 {
      %mul3A_743 = arith.constant 32 : i32
      %mul3A_744 = arith.muli %scan3A_741, %mul3A_743 : i32
      %add3A_745 = arith.constant 0 : i32
      %add3A_746 = arith.addi %mul3A_744, %add3A_745 : i32
      %get3A_747 = arith.index_cast %add3A_746 : i32 to index
      %get3A_748 = tpu.vector_load %arg6[%get3A_747] {strides = array<i32>} : memref<16384xi32, #tpu.memory_space<vmem>>, vector<16xi32>,
      %get3A_749 = arith.index_cast %add3A_746 : i32 to index
      %get3A_750 = tpu.vector_load %arg7[%get3A_749] {strides = array<i32>} : memref<16384xf32, #tpu.memory_space<vmem>>, vector<16xf32>,
      %max3A_751 = arith.constant 0.000000e+00 : f32
      %max3A_752 = vector.broadcast %max3A_751 : f32 to vector<16xf32>
      %max3A_753 = arith.maximumf %get3A_750, %max3A_752 : vector<16xf32>
      %add3A_754 = vector.broadcast %add3A_746 : i32 to vector<16xi32>
      %add3A_755 = arith.addi %add3A_754, %iota3A : vector<16xi32>
      %shift_right_arithmetic3A_756 = arith.constant 3 : i32
      %shift_right_arithmetic3A_757 = vector.broadcast %shift_right_arithmetic3A_756 : i32 to vector<16xi32>
      %shift_right_arithmetic3A_758 = arith.shrsi %add3A_755, %shift_right_arithmetic3A_757 : vector<16xi32>
      %ge3A = vector.broadcast %add3A_5 : i32 to vector<16xi32>
      %ge3A_759 = arith.cmpi sge, %get3A_748, %ge3A : vector<16xi32>
      %add3A_760 = arith.constant 32 : i32
      %add3A_761 = arith.addi %add3A_5, %add3A_760 : i32
      %lt3A = vector.broadcast %add3A_761 : i32 to vector<16xi32>
      %lt3A_762 = arith.cmpi slt, %get3A_748, %lt3A : vector<16xi32>
      %and3A = arith.andi %ge3A_759, %lt3A_762 : vector<16xi1>
      %sub3A_763 = vector.broadcast %add3A_5 : i32 to vector<16xi32>
      %sub3A_764 = arith.subi %get3A_748, %sub3A_763 : vector<16xi32>
      %mul3A_765 = arith.constant 2048 : i32
      %mul3A_766 = vector.broadcast %mul3A_765 : i32 to vector<16xi32>
      %mul3A_767 = arith.muli %sub3A_764, %mul3A_766 : vector<16xi32>
      %add3A_768 = arith.addi %mul3A_767, %shift_right_arithmetic3A_758 : vector<16xi32>
      %jit3A = arith.constant 0 : i32
      %broadcast_in_dim3A_769 = vector.broadcast %jit3A : i32 to vector<16xi32>
      %select_n3A = arith.select %and3A, %add3A_768, %broadcast_in_dim3A_769 : vector<16xi1>, vector<16xi32>
      tpu.vector_store_idx %arg5[%select_n3A], %max3A_753 masked %and3A : memref<65536xf32, #tpu.memory_space<vmem>>[vector<16xi32>], vector<16xf32>, vector<16xi1>
      %mul3A_770 = arith.constant 32 : i32
      %mul3A_771 = arith.muli %scan3A_741, %mul3A_770 : i32
      %add3A_772 = arith.constant 16 : i32
      %add3A_773 = arith.addi %mul3A_771, %add3A_772 : i32
      %get3A_774 = arith.index_cast %add3A_773 : i32 to index
      %get3A_775 = tpu.vector_load %arg6[%get3A_774] {strides = array<i32>} : memref<16384xi32, #tpu.memory_space<vmem>>, vector<16xi32>,
      %get3A_776 = arith.index_cast %add3A_773 : i32 to index
      %get3A_777 = tpu.vector_load %arg7[%get3A_776] {strides = array<i32>} : memref<16384xf32, #tpu.memory_space<vmem>>, vector<16xf32>,
      %max3A_778 = arith.constant 0.000000e+00 : f32
      %max3A_779 = vector.broadcast %max3A_778 : f32 to vector<16xf32>
      %max3A_780 = arith.maximumf %get3A_777, %max3A_779 : vector<16xf32>
      %add3A_781 = vector.broadcast %add3A_773 : i32 to vector<16xi32>
      %add3A_782 = arith.addi %add3A_781, %iota3A : vector<16xi32>
      %shift_right_arithmetic3A_783 = arith.constant 3 : i32
      %shift_right_arithmetic3A_784 = vector.broadcast %shift_right_arithmetic3A_783 : i32 to vector<16xi32>
      %shift_right_arithmetic3A_785 = arith.shrsi %add3A_782, %shift_right_arithmetic3A_784 : vector<16xi32>
      %ge3A_786 = vector.broadcast %add3A_5 : i32 to vector<16xi32>
      %ge3A_787 = arith.cmpi sge, %get3A_775, %ge3A_786 : vector<16xi32>
      %add3A_788 = arith.constant 32 : i32
      %add3A_789 = arith.addi %add3A_5, %add3A_788 : i32
      %lt3A_790 = vector.broadcast %add3A_789 : i32 to vector<16xi32>
      %lt3A_791 = arith.cmpi slt, %get3A_775, %lt3A_790 : vector<16xi32>
      %and3A_792 = arith.andi %ge3A_787, %lt3A_791 : vector<16xi1>
      %sub3A_793 = vector.broadcast %add3A_5 : i32 to vector<16xi32>
      %sub3A_794 = arith.subi %get3A_775, %sub3A_793 : vector<16xi32>
      %mul3A_795 = arith.constant 2048 : i32
      %mul3A_796 = vector.broadcast %mul3A_795 : i32 to vector<16xi32>
      %mul3A_797 = arith.muli %sub3A_794, %mul3A_796 : vector<16xi32>
      %add3A_798 = arith.addi %mul3A_797, %shift_right_arithmetic3A_785 : vector<16xi32>
      %jit3A_799 = arith.constant 0 : i32
      %broadcast_in_dim3A_800 = vector.broadcast %jit3A_799 : i32 to vector<16xi32>
      %select_n3A_801 = arith.select %and3A_792, %add3A_798, %broadcast_in_dim3A_800 : vector<16xi1>, vector<16xi32>
      tpu.vector_store_idx %arg5[%select_n3A_801], %max3A_780 masked %and3A_792 : memref<65536xf32, #tpu.memory_space<vmem>>[vector<16xi32>], vector<16xf32>, vector<16xi1>
      %scan3A_802 = arith.constant 0 : i32
      scf.yield %scan3A_802 : i32
    }
    %scan3A_366 = arith.constant 512 : i32
    %mul3A_367 = arith.constant 2048 : i32
    %mul3A_368 = arith.muli %add3A_5, %mul3A_367 : i32
    "tpu.region"() ({
      %run_scoped3A = tpu.sem_alloc : memref<!tpu.dma_semaphore, #tpu.memory_space<semaphore_mem>>
      %dma_start3A = tpu.memref_slice %arg4[%mul3A_368] : memref<4194304xf32, #tpu.memory_space<hbm>> -> memref<65536xf32, #tpu.memory_space<hbm>>
      %dma_start3A_741 = tpu.memref_slice %arg4[%mul3A_368] : memref<4194304xf32, #tpu.memory_space<hbm>> -> memref<65536xf32, #tpu.memory_space<hbm>>
      tpu.enqueue_dma source(%arg5 : memref<65536xf32, #tpu.memory_space<vmem>>) target(%dma_start3A_741 : memref<65536xf32, #tpu.memory_space<hbm>>) target_semaphore(%run_scoped3A : memref<!tpu.dma_semaphore, #tpu.memory_space<semaphore_mem>>)
      %dma_wait3A = tpu.memref_slice %arg4[%mul3A_368] : memref<4194304xf32, #tpu.memory_space<hbm>> -> memref<65536xf32, #tpu.memory_space<hbm>>
      %dma_wait3A_742 = tpu.memref_slice %arg4[%mul3A_368] : memref<4194304xf32, #tpu.memory_space<hbm>> -> memref<65536xf32, #tpu.memory_space<hbm>>
      tpu.wait_dma2 semaphore(%run_scoped3A : memref<!tpu.dma_semaphore, #tpu.memory_space<semaphore_mem>>) src(%arg5 : memref<65536xf32, #tpu.memory_space<vmem>>) dst(%dma_wait3A_742 : memref<65536xf32, #tpu.memory_space<hbm>>)
      tpu.yield
    }) : () -> ()
    %mul3A_369 = arith.constant 64 : i32
    %mul3A_370 = arith.muli %add3A, %mul3A_369 : i32
    %add3A_371 = arith.constant 32 : i32
    %add3A_372 = arith.addi %mul3A_370, %add3A_371 : i32
    %scan3A_373 = arith.constant 0 : i32
    %scan3A_374 = arith.constant 0 : i32
    %scan3A_375 = arith.constant 512 : i32
    %scan3A_376 = arith.addi %scan3A_374, %scan3A_375 : i32
    %scan3A_377 = arith.constant 1 : i32
    %scan3A_378 = scf.for %scan3A_741 = %scan3A_374 to %scan3A_376 step %scan3A_377 iter_args(%scan3A_742 = %scan3A_373) -> (i32)  : i32 {
      %mul3A_743 = arith.constant 128 : i32
      %mul3A_744 = arith.muli %scan3A_741, %mul3A_743 : i32
      %add3A_745 = arith.constant 0 : i32
      %add3A_746 = arith.addi %mul3A_744, %add3A_745 : i32
      %swap3A = arith.index_cast %add3A_746 : i32 to index
      %swap3A_747 = tpu.vector_load %arg5[%swap3A] {strides = array<i32>} : memref<65536xf32, #tpu.memory_space<vmem>>, vector<16xf32>,
      tpu.vector_store %arg5[%swap3A], %broadcast_in_dim3A_1 {strides = array<i32>} : memref<65536xf32, #tpu.memory_space<vmem>>, vector<16xf32>,
      %mul3A_748 = arith.constant 128 : i32
      %mul3A_749 = arith.muli %scan3A_741, %mul3A_748 : i32
      %add3A_750 = arith.constant 16 : i32
      %add3A_751 = arith.addi %mul3A_749, %add3A_750 : i32
      %swap3A_752 = arith.index_cast %add3A_751 : i32 to index
      %swap3A_753 = tpu.vector_load %arg5[%swap3A_752] {strides = array<i32>} : memref<65536xf32, #tpu.memory_space<vmem>>, vector<16xf32>,
      tpu.vector_store %arg5[%swap3A_752], %broadcast_in_dim3A_1 {strides = array<i32>} : memref<65536xf32, #tpu.memory_space<vmem>>, vector<16xf32>,
      %mul3A_754 = arith.constant 128 : i32
      %mul3A_755 = arith.muli %scan3A_741, %mul3A_754 : i32
      %add3A_756 = arith.constant 32 : i32
      %add3A_757 = arith.addi %mul3A_755, %add3A_756 : i32
      %swap3A_758 = arith.index_cast %add3A_757 : i32 to index
      %swap3A_759 = tpu.vector_load %arg5[%swap3A_758] {strides = array<i32>} : memref<65536xf32, #tpu.memory_space<vmem>>, vector<16xf32>,
      tpu.vector_store %arg5[%swap3A_758], %broadcast_in_dim3A_1 {strides = array<i32>} : memref<65536xf32, #tpu.memory_space<vmem>>, vector<16xf32>,
      %mul3A_760 = arith.constant 128 : i32
      %mul3A_761 = arith.muli %scan3A_741, %mul3A_760 : i32
      %add3A_762 = arith.constant 48 : i32
      %add3A_763 = arith.addi %mul3A_761, %add3A_762 : i32
      %swap3A_764 = arith.index_cast %add3A_763 : i32 to index
      %swap3A_765 = tpu.vector_load %arg5[%swap3A_764] {strides = array<i32>} : memref<65536xf32, #tpu.memory_space<vmem>>, vector<16xf32>,
      tpu.vector_store %arg5[%swap3A_764], %broadcast_in_dim3A_1 {strides = array<i32>} : memref<65536xf32, #tpu.memory_space<vmem>>, vector<16xf32>,
      %mul3A_766 = arith.constant 128 : i32
      %mul3A_767 = arith.muli %scan3A_741, %mul3A_766 : i32
      %add3A_768 = arith.constant 64 : i32
      %add3A_769 = arith.addi %mul3A_767, %add3A_768 : i32
      %swap3A_770 = arith.index_cast %add3A_769 : i32 to index
      %swap3A_771 = tpu.vector_load %arg5[%swap3A_770] {strides = array<i32>} : memref<65536xf32, #tpu.memory_space<vmem>>, vector<16xf32>,
      tpu.vector_store %arg5[%swap3A_770], %broadcast_in_dim3A_1 {strides = array<i32>} : memref<65536xf32, #tpu.memory_space<vmem>>, vector<16xf32>,
      %mul3A_772 = arith.constant 128 : i32
      %mul3A_773 = arith.muli %scan3A_741, %mul3A_772 : i32
      %add3A_774 = arith.constant 80 : i32
      %add3A_775 = arith.addi %mul3A_773, %add3A_774 : i32
      %swap3A_776 = arith.index_cast %add3A_775 : i32 to index
      %swap3A_777 = tpu.vector_load %arg5[%swap3A_776] {strides = array<i32>} : memref<65536xf32, #tpu.memory_space<vmem>>, vector<16xf32>,
      tpu.vector_store %arg5[%swap3A_776], %broadcast_in_dim3A_1 {strides = array<i32>} : memref<65536xf32, #tpu.memory_space<vmem>>, vector<16xf32>,
      %mul3A_778 = arith.constant 128 : i32
      %mul3A_779 = arith.muli %scan3A_741, %mul3A_778 : i32
      %add3A_780 = arith.constant 96 : i32
      %add3A_781 = arith.addi %mul3A_779, %add3A_780 : i32
      %swap3A_782 = arith.index_cast %add3A_781 : i32 to index
      %swap3A_783 = tpu.vector_load %arg5[%swap3A_782] {strides = array<i32>} : memref<65536xf32, #tpu.memory_space<vmem>>, vector<16xf32>,
      tpu.vector_store %arg5[%swap3A_782], %broadcast_in_dim3A_1 {strides = array<i32>} : memref<65536xf32, #tpu.memory_space<vmem>>, vector<16xf32>,
      %mul3A_784 = arith.constant 128 : i32
      %mul3A_785 = arith.muli %scan3A_741, %mul3A_784 : i32
      %add3A_786 = arith.constant 112 : i32
      %add3A_787 = arith.addi %mul3A_785, %add3A_786 : i32
      %swap3A_788 = arith.index_cast %add3A_787 : i32 to index
      %swap3A_789 = tpu.vector_load %arg5[%swap3A_788] {strides = array<i32>} : memref<65536xf32, #tpu.memory_space<vmem>>, vector<16xf32>,
      tpu.vector_store %arg5[%swap3A_788], %broadcast_in_dim3A_1 {strides = array<i32>} : memref<65536xf32, #tpu.memory_space<vmem>>, vector<16xf32>,
      %scan3A_790 = arith.constant 0 : i32
      scf.yield %scan3A_790 : i32
    }
    %scan3A_379 = arith.constant 512 : i32
    %mul3A_380 = arith.constant 8 : i32
    %mul3A_381 = arith.muli %add3A_372, %mul3A_380 : i32
    %add3A_382 = arith.constant 0 : i32
    %add3A_383 = arith.addi %mul3A_381, %add3A_382 : i32
    %get3A_384 = arith.index_cast %add3A_383 : i32 to index
    %get3A_385 = tpu.vector_load %arg6[%get3A_384] {strides = array<i32>} : memref<16384xi32, #tpu.memory_space<vmem>>, vector<16xi32>,
    %get3A_386 = arith.index_cast %add3A_383 : i32 to index
    %get3A_387 = tpu.vector_load %arg7[%get3A_386] {strides = array<i32>} : memref<16384xf32, #tpu.memory_space<vmem>>, vector<16xf32>,
    %max3A_388 = arith.constant 0.000000e+00 : f32
    %max3A_389 = vector.broadcast %max3A_388 : f32 to vector<16xf32>
    %max3A_390 = arith.maximumf %get3A_387, %max3A_389 : vector<16xf32>
    %add3A_391 = vector.broadcast %add3A_383 : i32 to vector<16xi32>
    %add3A_392 = arith.addi %add3A_391, %iota3A : vector<16xi32>
    %shift_right_arithmetic3A_393 = arith.constant 3 : i32
    %shift_right_arithmetic3A_394 = vector.broadcast %shift_right_arithmetic3A_393 : i32 to vector<16xi32>
    %shift_right_arithmetic3A_395 = arith.shrsi %add3A_392, %shift_right_arithmetic3A_394 : vector<16xi32>
    %sub3A_396 = vector.broadcast %add3A_372 : i32 to vector<16xi32>
    %sub3A_397 = arith.subi %shift_right_arithmetic3A_395, %sub3A_396 : vector<16xi32>
    %mul3A_398 = arith.constant 2048 : i32
    %mul3A_399 = vector.broadcast %mul3A_398 : i32 to vector<16xi32>
    %mul3A_400 = arith.muli %sub3A_397, %mul3A_399 : vector<16xi32>
    %add3A_401 = arith.addi %mul3A_400, %get3A_385 : vector<16xi32>
    tpu.vector_store_idx %arg5[%add3A_401], %max3A_390 : memref<65536xf32, #tpu.memory_space<vmem>>[vector<16xi32>], vector<16xf32>,
    %mul3A_402 = arith.constant 8 : i32
    %mul3A_403 = arith.muli %add3A_372, %mul3A_402 : i32
    %add3A_404 = arith.constant 16 : i32
    %add3A_405 = arith.addi %mul3A_403, %add3A_404 : i32
    %get3A_406 = arith.index_cast %add3A_405 : i32 to index
    %get3A_407 = tpu.vector_load %arg6[%get3A_406] {strides = array<i32>} : memref<16384xi32, #tpu.memory_space<vmem>>, vector<16xi32>,
    %get3A_408 = arith.index_cast %add3A_405 : i32 to index
    %get3A_409 = tpu.vector_load %arg7[%get3A_408] {strides = array<i32>} : memref<16384xf32, #tpu.memory_space<vmem>>, vector<16xf32>,
    %max3A_410 = arith.constant 0.000000e+00 : f32
    %max3A_411 = vector.broadcast %max3A_410 : f32 to vector<16xf32>
    %max3A_412 = arith.maximumf %get3A_409, %max3A_411 : vector<16xf32>
    %add3A_413 = vector.broadcast %add3A_405 : i32 to vector<16xi32>
    %add3A_414 = arith.addi %add3A_413, %iota3A : vector<16xi32>
    %shift_right_arithmetic3A_415 = arith.constant 3 : i32
    %shift_right_arithmetic3A_416 = vector.broadcast %shift_right_arithmetic3A_415 : i32 to vector<16xi32>
    %shift_right_arithmetic3A_417 = arith.shrsi %add3A_414, %shift_right_arithmetic3A_416 : vector<16xi32>
    %sub3A_418 = vector.broadcast %add3A_372 : i32 to vector<16xi32>
    %sub3A_419 = arith.subi %shift_right_arithmetic3A_417, %sub3A_418 : vector<16xi32>
    %mul3A_420 = arith.constant 2048 : i32
    %mul3A_421 = vector.broadcast %mul3A_420 : i32 to vector<16xi32>
    %mul3A_422 = arith.muli %sub3A_419, %mul3A_421 : vector<16xi32>
    %add3A_423 = arith.addi %mul3A_422, %get3A_407 : vector<16xi32>
    tpu.vector_store_idx %arg5[%add3A_423], %max3A_412 : memref<65536xf32, #tpu.memory_space<vmem>>[vector<16xi32>], vector<16xf32>,
    %mul3A_424 = arith.constant 8 : i32
    %mul3A_425 = arith.muli %add3A_372, %mul3A_424 : i32
    %add3A_426 = arith.constant 32 : i32
    %add3A_427 = arith.addi %mul3A_425, %add3A_426 : i32
    %get3A_428 = arith.index_cast %add3A_427 : i32 to index
    %get3A_429 = tpu.vector_load %arg6[%get3A_428] {strides = array<i32>} : memref<16384xi32, #tpu.memory_space<vmem>>, vector<16xi32>,
    %get3A_430 = arith.index_cast %add3A_427 : i32 to index
    %get3A_431 = tpu.vector_load %arg7[%get3A_430] {strides = array<i32>} : memref<16384xf32, #tpu.memory_space<vmem>>, vector<16xf32>,
    %max3A_432 = arith.constant 0.000000e+00 : f32
    %max3A_433 = vector.broadcast %max3A_432 : f32 to vector<16xf32>
    %max3A_434 = arith.maximumf %get3A_431, %max3A_433 : vector<16xf32>
    %add3A_435 = vector.broadcast %add3A_427 : i32 to vector<16xi32>
    %add3A_436 = arith.addi %add3A_435, %iota3A : vector<16xi32>
    %shift_right_arithmetic3A_437 = arith.constant 3 : i32
    %shift_right_arithmetic3A_438 = vector.broadcast %shift_right_arithmetic3A_437 : i32 to vector<16xi32>
    %shift_right_arithmetic3A_439 = arith.shrsi %add3A_436, %shift_right_arithmetic3A_438 : vector<16xi32>
    %sub3A_440 = vector.broadcast %add3A_372 : i32 to vector<16xi32>
    %sub3A_441 = arith.subi %shift_right_arithmetic3A_439, %sub3A_440 : vector<16xi32>
    %mul3A_442 = arith.constant 2048 : i32
    %mul3A_443 = vector.broadcast %mul3A_442 : i32 to vector<16xi32>
    %mul3A_444 = arith.muli %sub3A_441, %mul3A_443 : vector<16xi32>
    %add3A_445 = arith.addi %mul3A_444, %get3A_429 : vector<16xi32>
    tpu.vector_store_idx %arg5[%add3A_445], %max3A_434 : memref<65536xf32, #tpu.memory_space<vmem>>[vector<16xi32>], vector<16xf32>,
    %mul3A_446 = arith.constant 8 : i32
    %mul3A_447 = arith.muli %add3A_372, %mul3A_446 : i32
    %add3A_448 = arith.constant 48 : i32
    %add3A_449 = arith.addi %mul3A_447, %add3A_448 : i32
    %get3A_450 = arith.index_cast %add3A_449 : i32 to index
    %get3A_451 = tpu.vector_load %arg6[%get3A_450] {strides = array<i32>} : memref<16384xi32, #tpu.memory_space<vmem>>, vector<16xi32>,
    %get3A_452 = arith.index_cast %add3A_449 : i32 to index
    %get3A_453 = tpu.vector_load %arg7[%get3A_452] {strides = array<i32>} : memref<16384xf32, #tpu.memory_space<vmem>>, vector<16xf32>,
    %max3A_454 = arith.constant 0.000000e+00 : f32
    %max3A_455 = vector.broadcast %max3A_454 : f32 to vector<16xf32>
    %max3A_456 = arith.maximumf %get3A_453, %max3A_455 : vector<16xf32>
    %add3A_457 = vector.broadcast %add3A_449 : i32 to vector<16xi32>
    %add3A_458 = arith.addi %add3A_457, %iota3A : vector<16xi32>
    %shift_right_arithmetic3A_459 = arith.constant 3 : i32
    %shift_right_arithmetic3A_460 = vector.broadcast %shift_right_arithmetic3A_459 : i32 to vector<16xi32>
    %shift_right_arithmetic3A_461 = arith.shrsi %add3A_458, %shift_right_arithmetic3A_460 : vector<16xi32>
    %sub3A_462 = vector.broadcast %add3A_372 : i32 to vector<16xi32>
    %sub3A_463 = arith.subi %shift_right_arithmetic3A_461, %sub3A_462 : vector<16xi32>
    %mul3A_464 = arith.constant 2048 : i32
    %mul3A_465 = vector.broadcast %mul3A_464 : i32 to vector<16xi32>
    %mul3A_466 = arith.muli %sub3A_463, %mul3A_465 : vector<16xi32>
    %add3A_467 = arith.addi %mul3A_466, %get3A_451 : vector<16xi32>
    tpu.vector_store_idx %arg5[%add3A_467], %max3A_456 : memref<65536xf32, #tpu.memory_space<vmem>>[vector<16xi32>], vector<16xf32>,
    %mul3A_468 = arith.constant 8 : i32
    %mul3A_469 = arith.muli %add3A_372, %mul3A_468 : i32
    %add3A_470 = arith.constant 64 : i32
    %add3A_471 = arith.addi %mul3A_469, %add3A_470 : i32
    %get3A_472 = arith.index_cast %add3A_471 : i32 to index
    %get3A_473 = tpu.vector_load %arg6[%get3A_472] {strides = array<i32>} : memref<16384xi32, #tpu.memory_space<vmem>>, vector<16xi32>,
    %get3A_474 = arith.index_cast %add3A_471 : i32 to index
    %get3A_475 = tpu.vector_load %arg7[%get3A_474] {strides = array<i32>} : memref<16384xf32, #tpu.memory_space<vmem>>, vector<16xf32>,
    %max3A_476 = arith.constant 0.000000e+00 : f32
    %max3A_477 = vector.broadcast %max3A_476 : f32 to vector<16xf32>
    %max3A_478 = arith.maximumf %get3A_475, %max3A_477 : vector<16xf32>
    %add3A_479 = vector.broadcast %add3A_471 : i32 to vector<16xi32>
    %add3A_480 = arith.addi %add3A_479, %iota3A : vector<16xi32>
    %shift_right_arithmetic3A_481 = arith.constant 3 : i32
    %shift_right_arithmetic3A_482 = vector.broadcast %shift_right_arithmetic3A_481 : i32 to vector<16xi32>
    %shift_right_arithmetic3A_483 = arith.shrsi %add3A_480, %shift_right_arithmetic3A_482 : vector<16xi32>
    %sub3A_484 = vector.broadcast %add3A_372 : i32 to vector<16xi32>
    %sub3A_485 = arith.subi %shift_right_arithmetic3A_483, %sub3A_484 : vector<16xi32>
    %mul3A_486 = arith.constant 2048 : i32
    %mul3A_487 = vector.broadcast %mul3A_486 : i32 to vector<16xi32>
    %mul3A_488 = arith.muli %sub3A_485, %mul3A_487 : vector<16xi32>
    %add3A_489 = arith.addi %mul3A_488, %get3A_473 : vector<16xi32>
    tpu.vector_store_idx %arg5[%add3A_489], %max3A_478 : memref<65536xf32, #tpu.memory_space<vmem>>[vector<16xi32>], vector<16xf32>,
    %mul3A_490 = arith.constant 8 : i32
    %mul3A_491 = arith.muli %add3A_372, %mul3A_490 : i32
    %add3A_492 = arith.constant 80 : i32
    %add3A_493 = arith.addi %mul3A_491, %add3A_492 : i32
    %get3A_494 = arith.index_cast %add3A_493 : i32 to index
    %get3A_495 = tpu.vector_load %arg6[%get3A_494] {strides = array<i32>} : memref<16384xi32, #tpu.memory_space<vmem>>, vector<16xi32>,
    %get3A_496 = arith.index_cast %add3A_493 : i32 to index
    %get3A_497 = tpu.vector_load %arg7[%get3A_496] {strides = array<i32>} : memref<16384xf32, #tpu.memory_space<vmem>>, vector<16xf32>,
    %max3A_498 = arith.constant 0.000000e+00 : f32
    %max3A_499 = vector.broadcast %max3A_498 : f32 to vector<16xf32>
    %max3A_500 = arith.maximumf %get3A_497, %max3A_499 : vector<16xf32>
    %add3A_501 = vector.broadcast %add3A_493 : i32 to vector<16xi32>
    %add3A_502 = arith.addi %add3A_501, %iota3A : vector<16xi32>
    %shift_right_arithmetic3A_503 = arith.constant 3 : i32
    %shift_right_arithmetic3A_504 = vector.broadcast %shift_right_arithmetic3A_503 : i32 to vector<16xi32>
    %shift_right_arithmetic3A_505 = arith.shrsi %add3A_502, %shift_right_arithmetic3A_504 : vector<16xi32>
    %sub3A_506 = vector.broadcast %add3A_372 : i32 to vector<16xi32>
    %sub3A_507 = arith.subi %shift_right_arithmetic3A_505, %sub3A_506 : vector<16xi32>
    %mul3A_508 = arith.constant 2048 : i32
    %mul3A_509 = vector.broadcast %mul3A_508 : i32 to vector<16xi32>
    %mul3A_510 = arith.muli %sub3A_507, %mul3A_509 : vector<16xi32>
    %add3A_511 = arith.addi %mul3A_510, %get3A_495 : vector<16xi32>
    tpu.vector_store_idx %arg5[%add3A_511], %max3A_500 : memref<65536xf32, #tpu.memory_space<vmem>>[vector<16xi32>], vector<16xf32>,
    %mul3A_512 = arith.constant 8 : i32
    %mul3A_513 = arith.muli %add3A_372, %mul3A_512 : i32
    %add3A_514 = arith.constant 96 : i32
    %add3A_515 = arith.addi %mul3A_513, %add3A_514 : i32
    %get3A_516 = arith.index_cast %add3A_515 : i32 to index
    %get3A_517 = tpu.vector_load %arg6[%get3A_516] {strides = array<i32>} : memref<16384xi32, #tpu.memory_space<vmem>>, vector<16xi32>,
    %get3A_518 = arith.index_cast %add3A_515 : i32 to index
    %get3A_519 = tpu.vector_load %arg7[%get3A_518] {strides = array<i32>} : memref<16384xf32, #tpu.memory_space<vmem>>, vector<16xf32>,
    %max3A_520 = arith.constant 0.000000e+00 : f32
    %max3A_521 = vector.broadcast %max3A_520 : f32 to vector<16xf32>
    %max3A_522 = arith.maximumf %get3A_519, %max3A_521 : vector<16xf32>
    %add3A_523 = vector.broadcast %add3A_515 : i32 to vector<16xi32>
    %add3A_524 = arith.addi %add3A_523, %iota3A : vector<16xi32>
    %shift_right_arithmetic3A_525 = arith.constant 3 : i32
    %shift_right_arithmetic3A_526 = vector.broadcast %shift_right_arithmetic3A_525 : i32 to vector<16xi32>
    %shift_right_arithmetic3A_527 = arith.shrsi %add3A_524, %shift_right_arithmetic3A_526 : vector<16xi32>
    %sub3A_528 = vector.broadcast %add3A_372 : i32 to vector<16xi32>
    %sub3A_529 = arith.subi %shift_right_arithmetic3A_527, %sub3A_528 : vector<16xi32>
    %mul3A_530 = arith.constant 2048 : i32
    %mul3A_531 = vector.broadcast %mul3A_530 : i32 to vector<16xi32>
    %mul3A_532 = arith.muli %sub3A_529, %mul3A_531 : vector<16xi32>
    %add3A_533 = arith.addi %mul3A_532, %get3A_517 : vector<16xi32>
    tpu.vector_store_idx %arg5[%add3A_533], %max3A_522 : memref<65536xf32, #tpu.memory_space<vmem>>[vector<16xi32>], vector<16xf32>,
    %mul3A_534 = arith.constant 8 : i32
    %mul3A_535 = arith.muli %add3A_372, %mul3A_534 : i32
    %add3A_536 = arith.constant 112 : i32
    %add3A_537 = arith.addi %mul3A_535, %add3A_536 : i32
    %get3A_538 = arith.index_cast %add3A_537 : i32 to index
    %get3A_539 = tpu.vector_load %arg6[%get3A_538] {strides = array<i32>} : memref<16384xi32, #tpu.memory_space<vmem>>, vector<16xi32>,
    %get3A_540 = arith.index_cast %add3A_537 : i32 to index
    %get3A_541 = tpu.vector_load %arg7[%get3A_540] {strides = array<i32>} : memref<16384xf32, #tpu.memory_space<vmem>>, vector<16xf32>,
    %max3A_542 = arith.constant 0.000000e+00 : f32
    %max3A_543 = vector.broadcast %max3A_542 : f32 to vector<16xf32>
    %max3A_544 = arith.maximumf %get3A_541, %max3A_543 : vector<16xf32>
    %add3A_545 = vector.broadcast %add3A_537 : i32 to vector<16xi32>
    %add3A_546 = arith.addi %add3A_545, %iota3A : vector<16xi32>
    %shift_right_arithmetic3A_547 = arith.constant 3 : i32
    %shift_right_arithmetic3A_548 = vector.broadcast %shift_right_arithmetic3A_547 : i32 to vector<16xi32>
    %shift_right_arithmetic3A_549 = arith.shrsi %add3A_546, %shift_right_arithmetic3A_548 : vector<16xi32>
    %sub3A_550 = vector.broadcast %add3A_372 : i32 to vector<16xi32>
    %sub3A_551 = arith.subi %shift_right_arithmetic3A_549, %sub3A_550 : vector<16xi32>
    %mul3A_552 = arith.constant 2048 : i32
    %mul3A_553 = vector.broadcast %mul3A_552 : i32 to vector<16xi32>
    %mul3A_554 = arith.muli %sub3A_551, %mul3A_553 : vector<16xi32>
    %add3A_555 = arith.addi %mul3A_554, %get3A_539 : vector<16xi32>
    tpu.vector_store_idx %arg5[%add3A_555], %max3A_544 : memref<65536xf32, #tpu.memory_space<vmem>>[vector<16xi32>], vector<16xf32>,
    %mul3A_556 = arith.constant 8 : i32
    %mul3A_557 = arith.muli %add3A_372, %mul3A_556 : i32
    %add3A_558 = arith.constant 128 : i32
    %add3A_559 = arith.addi %mul3A_557, %add3A_558 : i32
    %get3A_560 = arith.index_cast %add3A_559 : i32 to index
    %get3A_561 = tpu.vector_load %arg6[%get3A_560] {strides = array<i32>} : memref<16384xi32, #tpu.memory_space<vmem>>, vector<16xi32>,
    %get3A_562 = arith.index_cast %add3A_559 : i32 to index
    %get3A_563 = tpu.vector_load %arg7[%get3A_562] {strides = array<i32>} : memref<16384xf32, #tpu.memory_space<vmem>>, vector<16xf32>,
    %max3A_564 = arith.constant 0.000000e+00 : f32
    %max3A_565 = vector.broadcast %max3A_564 : f32 to vector<16xf32>
    %max3A_566 = arith.maximumf %get3A_563, %max3A_565 : vector<16xf32>
    %add3A_567 = vector.broadcast %add3A_559 : i32 to vector<16xi32>
    %add3A_568 = arith.addi %add3A_567, %iota3A : vector<16xi32>
    %shift_right_arithmetic3A_569 = arith.constant 3 : i32
    %shift_right_arithmetic3A_570 = vector.broadcast %shift_right_arithmetic3A_569 : i32 to vector<16xi32>
    %shift_right_arithmetic3A_571 = arith.shrsi %add3A_568, %shift_right_arithmetic3A_570 : vector<16xi32>
    %sub3A_572 = vector.broadcast %add3A_372 : i32 to vector<16xi32>
    %sub3A_573 = arith.subi %shift_right_arithmetic3A_571, %sub3A_572 : vector<16xi32>
    %mul3A_574 = arith.constant 2048 : i32
    %mul3A_575 = vector.broadcast %mul3A_574 : i32 to vector<16xi32>
    %mul3A_576 = arith.muli %sub3A_573, %mul3A_575 : vector<16xi32>
    %add3A_577 = arith.addi %mul3A_576, %get3A_561 : vector<16xi32>
    tpu.vector_store_idx %arg5[%add3A_577], %max3A_566 : memref<65536xf32, #tpu.memory_space<vmem>>[vector<16xi32>], vector<16xf32>,
    %mul3A_578 = arith.constant 8 : i32
    %mul3A_579 = arith.muli %add3A_372, %mul3A_578 : i32
    %add3A_580 = arith.constant 144 : i32
    %add3A_581 = arith.addi %mul3A_579, %add3A_580 : i32
    %get3A_582 = arith.index_cast %add3A_581 : i32 to index
    %get3A_583 = tpu.vector_load %arg6[%get3A_582] {strides = array<i32>} : memref<16384xi32, #tpu.memory_space<vmem>>, vector<16xi32>,
    %get3A_584 = arith.index_cast %add3A_581 : i32 to index
    %get3A_585 = tpu.vector_load %arg7[%get3A_584] {strides = array<i32>} : memref<16384xf32, #tpu.memory_space<vmem>>, vector<16xf32>,
    %max3A_586 = arith.constant 0.000000e+00 : f32
    %max3A_587 = vector.broadcast %max3A_586 : f32 to vector<16xf32>
    %max3A_588 = arith.maximumf %get3A_585, %max3A_587 : vector<16xf32>
    %add3A_589 = vector.broadcast %add3A_581 : i32 to vector<16xi32>
    %add3A_590 = arith.addi %add3A_589, %iota3A : vector<16xi32>
    %shift_right_arithmetic3A_591 = arith.constant 3 : i32
    %shift_right_arithmetic3A_592 = vector.broadcast %shift_right_arithmetic3A_591 : i32 to vector<16xi32>
    %shift_right_arithmetic3A_593 = arith.shrsi %add3A_590, %shift_right_arithmetic3A_592 : vector<16xi32>
    %sub3A_594 = vector.broadcast %add3A_372 : i32 to vector<16xi32>
    %sub3A_595 = arith.subi %shift_right_arithmetic3A_593, %sub3A_594 : vector<16xi32>
    %mul3A_596 = arith.constant 2048 : i32
    %mul3A_597 = vector.broadcast %mul3A_596 : i32 to vector<16xi32>
    %mul3A_598 = arith.muli %sub3A_595, %mul3A_597 : vector<16xi32>
    %add3A_599 = arith.addi %mul3A_598, %get3A_583 : vector<16xi32>
    tpu.vector_store_idx %arg5[%add3A_599], %max3A_588 : memref<65536xf32, #tpu.memory_space<vmem>>[vector<16xi32>], vector<16xf32>,
    %mul3A_600 = arith.constant 8 : i32
    %mul3A_601 = arith.muli %add3A_372, %mul3A_600 : i32
    %add3A_602 = arith.constant 160 : i32
    %add3A_603 = arith.addi %mul3A_601, %add3A_602 : i32
    %get3A_604 = arith.index_cast %add3A_603 : i32 to index
    %get3A_605 = tpu.vector_load %arg6[%get3A_604] {strides = array<i32>} : memref<16384xi32, #tpu.memory_space<vmem>>, vector<16xi32>,
    %get3A_606 = arith.index_cast %add3A_603 : i32 to index
    %get3A_607 = tpu.vector_load %arg7[%get3A_606] {strides = array<i32>} : memref<16384xf32, #tpu.memory_space<vmem>>, vector<16xf32>,
    %max3A_608 = arith.constant 0.000000e+00 : f32
    %max3A_609 = vector.broadcast %max3A_608 : f32 to vector<16xf32>
    %max3A_610 = arith.maximumf %get3A_607, %max3A_609 : vector<16xf32>
    %add3A_611 = vector.broadcast %add3A_603 : i32 to vector<16xi32>
    %add3A_612 = arith.addi %add3A_611, %iota3A : vector<16xi32>
    %shift_right_arithmetic3A_613 = arith.constant 3 : i32
    %shift_right_arithmetic3A_614 = vector.broadcast %shift_right_arithmetic3A_613 : i32 to vector<16xi32>
    %shift_right_arithmetic3A_615 = arith.shrsi %add3A_612, %shift_right_arithmetic3A_614 : vector<16xi32>
    %sub3A_616 = vector.broadcast %add3A_372 : i32 to vector<16xi32>
    %sub3A_617 = arith.subi %shift_right_arithmetic3A_615, %sub3A_616 : vector<16xi32>
    %mul3A_618 = arith.constant 2048 : i32
    %mul3A_619 = vector.broadcast %mul3A_618 : i32 to vector<16xi32>
    %mul3A_620 = arith.muli %sub3A_617, %mul3A_619 : vector<16xi32>
    %add3A_621 = arith.addi %mul3A_620, %get3A_605 : vector<16xi32>
    tpu.vector_store_idx %arg5[%add3A_621], %max3A_610 : memref<65536xf32, #tpu.memory_space<vmem>>[vector<16xi32>], vector<16xf32>,
    %mul3A_622 = arith.constant 8 : i32
    %mul3A_623 = arith.muli %add3A_372, %mul3A_622 : i32
    %add3A_624 = arith.constant 176 : i32
    %add3A_625 = arith.addi %mul3A_623, %add3A_624 : i32
    %get3A_626 = arith.index_cast %add3A_625 : i32 to index
    %get3A_627 = tpu.vector_load %arg6[%get3A_626] {strides = array<i32>} : memref<16384xi32, #tpu.memory_space<vmem>>, vector<16xi32>,
    %get3A_628 = arith.index_cast %add3A_625 : i32 to index
    %get3A_629 = tpu.vector_load %arg7[%get3A_628] {strides = array<i32>} : memref<16384xf32, #tpu.memory_space<vmem>>, vector<16xf32>,
    %max3A_630 = arith.constant 0.000000e+00 : f32
    %max3A_631 = vector.broadcast %max3A_630 : f32 to vector<16xf32>
    %max3A_632 = arith.maximumf %get3A_629, %max3A_631 : vector<16xf32>
    %add3A_633 = vector.broadcast %add3A_625 : i32 to vector<16xi32>
    %add3A_634 = arith.addi %add3A_633, %iota3A : vector<16xi32>
    %shift_right_arithmetic3A_635 = arith.constant 3 : i32
    %shift_right_arithmetic3A_636 = vector.broadcast %shift_right_arithmetic3A_635 : i32 to vector<16xi32>
    %shift_right_arithmetic3A_637 = arith.shrsi %add3A_634, %shift_right_arithmetic3A_636 : vector<16xi32>
    %sub3A_638 = vector.broadcast %add3A_372 : i32 to vector<16xi32>
    %sub3A_639 = arith.subi %shift_right_arithmetic3A_637, %sub3A_638 : vector<16xi32>
    %mul3A_640 = arith.constant 2048 : i32
    %mul3A_641 = vector.broadcast %mul3A_640 : i32 to vector<16xi32>
    %mul3A_642 = arith.muli %sub3A_639, %mul3A_641 : vector<16xi32>
    %add3A_643 = arith.addi %mul3A_642, %get3A_627 : vector<16xi32>
    tpu.vector_store_idx %arg5[%add3A_643], %max3A_632 : memref<65536xf32, #tpu.memory_space<vmem>>[vector<16xi32>], vector<16xf32>,
    %mul3A_644 = arith.constant 8 : i32
    %mul3A_645 = arith.muli %add3A_372, %mul3A_644 : i32
    %add3A_646 = arith.constant 192 : i32
    %add3A_647 = arith.addi %mul3A_645, %add3A_646 : i32
    %get3A_648 = arith.index_cast %add3A_647 : i32 to index
    %get3A_649 = tpu.vector_load %arg6[%get3A_648] {strides = array<i32>} : memref<16384xi32, #tpu.memory_space<vmem>>, vector<16xi32>,
    %get3A_650 = arith.index_cast %add3A_647 : i32 to index
    %get3A_651 = tpu.vector_load %arg7[%get3A_650] {strides = array<i32>} : memref<16384xf32, #tpu.memory_space<vmem>>, vector<16xf32>,
    %max3A_652 = arith.constant 0.000000e+00 : f32
    %max3A_653 = vector.broadcast %max3A_652 : f32 to vector<16xf32>
    %max3A_654 = arith.maximumf %get3A_651, %max3A_653 : vector<16xf32>
    %add3A_655 = vector.broadcast %add3A_647 : i32 to vector<16xi32>
    %add3A_656 = arith.addi %add3A_655, %iota3A : vector<16xi32>
    %shift_right_arithmetic3A_657 = arith.constant 3 : i32
    %shift_right_arithmetic3A_658 = vector.broadcast %shift_right_arithmetic3A_657 : i32 to vector<16xi32>
    %shift_right_arithmetic3A_659 = arith.shrsi %add3A_656, %shift_right_arithmetic3A_658 : vector<16xi32>
    %sub3A_660 = vector.broadcast %add3A_372 : i32 to vector<16xi32>
    %sub3A_661 = arith.subi %shift_right_arithmetic3A_659, %sub3A_660 : vector<16xi32>
    %mul3A_662 = arith.constant 2048 : i32
    %mul3A_663 = vector.broadcast %mul3A_662 : i32 to vector<16xi32>
    %mul3A_664 = arith.muli %sub3A_661, %mul3A_663 : vector<16xi32>
    %add3A_665 = arith.addi %mul3A_664, %get3A_649 : vector<16xi32>
    tpu.vector_store_idx %arg5[%add3A_665], %max3A_654 : memref<65536xf32, #tpu.memory_space<vmem>>[vector<16xi32>], vector<16xf32>,
    %mul3A_666 = arith.constant 8 : i32
    %mul3A_667 = arith.muli %add3A_372, %mul3A_666 : i32
    %add3A_668 = arith.constant 208 : i32
    %add3A_669 = arith.addi %mul3A_667, %add3A_668 : i32
    %get3A_670 = arith.index_cast %add3A_669 : i32 to index
    %get3A_671 = tpu.vector_load %arg6[%get3A_670] {strides = array<i32>} : memref<16384xi32, #tpu.memory_space<vmem>>, vector<16xi32>,
    %get3A_672 = arith.index_cast %add3A_669 : i32 to index
    %get3A_673 = tpu.vector_load %arg7[%get3A_672] {strides = array<i32>} : memref<16384xf32, #tpu.memory_space<vmem>>, vector<16xf32>,
    %max3A_674 = arith.constant 0.000000e+00 : f32
    %max3A_675 = vector.broadcast %max3A_674 : f32 to vector<16xf32>
    %max3A_676 = arith.maximumf %get3A_673, %max3A_675 : vector<16xf32>
    %add3A_677 = vector.broadcast %add3A_669 : i32 to vector<16xi32>
    %add3A_678 = arith.addi %add3A_677, %iota3A : vector<16xi32>
    %shift_right_arithmetic3A_679 = arith.constant 3 : i32
    %shift_right_arithmetic3A_680 = vector.broadcast %shift_right_arithmetic3A_679 : i32 to vector<16xi32>
    %shift_right_arithmetic3A_681 = arith.shrsi %add3A_678, %shift_right_arithmetic3A_680 : vector<16xi32>
    %sub3A_682 = vector.broadcast %add3A_372 : i32 to vector<16xi32>
    %sub3A_683 = arith.subi %shift_right_arithmetic3A_681, %sub3A_682 : vector<16xi32>
    %mul3A_684 = arith.constant 2048 : i32
    %mul3A_685 = vector.broadcast %mul3A_684 : i32 to vector<16xi32>
    %mul3A_686 = arith.muli %sub3A_683, %mul3A_685 : vector<16xi32>
    %add3A_687 = arith.addi %mul3A_686, %get3A_671 : vector<16xi32>
    tpu.vector_store_idx %arg5[%add3A_687], %max3A_676 : memref<65536xf32, #tpu.memory_space<vmem>>[vector<16xi32>], vector<16xf32>,
    %mul3A_688 = arith.constant 8 : i32
    %mul3A_689 = arith.muli %add3A_372, %mul3A_688 : i32
    %add3A_690 = arith.constant 224 : i32
    %add3A_691 = arith.addi %mul3A_689, %add3A_690 : i32
    %get3A_692 = arith.index_cast %add3A_691 : i32 to index
    %get3A_693 = tpu.vector_load %arg6[%get3A_692] {strides = array<i32>} : memref<16384xi32, #tpu.memory_space<vmem>>, vector<16xi32>,
    %get3A_694 = arith.index_cast %add3A_691 : i32 to index
    %get3A_695 = tpu.vector_load %arg7[%get3A_694] {strides = array<i32>} : memref<16384xf32, #tpu.memory_space<vmem>>, vector<16xf32>,
    %max3A_696 = arith.constant 0.000000e+00 : f32
    %max3A_697 = vector.broadcast %max3A_696 : f32 to vector<16xf32>
    %max3A_698 = arith.maximumf %get3A_695, %max3A_697 : vector<16xf32>
    %add3A_699 = vector.broadcast %add3A_691 : i32 to vector<16xi32>
    %add3A_700 = arith.addi %add3A_699, %iota3A : vector<16xi32>
    %shift_right_arithmetic3A_701 = arith.constant 3 : i32
    %shift_right_arithmetic3A_702 = vector.broadcast %shift_right_arithmetic3A_701 : i32 to vector<16xi32>
    %shift_right_arithmetic3A_703 = arith.shrsi %add3A_700, %shift_right_arithmetic3A_702 : vector<16xi32>
    %sub3A_704 = vector.broadcast %add3A_372 : i32 to vector<16xi32>
    %sub3A_705 = arith.subi %shift_right_arithmetic3A_703, %sub3A_704 : vector<16xi32>
    %mul3A_706 = arith.constant 2048 : i32
    %mul3A_707 = vector.broadcast %mul3A_706 : i32 to vector<16xi32>
    %mul3A_708 = arith.muli %sub3A_705, %mul3A_707 : vector<16xi32>
    %add3A_709 = arith.addi %mul3A_708, %get3A_693 : vector<16xi32>
    tpu.vector_store_idx %arg5[%add3A_709], %max3A_698 : memref<65536xf32, #tpu.memory_space<vmem>>[vector<16xi32>], vector<16xf32>,
    %mul3A_710 = arith.constant 8 : i32
    %mul3A_711 = arith.muli %add3A_372, %mul3A_710 : i32
    %add3A_712 = arith.constant 240 : i32
    %add3A_713 = arith.addi %mul3A_711, %add3A_712 : i32
    %get3A_714 = arith.index_cast %add3A_713 : i32 to index
    %get3A_715 = tpu.vector_load %arg6[%get3A_714] {strides = array<i32>} : memref<16384xi32, #tpu.memory_space<vmem>>, vector<16xi32>,
    %get3A_716 = arith.index_cast %add3A_713 : i32 to index
    %get3A_717 = tpu.vector_load %arg7[%get3A_716] {strides = array<i32>} : memref<16384xf32, #tpu.memory_space<vmem>>, vector<16xf32>,
    %max3A_718 = arith.constant 0.000000e+00 : f32
    %max3A_719 = vector.broadcast %max3A_718 : f32 to vector<16xf32>
    %max3A_720 = arith.maximumf %get3A_717, %max3A_719 : vector<16xf32>
    %add3A_721 = vector.broadcast %add3A_713 : i32 to vector<16xi32>
    %add3A_722 = arith.addi %add3A_721, %iota3A : vector<16xi32>
    %shift_right_arithmetic3A_723 = arith.constant 3 : i32
    %shift_right_arithmetic3A_724 = vector.broadcast %shift_right_arithmetic3A_723 : i32 to vector<16xi32>
    %shift_right_arithmetic3A_725 = arith.shrsi %add3A_722, %shift_right_arithmetic3A_724 : vector<16xi32>
    %sub3A_726 = vector.broadcast %add3A_372 : i32 to vector<16xi32>
    %sub3A_727 = arith.subi %shift_right_arithmetic3A_725, %sub3A_726 : vector<16xi32>
    %mul3A_728 = arith.constant 2048 : i32
    %mul3A_729 = vector.broadcast %mul3A_728 : i32 to vector<16xi32>
    %mul3A_730 = arith.muli %sub3A_727, %mul3A_729 : vector<16xi32>
    %add3A_731 = arith.addi %mul3A_730, %get3A_715 : vector<16xi32>
    tpu.vector_store_idx %arg5[%add3A_731], %max3A_720 : memref<65536xf32, #tpu.memory_space<vmem>>[vector<16xi32>], vector<16xf32>,
    %scan3A_732 = arith.constant 0 : i32
    %scan3A_733 = arith.constant 0 : i32
    %scan3A_734 = arith.constant 512 : i32
    %scan3A_735 = arith.addi %scan3A_733, %scan3A_734 : i32
    %scan3A_736 = arith.constant 1 : i32
    %scan3A_737 = scf.for %scan3A_741 = %scan3A_733 to %scan3A_735 step %scan3A_736 iter_args(%scan3A_742 = %scan3A_732) -> (i32)  : i32 {
      %mul3A_743 = arith.constant 32 : i32
      %mul3A_744 = arith.muli %scan3A_741, %mul3A_743 : i32
      %add3A_745 = arith.constant 0 : i32
      %add3A_746 = arith.addi %mul3A_744, %add3A_745 : i32
      %get3A_747 = arith.index_cast %add3A_746 : i32 to index
      %get3A_748 = tpu.vector_load %arg6[%get3A_747] {strides = array<i32>} : memref<16384xi32, #tpu.memory_space<vmem>>, vector<16xi32>,
      %get3A_749 = arith.index_cast %add3A_746 : i32 to index
      %get3A_750 = tpu.vector_load %arg7[%get3A_749] {strides = array<i32>} : memref<16384xf32, #tpu.memory_space<vmem>>, vector<16xf32>,
      %max3A_751 = arith.constant 0.000000e+00 : f32
      %max3A_752 = vector.broadcast %max3A_751 : f32 to vector<16xf32>
      %max3A_753 = arith.maximumf %get3A_750, %max3A_752 : vector<16xf32>
      %add3A_754 = vector.broadcast %add3A_746 : i32 to vector<16xi32>
      %add3A_755 = arith.addi %add3A_754, %iota3A : vector<16xi32>
      %shift_right_arithmetic3A_756 = arith.constant 3 : i32
      %shift_right_arithmetic3A_757 = vector.broadcast %shift_right_arithmetic3A_756 : i32 to vector<16xi32>
      %shift_right_arithmetic3A_758 = arith.shrsi %add3A_755, %shift_right_arithmetic3A_757 : vector<16xi32>
      %ge3A = vector.broadcast %add3A_372 : i32 to vector<16xi32>
      %ge3A_759 = arith.cmpi sge, %get3A_748, %ge3A : vector<16xi32>
      %add3A_760 = arith.constant 32 : i32
      %add3A_761 = arith.addi %add3A_372, %add3A_760 : i32
      %lt3A = vector.broadcast %add3A_761 : i32 to vector<16xi32>
      %lt3A_762 = arith.cmpi slt, %get3A_748, %lt3A : vector<16xi32>
      %and3A = arith.andi %ge3A_759, %lt3A_762 : vector<16xi1>
      %sub3A_763 = vector.broadcast %add3A_372 : i32 to vector<16xi32>
      %sub3A_764 = arith.subi %get3A_748, %sub3A_763 : vector<16xi32>
      %mul3A_765 = arith.constant 2048 : i32
      %mul3A_766 = vector.broadcast %mul3A_765 : i32 to vector<16xi32>
      %mul3A_767 = arith.muli %sub3A_764, %mul3A_766 : vector<16xi32>
      %add3A_768 = arith.addi %mul3A_767, %shift_right_arithmetic3A_758 : vector<16xi32>
      %jit3A = arith.constant 0 : i32
      %broadcast_in_dim3A_769 = vector.broadcast %jit3A : i32 to vector<16xi32>
      %select_n3A = arith.select %and3A, %add3A_768, %broadcast_in_dim3A_769 : vector<16xi1>, vector<16xi32>
      tpu.vector_store_idx %arg5[%select_n3A], %max3A_753 masked %and3A : memref<65536xf32, #tpu.memory_space<vmem>>[vector<16xi32>], vector<16xf32>, vector<16xi1>
      %mul3A_770 = arith.constant 32 : i32
      %mul3A_771 = arith.muli %scan3A_741, %mul3A_770 : i32
      %add3A_772 = arith.constant 16 : i32
      %add3A_773 = arith.addi %mul3A_771, %add3A_772 : i32
      %get3A_774 = arith.index_cast %add3A_773 : i32 to index
      %get3A_775 = tpu.vector_load %arg6[%get3A_774] {strides = array<i32>} : memref<16384xi32, #tpu.memory_space<vmem>>, vector<16xi32>,
      %get3A_776 = arith.index_cast %add3A_773 : i32 to index
      %get3A_777 = tpu.vector_load %arg7[%get3A_776] {strides = array<i32>} : memref<16384xf32, #tpu.memory_space<vmem>>, vector<16xf32>,
      %max3A_778 = arith.constant 0.000000e+00 : f32
      %max3A_779 = vector.broadcast %max3A_778 : f32 to vector<16xf32>
      %max3A_780 = arith.maximumf %get3A_777, %max3A_779 : vector<16xf32>
      %add3A_781 = vector.broadcast %add3A_773 : i32 to vector<16xi32>
      %add3A_782 = arith.addi %add3A_781, %iota3A : vector<16xi32>
      %shift_right_arithmetic3A_783 = arith.constant 3 : i32
      %shift_right_arithmetic3A_784 = vector.broadcast %shift_right_arithmetic3A_783 : i32 to vector<16xi32>
      %shift_right_arithmetic3A_785 = arith.shrsi %add3A_782, %shift_right_arithmetic3A_784 : vector<16xi32>
      %ge3A_786 = vector.broadcast %add3A_372 : i32 to vector<16xi32>
      %ge3A_787 = arith.cmpi sge, %get3A_775, %ge3A_786 : vector<16xi32>
      %add3A_788 = arith.constant 32 : i32
      %add3A_789 = arith.addi %add3A_372, %add3A_788 : i32
      %lt3A_790 = vector.broadcast %add3A_789 : i32 to vector<16xi32>
      %lt3A_791 = arith.cmpi slt, %get3A_775, %lt3A_790 : vector<16xi32>
      %and3A_792 = arith.andi %ge3A_787, %lt3A_791 : vector<16xi1>
      %sub3A_793 = vector.broadcast %add3A_372 : i32 to vector<16xi32>
      %sub3A_794 = arith.subi %get3A_775, %sub3A_793 : vector<16xi32>
      %mul3A_795 = arith.constant 2048 : i32
      %mul3A_796 = vector.broadcast %mul3A_795 : i32 to vector<16xi32>
      %mul3A_797 = arith.muli %sub3A_794, %mul3A_796 : vector<16xi32>
      %add3A_798 = arith.addi %mul3A_797, %shift_right_arithmetic3A_785 : vector<16xi32>
      %jit3A_799 = arith.constant 0 : i32
      %broadcast_in_dim3A_800 = vector.broadcast %jit3A_799 : i32 to vector<16xi32>
      %select_n3A_801 = arith.select %and3A_792, %add3A_798, %broadcast_in_dim3A_800 : vector<16xi1>, vector<16xi32>
      tpu.vector_store_idx %arg5[%select_n3A_801], %max3A_780 masked %and3A_792 : memref<65536xf32, #tpu.memory_space<vmem>>[vector<16xi32>], vector<16xf32>, vector<16xi1>
      %scan3A_802 = arith.constant 0 : i32
      scf.yield %scan3A_802 : i32
    }
    %scan3A_738 = arith.constant 512 : i32
    %mul3A_739 = arith.constant 2048 : i32
    %mul3A_740 = arith.muli %add3A_372, %mul3A_739 : i32
    "tpu.region"() ({
      %run_scoped3A = tpu.sem_alloc : memref<!tpu.dma_semaphore, #tpu.memory_space<semaphore_mem>>
      %dma_start3A = tpu.memref_slice %arg4[%mul3A_740] : memref<4194304xf32, #tpu.memory_space<hbm>> -> memref<65536xf32, #tpu.memory_space<hbm>>
      %dma_start3A_741 = tpu.memref_slice %arg4[%mul3A_740] : memref<4194304xf32, #tpu.memory_space<hbm>> -> memref<65536xf32, #tpu.memory_space<hbm>>
      tpu.enqueue_dma source(%arg5 : memref<65536xf32, #tpu.memory_space<vmem>>) target(%dma_start3A_741 : memref<65536xf32, #tpu.memory_space<hbm>>) target_semaphore(%run_scoped3A : memref<!tpu.dma_semaphore, #tpu.memory_space<semaphore_mem>>)
      %dma_wait3A = tpu.memref_slice %arg4[%mul3A_740] : memref<4194304xf32, #tpu.memory_space<hbm>> -> memref<65536xf32, #tpu.memory_space<hbm>>
      %dma_wait3A_742 = tpu.memref_slice %arg4[%mul3A_740] : memref<4194304xf32, #tpu.memory_space<hbm>> -> memref<65536xf32, #tpu.memory_space<hbm>>
      tpu.wait_dma2 semaphore(%run_scoped3A : memref<!tpu.dma_semaphore, #tpu.memory_space<semaphore_mem>>) src(%arg5 : memref<65536xf32, #tpu.memory_space<vmem>>) dst(%dma_wait3A_742 : memref<65536xf32, #tpu.memory_space<hbm>>)
      tpu.yield
    }) : () -> ()
    return
  }
}

#map = affine_map<(d0, d1) -> (0)>
module attributes {stable_mosaic.version = 14 : i64} {
  func.func @_sc_scatter_body(%arg0: i32, %arg1: i32, %arg2: memref<16384xi32, #tpu.memory_space<hbm>>, %arg3: memref<16384xf32, #tpu.memory_space<hbm>>, %arg4: memref<4194304xf32, #tpu.memory_space<hbm>>, %arg5: memref<65536xf32, #tpu.memory_space<vmem>>, %arg6: memref<16384xi32, #tpu.memory_space<vmem>>, %arg7: memref<16384xf32, #tpu.memory_space<vmem>>) attributes {dimension_semantics = [#tpu.dimension_semantics<core_parallel>, #tpu.dimension_semantics<subcore_parallel>], iteration_bounds = array<i64: 2, 16>, scalar_prefetch = 0 : i64, scratch_operands = 3 : i64, tpu.core_type = #tpu.core_type<sc_vector_subcore>, window_params = [{transform_indices = #map}, {transform_indices = #map}, {transform_indices = #map}]} {
    %mul3A = arith.constant 2 : i32
    %mul3A_0 = arith.muli %arg1, %mul3A : i32
    %add3A = arith.addi %mul3A_0, %arg0 : i32
    "tpu.region"() ({
      %run_scoped3A = tpu.sem_alloc : memref<!tpu.dma_semaphore, #tpu.memory_space<semaphore_mem>>
      tpu.enqueue_dma source(%arg2 : memref<16384xi32, #tpu.memory_space<hbm>>) target(%arg6 : memref<16384xi32, #tpu.memory_space<vmem>>) target_semaphore(%run_scoped3A : memref<!tpu.dma_semaphore, #tpu.memory_space<semaphore_mem>>)
      tpu.wait_dma2 semaphore(%run_scoped3A : memref<!tpu.dma_semaphore, #tpu.memory_space<semaphore_mem>>) src(%arg2 : memref<16384xi32, #tpu.memory_space<hbm>>) dst(%arg6 : memref<16384xi32, #tpu.memory_space<vmem>>)
      tpu.yield
    }) : () -> ()
    "tpu.region"() ({
      %run_scoped3A = tpu.sem_alloc : memref<!tpu.dma_semaphore, #tpu.memory_space<semaphore_mem>>
      tpu.enqueue_dma source(%arg3 : memref<16384xf32, #tpu.memory_space<hbm>>) target(%arg7 : memref<16384xf32, #tpu.memory_space<vmem>>) target_semaphore(%run_scoped3A : memref<!tpu.dma_semaphore, #tpu.memory_space<semaphore_mem>>)
      tpu.wait_dma2 semaphore(%run_scoped3A : memref<!tpu.dma_semaphore, #tpu.memory_space<semaphore_mem>>) src(%arg3 : memref<16384xf32, #tpu.memory_space<hbm>>) dst(%arg7 : memref<16384xf32, #tpu.memory_space<vmem>>)
      tpu.yield
    }) : () -> ()
    %iota3A = tpu.iota {dimensions = array<i32: 0>} : vector<16xi32>
    %broadcast_in_dim3A = arith.constant 0.000000e+00 : f32
    %broadcast_in_dim3A_1 = vector.broadcast %broadcast_in_dim3A : f32 to vector<16xf32>
    %mul3A_2 = arith.constant 64 : i32
    %mul3A_3 = arith.muli %add3A, %mul3A_2 : i32
    %add3A_4 = arith.constant 0 : i32
    %add3A_5 = arith.addi %mul3A_3, %add3A_4 : i32
    %scan3A = arith.constant 0 : i32
    %scan3A_6 = arith.constant 0 : i32
    %scan3A_7 = arith.constant 512 : i32
    %scan3A_8 = arith.addi %scan3A_6, %scan3A_7 : i32
    %scan3A_9 = arith.constant 1 : i32
    %scan3A_10 = scf.for %scan3A_741 = %scan3A_6 to %scan3A_8 step %scan3A_9 iter_args(%scan3A_742 = %scan3A) -> (i32)  : i32 {
      %mul3A_743 = arith.constant 128 : i32
      %mul3A_744 = arith.muli %scan3A_741, %mul3A_743 : i32
      %add3A_745 = arith.constant 0 : i32
      %add3A_746 = arith.addi %mul3A_744, %add3A_745 : i32
      %swap3A = arith.index_cast %add3A_746 : i32 to index
      %swap3A_747 = tpu.vector_load %arg5[%swap3A] {strides = array<i32>} : memref<65536xf32, #tpu.memory_space<vmem>>, vector<16xf32>,
      tpu.vector_store %arg5[%swap3A], %broadcast_in_dim3A_1 {strides = array<i32>} : memref<65536xf32, #tpu.memory_space<vmem>>, vector<16xf32>,
      %mul3A_748 = arith.constant 128 : i32
      %mul3A_749 = arith.muli %scan3A_741, %mul3A_748 : i32
      %add3A_750 = arith.constant 16 : i32
      %add3A_751 = arith.addi %mul3A_749, %add3A_750 : i32
      %swap3A_752 = arith.index_cast %add3A_751 : i32 to index
      %swap3A_753 = tpu.vector_load %arg5[%swap3A_752] {strides = array<i32>} : memref<65536xf32, #tpu.memory_space<vmem>>, vector<16xf32>,
      tpu.vector_store %arg5[%swap3A_752], %broadcast_in_dim3A_1 {strides = array<i32>} : memref<65536xf32, #tpu.memory_space<vmem>>, vector<16xf32>,
      %mul3A_754 = arith.constant 128 : i32
      %mul3A_755 = arith.muli %scan3A_741, %mul3A_754 : i32
      %add3A_756 = arith.constant 32 : i32
      %add3A_757 = arith.addi %mul3A_755, %add3A_756 : i32
      %swap3A_758 = arith.index_cast %add3A_757 : i32 to index
      %swap3A_759 = tpu.vector_load %arg5[%swap3A_758] {strides = array<i32>} : memref<65536xf32, #tpu.memory_space<vmem>>, vector<16xf32>,
      tpu.vector_store %arg5[%swap3A_758], %broadcast_in_dim3A_1 {strides = array<i32>} : memref<65536xf32, #tpu.memory_space<vmem>>, vector<16xf32>,
      %mul3A_760 = arith.constant 128 : i32
      %mul3A_761 = arith.muli %scan3A_741, %mul3A_760 : i32
      %add3A_762 = arith.constant 48 : i32
      %add3A_763 = arith.addi %mul3A_761, %add3A_762 : i32
      %swap3A_764 = arith.index_cast %add3A_763 : i32 to index
      %swap3A_765 = tpu.vector_load %arg5[%swap3A_764] {strides = array<i32>} : memref<65536xf32, #tpu.memory_space<vmem>>, vector<16xf32>,
      tpu.vector_store %arg5[%swap3A_764], %broadcast_in_dim3A_1 {strides = array<i32>} : memref<65536xf32, #tpu.memory_space<vmem>>, vector<16xf32>,
      %mul3A_766 = arith.constant 128 : i32
      %mul3A_767 = arith.muli %scan3A_741, %mul3A_766 : i32
      %add3A_768 = arith.constant 64 : i32
      %add3A_769 = arith.addi %mul3A_767, %add3A_768 : i32
      %swap3A_770 = arith.index_cast %add3A_769 : i32 to index
      %swap3A_771 = tpu.vector_load %arg5[%swap3A_770] {strides = array<i32>} : memref<65536xf32, #tpu.memory_space<vmem>>, vector<16xf32>,
      tpu.vector_store %arg5[%swap3A_770], %broadcast_in_dim3A_1 {strides = array<i32>} : memref<65536xf32, #tpu.memory_space<vmem>>, vector<16xf32>,
      %mul3A_772 = arith.constant 128 : i32
      %mul3A_773 = arith.muli %scan3A_741, %mul3A_772 : i32
      %add3A_774 = arith.constant 80 : i32
      %add3A_775 = arith.addi %mul3A_773, %add3A_774 : i32
      %swap3A_776 = arith.index_cast %add3A_775 : i32 to index
      %swap3A_777 = tpu.vector_load %arg5[%swap3A_776] {strides = array<i32>} : memref<65536xf32, #tpu.memory_space<vmem>>, vector<16xf32>,
      tpu.vector_store %arg5[%swap3A_776], %broadcast_in_dim3A_1 {strides = array<i32>} : memref<65536xf32, #tpu.memory_space<vmem>>, vector<16xf32>,
      %mul3A_778 = arith.constant 128 : i32
      %mul3A_779 = arith.muli %scan3A_741, %mul3A_778 : i32
      %add3A_780 = arith.constant 96 : i32
      %add3A_781 = arith.addi %mul3A_779, %add3A_780 : i32
      %swap3A_782 = arith.index_cast %add3A_781 : i32 to index
      %swap3A_783 = tpu.vector_load %arg5[%swap3A_782] {strides = array<i32>} : memref<65536xf32, #tpu.memory_space<vmem>>, vector<16xf32>,
      tpu.vector_store %arg5[%swap3A_782], %broadcast_in_dim3A_1 {strides = array<i32>} : memref<65536xf32, #tpu.memory_space<vmem>>, vector<16xf32>,
      %mul3A_784 = arith.constant 128 : i32
      %mul3A_785 = arith.muli %scan3A_741, %mul3A_784 : i32
      %add3A_786 = arith.constant 112 : i32
      %add3A_787 = arith.addi %mul3A_785, %add3A_786 : i32
      %swap3A_788 = arith.index_cast %add3A_787 : i32 to index
      %swap3A_789 = tpu.vector_load %arg5[%swap3A_788] {strides = array<i32>} : memref<65536xf32, #tpu.memory_space<vmem>>, vector<16xf32>,
      tpu.vector_store %arg5[%swap3A_788], %broadcast_in_dim3A_1 {strides = array<i32>} : memref<65536xf32, #tpu.memory_space<vmem>>, vector<16xf32>,
      %scan3A_790 = arith.constant 0 : i32
      scf.yield %scan3A_790 : i32
    }
    %scan3A_11 = arith.constant 512 : i32
    %mul3A_12 = arith.constant 8 : i32
    %mul3A_13 = arith.muli %add3A_5, %mul3A_12 : i32
    %add3A_14 = arith.constant 0 : i32
    %add3A_15 = arith.addi %mul3A_13, %add3A_14 : i32
    %get3A = arith.index_cast %add3A_15 : i32 to index
    %get3A_16 = tpu.vector_load %arg6[%get3A] {strides = array<i32>} : memref<16384xi32, #tpu.memory_space<vmem>>, vector<16xi32>,
    %get3A_17 = arith.index_cast %add3A_15 : i32 to index
    %get3A_18 = tpu.vector_load %arg7[%get3A_17] {strides = array<i32>} : memref<16384xf32, #tpu.memory_space<vmem>>, vector<16xf32>,
    %max3A = arith.constant 0.000000e+00 : f32
    %max3A_19 = vector.broadcast %max3A : f32 to vector<16xf32>
    %max3A_20 = arith.maximumf %get3A_18, %max3A_19 : vector<16xf32>
    %add3A_21 = vector.broadcast %add3A_15 : i32 to vector<16xi32>
    %add3A_22 = arith.addi %add3A_21, %iota3A : vector<16xi32>
    %shift_right_arithmetic3A = arith.constant 3 : i32
    %shift_right_arithmetic3A_23 = vector.broadcast %shift_right_arithmetic3A : i32 to vector<16xi32>
    %shift_right_arithmetic3A_24 = arith.shrsi %add3A_22, %shift_right_arithmetic3A_23 : vector<16xi32>
    %sub3A = vector.broadcast %add3A_5 : i32 to vector<16xi32>
    %sub3A_25 = arith.subi %shift_right_arithmetic3A_24, %sub3A : vector<16xi32>
    %mul3A_26 = arith.constant 2048 : i32
    %mul3A_27 = vector.broadcast %mul3A_26 : i32 to vector<16xi32>
    %mul3A_28 = arith.muli %sub3A_25, %mul3A_27 : vector<16xi32>
    %add3A_29 = arith.addi %mul3A_28, %get3A_16 : vector<16xi32>
    tpu.vector_store_idx %arg5[%add3A_29], %max3A_20 : memref<65536xf32, #tpu.memory_space<vmem>>[vector<16xi32>], vector<16xf32>,
    %mul3A_30 = arith.constant 8 : i32
    %mul3A_31 = arith.muli %add3A_5, %mul3A_30 : i32
    %add3A_32 = arith.constant 16 : i32
    %add3A_33 = arith.addi %mul3A_31, %add3A_32 : i32
    %get3A_34 = arith.index_cast %add3A_33 : i32 to index
    %get3A_35 = tpu.vector_load %arg6[%get3A_34] {strides = array<i32>} : memref<16384xi32, #tpu.memory_space<vmem>>, vector<16xi32>,
    %get3A_36 = arith.index_cast %add3A_33 : i32 to index
    %get3A_37 = tpu.vector_load %arg7[%get3A_36] {strides = array<i32>} : memref<16384xf32, #tpu.memory_space<vmem>>, vector<16xf32>,
    %max3A_38 = arith.constant 0.000000e+00 : f32
    %max3A_39 = vector.broadcast %max3A_38 : f32 to vector<16xf32>
    %max3A_40 = arith.maximumf %get3A_37, %max3A_39 : vector<16xf32>
    %add3A_41 = vector.broadcast %add3A_33 : i32 to vector<16xi32>
    %add3A_42 = arith.addi %add3A_41, %iota3A : vector<16xi32>
    %shift_right_arithmetic3A_43 = arith.constant 3 : i32
    %shift_right_arithmetic3A_44 = vector.broadcast %shift_right_arithmetic3A_43 : i32 to vector<16xi32>
    %shift_right_arithmetic3A_45 = arith.shrsi %add3A_42, %shift_right_arithmetic3A_44 : vector<16xi32>
    %sub3A_46 = vector.broadcast %add3A_5 : i32 to vector<16xi32>
    %sub3A_47 = arith.subi %shift_right_arithmetic3A_45, %sub3A_46 : vector<16xi32>
    %mul3A_48 = arith.constant 2048 : i32
    %mul3A_49 = vector.broadcast %mul3A_48 : i32 to vector<16xi32>
    %mul3A_50 = arith.muli %sub3A_47, %mul3A_49 : vector<16xi32>
    %add3A_51 = arith.addi %mul3A_50, %get3A_35 : vector<16xi32>
    tpu.vector_store_idx %arg5[%add3A_51], %max3A_40 : memref<65536xf32, #tpu.memory_space<vmem>>[vector<16xi32>], vector<16xf32>,
    %mul3A_52 = arith.constant 8 : i32
    %mul3A_53 = arith.muli %add3A_5, %mul3A_52 : i32
    %add3A_54 = arith.constant 32 : i32
    %add3A_55 = arith.addi %mul3A_53, %add3A_54 : i32
    %get3A_56 = arith.index_cast %add3A_55 : i32 to index
    %get3A_57 = tpu.vector_load %arg6[%get3A_56] {strides = array<i32>} : memref<16384xi32, #tpu.memory_space<vmem>>, vector<16xi32>,
    %get3A_58 = arith.index_cast %add3A_55 : i32 to index
    %get3A_59 = tpu.vector_load %arg7[%get3A_58] {strides = array<i32>} : memref<16384xf32, #tpu.memory_space<vmem>>, vector<16xf32>,
    %max3A_60 = arith.constant 0.000000e+00 : f32
    %max3A_61 = vector.broadcast %max3A_60 : f32 to vector<16xf32>
    %max3A_62 = arith.maximumf %get3A_59, %max3A_61 : vector<16xf32>
    %add3A_63 = vector.broadcast %add3A_55 : i32 to vector<16xi32>
    %add3A_64 = arith.addi %add3A_63, %iota3A : vector<16xi32>
    %shift_right_arithmetic3A_65 = arith.constant 3 : i32
    %shift_right_arithmetic3A_66 = vector.broadcast %shift_right_arithmetic3A_65 : i32 to vector<16xi32>
    %shift_right_arithmetic3A_67 = arith.shrsi %add3A_64, %shift_right_arithmetic3A_66 : vector<16xi32>
    %sub3A_68 = vector.broadcast %add3A_5 : i32 to vector<16xi32>
    %sub3A_69 = arith.subi %shift_right_arithmetic3A_67, %sub3A_68 : vector<16xi32>
    %mul3A_70 = arith.constant 2048 : i32
    %mul3A_71 = vector.broadcast %mul3A_70 : i32 to vector<16xi32>
    %mul3A_72 = arith.muli %sub3A_69, %mul3A_71 : vector<16xi32>
    %add3A_73 = arith.addi %mul3A_72, %get3A_57 : vector<16xi32>
    tpu.vector_store_idx %arg5[%add3A_73], %max3A_62 : memref<65536xf32, #tpu.memory_space<vmem>>[vector<16xi32>], vector<16xf32>,
    %mul3A_74 = arith.constant 8 : i32
    %mul3A_75 = arith.muli %add3A_5, %mul3A_74 : i32
    %add3A_76 = arith.constant 48 : i32
    %add3A_77 = arith.addi %mul3A_75, %add3A_76 : i32
    %get3A_78 = arith.index_cast %add3A_77 : i32 to index
    %get3A_79 = tpu.vector_load %arg6[%get3A_78] {strides = array<i32>} : memref<16384xi32, #tpu.memory_space<vmem>>, vector<16xi32>,
    %get3A_80 = arith.index_cast %add3A_77 : i32 to index
    %get3A_81 = tpu.vector_load %arg7[%get3A_80] {strides = array<i32>} : memref<16384xf32, #tpu.memory_space<vmem>>, vector<16xf32>,
    %max3A_82 = arith.constant 0.000000e+00 : f32
    %max3A_83 = vector.broadcast %max3A_82 : f32 to vector<16xf32>
    %max3A_84 = arith.maximumf %get3A_81, %max3A_83 : vector<16xf32>
    %add3A_85 = vector.broadcast %add3A_77 : i32 to vector<16xi32>
    %add3A_86 = arith.addi %add3A_85, %iota3A : vector<16xi32>
    %shift_right_arithmetic3A_87 = arith.constant 3 : i32
    %shift_right_arithmetic3A_88 = vector.broadcast %shift_right_arithmetic3A_87 : i32 to vector<16xi32>
    %shift_right_arithmetic3A_89 = arith.shrsi %add3A_86, %shift_right_arithmetic3A_88 : vector<16xi32>
    %sub3A_90 = vector.broadcast %add3A_5 : i32 to vector<16xi32>
    %sub3A_91 = arith.subi %shift_right_arithmetic3A_89, %sub3A_90 : vector<16xi32>
    %mul3A_92 = arith.constant 2048 : i32
    %mul3A_93 = vector.broadcast %mul3A_92 : i32 to vector<16xi32>
    %mul3A_94 = arith.muli %sub3A_91, %mul3A_93 : vector<16xi32>
    %add3A_95 = arith.addi %mul3A_94, %get3A_79 : vector<16xi32>
    tpu.vector_store_idx %arg5[%add3A_95], %max3A_84 : memref<65536xf32, #tpu.memory_space<vmem>>[vector<16xi32>], vector<16xf32>,
    %mul3A_96 = arith.constant 8 : i32
    %mul3A_97 = arith.muli %add3A_5, %mul3A_96 : i32
    %add3A_98 = arith.constant 64 : i32
    %add3A_99 = arith.addi %mul3A_97, %add3A_98 : i32
    %get3A_100 = arith.index_cast %add3A_99 : i32 to index
    %get3A_101 = tpu.vector_load %arg6[%get3A_100] {strides = array<i32>} : memref<16384xi32, #tpu.memory_space<vmem>>, vector<16xi32>,
    %get3A_102 = arith.index_cast %add3A_99 : i32 to index
    %get3A_103 = tpu.vector_load %arg7[%get3A_102] {strides = array<i32>} : memref<16384xf32, #tpu.memory_space<vmem>>, vector<16xf32>,
    %max3A_104 = arith.constant 0.000000e+00 : f32
    %max3A_105 = vector.broadcast %max3A_104 : f32 to vector<16xf32>
    %max3A_106 = arith.maximumf %get3A_103, %max3A_105 : vector<16xf32>
    %add3A_107 = vector.broadcast %add3A_99 : i32 to vector<16xi32>
    %add3A_108 = arith.addi %add3A_107, %iota3A : vector<16xi32>
    %shift_right_arithmetic3A_109 = arith.constant 3 : i32
    %shift_right_arithmetic3A_110 = vector.broadcast %shift_right_arithmetic3A_109 : i32 to vector<16xi32>
    %shift_right_arithmetic3A_111 = arith.shrsi %add3A_108, %shift_right_arithmetic3A_110 : vector<16xi32>
    %sub3A_112 = vector.broadcast %add3A_5 : i32 to vector<16xi32>
    %sub3A_113 = arith.subi %shift_right_arithmetic3A_111, %sub3A_112 : vector<16xi32>
    %mul3A_114 = arith.constant 2048 : i32
    %mul3A_115 = vector.broadcast %mul3A_114 : i32 to vector<16xi32>
    %mul3A_116 = arith.muli %sub3A_113, %mul3A_115 : vector<16xi32>
    %add3A_117 = arith.addi %mul3A_116, %get3A_101 : vector<16xi32>
    tpu.vector_store_idx %arg5[%add3A_117], %max3A_106 : memref<65536xf32, #tpu.memory_space<vmem>>[vector<16xi32>], vector<16xf32>,
    %mul3A_118 = arith.constant 8 : i32
    %mul3A_119 = arith.muli %add3A_5, %mul3A_118 : i32
    %add3A_120 = arith.constant 80 : i32
    %add3A_121 = arith.addi %mul3A_119, %add3A_120 : i32
    %get3A_122 = arith.index_cast %add3A_121 : i32 to index
    %get3A_123 = tpu.vector_load %arg6[%get3A_122] {strides = array<i32>} : memref<16384xi32, #tpu.memory_space<vmem>>, vector<16xi32>,
    %get3A_124 = arith.index_cast %add3A_121 : i32 to index
    %get3A_125 = tpu.vector_load %arg7[%get3A_124] {strides = array<i32>} : memref<16384xf32, #tpu.memory_space<vmem>>, vector<16xf32>,
    %max3A_126 = arith.constant 0.000000e+00 : f32
    %max3A_127 = vector.broadcast %max3A_126 : f32 to vector<16xf32>
    %max3A_128 = arith.maximumf %get3A_125, %max3A_127 : vector<16xf32>
    %add3A_129 = vector.broadcast %add3A_121 : i32 to vector<16xi32>
    %add3A_130 = arith.addi %add3A_129, %iota3A : vector<16xi32>
    %shift_right_arithmetic3A_131 = arith.constant 3 : i32
    %shift_right_arithmetic3A_132 = vector.broadcast %shift_right_arithmetic3A_131 : i32 to vector<16xi32>
    %shift_right_arithmetic3A_133 = arith.shrsi %add3A_130, %shift_right_arithmetic3A_132 : vector<16xi32>
    %sub3A_134 = vector.broadcast %add3A_5 : i32 to vector<16xi32>
    %sub3A_135 = arith.subi %shift_right_arithmetic3A_133, %sub3A_134 : vector<16xi32>
    %mul3A_136 = arith.constant 2048 : i32
    %mul3A_137 = vector.broadcast %mul3A_136 : i32 to vector<16xi32>
    %mul3A_138 = arith.muli %sub3A_135, %mul3A_137 : vector<16xi32>
    %add3A_139 = arith.addi %mul3A_138, %get3A_123 : vector<16xi32>
    tpu.vector_store_idx %arg5[%add3A_139], %max3A_128 : memref<65536xf32, #tpu.memory_space<vmem>>[vector<16xi32>], vector<16xf32>,
    %mul3A_140 = arith.constant 8 : i32
    %mul3A_141 = arith.muli %add3A_5, %mul3A_140 : i32
    %add3A_142 = arith.constant 96 : i32
    %add3A_143 = arith.addi %mul3A_141, %add3A_142 : i32
    %get3A_144 = arith.index_cast %add3A_143 : i32 to index
    %get3A_145 = tpu.vector_load %arg6[%get3A_144] {strides = array<i32>} : memref<16384xi32, #tpu.memory_space<vmem>>, vector<16xi32>,
    %get3A_146 = arith.index_cast %add3A_143 : i32 to index
    %get3A_147 = tpu.vector_load %arg7[%get3A_146] {strides = array<i32>} : memref<16384xf32, #tpu.memory_space<vmem>>, vector<16xf32>,
    %max3A_148 = arith.constant 0.000000e+00 : f32
    %max3A_149 = vector.broadcast %max3A_148 : f32 to vector<16xf32>
    %max3A_150 = arith.maximumf %get3A_147, %max3A_149 : vector<16xf32>
    %add3A_151 = vector.broadcast %add3A_143 : i32 to vector<16xi32>
    %add3A_152 = arith.addi %add3A_151, %iota3A : vector<16xi32>
    %shift_right_arithmetic3A_153 = arith.constant 3 : i32
    %shift_right_arithmetic3A_154 = vector.broadcast %shift_right_arithmetic3A_153 : i32 to vector<16xi32>
    %shift_right_arithmetic3A_155 = arith.shrsi %add3A_152, %shift_right_arithmetic3A_154 : vector<16xi32>
    %sub3A_156 = vector.broadcast %add3A_5 : i32 to vector<16xi32>
    %sub3A_157 = arith.subi %shift_right_arithmetic3A_155, %sub3A_156 : vector<16xi32>
    %mul3A_158 = arith.constant 2048 : i32
    %mul3A_159 = vector.broadcast %mul3A_158 : i32 to vector<16xi32>
    %mul3A_160 = arith.muli %sub3A_157, %mul3A_159 : vector<16xi32>
    %add3A_161 = arith.addi %mul3A_160, %get3A_145 : vector<16xi32>
    tpu.vector_store_idx %arg5[%add3A_161], %max3A_150 : memref<65536xf32, #tpu.memory_space<vmem>>[vector<16xi32>], vector<16xf32>,
    %mul3A_162 = arith.constant 8 : i32
    %mul3A_163 = arith.muli %add3A_5, %mul3A_162 : i32
    %add3A_164 = arith.constant 112 : i32
    %add3A_165 = arith.addi %mul3A_163, %add3A_164 : i32
    %get3A_166 = arith.index_cast %add3A_165 : i32 to index
    %get3A_167 = tpu.vector_load %arg6[%get3A_166] {strides = array<i32>} : memref<16384xi32, #tpu.memory_space<vmem>>, vector<16xi32>,
    %get3A_168 = arith.index_cast %add3A_165 : i32 to index
    %get3A_169 = tpu.vector_load %arg7[%get3A_168] {strides = array<i32>} : memref<16384xf32, #tpu.memory_space<vmem>>, vector<16xf32>,
    %max3A_170 = arith.constant 0.000000e+00 : f32
    %max3A_171 = vector.broadcast %max3A_170 : f32 to vector<16xf32>
    %max3A_172 = arith.maximumf %get3A_169, %max3A_171 : vector<16xf32>
    %add3A_173 = vector.broadcast %add3A_165 : i32 to vector<16xi32>
    %add3A_174 = arith.addi %add3A_173, %iota3A : vector<16xi32>
    %shift_right_arithmetic3A_175 = arith.constant 3 : i32
    %shift_right_arithmetic3A_176 = vector.broadcast %shift_right_arithmetic3A_175 : i32 to vector<16xi32>
    %shift_right_arithmetic3A_177 = arith.shrsi %add3A_174, %shift_right_arithmetic3A_176 : vector<16xi32>
    %sub3A_178 = vector.broadcast %add3A_5 : i32 to vector<16xi32>
    %sub3A_179 = arith.subi %shift_right_arithmetic3A_177, %sub3A_178 : vector<16xi32>
    %mul3A_180 = arith.constant 2048 : i32
    %mul3A_181 = vector.broadcast %mul3A_180 : i32 to vector<16xi32>
    %mul3A_182 = arith.muli %sub3A_179, %mul3A_181 : vector<16xi32>
    %add3A_183 = arith.addi %mul3A_182, %get3A_167 : vector<16xi32>
    tpu.vector_store_idx %arg5[%add3A_183], %max3A_172 : memref<65536xf32, #tpu.memory_space<vmem>>[vector<16xi32>], vector<16xf32>,
    %mul3A_184 = arith.constant 8 : i32
    %mul3A_185 = arith.muli %add3A_5, %mul3A_184 : i32
    %add3A_186 = arith.constant 128 : i32
    %add3A_187 = arith.addi %mul3A_185, %add3A_186 : i32
    %get3A_188 = arith.index_cast %add3A_187 : i32 to index
    %get3A_189 = tpu.vector_load %arg6[%get3A_188] {strides = array<i32>} : memref<16384xi32, #tpu.memory_space<vmem>>, vector<16xi32>,
    %get3A_190 = arith.index_cast %add3A_187 : i32 to index
    %get3A_191 = tpu.vector_load %arg7[%get3A_190] {strides = array<i32>} : memref<16384xf32, #tpu.memory_space<vmem>>, vector<16xf32>,
    %max3A_192 = arith.constant 0.000000e+00 : f32
    %max3A_193 = vector.broadcast %max3A_192 : f32 to vector<16xf32>
    %max3A_194 = arith.maximumf %get3A_191, %max3A_193 : vector<16xf32>
    %add3A_195 = vector.broadcast %add3A_187 : i32 to vector<16xi32>
    %add3A_196 = arith.addi %add3A_195, %iota3A : vector<16xi32>
    %shift_right_arithmetic3A_197 = arith.constant 3 : i32
    %shift_right_arithmetic3A_198 = vector.broadcast %shift_right_arithmetic3A_197 : i32 to vector<16xi32>
    %shift_right_arithmetic3A_199 = arith.shrsi %add3A_196, %shift_right_arithmetic3A_198 : vector<16xi32>
    %sub3A_200 = vector.broadcast %add3A_5 : i32 to vector<16xi32>
    %sub3A_201 = arith.subi %shift_right_arithmetic3A_199, %sub3A_200 : vector<16xi32>
    %mul3A_202 = arith.constant 2048 : i32
    %mul3A_203 = vector.broadcast %mul3A_202 : i32 to vector<16xi32>
    %mul3A_204 = arith.muli %sub3A_201, %mul3A_203 : vector<16xi32>
    %add3A_205 = arith.addi %mul3A_204, %get3A_189 : vector<16xi32>
    tpu.vector_store_idx %arg5[%add3A_205], %max3A_194 : memref<65536xf32, #tpu.memory_space<vmem>>[vector<16xi32>], vector<16xf32>,
    %mul3A_206 = arith.constant 8 : i32
    %mul3A_207 = arith.muli %add3A_5, %mul3A_206 : i32
    %add3A_208 = arith.constant 144 : i32
    %add3A_209 = arith.addi %mul3A_207, %add3A_208 : i32
    %get3A_210 = arith.index_cast %add3A_209 : i32 to index
    %get3A_211 = tpu.vector_load %arg6[%get3A_210] {strides = array<i32>} : memref<16384xi32, #tpu.memory_space<vmem>>, vector<16xi32>,
    %get3A_212 = arith.index_cast %add3A_209 : i32 to index
    %get3A_213 = tpu.vector_load %arg7[%get3A_212] {strides = array<i32>} : memref<16384xf32, #tpu.memory_space<vmem>>, vector<16xf32>,
    %max3A_214 = arith.constant 0.000000e+00 : f32
    %max3A_215 = vector.broadcast %max3A_214 : f32 to vector<16xf32>
    %max3A_216 = arith.maximumf %get3A_213, %max3A_215 : vector<16xf32>
    %add3A_217 = vector.broadcast %add3A_209 : i32 to vector<16xi32>
    %add3A_218 = arith.addi %add3A_217, %iota3A : vector<16xi32>
    %shift_right_arithmetic3A_219 = arith.constant 3 : i32
    %shift_right_arithmetic3A_220 = vector.broadcast %shift_right_arithmetic3A_219 : i32 to vector<16xi32>
    %shift_right_arithmetic3A_221 = arith.shrsi %add3A_218, %shift_right_arithmetic3A_220 : vector<16xi32>
    %sub3A_222 = vector.broadcast %add3A_5 : i32 to vector<16xi32>
    %sub3A_223 = arith.subi %shift_right_arithmetic3A_221, %sub3A_222 : vector<16xi32>
    %mul3A_224 = arith.constant 2048 : i32
    %mul3A_225 = vector.broadcast %mul3A_224 : i32 to vector<16xi32>
    %mul3A_226 = arith.muli %sub3A_223, %mul3A_225 : vector<16xi32>
    %add3A_227 = arith.addi %mul3A_226, %get3A_211 : vector<16xi32>
    tpu.vector_store_idx %arg5[%add3A_227], %max3A_216 : memref<65536xf32, #tpu.memory_space<vmem>>[vector<16xi32>], vector<16xf32>,
    %mul3A_228 = arith.constant 8 : i32
    %mul3A_229 = arith.muli %add3A_5, %mul3A_228 : i32
    %add3A_230 = arith.constant 160 : i32
    %add3A_231 = arith.addi %mul3A_229, %add3A_230 : i32
    %get3A_232 = arith.index_cast %add3A_231 : i32 to index
    %get3A_233 = tpu.vector_load %arg6[%get3A_232] {strides = array<i32>} : memref<16384xi32, #tpu.memory_space<vmem>>, vector<16xi32>,
    %get3A_234 = arith.index_cast %add3A_231 : i32 to index
    %get3A_235 = tpu.vector_load %arg7[%get3A_234] {strides = array<i32>} : memref<16384xf32, #tpu.memory_space<vmem>>, vector<16xf32>,
    %max3A_236 = arith.constant 0.000000e+00 : f32
    %max3A_237 = vector.broadcast %max3A_236 : f32 to vector<16xf32>
    %max3A_238 = arith.maximumf %get3A_235, %max3A_237 : vector<16xf32>
    %add3A_239 = vector.broadcast %add3A_231 : i32 to vector<16xi32>
    %add3A_240 = arith.addi %add3A_239, %iota3A : vector<16xi32>
    %shift_right_arithmetic3A_241 = arith.constant 3 : i32
    %shift_right_arithmetic3A_242 = vector.broadcast %shift_right_arithmetic3A_241 : i32 to vector<16xi32>
    %shift_right_arithmetic3A_243 = arith.shrsi %add3A_240, %shift_right_arithmetic3A_242 : vector<16xi32>
    %sub3A_244 = vector.broadcast %add3A_5 : i32 to vector<16xi32>
    %sub3A_245 = arith.subi %shift_right_arithmetic3A_243, %sub3A_244 : vector<16xi32>
    %mul3A_246 = arith.constant 2048 : i32
    %mul3A_247 = vector.broadcast %mul3A_246 : i32 to vector<16xi32>
    %mul3A_248 = arith.muli %sub3A_245, %mul3A_247 : vector<16xi32>
    %add3A_249 = arith.addi %mul3A_248, %get3A_233 : vector<16xi32>
    tpu.vector_store_idx %arg5[%add3A_249], %max3A_238 : memref<65536xf32, #tpu.memory_space<vmem>>[vector<16xi32>], vector<16xf32>,
    %mul3A_250 = arith.constant 8 : i32
    %mul3A_251 = arith.muli %add3A_5, %mul3A_250 : i32
    %add3A_252 = arith.constant 176 : i32
    %add3A_253 = arith.addi %mul3A_251, %add3A_252 : i32
    %get3A_254 = arith.index_cast %add3A_253 : i32 to index
    %get3A_255 = tpu.vector_load %arg6[%get3A_254] {strides = array<i32>} : memref<16384xi32, #tpu.memory_space<vmem>>, vector<16xi32>,
    %get3A_256 = arith.index_cast %add3A_253 : i32 to index
    %get3A_257 = tpu.vector_load %arg7[%get3A_256] {strides = array<i32>} : memref<16384xf32, #tpu.memory_space<vmem>>, vector<16xf32>,
    %max3A_258 = arith.constant 0.000000e+00 : f32
    %max3A_259 = vector.broadcast %max3A_258 : f32 to vector<16xf32>
    %max3A_260 = arith.maximumf %get3A_257, %max3A_259 : vector<16xf32>
    %add3A_261 = vector.broadcast %add3A_253 : i32 to vector<16xi32>
    %add3A_262 = arith.addi %add3A_261, %iota3A : vector<16xi32>
    %shift_right_arithmetic3A_263 = arith.constant 3 : i32
    %shift_right_arithmetic3A_264 = vector.broadcast %shift_right_arithmetic3A_263 : i32 to vector<16xi32>
    %shift_right_arithmetic3A_265 = arith.shrsi %add3A_262, %shift_right_arithmetic3A_264 : vector<16xi32>
    %sub3A_266 = vector.broadcast %add3A_5 : i32 to vector<16xi32>
    %sub3A_267 = arith.subi %shift_right_arithmetic3A_265, %sub3A_266 : vector<16xi32>
    %mul3A_268 = arith.constant 2048 : i32
    %mul3A_269 = vector.broadcast %mul3A_268 : i32 to vector<16xi32>
    %mul3A_270 = arith.muli %sub3A_267, %mul3A_269 : vector<16xi32>
    %add3A_271 = arith.addi %mul3A_270, %get3A_255 : vector<16xi32>
    tpu.vector_store_idx %arg5[%add3A_271], %max3A_260 : memref<65536xf32, #tpu.memory_space<vmem>>[vector<16xi32>], vector<16xf32>,
    %mul3A_272 = arith.constant 8 : i32
    %mul3A_273 = arith.muli %add3A_5, %mul3A_272 : i32
    %add3A_274 = arith.constant 192 : i32
    %add3A_275 = arith.addi %mul3A_273, %add3A_274 : i32
    %get3A_276 = arith.index_cast %add3A_275 : i32 to index
    %get3A_277 = tpu.vector_load %arg6[%get3A_276] {strides = array<i32>} : memref<16384xi32, #tpu.memory_space<vmem>>, vector<16xi32>,
    %get3A_278 = arith.index_cast %add3A_275 : i32 to index
    %get3A_279 = tpu.vector_load %arg7[%get3A_278] {strides = array<i32>} : memref<16384xf32, #tpu.memory_space<vmem>>, vector<16xf32>,
    %max3A_280 = arith.constant 0.000000e+00 : f32
    %max3A_281 = vector.broadcast %max3A_280 : f32 to vector<16xf32>
    %max3A_282 = arith.maximumf %get3A_279, %max3A_281 : vector<16xf32>
    %add3A_283 = vector.broadcast %add3A_275 : i32 to vector<16xi32>
    %add3A_284 = arith.addi %add3A_283, %iota3A : vector<16xi32>
    %shift_right_arithmetic3A_285 = arith.constant 3 : i32
    %shift_right_arithmetic3A_286 = vector.broadcast %shift_right_arithmetic3A_285 : i32 to vector<16xi32>
    %shift_right_arithmetic3A_287 = arith.shrsi %add3A_284, %shift_right_arithmetic3A_286 : vector<16xi32>
    %sub3A_288 = vector.broadcast %add3A_5 : i32 to vector<16xi32>
    %sub3A_289 = arith.subi %shift_right_arithmetic3A_287, %sub3A_288 : vector<16xi32>
    %mul3A_290 = arith.constant 2048 : i32
    %mul3A_291 = vector.broadcast %mul3A_290 : i32 to vector<16xi32>
    %mul3A_292 = arith.muli %sub3A_289, %mul3A_291 : vector<16xi32>
    %add3A_293 = arith.addi %mul3A_292, %get3A_277 : vector<16xi32>
    tpu.vector_store_idx %arg5[%add3A_293], %max3A_282 : memref<65536xf32, #tpu.memory_space<vmem>>[vector<16xi32>], vector<16xf32>,
    %mul3A_294 = arith.constant 8 : i32
    %mul3A_295 = arith.muli %add3A_5, %mul3A_294 : i32
    %add3A_296 = arith.constant 208 : i32
    %add3A_297 = arith.addi %mul3A_295, %add3A_296 : i32
    %get3A_298 = arith.index_cast %add3A_297 : i32 to index
    %get3A_299 = tpu.vector_load %arg6[%get3A_298] {strides = array<i32>} : memref<16384xi32, #tpu.memory_space<vmem>>, vector<16xi32>,
    %get3A_300 = arith.index_cast %add3A_297 : i32 to index
    %get3A_301 = tpu.vector_load %arg7[%get3A_300] {strides = array<i32>} : memref<16384xf32, #tpu.memory_space<vmem>>, vector<16xf32>,
    %max3A_302 = arith.constant 0.000000e+00 : f32
    %max3A_303 = vector.broadcast %max3A_302 : f32 to vector<16xf32>
    %max3A_304 = arith.maximumf %get3A_301, %max3A_303 : vector<16xf32>
    %add3A_305 = vector.broadcast %add3A_297 : i32 to vector<16xi32>
    %add3A_306 = arith.addi %add3A_305, %iota3A : vector<16xi32>
    %shift_right_arithmetic3A_307 = arith.constant 3 : i32
    %shift_right_arithmetic3A_308 = vector.broadcast %shift_right_arithmetic3A_307 : i32 to vector<16xi32>
    %shift_right_arithmetic3A_309 = arith.shrsi %add3A_306, %shift_right_arithmetic3A_308 : vector<16xi32>
    %sub3A_310 = vector.broadcast %add3A_5 : i32 to vector<16xi32>
    %sub3A_311 = arith.subi %shift_right_arithmetic3A_309, %sub3A_310 : vector<16xi32>
    %mul3A_312 = arith.constant 2048 : i32
    %mul3A_313 = vector.broadcast %mul3A_312 : i32 to vector<16xi32>
    %mul3A_314 = arith.muli %sub3A_311, %mul3A_313 : vector<16xi32>
    %add3A_315 = arith.addi %mul3A_314, %get3A_299 : vector<16xi32>
    tpu.vector_store_idx %arg5[%add3A_315], %max3A_304 : memref<65536xf32, #tpu.memory_space<vmem>>[vector<16xi32>], vector<16xf32>,
    %mul3A_316 = arith.constant 8 : i32
    %mul3A_317 = arith.muli %add3A_5, %mul3A_316 : i32
    %add3A_318 = arith.constant 224 : i32
    %add3A_319 = arith.addi %mul3A_317, %add3A_318 : i32
    %get3A_320 = arith.index_cast %add3A_319 : i32 to index
    %get3A_321 = tpu.vector_load %arg6[%get3A_320] {strides = array<i32>} : memref<16384xi32, #tpu.memory_space<vmem>>, vector<16xi32>,
    %get3A_322 = arith.index_cast %add3A_319 : i32 to index
    %get3A_323 = tpu.vector_load %arg7[%get3A_322] {strides = array<i32>} : memref<16384xf32, #tpu.memory_space<vmem>>, vector<16xf32>,
    %max3A_324 = arith.constant 0.000000e+00 : f32
    %max3A_325 = vector.broadcast %max3A_324 : f32 to vector<16xf32>
    %max3A_326 = arith.maximumf %get3A_323, %max3A_325 : vector<16xf32>
    %add3A_327 = vector.broadcast %add3A_319 : i32 to vector<16xi32>
    %add3A_328 = arith.addi %add3A_327, %iota3A : vector<16xi32>
    %shift_right_arithmetic3A_329 = arith.constant 3 : i32
    %shift_right_arithmetic3A_330 = vector.broadcast %shift_right_arithmetic3A_329 : i32 to vector<16xi32>
    %shift_right_arithmetic3A_331 = arith.shrsi %add3A_328, %shift_right_arithmetic3A_330 : vector<16xi32>
    %sub3A_332 = vector.broadcast %add3A_5 : i32 to vector<16xi32>
    %sub3A_333 = arith.subi %shift_right_arithmetic3A_331, %sub3A_332 : vector<16xi32>
    %mul3A_334 = arith.constant 2048 : i32
    %mul3A_335 = vector.broadcast %mul3A_334 : i32 to vector<16xi32>
    %mul3A_336 = arith.muli %sub3A_333, %mul3A_335 : vector<16xi32>
    %add3A_337 = arith.addi %mul3A_336, %get3A_321 : vector<16xi32>
    tpu.vector_store_idx %arg5[%add3A_337], %max3A_326 : memref<65536xf32, #tpu.memory_space<vmem>>[vector<16xi32>], vector<16xf32>,
    %mul3A_338 = arith.constant 8 : i32
    %mul3A_339 = arith.muli %add3A_5, %mul3A_338 : i32
    %add3A_340 = arith.constant 240 : i32
    %add3A_341 = arith.addi %mul3A_339, %add3A_340 : i32
    %get3A_342 = arith.index_cast %add3A_341 : i32 to index
    %get3A_343 = tpu.vector_load %arg6[%get3A_342] {strides = array<i32>} : memref<16384xi32, #tpu.memory_space<vmem>>, vector<16xi32>,
    %get3A_344 = arith.index_cast %add3A_341 : i32 to index
    %get3A_345 = tpu.vector_load %arg7[%get3A_344] {strides = array<i32>} : memref<16384xf32, #tpu.memory_space<vmem>>, vector<16xf32>,
    %max3A_346 = arith.constant 0.000000e+00 : f32
    %max3A_347 = vector.broadcast %max3A_346 : f32 to vector<16xf32>
    %max3A_348 = arith.maximumf %get3A_345, %max3A_347 : vector<16xf32>
    %add3A_349 = vector.broadcast %add3A_341 : i32 to vector<16xi32>
    %add3A_350 = arith.addi %add3A_349, %iota3A : vector<16xi32>
    %shift_right_arithmetic3A_351 = arith.constant 3 : i32
    %shift_right_arithmetic3A_352 = vector.broadcast %shift_right_arithmetic3A_351 : i32 to vector<16xi32>
    %shift_right_arithmetic3A_353 = arith.shrsi %add3A_350, %shift_right_arithmetic3A_352 : vector<16xi32>
    %sub3A_354 = vector.broadcast %add3A_5 : i32 to vector<16xi32>
    %sub3A_355 = arith.subi %shift_right_arithmetic3A_353, %sub3A_354 : vector<16xi32>
    %mul3A_356 = arith.constant 2048 : i32
    %mul3A_357 = vector.broadcast %mul3A_356 : i32 to vector<16xi32>
    %mul3A_358 = arith.muli %sub3A_355, %mul3A_357 : vector<16xi32>
    %add3A_359 = arith.addi %mul3A_358, %get3A_343 : vector<16xi32>
    tpu.vector_store_idx %arg5[%add3A_359], %max3A_348 : memref<65536xf32, #tpu.memory_space<vmem>>[vector<16xi32>], vector<16xf32>,
    %scan3A_360 = arith.constant 0 : i32
    %scan3A_361 = arith.constant 0 : i32
    %scan3A_362 = arith.constant 512 : i32
    %scan3A_363 = arith.addi %scan3A_361, %scan3A_362 : i32
    %scan3A_364 = arith.constant 1 : i32
    %scan3A_365 = scf.for %scan3A_741 = %scan3A_361 to %scan3A_363 step %scan3A_364 iter_args(%scan3A_742 = %scan3A_360) -> (i32)  : i32 {
      %mul3A_743 = arith.constant 32 : i32
      %mul3A_744 = arith.muli %scan3A_741, %mul3A_743 : i32
      %add3A_745 = arith.constant 0 : i32
      %add3A_746 = arith.addi %mul3A_744, %add3A_745 : i32
      %get3A_747 = arith.index_cast %add3A_746 : i32 to index
      %get3A_748 = tpu.vector_load %arg6[%get3A_747] {strides = array<i32>} : memref<16384xi32, #tpu.memory_space<vmem>>, vector<16xi32>,
      %get3A_749 = arith.index_cast %add3A_746 : i32 to index
      %get3A_750 = tpu.vector_load %arg7[%get3A_749] {strides = array<i32>} : memref<16384xf32, #tpu.memory_space<vmem>>, vector<16xf32>,
      %max3A_751 = arith.constant 0.000000e+00 : f32
      %max3A_752 = vector.broadcast %max3A_751 : f32 to vector<16xf32>
      %max3A_753 = arith.maximumf %get3A_750, %max3A_752 : vector<16xf32>
      %add3A_754 = vector.broadcast %add3A_746 : i32 to vector<16xi32>
      %add3A_755 = arith.addi %add3A_754, %iota3A : vector<16xi32>
      %shift_right_arithmetic3A_756 = arith.constant 3 : i32
      %shift_right_arithmetic3A_757 = vector.broadcast %shift_right_arithmetic3A_756 : i32 to vector<16xi32>
      %shift_right_arithmetic3A_758 = arith.shrsi %add3A_755, %shift_right_arithmetic3A_757 : vector<16xi32>
      %ge3A = vector.broadcast %add3A_5 : i32 to vector<16xi32>
      %ge3A_759 = arith.cmpi sge, %get3A_748, %ge3A : vector<16xi32>
      %add3A_760 = arith.constant 32 : i32
      %add3A_761 = arith.addi %add3A_5, %add3A_760 : i32
      %lt3A = vector.broadcast %add3A_761 : i32 to vector<16xi32>
      %lt3A_762 = arith.cmpi slt, %get3A_748, %lt3A : vector<16xi32>
      %and3A = arith.andi %ge3A_759, %lt3A_762 : vector<16xi1>
      %sub3A_763 = vector.broadcast %add3A_5 : i32 to vector<16xi32>
      %sub3A_764 = arith.subi %get3A_748, %sub3A_763 : vector<16xi32>
      %mul3A_765 = arith.constant 2048 : i32
      %mul3A_766 = vector.broadcast %mul3A_765 : i32 to vector<16xi32>
      %mul3A_767 = arith.muli %sub3A_764, %mul3A_766 : vector<16xi32>
      %add3A_768 = arith.addi %mul3A_767, %shift_right_arithmetic3A_758 : vector<16xi32>
      %jit3A = arith.constant 0 : i32
      %broadcast_in_dim3A_769 = vector.broadcast %jit3A : i32 to vector<16xi32>
      %select_n3A = arith.select %and3A, %add3A_768, %broadcast_in_dim3A_769 : vector<16xi1>, vector<16xi32>
      tpu.vector_store_idx %arg5[%select_n3A], %max3A_753 masked %and3A : memref<65536xf32, #tpu.memory_space<vmem>>[vector<16xi32>], vector<16xf32>, vector<16xi1>
      %mul3A_770 = arith.constant 32 : i32
      %mul3A_771 = arith.muli %scan3A_741, %mul3A_770 : i32
      %add3A_772 = arith.constant 16 : i32
      %add3A_773 = arith.addi %mul3A_771, %add3A_772 : i32
      %get3A_774 = arith.index_cast %add3A_773 : i32 to index
      %get3A_775 = tpu.vector_load %arg6[%get3A_774] {strides = array<i32>} : memref<16384xi32, #tpu.memory_space<vmem>>, vector<16xi32>,
      %get3A_776 = arith.index_cast %add3A_773 : i32 to index
      %get3A_777 = tpu.vector_load %arg7[%get3A_776] {strides = array<i32>} : memref<16384xf32, #tpu.memory_space<vmem>>, vector<16xf32>,
      %max3A_778 = arith.constant 0.000000e+00 : f32
      %max3A_779 = vector.broadcast %max3A_778 : f32 to vector<16xf32>
      %max3A_780 = arith.maximumf %get3A_777, %max3A_779 : vector<16xf32>
      %add3A_781 = vector.broadcast %add3A_773 : i32 to vector<16xi32>
      %add3A_782 = arith.addi %add3A_781, %iota3A : vector<16xi32>
      %shift_right_arithmetic3A_783 = arith.constant 3 : i32
      %shift_right_arithmetic3A_784 = vector.broadcast %shift_right_arithmetic3A_783 : i32 to vector<16xi32>
      %shift_right_arithmetic3A_785 = arith.shrsi %add3A_782, %shift_right_arithmetic3A_784 : vector<16xi32>
      %ge3A_786 = vector.broadcast %add3A_5 : i32 to vector<16xi32>
      %ge3A_787 = arith.cmpi sge, %get3A_775, %ge3A_786 : vector<16xi32>
      %add3A_788 = arith.constant 32 : i32
      %add3A_789 = arith.addi %add3A_5, %add3A_788 : i32
      %lt3A_790 = vector.broadcast %add3A_789 : i32 to vector<16xi32>
      %lt3A_791 = arith.cmpi slt, %get3A_775, %lt3A_790 : vector<16xi32>
      %and3A_792 = arith.andi %ge3A_787, %lt3A_791 : vector<16xi1>
      %sub3A_793 = vector.broadcast %add3A_5 : i32 to vector<16xi32>
      %sub3A_794 = arith.subi %get3A_775, %sub3A_793 : vector<16xi32>
      %mul3A_795 = arith.constant 2048 : i32
      %mul3A_796 = vector.broadcast %mul3A_795 : i32 to vector<16xi32>
      %mul3A_797 = arith.muli %sub3A_794, %mul3A_796 : vector<16xi32>
      %add3A_798 = arith.addi %mul3A_797, %shift_right_arithmetic3A_785 : vector<16xi32>
      %jit3A_799 = arith.constant 0 : i32
      %broadcast_in_dim3A_800 = vector.broadcast %jit3A_799 : i32 to vector<16xi32>
      %select_n3A_801 = arith.select %and3A_792, %add3A_798, %broadcast_in_dim3A_800 : vector<16xi1>, vector<16xi32>
      tpu.vector_store_idx %arg5[%select_n3A_801], %max3A_780 masked %and3A_792 : memref<65536xf32, #tpu.memory_space<vmem>>[vector<16xi32>], vector<16xf32>, vector<16xi1>
      %scan3A_802 = arith.constant 0 : i32
      scf.yield %scan3A_802 : i32
    }
    %scan3A_366 = arith.constant 512 : i32
    %mul3A_367 = arith.constant 2048 : i32
    %mul3A_368 = arith.muli %add3A_5, %mul3A_367 : i32
    "tpu.region"() ({
      %run_scoped3A = tpu.sem_alloc : memref<!tpu.dma_semaphore, #tpu.memory_space<semaphore_mem>>
      %dma_start3A = tpu.memref_slice %arg4[%mul3A_368] : memref<4194304xf32, #tpu.memory_space<hbm>> -> memref<65536xf32, #tpu.memory_space<hbm>>
      %dma_start3A_741 = tpu.memref_slice %arg4[%mul3A_368] : memref<4194304xf32, #tpu.memory_space<hbm>> -> memref<65536xf32, #tpu.memory_space<hbm>>
      tpu.enqueue_dma source(%arg5 : memref<65536xf32, #tpu.memory_space<vmem>>) target(%dma_start3A_741 : memref<65536xf32, #tpu.memory_space<hbm>>) target_semaphore(%run_scoped3A : memref<!tpu.dma_semaphore, #tpu.memory_space<semaphore_mem>>)
      %dma_wait3A = tpu.memref_slice %arg4[%mul3A_368] : memref<4194304xf32, #tpu.memory_space<hbm>> -> memref<65536xf32, #tpu.memory_space<hbm>>
      %dma_wait3A_742 = tpu.memref_slice %arg4[%mul3A_368] : memref<4194304xf32, #tpu.memory_space<hbm>> -> memref<65536xf32, #tpu.memory_space<hbm>>
      tpu.wait_dma2 semaphore(%run_scoped3A : memref<!tpu.dma_semaphore, #tpu.memory_space<semaphore_mem>>) src(%arg5 : memref<65536xf32, #tpu.memory_space<vmem>>) dst(%dma_wait3A_742 : memref<65536xf32, #tpu.memory_space<hbm>>)
      tpu.yield
    }) : () -> ()
    %mul3A_369 = arith.constant 64 : i32
    %mul3A_370 = arith.muli %add3A, %mul3A_369 : i32
    %add3A_371 = arith.constant 32 : i32
    %add3A_372 = arith.addi %mul3A_370, %add3A_371 : i32
    %scan3A_373 = arith.constant 0 : i32
    %scan3A_374 = arith.constant 0 : i32
    %scan3A_375 = arith.constant 512 : i32
    %scan3A_376 = arith.addi %scan3A_374, %scan3A_375 : i32
    %scan3A_377 = arith.constant 1 : i32
    %scan3A_378 = scf.for %scan3A_741 = %scan3A_374 to %scan3A_376 step %scan3A_377 iter_args(%scan3A_742 = %scan3A_373) -> (i32)  : i32 {
      %mul3A_743 = arith.constant 128 : i32
      %mul3A_744 = arith.muli %scan3A_741, %mul3A_743 : i32
      %add3A_745 = arith.constant 0 : i32
      %add3A_746 = arith.addi %mul3A_744, %add3A_745 : i32
      %swap3A = arith.index_cast %add3A_746 : i32 to index
      %swap3A_747 = tpu.vector_load %arg5[%swap3A] {strides = array<i32>} : memref<65536xf32, #tpu.memory_space<vmem>>, vector<16xf32>,
      tpu.vector_store %arg5[%swap3A], %broadcast_in_dim3A_1 {strides = array<i32>} : memref<65536xf32, #tpu.memory_space<vmem>>, vector<16xf32>,
      %mul3A_748 = arith.constant 128 : i32
      %mul3A_749 = arith.muli %scan3A_741, %mul3A_748 : i32
      %add3A_750 = arith.constant 16 : i32
      %add3A_751 = arith.addi %mul3A_749, %add3A_750 : i32
      %swap3A_752 = arith.index_cast %add3A_751 : i32 to index
      %swap3A_753 = tpu.vector_load %arg5[%swap3A_752] {strides = array<i32>} : memref<65536xf32, #tpu.memory_space<vmem>>, vector<16xf32>,
      tpu.vector_store %arg5[%swap3A_752], %broadcast_in_dim3A_1 {strides = array<i32>} : memref<65536xf32, #tpu.memory_space<vmem>>, vector<16xf32>,
      %mul3A_754 = arith.constant 128 : i32
      %mul3A_755 = arith.muli %scan3A_741, %mul3A_754 : i32
      %add3A_756 = arith.constant 32 : i32
      %add3A_757 = arith.addi %mul3A_755, %add3A_756 : i32
      %swap3A_758 = arith.index_cast %add3A_757 : i32 to index
      %swap3A_759 = tpu.vector_load %arg5[%swap3A_758] {strides = array<i32>} : memref<65536xf32, #tpu.memory_space<vmem>>, vector<16xf32>,
      tpu.vector_store %arg5[%swap3A_758], %broadcast_in_dim3A_1 {strides = array<i32>} : memref<65536xf32, #tpu.memory_space<vmem>>, vector<16xf32>,
      %mul3A_760 = arith.constant 128 : i32
      %mul3A_761 = arith.muli %scan3A_741, %mul3A_760 : i32
      %add3A_762 = arith.constant 48 : i32
      %add3A_763 = arith.addi %mul3A_761, %add3A_762 : i32
      %swap3A_764 = arith.index_cast %add3A_763 : i32 to index
      %swap3A_765 = tpu.vector_load %arg5[%swap3A_764] {strides = array<i32>} : memref<65536xf32, #tpu.memory_space<vmem>>, vector<16xf32>,
      tpu.vector_store %arg5[%swap3A_764], %broadcast_in_dim3A_1 {strides = array<i32>} : memref<65536xf32, #tpu.memory_space<vmem>>, vector<16xf32>,
      %mul3A_766 = arith.constant 128 : i32
      %mul3A_767 = arith.muli %scan3A_741, %mul3A_766 : i32
      %add3A_768 = arith.constant 64 : i32
      %add3A_769 = arith.addi %mul3A_767, %add3A_768 : i32
      %swap3A_770 = arith.index_cast %add3A_769 : i32 to index
      %swap3A_771 = tpu.vector_load %arg5[%swap3A_770] {strides = array<i32>} : memref<65536xf32, #tpu.memory_space<vmem>>, vector<16xf32>,
      tpu.vector_store %arg5[%swap3A_770], %broadcast_in_dim3A_1 {strides = array<i32>} : memref<65536xf32, #tpu.memory_space<vmem>>, vector<16xf32>,
      %mul3A_772 = arith.constant 128 : i32
      %mul3A_773 = arith.muli %scan3A_741, %mul3A_772 : i32
      %add3A_774 = arith.constant 80 : i32
      %add3A_775 = arith.addi %mul3A_773, %add3A_774 : i32
      %swap3A_776 = arith.index_cast %add3A_775 : i32 to index
      %swap3A_777 = tpu.vector_load %arg5[%swap3A_776] {strides = array<i32>} : memref<65536xf32, #tpu.memory_space<vmem>>, vector<16xf32>,
      tpu.vector_store %arg5[%swap3A_776], %broadcast_in_dim3A_1 {strides = array<i32>} : memref<65536xf32, #tpu.memory_space<vmem>>, vector<16xf32>,
      %mul3A_778 = arith.constant 128 : i32
      %mul3A_779 = arith.muli %scan3A_741, %mul3A_778 : i32
      %add3A_780 = arith.constant 96 : i32
      %add3A_781 = arith.addi %mul3A_779, %add3A_780 : i32
      %swap3A_782 = arith.index_cast %add3A_781 : i32 to index
      %swap3A_783 = tpu.vector_load %arg5[%swap3A_782] {strides = array<i32>} : memref<65536xf32, #tpu.memory_space<vmem>>, vector<16xf32>,
      tpu.vector_store %arg5[%swap3A_782], %broadcast_in_dim3A_1 {strides = array<i32>} : memref<65536xf32, #tpu.memory_space<vmem>>, vector<16xf32>,
      %mul3A_784 = arith.constant 128 : i32
      %mul3A_785 = arith.muli %scan3A_741, %mul3A_784 : i32
      %add3A_786 = arith.constant 112 : i32
      %add3A_787 = arith.addi %mul3A_785, %add3A_786 : i32
      %swap3A_788 = arith.index_cast %add3A_787 : i32 to index
      %swap3A_789 = tpu.vector_load %arg5[%swap3A_788] {strides = array<i32>} : memref<65536xf32, #tpu.memory_space<vmem>>, vector<16xf32>,
      tpu.vector_store %arg5[%swap3A_788], %broadcast_in_dim3A_1 {strides = array<i32>} : memref<65536xf32, #tpu.memory_space<vmem>>, vector<16xf32>,
      %scan3A_790 = arith.constant 0 : i32
      scf.yield %scan3A_790 : i32
    }
    %scan3A_379 = arith.constant 512 : i32
    %mul3A_380 = arith.constant 8 : i32
    %mul3A_381 = arith.muli %add3A_372, %mul3A_380 : i32
    %add3A_382 = arith.constant 0 : i32
    %add3A_383 = arith.addi %mul3A_381, %add3A_382 : i32
    %get3A_384 = arith.index_cast %add3A_383 : i32 to index
    %get3A_385 = tpu.vector_load %arg6[%get3A_384] {strides = array<i32>} : memref<16384xi32, #tpu.memory_space<vmem>>, vector<16xi32>,
    %get3A_386 = arith.index_cast %add3A_383 : i32 to index
    %get3A_387 = tpu.vector_load %arg7[%get3A_386] {strides = array<i32>} : memref<16384xf32, #tpu.memory_space<vmem>>, vector<16xf32>,
    %max3A_388 = arith.constant 0.000000e+00 : f32
    %max3A_389 = vector.broadcast %max3A_388 : f32 to vector<16xf32>
    %max3A_390 = arith.maximumf %get3A_387, %max3A_389 : vector<16xf32>
    %add3A_391 = vector.broadcast %add3A_383 : i32 to vector<16xi32>
    %add3A_392 = arith.addi %add3A_391, %iota3A : vector<16xi32>
    %shift_right_arithmetic3A_393 = arith.constant 3 : i32
    %shift_right_arithmetic3A_394 = vector.broadcast %shift_right_arithmetic3A_393 : i32 to vector<16xi32>
    %shift_right_arithmetic3A_395 = arith.shrsi %add3A_392, %shift_right_arithmetic3A_394 : vector<16xi32>
    %sub3A_396 = vector.broadcast %add3A_372 : i32 to vector<16xi32>
    %sub3A_397 = arith.subi %shift_right_arithmetic3A_395, %sub3A_396 : vector<16xi32>
    %mul3A_398 = arith.constant 2048 : i32
    %mul3A_399 = vector.broadcast %mul3A_398 : i32 to vector<16xi32>
    %mul3A_400 = arith.muli %sub3A_397, %mul3A_399 : vector<16xi32>
    %add3A_401 = arith.addi %mul3A_400, %get3A_385 : vector<16xi32>
    tpu.vector_store_idx %arg5[%add3A_401], %max3A_390 : memref<65536xf32, #tpu.memory_space<vmem>>[vector<16xi32>], vector<16xf32>,
    %mul3A_402 = arith.constant 8 : i32
    %mul3A_403 = arith.muli %add3A_372, %mul3A_402 : i32
    %add3A_404 = arith.constant 16 : i32
    %add3A_405 = arith.addi %mul3A_403, %add3A_404 : i32
    %get3A_406 = arith.index_cast %add3A_405 : i32 to index
    %get3A_407 = tpu.vector_load %arg6[%get3A_406] {strides = array<i32>} : memref<16384xi32, #tpu.memory_space<vmem>>, vector<16xi32>,
    %get3A_408 = arith.index_cast %add3A_405 : i32 to index
    %get3A_409 = tpu.vector_load %arg7[%get3A_408] {strides = array<i32>} : memref<16384xf32, #tpu.memory_space<vmem>>, vector<16xf32>,
    %max3A_410 = arith.constant 0.000000e+00 : f32
    %max3A_411 = vector.broadcast %max3A_410 : f32 to vector<16xf32>
    %max3A_412 = arith.maximumf %get3A_409, %max3A_411 : vector<16xf32>
    %add3A_413 = vector.broadcast %add3A_405 : i32 to vector<16xi32>
    %add3A_414 = arith.addi %add3A_413, %iota3A : vector<16xi32>
    %shift_right_arithmetic3A_415 = arith.constant 3 : i32
    %shift_right_arithmetic3A_416 = vector.broadcast %shift_right_arithmetic3A_415 : i32 to vector<16xi32>
    %shift_right_arithmetic3A_417 = arith.shrsi %add3A_414, %shift_right_arithmetic3A_416 : vector<16xi32>
    %sub3A_418 = vector.broadcast %add3A_372 : i32 to vector<16xi32>
    %sub3A_419 = arith.subi %shift_right_arithmetic3A_417, %sub3A_418 : vector<16xi32>
    %mul3A_420 = arith.constant 2048 : i32
    %mul3A_421 = vector.broadcast %mul3A_420 : i32 to vector<16xi32>
    %mul3A_422 = arith.muli %sub3A_419, %mul3A_421 : vector<16xi32>
    %add3A_423 = arith.addi %mul3A_422, %get3A_407 : vector<16xi32>
    tpu.vector_store_idx %arg5[%add3A_423], %max3A_412 : memref<65536xf32, #tpu.memory_space<vmem>>[vector<16xi32>], vector<16xf32>,
    %mul3A_424 = arith.constant 8 : i32
    %mul3A_425 = arith.muli %add3A_372, %mul3A_424 : i32
    %add3A_426 = arith.constant 32 : i32
    %add3A_427 = arith.addi %mul3A_425, %add3A_426 : i32
    %get3A_428 = arith.index_cast %add3A_427 : i32 to index
    %get3A_429 = tpu.vector_load %arg6[%get3A_428] {strides = array<i32>} : memref<16384xi32, #tpu.memory_space<vmem>>, vector<16xi32>,
    %get3A_430 = arith.index_cast %add3A_427 : i32 to index
    %get3A_431 = tpu.vector_load %arg7[%get3A_430] {strides = array<i32>} : memref<16384xf32, #tpu.memory_space<vmem>>, vector<16xf32>,
    %max3A_432 = arith.constant 0.000000e+00 : f32
    %max3A_433 = vector.broadcast %max3A_432 : f32 to vector<16xf32>
    %max3A_434 = arith.maximumf %get3A_431, %max3A_433 : vector<16xf32>
    %add3A_435 = vector.broadcast %add3A_427 : i32 to vector<16xi32>
    %add3A_436 = arith.addi %add3A_435, %iota3A : vector<16xi32>
    %shift_right_arithmetic3A_437 = arith.constant 3 : i32
    %shift_right_arithmetic3A_438 = vector.broadcast %shift_right_arithmetic3A_437 : i32 to vector<16xi32>
    %shift_right_arithmetic3A_439 = arith.shrsi %add3A_436, %shift_right_arithmetic3A_438 : vector<16xi32>
    %sub3A_440 = vector.broadcast %add3A_372 : i32 to vector<16xi32>
    %sub3A_441 = arith.subi %shift_right_arithmetic3A_439, %sub3A_440 : vector<16xi32>
    %mul3A_442 = arith.constant 2048 : i32
    %mul3A_443 = vector.broadcast %mul3A_442 : i32 to vector<16xi32>
    %mul3A_444 = arith.muli %sub3A_441, %mul3A_443 : vector<16xi32>
    %add3A_445 = arith.addi %mul3A_444, %get3A_429 : vector<16xi32>
    tpu.vector_store_idx %arg5[%add3A_445], %max3A_434 : memref<65536xf32, #tpu.memory_space<vmem>>[vector<16xi32>], vector<16xf32>,
    %mul3A_446 = arith.constant 8 : i32
    %mul3A_447 = arith.muli %add3A_372, %mul3A_446 : i32
    %add3A_448 = arith.constant 48 : i32
    %add3A_449 = arith.addi %mul3A_447, %add3A_448 : i32
    %get3A_450 = arith.index_cast %add3A_449 : i32 to index
    %get3A_451 = tpu.vector_load %arg6[%get3A_450] {strides = array<i32>} : memref<16384xi32, #tpu.memory_space<vmem>>, vector<16xi32>,
    %get3A_452 = arith.index_cast %add3A_449 : i32 to index
    %get3A_453 = tpu.vector_load %arg7[%get3A_452] {strides = array<i32>} : memref<16384xf32, #tpu.memory_space<vmem>>, vector<16xf32>,
    %max3A_454 = arith.constant 0.000000e+00 : f32
    %max3A_455 = vector.broadcast %max3A_454 : f32 to vector<16xf32>
    %max3A_456 = arith.maximumf %get3A_453, %max3A_455 : vector<16xf32>
    %add3A_457 = vector.broadcast %add3A_449 : i32 to vector<16xi32>
    %add3A_458 = arith.addi %add3A_457, %iota3A : vector<16xi32>
    %shift_right_arithmetic3A_459 = arith.constant 3 : i32
    %shift_right_arithmetic3A_460 = vector.broadcast %shift_right_arithmetic3A_459 : i32 to vector<16xi32>
    %shift_right_arithmetic3A_461 = arith.shrsi %add3A_458, %shift_right_arithmetic3A_460 : vector<16xi32>
    %sub3A_462 = vector.broadcast %add3A_372 : i32 to vector<16xi32>
    %sub3A_463 = arith.subi %shift_right_arithmetic3A_461, %sub3A_462 : vector<16xi32>
    %mul3A_464 = arith.constant 2048 : i32
    %mul3A_465 = vector.broadcast %mul3A_464 : i32 to vector<16xi32>
    %mul3A_466 = arith.muli %sub3A_463, %mul3A_465 : vector<16xi32>
    %add3A_467 = arith.addi %mul3A_466, %get3A_451 : vector<16xi32>
    tpu.vector_store_idx %arg5[%add3A_467], %max3A_456 : memref<65536xf32, #tpu.memory_space<vmem>>[vector<16xi32>], vector<16xf32>,
    %mul3A_468 = arith.constant 8 : i32
    %mul3A_469 = arith.muli %add3A_372, %mul3A_468 : i32
    %add3A_470 = arith.constant 64 : i32
    %add3A_471 = arith.addi %mul3A_469, %add3A_470 : i32
    %get3A_472 = arith.index_cast %add3A_471 : i32 to index
    %get3A_473 = tpu.vector_load %arg6[%get3A_472] {strides = array<i32>} : memref<16384xi32, #tpu.memory_space<vmem>>, vector<16xi32>,
    %get3A_474 = arith.index_cast %add3A_471 : i32 to index
    %get3A_475 = tpu.vector_load %arg7[%get3A_474] {strides = array<i32>} : memref<16384xf32, #tpu.memory_space<vmem>>, vector<16xf32>,
    %max3A_476 = arith.constant 0.000000e+00 : f32
    %max3A_477 = vector.broadcast %max3A_476 : f32 to vector<16xf32>
    %max3A_478 = arith.maximumf %get3A_475, %max3A_477 : vector<16xf32>
    %add3A_479 = vector.broadcast %add3A_471 : i32 to vector<16xi32>
    %add3A_480 = arith.addi %add3A_479, %iota3A : vector<16xi32>
    %shift_right_arithmetic3A_481 = arith.constant 3 : i32
    %shift_right_arithmetic3A_482 = vector.broadcast %shift_right_arithmetic3A_481 : i32 to vector<16xi32>
    %shift_right_arithmetic3A_483 = arith.shrsi %add3A_480, %shift_right_arithmetic3A_482 : vector<16xi32>
    %sub3A_484 = vector.broadcast %add3A_372 : i32 to vector<16xi32>
    %sub3A_485 = arith.subi %shift_right_arithmetic3A_483, %sub3A_484 : vector<16xi32>
    %mul3A_486 = arith.constant 2048 : i32
    %mul3A_487 = vector.broadcast %mul3A_486 : i32 to vector<16xi32>
    %mul3A_488 = arith.muli %sub3A_485, %mul3A_487 : vector<16xi32>
    %add3A_489 = arith.addi %mul3A_488, %get3A_473 : vector<16xi32>
    tpu.vector_store_idx %arg5[%add3A_489], %max3A_478 : memref<65536xf32, #tpu.memory_space<vmem>>[vector<16xi32>], vector<16xf32>,
    %mul3A_490 = arith.constant 8 : i32
    %mul3A_491 = arith.muli %add3A_372, %mul3A_490 : i32
    %add3A_492 = arith.constant 80 : i32
    %add3A_493 = arith.addi %mul3A_491, %add3A_492 : i32
    %get3A_494 = arith.index_cast %add3A_493 : i32 to index
    %get3A_495 = tpu.vector_load %arg6[%get3A_494] {strides = array<i32>} : memref<16384xi32, #tpu.memory_space<vmem>>, vector<16xi32>,
    %get3A_496 = arith.index_cast %add3A_493 : i32 to index
    %get3A_497 = tpu.vector_load %arg7[%get3A_496] {strides = array<i32>} : memref<16384xf32, #tpu.memory_space<vmem>>, vector<16xf32>,
    %max3A_498 = arith.constant 0.000000e+00 : f32
    %max3A_499 = vector.broadcast %max3A_498 : f32 to vector<16xf32>
    %max3A_500 = arith.maximumf %get3A_497, %max3A_499 : vector<16xf32>
    %add3A_501 = vector.broadcast %add3A_493 : i32 to vector<16xi32>
    %add3A_502 = arith.addi %add3A_501, %iota3A : vector<16xi32>
    %shift_right_arithmetic3A_503 = arith.constant 3 : i32
    %shift_right_arithmetic3A_504 = vector.broadcast %shift_right_arithmetic3A_503 : i32 to vector<16xi32>
    %shift_right_arithmetic3A_505 = arith.shrsi %add3A_502, %shift_right_arithmetic3A_504 : vector<16xi32>
    %sub3A_506 = vector.broadcast %add3A_372 : i32 to vector<16xi32>
    %sub3A_507 = arith.subi %shift_right_arithmetic3A_505, %sub3A_506 : vector<16xi32>
    %mul3A_508 = arith.constant 2048 : i32
    %mul3A_509 = vector.broadcast %mul3A_508 : i32 to vector<16xi32>
    %mul3A_510 = arith.muli %sub3A_507, %mul3A_509 : vector<16xi32>
    %add3A_511 = arith.addi %mul3A_510, %get3A_495 : vector<16xi32>
    tpu.vector_store_idx %arg5[%add3A_511], %max3A_500 : memref<65536xf32, #tpu.memory_space<vmem>>[vector<16xi32>], vector<16xf32>,
    %mul3A_512 = arith.constant 8 : i32
    %mul3A_513 = arith.muli %add3A_372, %mul3A_512 : i32
    %add3A_514 = arith.constant 96 : i32
    %add3A_515 = arith.addi %mul3A_513, %add3A_514 : i32
    %get3A_516 = arith.index_cast %add3A_515 : i32 to index
    %get3A_517 = tpu.vector_load %arg6[%get3A_516] {strides = array<i32>} : memref<16384xi32, #tpu.memory_space<vmem>>, vector<16xi32>,
    %get3A_518 = arith.index_cast %add3A_515 : i32 to index
    %get3A_519 = tpu.vector_load %arg7[%get3A_518] {strides = array<i32>} : memref<16384xf32, #tpu.memory_space<vmem>>, vector<16xf32>,
    %max3A_520 = arith.constant 0.000000e+00 : f32
    %max3A_521 = vector.broadcast %max3A_520 : f32 to vector<16xf32>
    %max3A_522 = arith.maximumf %get3A_519, %max3A_521 : vector<16xf32>
    %add3A_523 = vector.broadcast %add3A_515 : i32 to vector<16xi32>
    %add3A_524 = arith.addi %add3A_523, %iota3A : vector<16xi32>
    %shift_right_arithmetic3A_525 = arith.constant 3 : i32
    %shift_right_arithmetic3A_526 = vector.broadcast %shift_right_arithmetic3A_525 : i32 to vector<16xi32>
    %shift_right_arithmetic3A_527 = arith.shrsi %add3A_524, %shift_right_arithmetic3A_526 : vector<16xi32>
    %sub3A_528 = vector.broadcast %add3A_372 : i32 to vector<16xi32>
    %sub3A_529 = arith.subi %shift_right_arithmetic3A_527, %sub3A_528 : vector<16xi32>
    %mul3A_530 = arith.constant 2048 : i32
    %mul3A_531 = vector.broadcast %mul3A_530 : i32 to vector<16xi32>
    %mul3A_532 = arith.muli %sub3A_529, %mul3A_531 : vector<16xi32>
    %add3A_533 = arith.addi %mul3A_532, %get3A_517 : vector<16xi32>
    tpu.vector_store_idx %arg5[%add3A_533], %max3A_522 : memref<65536xf32, #tpu.memory_space<vmem>>[vector<16xi32>], vector<16xf32>,
    %mul3A_534 = arith.constant 8 : i32
    %mul3A_535 = arith.muli %add3A_372, %mul3A_534 : i32
    %add3A_536 = arith.constant 112 : i32
    %add3A_537 = arith.addi %mul3A_535, %add3A_536 : i32
    %get3A_538 = arith.index_cast %add3A_537 : i32 to index
    %get3A_539 = tpu.vector_load %arg6[%get3A_538] {strides = array<i32>} : memref<16384xi32, #tpu.memory_space<vmem>>, vector<16xi32>,
    %get3A_540 = arith.index_cast %add3A_537 : i32 to index
    %get3A_541 = tpu.vector_load %arg7[%get3A_540] {strides = array<i32>} : memref<16384xf32, #tpu.memory_space<vmem>>, vector<16xf32>,
    %max3A_542 = arith.constant 0.000000e+00 : f32
    %max3A_543 = vector.broadcast %max3A_542 : f32 to vector<16xf32>
    %max3A_544 = arith.maximumf %get3A_541, %max3A_543 : vector<16xf32>
    %add3A_545 = vector.broadcast %add3A_537 : i32 to vector<16xi32>
    %add3A_546 = arith.addi %add3A_545, %iota3A : vector<16xi32>
    %shift_right_arithmetic3A_547 = arith.constant 3 : i32
    %shift_right_arithmetic3A_548 = vector.broadcast %shift_right_arithmetic3A_547 : i32 to vector<16xi32>
    %shift_right_arithmetic3A_549 = arith.shrsi %add3A_546, %shift_right_arithmetic3A_548 : vector<16xi32>
    %sub3A_550 = vector.broadcast %add3A_372 : i32 to vector<16xi32>
    %sub3A_551 = arith.subi %shift_right_arithmetic3A_549, %sub3A_550 : vector<16xi32>
    %mul3A_552 = arith.constant 2048 : i32
    %mul3A_553 = vector.broadcast %mul3A_552 : i32 to vector<16xi32>
    %mul3A_554 = arith.muli %sub3A_551, %mul3A_553 : vector<16xi32>
    %add3A_555 = arith.addi %mul3A_554, %get3A_539 : vector<16xi32>
    tpu.vector_store_idx %arg5[%add3A_555], %max3A_544 : memref<65536xf32, #tpu.memory_space<vmem>>[vector<16xi32>], vector<16xf32>,
    %mul3A_556 = arith.constant 8 : i32
    %mul3A_557 = arith.muli %add3A_372, %mul3A_556 : i32
    %add3A_558 = arith.constant 128 : i32
    %add3A_559 = arith.addi %mul3A_557, %add3A_558 : i32
    %get3A_560 = arith.index_cast %add3A_559 : i32 to index
    %get3A_561 = tpu.vector_load %arg6[%get3A_560] {strides = array<i32>} : memref<16384xi32, #tpu.memory_space<vmem>>, vector<16xi32>,
    %get3A_562 = arith.index_cast %add3A_559 : i32 to index
    %get3A_563 = tpu.vector_load %arg7[%get3A_562] {strides = array<i32>} : memref<16384xf32, #tpu.memory_space<vmem>>, vector<16xf32>,
    %max3A_564 = arith.constant 0.000000e+00 : f32
    %max3A_565 = vector.broadcast %max3A_564 : f32 to vector<16xf32>
    %max3A_566 = arith.maximumf %get3A_563, %max3A_565 : vector<16xf32>
    %add3A_567 = vector.broadcast %add3A_559 : i32 to vector<16xi32>
    %add3A_568 = arith.addi %add3A_567, %iota3A : vector<16xi32>
    %shift_right_arithmetic3A_569 = arith.constant 3 : i32
    %shift_right_arithmetic3A_570 = vector.broadcast %shift_right_arithmetic3A_569 : i32 to vector<16xi32>
    %shift_right_arithmetic3A_571 = arith.shrsi %add3A_568, %shift_right_arithmetic3A_570 : vector<16xi32>
    %sub3A_572 = vector.broadcast %add3A_372 : i32 to vector<16xi32>
    %sub3A_573 = arith.subi %shift_right_arithmetic3A_571, %sub3A_572 : vector<16xi32>
    %mul3A_574 = arith.constant 2048 : i32
    %mul3A_575 = vector.broadcast %mul3A_574 : i32 to vector<16xi32>
    %mul3A_576 = arith.muli %sub3A_573, %mul3A_575 : vector<16xi32>
    %add3A_577 = arith.addi %mul3A_576, %get3A_561 : vector<16xi32>
    tpu.vector_store_idx %arg5[%add3A_577], %max3A_566 : memref<65536xf32, #tpu.memory_space<vmem>>[vector<16xi32>], vector<16xf32>,
    %mul3A_578 = arith.constant 8 : i32
    %mul3A_579 = arith.muli %add3A_372, %mul3A_578 : i32
    %add3A_580 = arith.constant 144 : i32
    %add3A_581 = arith.addi %mul3A_579, %add3A_580 : i32
    %get3A_582 = arith.index_cast %add3A_581 : i32 to index
    %get3A_583 = tpu.vector_load %arg6[%get3A_582] {strides = array<i32>} : memref<16384xi32, #tpu.memory_space<vmem>>, vector<16xi32>,
    %get3A_584 = arith.index_cast %add3A_581 : i32 to index
    %get3A_585 = tpu.vector_load %arg7[%get3A_584] {strides = array<i32>} : memref<16384xf32, #tpu.memory_space<vmem>>, vector<16xf32>,
    %max3A_586 = arith.constant 0.000000e+00 : f32
    %max3A_587 = vector.broadcast %max3A_586 : f32 to vector<16xf32>
    %max3A_588 = arith.maximumf %get3A_585, %max3A_587 : vector<16xf32>
    %add3A_589 = vector.broadcast %add3A_581 : i32 to vector<16xi32>
    %add3A_590 = arith.addi %add3A_589, %iota3A : vector<16xi32>
    %shift_right_arithmetic3A_591 = arith.constant 3 : i32
    %shift_right_arithmetic3A_592 = vector.broadcast %shift_right_arithmetic3A_591 : i32 to vector<16xi32>
    %shift_right_arithmetic3A_593 = arith.shrsi %add3A_590, %shift_right_arithmetic3A_592 : vector<16xi32>
    %sub3A_594 = vector.broadcast %add3A_372 : i32 to vector<16xi32>
    %sub3A_595 = arith.subi %shift_right_arithmetic3A_593, %sub3A_594 : vector<16xi32>
    %mul3A_596 = arith.constant 2048 : i32
    %mul3A_597 = vector.broadcast %mul3A_596 : i32 to vector<16xi32>
    %mul3A_598 = arith.muli %sub3A_595, %mul3A_597 : vector<16xi32>
    %add3A_599 = arith.addi %mul3A_598, %get3A_583 : vector<16xi32>
    tpu.vector_store_idx %arg5[%add3A_599], %max3A_588 : memref<65536xf32, #tpu.memory_space<vmem>>[vector<16xi32>], vector<16xf32>,
    %mul3A_600 = arith.constant 8 : i32
    %mul3A_601 = arith.muli %add3A_372, %mul3A_600 : i32
    %add3A_602 = arith.constant 160 : i32
    %add3A_603 = arith.addi %mul3A_601, %add3A_602 : i32
    %get3A_604 = arith.index_cast %add3A_603 : i32 to index
    %get3A_605 = tpu.vector_load %arg6[%get3A_604] {strides = array<i32>} : memref<16384xi32, #tpu.memory_space<vmem>>, vector<16xi32>,
    %get3A_606 = arith.index_cast %add3A_603 : i32 to index
    %get3A_607 = tpu.vector_load %arg7[%get3A_606] {strides = array<i32>} : memref<16384xf32, #tpu.memory_space<vmem>>, vector<16xf32>,
    %max3A_608 = arith.constant 0.000000e+00 : f32
    %max3A_609 = vector.broadcast %max3A_608 : f32 to vector<16xf32>
    %max3A_610 = arith.maximumf %get3A_607, %max3A_609 : vector<16xf32>
    %add3A_611 = vector.broadcast %add3A_603 : i32 to vector<16xi32>
    %add3A_612 = arith.addi %add3A_611, %iota3A : vector<16xi32>
    %shift_right_arithmetic3A_613 = arith.constant 3 : i32
    %shift_right_arithmetic3A_614 = vector.broadcast %shift_right_arithmetic3A_613 : i32 to vector<16xi32>
    %shift_right_arithmetic3A_615 = arith.shrsi %add3A_612, %shift_right_arithmetic3A_614 : vector<16xi32>
    %sub3A_616 = vector.broadcast %add3A_372 : i32 to vector<16xi32>
    %sub3A_617 = arith.subi %shift_right_arithmetic3A_615, %sub3A_616 : vector<16xi32>
    %mul3A_618 = arith.constant 2048 : i32
    %mul3A_619 = vector.broadcast %mul3A_618 : i32 to vector<16xi32>
    %mul3A_620 = arith.muli %sub3A_617, %mul3A_619 : vector<16xi32>
    %add3A_621 = arith.addi %mul3A_620, %get3A_605 : vector<16xi32>
    tpu.vector_store_idx %arg5[%add3A_621], %max3A_610 : memref<65536xf32, #tpu.memory_space<vmem>>[vector<16xi32>], vector<16xf32>,
    %mul3A_622 = arith.constant 8 : i32
    %mul3A_623 = arith.muli %add3A_372, %mul3A_622 : i32
    %add3A_624 = arith.constant 176 : i32
    %add3A_625 = arith.addi %mul3A_623, %add3A_624 : i32
    %get3A_626 = arith.index_cast %add3A_625 : i32 to index
    %get3A_627 = tpu.vector_load %arg6[%get3A_626] {strides = array<i32>} : memref<16384xi32, #tpu.memory_space<vmem>>, vector<16xi32>,
    %get3A_628 = arith.index_cast %add3A_625 : i32 to index
    %get3A_629 = tpu.vector_load %arg7[%get3A_628] {strides = array<i32>} : memref<16384xf32, #tpu.memory_space<vmem>>, vector<16xf32>,
    %max3A_630 = arith.constant 0.000000e+00 : f32
    %max3A_631 = vector.broadcast %max3A_630 : f32 to vector<16xf32>
    %max3A_632 = arith.maximumf %get3A_629, %max3A_631 : vector<16xf32>
    %add3A_633 = vector.broadcast %add3A_625 : i32 to vector<16xi32>
    %add3A_634 = arith.addi %add3A_633, %iota3A : vector<16xi32>
    %shift_right_arithmetic3A_635 = arith.constant 3 : i32
    %shift_right_arithmetic3A_636 = vector.broadcast %shift_right_arithmetic3A_635 : i32 to vector<16xi32>
    %shift_right_arithmetic3A_637 = arith.shrsi %add3A_634, %shift_right_arithmetic3A_636 : vector<16xi32>
    %sub3A_638 = vector.broadcast %add3A_372 : i32 to vector<16xi32>
    %sub3A_639 = arith.subi %shift_right_arithmetic3A_637, %sub3A_638 : vector<16xi32>
    %mul3A_640 = arith.constant 2048 : i32
    %mul3A_641 = vector.broadcast %mul3A_640 : i32 to vector<16xi32>
    %mul3A_642 = arith.muli %sub3A_639, %mul3A_641 : vector<16xi32>
    %add3A_643 = arith.addi %mul3A_642, %get3A_627 : vector<16xi32>
    tpu.vector_store_idx %arg5[%add3A_643], %max3A_632 : memref<65536xf32, #tpu.memory_space<vmem>>[vector<16xi32>], vector<16xf32>,
    %mul3A_644 = arith.constant 8 : i32
    %mul3A_645 = arith.muli %add3A_372, %mul3A_644 : i32
    %add3A_646 = arith.constant 192 : i32
    %add3A_647 = arith.addi %mul3A_645, %add3A_646 : i32
    %get3A_648 = arith.index_cast %add3A_647 : i32 to index
    %get3A_649 = tpu.vector_load %arg6[%get3A_648] {strides = array<i32>} : memref<16384xi32, #tpu.memory_space<vmem>>, vector<16xi32>,
    %get3A_650 = arith.index_cast %add3A_647 : i32 to index
    %get3A_651 = tpu.vector_load %arg7[%get3A_650] {strides = array<i32>} : memref<16384xf32, #tpu.memory_space<vmem>>, vector<16xf32>,
    %max3A_652 = arith.constant 0.000000e+00 : f32
    %max3A_653 = vector.broadcast %max3A_652 : f32 to vector<16xf32>
    %max3A_654 = arith.maximumf %get3A_651, %max3A_653 : vector<16xf32>
    %add3A_655 = vector.broadcast %add3A_647 : i32 to vector<16xi32>
    %add3A_656 = arith.addi %add3A_655, %iota3A : vector<16xi32>
    %shift_right_arithmetic3A_657 = arith.constant 3 : i32
    %shift_right_arithmetic3A_658 = vector.broadcast %shift_right_arithmetic3A_657 : i32 to vector<16xi32>
    %shift_right_arithmetic3A_659 = arith.shrsi %add3A_656, %shift_right_arithmetic3A_658 : vector<16xi32>
    %sub3A_660 = vector.broadcast %add3A_372 : i32 to vector<16xi32>
    %sub3A_661 = arith.subi %shift_right_arithmetic3A_659, %sub3A_660 : vector<16xi32>
    %mul3A_662 = arith.constant 2048 : i32
    %mul3A_663 = vector.broadcast %mul3A_662 : i32 to vector<16xi32>
    %mul3A_664 = arith.muli %sub3A_661, %mul3A_663 : vector<16xi32>
    %add3A_665 = arith.addi %mul3A_664, %get3A_649 : vector<16xi32>
    tpu.vector_store_idx %arg5[%add3A_665], %max3A_654 : memref<65536xf32, #tpu.memory_space<vmem>>[vector<16xi32>], vector<16xf32>,
    %mul3A_666 = arith.constant 8 : i32
    %mul3A_667 = arith.muli %add3A_372, %mul3A_666 : i32
    %add3A_668 = arith.constant 208 : i32
    %add3A_669 = arith.addi %mul3A_667, %add3A_668 : i32
    %get3A_670 = arith.index_cast %add3A_669 : i32 to index
    %get3A_671 = tpu.vector_load %arg6[%get3A_670] {strides = array<i32>} : memref<16384xi32, #tpu.memory_space<vmem>>, vector<16xi32>,
    %get3A_672 = arith.index_cast %add3A_669 : i32 to index
    %get3A_673 = tpu.vector_load %arg7[%get3A_672] {strides = array<i32>} : memref<16384xf32, #tpu.memory_space<vmem>>, vector<16xf32>,
    %max3A_674 = arith.constant 0.000000e+00 : f32
    %max3A_675 = vector.broadcast %max3A_674 : f32 to vector<16xf32>
    %max3A_676 = arith.maximumf %get3A_673, %max3A_675 : vector<16xf32>
    %add3A_677 = vector.broadcast %add3A_669 : i32 to vector<16xi32>
    %add3A_678 = arith.addi %add3A_677, %iota3A : vector<16xi32>
    %shift_right_arithmetic3A_679 = arith.constant 3 : i32
    %shift_right_arithmetic3A_680 = vector.broadcast %shift_right_arithmetic3A_679 : i32 to vector<16xi32>
    %shift_right_arithmetic3A_681 = arith.shrsi %add3A_678, %shift_right_arithmetic3A_680 : vector<16xi32>
    %sub3A_682 = vector.broadcast %add3A_372 : i32 to vector<16xi32>
    %sub3A_683 = arith.subi %shift_right_arithmetic3A_681, %sub3A_682 : vector<16xi32>
    %mul3A_684 = arith.constant 2048 : i32
    %mul3A_685 = vector.broadcast %mul3A_684 : i32 to vector<16xi32>
    %mul3A_686 = arith.muli %sub3A_683, %mul3A_685 : vector<16xi32>
    %add3A_687 = arith.addi %mul3A_686, %get3A_671 : vector<16xi32>
    tpu.vector_store_idx %arg5[%add3A_687], %max3A_676 : memref<65536xf32, #tpu.memory_space<vmem>>[vector<16xi32>], vector<16xf32>,
    %mul3A_688 = arith.constant 8 : i32
    %mul3A_689 = arith.muli %add3A_372, %mul3A_688 : i32
    %add3A_690 = arith.constant 224 : i32
    %add3A_691 = arith.addi %mul3A_689, %add3A_690 : i32
    %get3A_692 = arith.index_cast %add3A_691 : i32 to index
    %get3A_693 = tpu.vector_load %arg6[%get3A_692] {strides = array<i32>} : memref<16384xi32, #tpu.memory_space<vmem>>, vector<16xi32>,
    %get3A_694 = arith.index_cast %add3A_691 : i32 to index
    %get3A_695 = tpu.vector_load %arg7[%get3A_694] {strides = array<i32>} : memref<16384xf32, #tpu.memory_space<vmem>>, vector<16xf32>,
    %max3A_696 = arith.constant 0.000000e+00 : f32
    %max3A_697 = vector.broadcast %max3A_696 : f32 to vector<16xf32>
    %max3A_698 = arith.maximumf %get3A_695, %max3A_697 : vector<16xf32>
    %add3A_699 = vector.broadcast %add3A_691 : i32 to vector<16xi32>
    %add3A_700 = arith.addi %add3A_699, %iota3A : vector<16xi32>
    %shift_right_arithmetic3A_701 = arith.constant 3 : i32
    %shift_right_arithmetic3A_702 = vector.broadcast %shift_right_arithmetic3A_701 : i32 to vector<16xi32>
    %shift_right_arithmetic3A_703 = arith.shrsi %add3A_700, %shift_right_arithmetic3A_702 : vector<16xi32>
    %sub3A_704 = vector.broadcast %add3A_372 : i32 to vector<16xi32>
    %sub3A_705 = arith.subi %shift_right_arithmetic3A_703, %sub3A_704 : vector<16xi32>
    %mul3A_706 = arith.constant 2048 : i32
    %mul3A_707 = vector.broadcast %mul3A_706 : i32 to vector<16xi32>
    %mul3A_708 = arith.muli %sub3A_705, %mul3A_707 : vector<16xi32>
    %add3A_709 = arith.addi %mul3A_708, %get3A_693 : vector<16xi32>
    tpu.vector_store_idx %arg5[%add3A_709], %max3A_698 : memref<65536xf32, #tpu.memory_space<vmem>>[vector<16xi32>], vector<16xf32>,
    %mul3A_710 = arith.constant 8 : i32
    %mul3A_711 = arith.muli %add3A_372, %mul3A_710 : i32
    %add3A_712 = arith.constant 240 : i32
    %add3A_713 = arith.addi %mul3A_711, %add3A_712 : i32
    %get3A_714 = arith.index_cast %add3A_713 : i32 to index
    %get3A_715 = tpu.vector_load %arg6[%get3A_714] {strides = array<i32>} : memref<16384xi32, #tpu.memory_space<vmem>>, vector<16xi32>,
    %get3A_716 = arith.index_cast %add3A_713 : i32 to index
    %get3A_717 = tpu.vector_load %arg7[%get3A_716] {strides = array<i32>} : memref<16384xf32, #tpu.memory_space<vmem>>, vector<16xf32>,
    %max3A_718 = arith.constant 0.000000e+00 : f32
    %max3A_719 = vector.broadcast %max3A_718 : f32 to vector<16xf32>
    %max3A_720 = arith.maximumf %get3A_717, %max3A_719 : vector<16xf32>
    %add3A_721 = vector.broadcast %add3A_713 : i32 to vector<16xi32>
    %add3A_722 = arith.addi %add3A_721, %iota3A : vector<16xi32>
    %shift_right_arithmetic3A_723 = arith.constant 3 : i32
    %shift_right_arithmetic3A_724 = vector.broadcast %shift_right_arithmetic3A_723 : i32 to vector<16xi32>
    %shift_right_arithmetic3A_725 = arith.shrsi %add3A_722, %shift_right_arithmetic3A_724 : vector<16xi32>
    %sub3A_726 = vector.broadcast %add3A_372 : i32 to vector<16xi32>
    %sub3A_727 = arith.subi %shift_right_arithmetic3A_725, %sub3A_726 : vector<16xi32>
    %mul3A_728 = arith.constant 2048 : i32
    %mul3A_729 = vector.broadcast %mul3A_728 : i32 to vector<16xi32>
    %mul3A_730 = arith.muli %sub3A_727, %mul3A_729 : vector<16xi32>
    %add3A_731 = arith.addi %mul3A_730, %get3A_715 : vector<16xi32>
    tpu.vector_store_idx %arg5[%add3A_731], %max3A_720 : memref<65536xf32, #tpu.memory_space<vmem>>[vector<16xi32>], vector<16xf32>,
    %scan3A_732 = arith.constant 0 : i32
    %scan3A_733 = arith.constant 0 : i32
    %scan3A_734 = arith.constant 512 : i32
    %scan3A_735 = arith.addi %scan3A_733, %scan3A_734 : i32
    %scan3A_736 = arith.constant 1 : i32
    %scan3A_737 = scf.for %scan3A_741 = %scan3A_733 to %scan3A_735 step %scan3A_736 iter_args(%scan3A_742 = %scan3A_732) -> (i32)  : i32 {
      %mul3A_743 = arith.constant 32 : i32
      %mul3A_744 = arith.muli %scan3A_741, %mul3A_743 : i32
      %add3A_745 = arith.constant 0 : i32
      %add3A_746 = arith.addi %mul3A_744, %add3A_745 : i32
      %get3A_747 = arith.index_cast %add3A_746 : i32 to index
      %get3A_748 = tpu.vector_load %arg6[%get3A_747] {strides = array<i32>} : memref<16384xi32, #tpu.memory_space<vmem>>, vector<16xi32>,
      %get3A_749 = arith.index_cast %add3A_746 : i32 to index
      %get3A_750 = tpu.vector_load %arg7[%get3A_749] {strides = array<i32>} : memref<16384xf32, #tpu.memory_space<vmem>>, vector<16xf32>,
      %max3A_751 = arith.constant 0.000000e+00 : f32
      %max3A_752 = vector.broadcast %max3A_751 : f32 to vector<16xf32>
      %max3A_753 = arith.maximumf %get3A_750, %max3A_752 : vector<16xf32>
      %add3A_754 = vector.broadcast %add3A_746 : i32 to vector<16xi32>
      %add3A_755 = arith.addi %add3A_754, %iota3A : vector<16xi32>
      %shift_right_arithmetic3A_756 = arith.constant 3 : i32
      %shift_right_arithmetic3A_757 = vector.broadcast %shift_right_arithmetic3A_756 : i32 to vector<16xi32>
      %shift_right_arithmetic3A_758 = arith.shrsi %add3A_755, %shift_right_arithmetic3A_757 : vector<16xi32>
      %ge3A = vector.broadcast %add3A_372 : i32 to vector<16xi32>
      %ge3A_759 = arith.cmpi sge, %get3A_748, %ge3A : vector<16xi32>
      %add3A_760 = arith.constant 32 : i32
      %add3A_761 = arith.addi %add3A_372, %add3A_760 : i32
      %lt3A = vector.broadcast %add3A_761 : i32 to vector<16xi32>
      %lt3A_762 = arith.cmpi slt, %get3A_748, %lt3A : vector<16xi32>
      %and3A = arith.andi %ge3A_759, %lt3A_762 : vector<16xi1>
      %sub3A_763 = vector.broadcast %add3A_372 : i32 to vector<16xi32>
      %sub3A_764 = arith.subi %get3A_748, %sub3A_763 : vector<16xi32>
      %mul3A_765 = arith.constant 2048 : i32
      %mul3A_766 = vector.broadcast %mul3A_765 : i32 to vector<16xi32>
      %mul3A_767 = arith.muli %sub3A_764, %mul3A_766 : vector<16xi32>
      %add3A_768 = arith.addi %mul3A_767, %shift_right_arithmetic3A_758 : vector<16xi32>
      %jit3A = arith.constant 0 : i32
      %broadcast_in_dim3A_769 = vector.broadcast %jit3A : i32 to vector<16xi32>
      %select_n3A = arith.select %and3A, %add3A_768, %broadcast_in_dim3A_769 : vector<16xi1>, vector<16xi32>
      tpu.vector_store_idx %arg5[%select_n3A], %max3A_753 masked %and3A : memref<65536xf32, #tpu.memory_space<vmem>>[vector<16xi32>], vector<16xf32>, vector<16xi1>
      %mul3A_770 = arith.constant 32 : i32
      %mul3A_771 = arith.muli %scan3A_741, %mul3A_770 : i32
      %add3A_772 = arith.constant 16 : i32
      %add3A_773 = arith.addi %mul3A_771, %add3A_772 : i32
      %get3A_774 = arith.index_cast %add3A_773 : i32 to index
      %get3A_775 = tpu.vector_load %arg6[%get3A_774] {strides = array<i32>} : memref<16384xi32, #tpu.memory_space<vmem>>, vector<16xi32>,
      %get3A_776 = arith.index_cast %add3A_773 : i32 to index
      %get3A_777 = tpu.vector_load %arg7[%get3A_776] {strides = array<i32>} : memref<16384xf32, #tpu.memory_space<vmem>>, vector<16xf32>,
      %max3A_778 = arith.constant 0.000000e+00 : f32
      %max3A_779 = vector.broadcast %max3A_778 : f32 to vector<16xf32>
      %max3A_780 = arith.maximumf %get3A_777, %max3A_779 : vector<16xf32>
      %add3A_781 = vector.broadcast %add3A_773 : i32 to vector<16xi32>
      %add3A_782 = arith.addi %add3A_781, %iota3A : vector<16xi32>
      %shift_right_arithmetic3A_783 = arith.constant 3 : i32
      %shift_right_arithmetic3A_784 = vector.broadcast %shift_right_arithmetic3A_783 : i32 to vector<16xi32>
      %shift_right_arithmetic3A_785 = arith.shrsi %add3A_782, %shift_right_arithmetic3A_784 : vector<16xi32>
      %ge3A_786 = vector.broadcast %add3A_372 : i32 to vector<16xi32>
      %ge3A_787 = arith.cmpi sge, %get3A_775, %ge3A_786 : vector<16xi32>
      %add3A_788 = arith.constant 32 : i32
      %add3A_789 = arith.addi %add3A_372, %add3A_788 : i32
      %lt3A_790 = vector.broadcast %add3A_789 : i32 to vector<16xi32>
      %lt3A_791 = arith.cmpi slt, %get3A_775, %lt3A_790 : vector<16xi32>
      %and3A_792 = arith.andi %ge3A_787, %lt3A_791 : vector<16xi1>
      %sub3A_793 = vector.broadcast %add3A_372 : i32 to vector<16xi32>
      %sub3A_794 = arith.subi %get3A_775, %sub3A_793 : vector<16xi32>
      %mul3A_795 = arith.constant 2048 : i32
      %mul3A_796 = vector.broadcast %mul3A_795 : i32 to vector<16xi32>
      %mul3A_797 = arith.muli %sub3A_794, %mul3A_796 : vector<16xi32>
      %add3A_798 = arith.addi %mul3A_797, %shift_right_arithmetic3A_785 : vector<16xi32>
      %jit3A_799 = arith.constant 0 : i32
      %broadcast_in_dim3A_800 = vector.broadcast %jit3A_799 : i32 to vector<16xi32>
      %select_n3A_801 = arith.select %and3A_792, %add3A_798, %broadcast_in_dim3A_800 : vector<16xi1>, vector<16xi32>
      tpu.vector_store_idx %arg5[%select_n3A_801], %max3A_780 masked %and3A_792 : memref<65536xf32, #tpu.memory_space<vmem>>[vector<16xi32>], vector<16xf32>, vector<16xi1>
      %scan3A_802 = arith.constant 0 : i32
      scf.yield %scan3A_802 : i32
    }
    %scan3A_738 = arith.constant 512 : i32
    %mul3A_739 = arith.constant 2048 : i32
    %mul3A_740 = arith.muli %add3A_372, %mul3A_739 : i32
    "tpu.region"() ({
      %run_scoped3A = tpu.sem_alloc : memref<!tpu.dma_semaphore, #tpu.memory_space<semaphore_mem>>
      %dma_start3A = tpu.memref_slice %arg4[%mul3A_740] : memref<4194304xf32, #tpu.memory_space<hbm>> -> memref<65536xf32, #tpu.memory_space<hbm>>
      %dma_start3A_741 = tpu.memref_slice %arg4[%mul3A_740] : memref<4194304xf32, #tpu.memory_space<hbm>> -> memref<65536xf32, #tpu.memory_space<hbm>>
      tpu.enqueue_dma source(%arg5 : memref<65536xf32, #tpu.memory_space<vmem>>) target(%dma_start3A_741 : memref<65536xf32, #tpu.memory_space<hbm>>) target_semaphore(%run_scoped3A : memref<!tpu.dma_semaphore, #tpu.memory_space<semaphore_mem>>)
      %dma_wait3A = tpu.memref_slice %arg4[%mul3A_740] : memref<4194304xf32, #tpu.memory_space<hbm>> -> memref<65536xf32, #tpu.memory_space<hbm>>
      %dma_wait3A_742 = tpu.memref_slice %arg4[%mul3A_740] : memref<4194304xf32, #tpu.memory_space<hbm>> -> memref<65536xf32, #tpu.memory_space<hbm>>
      tpu.wait_dma2 semaphore(%run_scoped3A : memref<!tpu.dma_semaphore, #tpu.memory_space<semaphore_mem>>) src(%arg5 : memref<65536xf32, #tpu.memory_space<vmem>>) dst(%dma_wait3A_742 : memref<65536xf32, #tpu.memory_space<hbm>>)
      tpu.yield
    }) : () -> ()
    return
  }
}

module attributes {stable_mosaic.version = 14 : i64} {
  func.func @_l2norm_kernel(%arg0: i32, %arg1: memref<256x512xf32, #tpu.memory_space<vmem>>, %arg2: memref<256x512xf32, #tpu.memory_space<vmem>>) attributes {dimension_semantics = [#tpu.dimension_semantics<arbitrary>], iteration_bounds = array<i64: 8>, scalar_prefetch = 0 : i64, scratch_operands = 0 : i64, tpu.core_type = #tpu.core_type<tc>, window_params = [{transform_indices = @transform_0, window_bounds = array<i64: 256, 512>}, {transform_indices = @transform_1, window_bounds = array<i64: 256, 512>}]} {
    %get3A = arith.constant 0 : index
    %get3A_0 = arith.constant 0 : index
    %get3A_1 = vector.load %arg1[%get3A, %get3A_0] : memref<256x512xf32, #tpu.memory_space<vmem>>, vector<256x512xf32>
    %mul3A = arith.mulf %get3A_1, %get3A_1 : vector<256x512xf32>
    %reduce_sum3A = arith.constant dense<0.000000e+00> : vector<256xf32>
    %reduce_sum3A_2 = vector.multi_reduction <add>, %mul3A, %reduce_sum3A [1] : vector<256x512xf32> to vector<256xf32>
    %broadcast_in_dim3A = vector.shape_cast %reduce_sum3A_2 : vector<256xf32> to vector<256x1xf32>
    %sqrt3A = math.sqrt %broadcast_in_dim3A : vector<256x1xf32>
    %max3A = arith.constant 9.99999996E-13 : f32
    %max3A_3 = vector.broadcast %max3A : f32 to vector<256x1xf32>
    %max3A_4 = arith.maximumf %sqrt3A, %max3A_3 : vector<256x1xf32>
    %div3A = vector.broadcast %max3A_4 : vector<256x1xf32> to vector<256x512xf32>
    %div3A_5 = arith.divf %get3A_1, %div3A : vector<256x512xf32>
    %swap3A = arith.constant 0 : index
    %swap3A_6 = arith.constant 0 : index
    %swap3A_7 = vector.load %arg2[%swap3A, %swap3A_6] : memref<256x512xf32, #tpu.memory_space<vmem>>, vector<256x512xf32>
    tpu.vector_store %arg2[%swap3A, %swap3A_6], %div3A_5 {strides = array<i32>} : memref<256x512xf32, #tpu.memory_space<vmem>>, vector<256x512xf32>,
    return
  }
  func.func @transform_0(%arg0: i32) -> (i32, i32) {
    %c0_i32 = arith.constant 0 : i32
    %c0_i32_0 = arith.constant 0 : i32
    return %arg0, %c0_i32 : i32, i32
  }
  func.func @transform_1(%arg0: i32) -> (i32, i32) {
    %c0_i32 = arith.constant 0 : i32
    %c0_i32_0 = arith.constant 0 : i32
    return %arg0, %c0_i32 : i32, i32
  }
}

module attributes {stable_mosaic.version = 14 : i64} {
  func.func @_simtopk_kernel(%arg0: i32, %arg1: memref<256x1xf32, #tpu.memory_space<vmem>>, %arg2: memref<1x2048xf32, #tpu.memory_space<vmem>>, %arg3: memref<256x512xf32, #tpu.memory_space<vmem>>, %arg4: memref<2048x512xf32, #tpu.memory_space<vmem>>, %arg5: memref<256x8xi32, #tpu.memory_space<vmem>>, %arg6: memref<256x8xf32, #tpu.memory_space<vmem>>) attributes {dimension_semantics = [#tpu.dimension_semantics<arbitrary>], iteration_bounds = array<i64: 8>, scalar_prefetch = 0 : i64, scratch_operands = 0 : i64, tpu.core_type = #tpu.core_type<tc>, window_params = [{transform_indices = @transform_0, window_bounds = array<i64: 256, 1>}, {pipeline_mode = #tpu.pipeline_mode<synchronous>, transform_indices = @transform_1, window_bounds = array<i64: 1, 2048>}, {transform_indices = @transform_2, window_bounds = array<i64: 256, 512>}, {pipeline_mode = #tpu.pipeline_mode<synchronous>, transform_indices = @transform_3, window_bounds = array<i64: 2048, 512>}, {transform_indices = @transform_4, window_bounds = array<i64: 256, 8>}, {transform_indices = @transform_5, window_bounds = array<i64: 256, 8>}]} {
    %get3A = arith.constant 0 : index
    %get3A_0 = arith.constant 0 : index
    %get3A_1 = vector.load %arg3[%get3A, %get3A_0] : memref<256x512xf32, #tpu.memory_space<vmem>>, vector<256x512xf32>
    %get3A_2 = arith.constant 0 : index
    %get3A_3 = arith.constant 0 : index
    %get3A_4 = vector.load %arg4[%get3A_2, %get3A_3] : memref<2048x512xf32, #tpu.memory_space<vmem>>, vector<2048x512xf32>
    %dot_general3A = arith.constant dense<0.000000e+00> : vector<256x2048xf32>
    %dot_general3A_5 = tpu.matmul %get3A_1, %get3A_4, %dot_general3A {dimension_numbers = #tpu.dot_dimension_numbers<[1], [1], [0], [0], [0, 0, 1, 0], [], []>, transpose_lhs_hint = false} : vector<256x512xf32>, vector<2048x512xf32>, vector<256x2048xf32> -> vector<256x2048xf32>
    %jit3A = arith.constant -1.000000e+00 : f32
    %jit3A_6 = arith.constant 1.000000e+00 : f32
    %max3A = vector.broadcast %jit3A : f32 to vector<256x2048xf32>
    %max3A_7 = arith.maximumf %max3A, %dot_general3A_5 : vector<256x2048xf32>
    %min3A = vector.broadcast %jit3A_6 : f32 to vector<256x2048xf32>
    %min3A_8 = arith.minimumf %min3A, %max3A_7 : vector<256x2048xf32>
    %iota3A = tpu.iota {dimensions = array<i32: 0>} : vector<256x2048xi32>
    %mul3A = arith.constant 256 : i32
    %mul3A_9 = arith.muli %arg0, %mul3A : i32
    %add3A = vector.broadcast %mul3A_9 : i32 to vector<256x2048xi32>
    %add3A_10 = arith.addi %iota3A, %add3A : vector<256x2048xi32>
    %iota3A_11 = tpu.iota {dimensions = array<i32: 1>} : vector<256x2048xi32>
    %get3A_12 = arith.constant 0 : index
    %get3A_13 = arith.constant 0 : index
    %get3A_14 = vector.load %arg1[%get3A_12, %get3A_13] : memref<256x1xf32, #tpu.memory_space<vmem>>, vector<256x1xf32>
    %get3A_15 = arith.constant 0 : index
    %get3A_16 = arith.constant 0 : index
    %get3A_17 = vector.load %arg2[%get3A_15, %get3A_16] : memref<1x2048xf32, #tpu.memory_space<vmem>>, vector<1x2048xf32>
    %eq3A = vector.broadcast %get3A_14 : vector<256x1xf32> to vector<256x2048xf32>
    %eq3A_18 = vector.broadcast %get3A_17 : vector<1x2048xf32> to vector<256x2048xf32>
    %eq3A_19 = arith.cmpf oeq, %eq3A, %eq3A_18 : vector<256x2048xf32>
    %ne3A = arith.cmpi ne, %add3A_10, %iota3A_11 : vector<256x2048xi32>
    %and3A = arith.andi %eq3A_19, %ne3A : vector<256x2048xi1>
    %mul3A_20 = arith.constant 5.242880e+05 : f32
    %mul3A_21 = vector.broadcast %mul3A_20 : f32 to vector<256x2048xf32>
    %mul3A_22 = arith.mulf %min3A_8, %mul3A_21 : vector<256x2048xf32>
    %convert_element_type3A = arith.fptosi %mul3A_22 : vector<256x2048xf32> to vector<256x2048xi32>
    %jit3A_23 = arith.constant -1048576 : i32
    %broadcast_in_dim3A = vector.broadcast %jit3A_23 : i32 to vector<256x2048xi32>
    %select_n3A = arith.select %and3A, %convert_element_type3A, %broadcast_in_dim3A : vector<256x2048xi1>, vector<256x2048xi32>
    %mul3A_24 = arith.constant 2048 : i32
    %mul3A_25 = vector.broadcast %mul3A_24 : i32 to vector<256x2048xi32>
    %mul3A_26 = arith.muli %select_n3A, %mul3A_25 : vector<256x2048xi32>
    %sub3A = arith.constant 2047 : i32
    %sub3A_27 = vector.broadcast %sub3A : i32 to vector<256x2048xi32>
    %sub3A_28 = arith.subi %sub3A_27, %iota3A_11 : vector<256x2048xi32>
    %add3A_29 = arith.addi %mul3A_26, %sub3A_28 : vector<256x2048xi32>
    %reduce_max3A = arith.constant dense<-2147483648> : vector<256xi32>
    %reduce_max3A_30 = vector.multi_reduction <maxsi>, %add3A_29, %reduce_max3A [1] : vector<256x2048xi32> to vector<256xi32>
    %broadcast_in_dim3A_31 = vector.shape_cast %reduce_max3A_30 : vector<256xi32> to vector<256x1xi32>
    %eq3A_32 = vector.broadcast %broadcast_in_dim3A_31 : vector<256x1xi32> to vector<256x2048xi32>
    %eq3A_33 = arith.cmpi eq, %add3A_29, %eq3A_32 : vector<256x2048xi32>
    %and3A_34 = arith.constant 2047 : i32
    %and3A_35 = vector.broadcast %and3A_34 : i32 to vector<256x1xi32>
    %and3A_36 = arith.andi %broadcast_in_dim3A_31, %and3A_35 : vector<256x1xi32>
    %sub3A_37 = arith.constant 2047 : i32
    %sub3A_38 = vector.broadcast %sub3A_37 : i32 to vector<256x1xi32>
    %sub3A_39 = arith.subi %sub3A_38, %and3A_36 : vector<256x1xi32>
    %swap3A = arith.constant 0 : index
    %swap3A_40 = arith.constant 0 : index
    %swap3A_41 = vector.load %arg5[%swap3A, %swap3A_40] : memref<256x8xi32, #tpu.memory_space<vmem>>, vector<256x1xi32>
    tpu.vector_store %arg5[%swap3A, %swap3A_40], %sub3A_39 {strides = array<i32>} : memref<256x8xi32, #tpu.memory_space<vmem>>, vector<256x1xi32>,
    %shift_right_arithmetic3A = arith.constant 11 : i32
    %shift_right_arithmetic3A_42 = vector.broadcast %shift_right_arithmetic3A : i32 to vector<256x1xi32>
    %shift_right_arithmetic3A_43 = arith.shrsi %broadcast_in_dim3A_31, %shift_right_arithmetic3A_42 : vector<256x1xi32>
    %convert_element_type3A_44 = arith.sitofp %shift_right_arithmetic3A_43 : vector<256x1xi32> to vector<256x1xf32>
    %mul3A_45 = arith.constant 1.90734863E-6 : f32
    %mul3A_46 = vector.broadcast %mul3A_45 : f32 to vector<256x1xf32>
    %mul3A_47 = arith.mulf %convert_element_type3A_44, %mul3A_46 : vector<256x1xf32>
    %swap3A_48 = arith.constant 0 : index
    %swap3A_49 = arith.constant 0 : index
    %swap3A_50 = vector.load %arg6[%swap3A_48, %swap3A_49] : memref<256x8xf32, #tpu.memory_space<vmem>>, vector<256x1xf32>
    tpu.vector_store %arg6[%swap3A_48, %swap3A_49], %mul3A_47 {strides = array<i32>} : memref<256x8xf32, #tpu.memory_space<vmem>>, vector<256x1xf32>,
    %jit3A_51 = arith.constant -2147483648 : i32
    %broadcast_in_dim3A_52 = vector.broadcast %jit3A_51 : i32 to vector<256x2048xi32>
    %select_n3A_53 = arith.select %eq3A_33, %broadcast_in_dim3A_52, %add3A_29 : vector<256x2048xi1>, vector<256x2048xi32>
    %reduce_max3A_54 = arith.constant dense<-2147483648> : vector<256xi32>
    %reduce_max3A_55 = vector.multi_reduction <maxsi>, %select_n3A_53, %reduce_max3A_54 [1] : vector<256x2048xi32> to vector<256xi32>
    %broadcast_in_dim3A_56 = vector.shape_cast %reduce_max3A_55 : vector<256xi32> to vector<256x1xi32>
    %eq3A_57 = vector.broadcast %broadcast_in_dim3A_56 : vector<256x1xi32> to vector<256x2048xi32>
    %eq3A_58 = arith.cmpi eq, %select_n3A_53, %eq3A_57 : vector<256x2048xi32>
    %and3A_59 = arith.constant 2047 : i32
    %and3A_60 = vector.broadcast %and3A_59 : i32 to vector<256x1xi32>
    %and3A_61 = arith.andi %broadcast_in_dim3A_56, %and3A_60 : vector<256x1xi32>
    %sub3A_62 = arith.constant 2047 : i32
    %sub3A_63 = vector.broadcast %sub3A_62 : i32 to vector<256x1xi32>
    %sub3A_64 = arith.subi %sub3A_63, %and3A_61 : vector<256x1xi32>
    %swap3A_65 = arith.constant 0 : index
    %swap3A_66 = arith.constant 1 : index
    %swap3A_67 = vector.load %arg5[%swap3A_65, %swap3A_66] : memref<256x8xi32, #tpu.memory_space<vmem>>, vector<256x1xi32>
    tpu.vector_store %arg5[%swap3A_65, %swap3A_66], %sub3A_64 {strides = array<i32>} : memref<256x8xi32, #tpu.memory_space<vmem>>, vector<256x1xi32>,
    %shift_right_arithmetic3A_68 = arith.constant 11 : i32
    %shift_right_arithmetic3A_69 = vector.broadcast %shift_right_arithmetic3A_68 : i32 to vector<256x1xi32>
    %shift_right_arithmetic3A_70 = arith.shrsi %broadcast_in_dim3A_56, %shift_right_arithmetic3A_69 : vector<256x1xi32>
    %convert_element_type3A_71 = arith.sitofp %shift_right_arithmetic3A_70 : vector<256x1xi32> to vector<256x1xf32>
    %mul3A_72 = arith.constant 1.90734863E-6 : f32
    %mul3A_73 = vector.broadcast %mul3A_72 : f32 to vector<256x1xf32>
    %mul3A_74 = arith.mulf %convert_element_type3A_71, %mul3A_73 : vector<256x1xf32>
    %swap3A_75 = arith.constant 0 : index
    %swap3A_76 = arith.constant 1 : index
    %swap3A_77 = vector.load %arg6[%swap3A_75, %swap3A_76] : memref<256x8xf32, #tpu.memory_space<vmem>>, vector<256x1xf32>
    tpu.vector_store %arg6[%swap3A_75, %swap3A_76], %mul3A_74 {strides = array<i32>} : memref<256x8xf32, #tpu.memory_space<vmem>>, vector<256x1xf32>,
    %jit3A_78 = arith.constant -2147483648 : i32
    %broadcast_in_dim3A_79 = vector.broadcast %jit3A_78 : i32 to vector<256x2048xi32>
    %select_n3A_80 = arith.select %eq3A_58, %broadcast_in_dim3A_79, %select_n3A_53 : vector<256x2048xi1>, vector<256x2048xi32>
    %reduce_max3A_81 = arith.constant dense<-2147483648> : vector<256xi32>
    %reduce_max3A_82 = vector.multi_reduction <maxsi>, %select_n3A_80, %reduce_max3A_81 [1] : vector<256x2048xi32> to vector<256xi32>
    %broadcast_in_dim3A_83 = vector.shape_cast %reduce_max3A_82 : vector<256xi32> to vector<256x1xi32>
    %eq3A_84 = vector.broadcast %broadcast_in_dim3A_83 : vector<256x1xi32> to vector<256x2048xi32>
    %eq3A_85 = arith.cmpi eq, %select_n3A_80, %eq3A_84 : vector<256x2048xi32>
    %and3A_86 = arith.constant 2047 : i32
    %and3A_87 = vector.broadcast %and3A_86 : i32 to vector<256x1xi32>
    %and3A_88 = arith.andi %broadcast_in_dim3A_83, %and3A_87 : vector<256x1xi32>
    %sub3A_89 = arith.constant 2047 : i32
    %sub3A_90 = vector.broadcast %sub3A_89 : i32 to vector<256x1xi32>
    %sub3A_91 = arith.subi %sub3A_90, %and3A_88 : vector<256x1xi32>
    %swap3A_92 = arith.constant 0 : index
    %swap3A_93 = arith.constant 2 : index
    %swap3A_94 = vector.load %arg5[%swap3A_92, %swap3A_93] : memref<256x8xi32, #tpu.memory_space<vmem>>, vector<256x1xi32>
    tpu.vector_store %arg5[%swap3A_92, %swap3A_93], %sub3A_91 {strides = array<i32>} : memref<256x8xi32, #tpu.memory_space<vmem>>, vector<256x1xi32>,
    %shift_right_arithmetic3A_95 = arith.constant 11 : i32
    %shift_right_arithmetic3A_96 = vector.broadcast %shift_right_arithmetic3A_95 : i32 to vector<256x1xi32>
    %shift_right_arithmetic3A_97 = arith.shrsi %broadcast_in_dim3A_83, %shift_right_arithmetic3A_96 : vector<256x1xi32>
    %convert_element_type3A_98 = arith.sitofp %shift_right_arithmetic3A_97 : vector<256x1xi32> to vector<256x1xf32>
    %mul3A_99 = arith.constant 1.90734863E-6 : f32
    %mul3A_100 = vector.broadcast %mul3A_99 : f32 to vector<256x1xf32>
    %mul3A_101 = arith.mulf %convert_element_type3A_98, %mul3A_100 : vector<256x1xf32>
    %swap3A_102 = arith.constant 0 : index
    %swap3A_103 = arith.constant 2 : index
    %swap3A_104 = vector.load %arg6[%swap3A_102, %swap3A_103] : memref<256x8xf32, #tpu.memory_space<vmem>>, vector<256x1xf32>
    tpu.vector_store %arg6[%swap3A_102, %swap3A_103], %mul3A_101 {strides = array<i32>} : memref<256x8xf32, #tpu.memory_space<vmem>>, vector<256x1xf32>,
    %jit3A_105 = arith.constant -2147483648 : i32
    %broadcast_in_dim3A_106 = vector.broadcast %jit3A_105 : i32 to vector<256x2048xi32>
    %select_n3A_107 = arith.select %eq3A_85, %broadcast_in_dim3A_106, %select_n3A_80 : vector<256x2048xi1>, vector<256x2048xi32>
    %reduce_max3A_108 = arith.constant dense<-2147483648> : vector<256xi32>
    %reduce_max3A_109 = vector.multi_reduction <maxsi>, %select_n3A_107, %reduce_max3A_108 [1] : vector<256x2048xi32> to vector<256xi32>
    %broadcast_in_dim3A_110 = vector.shape_cast %reduce_max3A_109 : vector<256xi32> to vector<256x1xi32>
    %eq3A_111 = vector.broadcast %broadcast_in_dim3A_110 : vector<256x1xi32> to vector<256x2048xi32>
    %eq3A_112 = arith.cmpi eq, %select_n3A_107, %eq3A_111 : vector<256x2048xi32>
    %and3A_113 = arith.constant 2047 : i32
    %and3A_114 = vector.broadcast %and3A_113 : i32 to vector<256x1xi32>
    %and3A_115 = arith.andi %broadcast_in_dim3A_110, %and3A_114 : vector<256x1xi32>
    %sub3A_116 = arith.constant 2047 : i32
    %sub3A_117 = vector.broadcast %sub3A_116 : i32 to vector<256x1xi32>
    %sub3A_118 = arith.subi %sub3A_117, %and3A_115 : vector<256x1xi32>
    %swap3A_119 = arith.constant 0 : index
    %swap3A_120 = arith.constant 3 : index
    %swap3A_121 = vector.load %arg5[%swap3A_119, %swap3A_120] : memref<256x8xi32, #tpu.memory_space<vmem>>, vector<256x1xi32>
    tpu.vector_store %arg5[%swap3A_119, %swap3A_120], %sub3A_118 {strides = array<i32>} : memref<256x8xi32, #tpu.memory_space<vmem>>, vector<256x1xi32>,
    %shift_right_arithmetic3A_122 = arith.constant 11 : i32
    %shift_right_arithmetic3A_123 = vector.broadcast %shift_right_arithmetic3A_122 : i32 to vector<256x1xi32>
    %shift_right_arithmetic3A_124 = arith.shrsi %broadcast_in_dim3A_110, %shift_right_arithmetic3A_123 : vector<256x1xi32>
    %convert_element_type3A_125 = arith.sitofp %shift_right_arithmetic3A_124 : vector<256x1xi32> to vector<256x1xf32>
    %mul3A_126 = arith.constant 1.90734863E-6 : f32
    %mul3A_127 = vector.broadcast %mul3A_126 : f32 to vector<256x1xf32>
    %mul3A_128 = arith.mulf %convert_element_type3A_125, %mul3A_127 : vector<256x1xf32>
    %swap3A_129 = arith.constant 0 : index
    %swap3A_130 = arith.constant 3 : index
    %swap3A_131 = vector.load %arg6[%swap3A_129, %swap3A_130] : memref<256x8xf32, #tpu.memory_space<vmem>>, vector<256x1xf32>
    tpu.vector_store %arg6[%swap3A_129, %swap3A_130], %mul3A_128 {strides = array<i32>} : memref<256x8xf32, #tpu.memory_space<vmem>>, vector<256x1xf32>,
    %jit3A_132 = arith.constant -2147483648 : i32
    %broadcast_in_dim3A_133 = vector.broadcast %jit3A_132 : i32 to vector<256x2048xi32>
    %select_n3A_134 = arith.select %eq3A_112, %broadcast_in_dim3A_133, %select_n3A_107 : vector<256x2048xi1>, vector<256x2048xi32>
    %reduce_max3A_135 = arith.constant dense<-2147483648> : vector<256xi32>
    %reduce_max3A_136 = vector.multi_reduction <maxsi>, %select_n3A_134, %reduce_max3A_135 [1] : vector<256x2048xi32> to vector<256xi32>
    %broadcast_in_dim3A_137 = vector.shape_cast %reduce_max3A_136 : vector<256xi32> to vector<256x1xi32>
    %eq3A_138 = vector.broadcast %broadcast_in_dim3A_137 : vector<256x1xi32> to vector<256x2048xi32>
    %eq3A_139 = arith.cmpi eq, %select_n3A_134, %eq3A_138 : vector<256x2048xi32>
    %and3A_140 = arith.constant 2047 : i32
    %and3A_141 = vector.broadcast %and3A_140 : i32 to vector<256x1xi32>
    %and3A_142 = arith.andi %broadcast_in_dim3A_137, %and3A_141 : vector<256x1xi32>
    %sub3A_143 = arith.constant 2047 : i32
    %sub3A_144 = vector.broadcast %sub3A_143 : i32 to vector<256x1xi32>
    %sub3A_145 = arith.subi %sub3A_144, %and3A_142 : vector<256x1xi32>
    %swap3A_146 = arith.constant 0 : index
    %swap3A_147 = arith.constant 4 : index
    %swap3A_148 = vector.load %arg5[%swap3A_146, %swap3A_147] : memref<256x8xi32, #tpu.memory_space<vmem>>, vector<256x1xi32>
    tpu.vector_store %arg5[%swap3A_146, %swap3A_147], %sub3A_145 {strides = array<i32>} : memref<256x8xi32, #tpu.memory_space<vmem>>, vector<256x1xi32>,
    %shift_right_arithmetic3A_149 = arith.constant 11 : i32
    %shift_right_arithmetic3A_150 = vector.broadcast %shift_right_arithmetic3A_149 : i32 to vector<256x1xi32>
    %shift_right_arithmetic3A_151 = arith.shrsi %broadcast_in_dim3A_137, %shift_right_arithmetic3A_150 : vector<256x1xi32>
    %convert_element_type3A_152 = arith.sitofp %shift_right_arithmetic3A_151 : vector<256x1xi32> to vector<256x1xf32>
    %mul3A_153 = arith.constant 1.90734863E-6 : f32
    %mul3A_154 = vector.broadcast %mul3A_153 : f32 to vector<256x1xf32>
    %mul3A_155 = arith.mulf %convert_element_type3A_152, %mul3A_154 : vector<256x1xf32>
    %swap3A_156 = arith.constant 0 : index
    %swap3A_157 = arith.constant 4 : index
    %swap3A_158 = vector.load %arg6[%swap3A_156, %swap3A_157] : memref<256x8xf32, #tpu.memory_space<vmem>>, vector<256x1xf32>
    tpu.vector_store %arg6[%swap3A_156, %swap3A_157], %mul3A_155 {strides = array<i32>} : memref<256x8xf32, #tpu.memory_space<vmem>>, vector<256x1xf32>,
    %jit3A_159 = arith.constant -2147483648 : i32
    %broadcast_in_dim3A_160 = vector.broadcast %jit3A_159 : i32 to vector<256x2048xi32>
    %select_n3A_161 = arith.select %eq3A_139, %broadcast_in_dim3A_160, %select_n3A_134 : vector<256x2048xi1>, vector<256x2048xi32>
    %reduce_max3A_162 = arith.constant dense<-2147483648> : vector<256xi32>
    %reduce_max3A_163 = vector.multi_reduction <maxsi>, %select_n3A_161, %reduce_max3A_162 [1] : vector<256x2048xi32> to vector<256xi32>
    %broadcast_in_dim3A_164 = vector.shape_cast %reduce_max3A_163 : vector<256xi32> to vector<256x1xi32>
    %eq3A_165 = vector.broadcast %broadcast_in_dim3A_164 : vector<256x1xi32> to vector<256x2048xi32>
    %eq3A_166 = arith.cmpi eq, %select_n3A_161, %eq3A_165 : vector<256x2048xi32>
    %and3A_167 = arith.constant 2047 : i32
    %and3A_168 = vector.broadcast %and3A_167 : i32 to vector<256x1xi32>
    %and3A_169 = arith.andi %broadcast_in_dim3A_164, %and3A_168 : vector<256x1xi32>
    %sub3A_170 = arith.constant 2047 : i32
    %sub3A_171 = vector.broadcast %sub3A_170 : i32 to vector<256x1xi32>
    %sub3A_172 = arith.subi %sub3A_171, %and3A_169 : vector<256x1xi32>
    %swap3A_173 = arith.constant 0 : index
    %swap3A_174 = arith.constant 5 : index
    %swap3A_175 = vector.load %arg5[%swap3A_173, %swap3A_174] : memref<256x8xi32, #tpu.memory_space<vmem>>, vector<256x1xi32>
    tpu.vector_store %arg5[%swap3A_173, %swap3A_174], %sub3A_172 {strides = array<i32>} : memref<256x8xi32, #tpu.memory_space<vmem>>, vector<256x1xi32>,
    %shift_right_arithmetic3A_176 = arith.constant 11 : i32
    %shift_right_arithmetic3A_177 = vector.broadcast %shift_right_arithmetic3A_176 : i32 to vector<256x1xi32>
    %shift_right_arithmetic3A_178 = arith.shrsi %broadcast_in_dim3A_164, %shift_right_arithmetic3A_177 : vector<256x1xi32>
    %convert_element_type3A_179 = arith.sitofp %shift_right_arithmetic3A_178 : vector<256x1xi32> to vector<256x1xf32>
    %mul3A_180 = arith.constant 1.90734863E-6 : f32
    %mul3A_181 = vector.broadcast %mul3A_180 : f32 to vector<256x1xf32>
    %mul3A_182 = arith.mulf %convert_element_type3A_179, %mul3A_181 : vector<256x1xf32>
    %swap3A_183 = arith.constant 0 : index
    %swap3A_184 = arith.constant 5 : index
    %swap3A_185 = vector.load %arg6[%swap3A_183, %swap3A_184] : memref<256x8xf32, #tpu.memory_space<vmem>>, vector<256x1xf32>
    tpu.vector_store %arg6[%swap3A_183, %swap3A_184], %mul3A_182 {strides = array<i32>} : memref<256x8xf32, #tpu.memory_space<vmem>>, vector<256x1xf32>,
    %jit3A_186 = arith.constant -2147483648 : i32
    %broadcast_in_dim3A_187 = vector.broadcast %jit3A_186 : i32 to vector<256x2048xi32>
    %select_n3A_188 = arith.select %eq3A_166, %broadcast_in_dim3A_187, %select_n3A_161 : vector<256x2048xi1>, vector<256x2048xi32>
    %reduce_max3A_189 = arith.constant dense<-2147483648> : vector<256xi32>
    %reduce_max3A_190 = vector.multi_reduction <maxsi>, %select_n3A_188, %reduce_max3A_189 [1] : vector<256x2048xi32> to vector<256xi32>
    %broadcast_in_dim3A_191 = vector.shape_cast %reduce_max3A_190 : vector<256xi32> to vector<256x1xi32>
    %eq3A_192 = vector.broadcast %broadcast_in_dim3A_191 : vector<256x1xi32> to vector<256x2048xi32>
    %eq3A_193 = arith.cmpi eq, %select_n3A_188, %eq3A_192 : vector<256x2048xi32>
    %and3A_194 = arith.constant 2047 : i32
    %and3A_195 = vector.broadcast %and3A_194 : i32 to vector<256x1xi32>
    %and3A_196 = arith.andi %broadcast_in_dim3A_191, %and3A_195 : vector<256x1xi32>
    %sub3A_197 = arith.constant 2047 : i32
    %sub3A_198 = vector.broadcast %sub3A_197 : i32 to vector<256x1xi32>
    %sub3A_199 = arith.subi %sub3A_198, %and3A_196 : vector<256x1xi32>
    %swap3A_200 = arith.constant 0 : index
    %swap3A_201 = arith.constant 6 : index
    %swap3A_202 = vector.load %arg5[%swap3A_200, %swap3A_201] : memref<256x8xi32, #tpu.memory_space<vmem>>, vector<256x1xi32>
    tpu.vector_store %arg5[%swap3A_200, %swap3A_201], %sub3A_199 {strides = array<i32>} : memref<256x8xi32, #tpu.memory_space<vmem>>, vector<256x1xi32>,
    %shift_right_arithmetic3A_203 = arith.constant 11 : i32
    %shift_right_arithmetic3A_204 = vector.broadcast %shift_right_arithmetic3A_203 : i32 to vector<256x1xi32>
    %shift_right_arithmetic3A_205 = arith.shrsi %broadcast_in_dim3A_191, %shift_right_arithmetic3A_204 : vector<256x1xi32>
    %convert_element_type3A_206 = arith.sitofp %shift_right_arithmetic3A_205 : vector<256x1xi32> to vector<256x1xf32>
    %mul3A_207 = arith.constant 1.90734863E-6 : f32
    %mul3A_208 = vector.broadcast %mul3A_207 : f32 to vector<256x1xf32>
    %mul3A_209 = arith.mulf %convert_element_type3A_206, %mul3A_208 : vector<256x1xf32>
    %swap3A_210 = arith.constant 0 : index
    %swap3A_211 = arith.constant 6 : index
    %swap3A_212 = vector.load %arg6[%swap3A_210, %swap3A_211] : memref<256x8xf32, #tpu.memory_space<vmem>>, vector<256x1xf32>
    tpu.vector_store %arg6[%swap3A_210, %swap3A_211], %mul3A_209 {strides = array<i32>} : memref<256x8xf32, #tpu.memory_space<vmem>>, vector<256x1xf32>,
    %jit3A_213 = arith.constant -2147483648 : i32
    %broadcast_in_dim3A_214 = vector.broadcast %jit3A_213 : i32 to vector<256x2048xi32>
    %select_n3A_215 = arith.select %eq3A_193, %broadcast_in_dim3A_214, %select_n3A_188 : vector<256x2048xi1>, vector<256x2048xi32>
    %reduce_max3A_216 = arith.constant dense<-2147483648> : vector<256xi32>
    %reduce_max3A_217 = vector.multi_reduction <maxsi>, %select_n3A_215, %reduce_max3A_216 [1] : vector<256x2048xi32> to vector<256xi32>
    %broadcast_in_dim3A_218 = vector.shape_cast %reduce_max3A_217 : vector<256xi32> to vector<256x1xi32>
    %and3A_219 = arith.constant 2047 : i32
    %and3A_220 = vector.broadcast %and3A_219 : i32 to vector<256x1xi32>
    %and3A_221 = arith.andi %broadcast_in_dim3A_218, %and3A_220 : vector<256x1xi32>
    %sub3A_222 = arith.constant 2047 : i32
    %sub3A_223 = vector.broadcast %sub3A_222 : i32 to vector<256x1xi32>
    %sub3A_224 = arith.subi %sub3A_223, %and3A_221 : vector<256x1xi32>
    %swap3A_225 = arith.constant 0 : index
    %swap3A_226 = arith.constant 7 : index
    %swap3A_227 = vector.load %arg5[%swap3A_225, %swap3A_226] : memref<256x8xi32, #tpu.memory_space<vmem>>, vector<256x1xi32>
    tpu.vector_store %arg5[%swap3A_225, %swap3A_226], %sub3A_224 {strides = array<i32>} : memref<256x8xi32, #tpu.memory_space<vmem>>, vector<256x1xi32>,
    %shift_right_arithmetic3A_228 = arith.constant 11 : i32
    %shift_right_arithmetic3A_229 = vector.broadcast %shift_right_arithmetic3A_228 : i32 to vector<256x1xi32>
    %shift_right_arithmetic3A_230 = arith.shrsi %broadcast_in_dim3A_218, %shift_right_arithmetic3A_229 : vector<256x1xi32>
    %convert_element_type3A_231 = arith.sitofp %shift_right_arithmetic3A_230 : vector<256x1xi32> to vector<256x1xf32>
    %mul3A_232 = arith.constant 1.90734863E-6 : f32
    %mul3A_233 = vector.broadcast %mul3A_232 : f32 to vector<256x1xf32>
    %mul3A_234 = arith.mulf %convert_element_type3A_231, %mul3A_233 : vector<256x1xf32>
    %swap3A_235 = arith.constant 0 : index
    %swap3A_236 = arith.constant 7 : index
    %swap3A_237 = vector.load %arg6[%swap3A_235, %swap3A_236] : memref<256x8xf32, #tpu.memory_space<vmem>>, vector<256x1xf32>
    tpu.vector_store %arg6[%swap3A_235, %swap3A_236], %mul3A_234 {strides = array<i32>} : memref<256x8xf32, #tpu.memory_space<vmem>>, vector<256x1xf32>,
    return
  }
  func.func @transform_0(%arg0: i32) -> (i32, i32) {
    %c0_i32 = arith.constant 0 : i32
    %c0_i32_0 = arith.constant 0 : i32
    return %arg0, %c0_i32 : i32, i32
  }
  func.func @transform_1(%arg0: i32) -> (i32, i32) {
    %c0_i32 = arith.constant 0 : i32
    %c0_i32_0 = arith.constant 0 : i32
    %c0_i32_1 = arith.constant 0 : i32
    return %c0_i32, %c0_i32_0 : i32, i32
  }
  func.func @transform_2(%arg0: i32) -> (i32, i32) {
    %c0_i32 = arith.constant 0 : i32
    %c0_i32_0 = arith.constant 0 : i32
    return %arg0, %c0_i32 : i32, i32
  }
  func.func @transform_3(%arg0: i32) -> (i32, i32) {
    %c0_i32 = arith.constant 0 : i32
    %c0_i32_0 = arith.constant 0 : i32
    %c0_i32_1 = arith.constant 0 : i32
    return %c0_i32, %c0_i32_0 : i32, i32
  }
  func.func @transform_4(%arg0: i32) -> (i32, i32) {
    %c0_i32 = arith.constant 0 : i32
    %c0_i32_0 = arith.constant 0 : i32
    return %arg0, %c0_i32 : i32, i32
  }
  func.func @transform_5(%arg0: i32) -> (i32, i32) {
    %c0_i32 = arith.constant 0 : i32
    %c0_i32_0 = arith.constant 0 : i32
    return %arg0, %c0_i32 : i32, i32
  }
}

module attributes {stable_mosaic.version = 14 : i64} {
  func.func @_mm_nt_kernel(%arg0: i32, %arg1: memref<256x512xf32, #tpu.memory_space<vmem>>, %arg2: memref<512x512xf32, #tpu.memory_space<vmem>>, %arg3: memref<256x512xf32, #tpu.memory_space<vmem>>) attributes {dimension_semantics = [#tpu.dimension_semantics<arbitrary>], iteration_bounds = array<i64: 8>, scalar_prefetch = 0 : i64, scratch_operands = 0 : i64, tpu.core_type = #tpu.core_type<tc>, window_params = [{transform_indices = @transform_0, window_bounds = array<i64: 256, 512>}, {pipeline_mode = #tpu.pipeline_mode<synchronous>, transform_indices = @transform_1, window_bounds = array<i64: 512, 512>}, {transform_indices = @transform_2, window_bounds = array<i64: 256, 512>}]} {
    %get3A = arith.constant 0 : index
    %get3A_0 = arith.constant 0 : index
    %get3A_1 = vector.load %arg1[%get3A, %get3A_0] : memref<256x512xf32, #tpu.memory_space<vmem>>, vector<256x512xf32>
    %get3A_2 = arith.constant 0 : index
    %get3A_3 = arith.constant 0 : index
    %get3A_4 = vector.load %arg2[%get3A_2, %get3A_3] : memref<512x512xf32, #tpu.memory_space<vmem>>, vector<512x512xf32>
    %dot_general3A = arith.constant dense<0.000000e+00> : vector<256x512xf32>
    %dot_general3A_5 = tpu.matmul %get3A_1, %get3A_4, %dot_general3A {dimension_numbers = #tpu.dot_dimension_numbers<[1], [1], [0], [0], [0, 0, 1, 0], [], []>, transpose_lhs_hint = false} : vector<256x512xf32>, vector<512x512xf32>, vector<256x512xf32> -> vector<256x512xf32>
    %swap3A = arith.constant 0 : index
    %swap3A_6 = arith.constant 0 : index
    %swap3A_7 = vector.load %arg3[%swap3A, %swap3A_6] : memref<256x512xf32, #tpu.memory_space<vmem>>, vector<256x512xf32>
    tpu.vector_store %arg3[%swap3A, %swap3A_6], %dot_general3A_5 {strides = array<i32>} : memref<256x512xf32, #tpu.memory_space<vmem>>, vector<256x512xf32>,
    return
  }
  func.func @transform_0(%arg0: i32) -> (i32, i32) {
    %c0_i32 = arith.constant 0 : i32
    %c0_i32_0 = arith.constant 0 : i32
    return %arg0, %c0_i32 : i32, i32
  }
  func.func @transform_1(%arg0: i32) -> (i32, i32) {
    %c0_i32 = arith.constant 0 : i32
    %c0_i32_0 = arith.constant 0 : i32
    %c0_i32_1 = arith.constant 0 : i32
    return %c0_i32, %c0_i32_0 : i32, i32
  }
  func.func @transform_2(%arg0: i32) -> (i32, i32) {
    %c0_i32 = arith.constant 0 : i32
    %c0_i32_0 = arith.constant 0 : i32
    return %arg0, %c0_i32 : i32, i32
  }
}

module attributes {stable_mosaic.version = 14 : i64} {
  func.func @_deg_kernel(%arg0: i32, %arg1: memref<256x2048xf32, #tpu.memory_space<vmem>>, %arg2: memref<256x1xf32, #tpu.memory_space<vmem>>) attributes {dimension_semantics = [#tpu.dimension_semantics<arbitrary>], iteration_bounds = array<i64: 8>, scalar_prefetch = 0 : i64, scratch_operands = 0 : i64, tpu.core_type = #tpu.core_type<tc>, window_params = [{transform_indices = @transform_0, window_bounds = array<i64: 256, 2048>}, {transform_indices = @transform_1, window_bounds = array<i64: 256, 1>}]} {
    %get3A = arith.constant 0 : index
    %get3A_0 = arith.constant 0 : index
    %get3A_1 = vector.load %arg1[%get3A, %get3A_0] : memref<256x2048xf32, #tpu.memory_space<vmem>>, vector<256x2048xf32>
    %reduce_sum3A = arith.constant dense<0.000000e+00> : vector<256xf32>
    %reduce_sum3A_2 = vector.multi_reduction <add>, %get3A_1, %reduce_sum3A [1] : vector<256x2048xf32> to vector<256xf32>
    %broadcast_in_dim3A = vector.shape_cast %reduce_sum3A_2 : vector<256xf32> to vector<256x1xf32>
    %mul3A = arith.constant 1.100000e+00 : f32
    %mul3A_3 = vector.broadcast %mul3A : f32 to vector<256x1xf32>
    %mul3A_4 = arith.mulf %mul3A_3, %broadcast_in_dim3A : vector<256x1xf32>
    %add3A = arith.constant 9.99999997E-7 : f32
    %add3A_5 = vector.broadcast %add3A : f32 to vector<256x1xf32>
    %add3A_6 = arith.addf %mul3A_4, %add3A_5 : vector<256x1xf32>
    %swap3A = arith.constant 0 : index
    %swap3A_7 = arith.constant 0 : index
    %swap3A_8 = vector.load %arg2[%swap3A, %swap3A_7] : memref<256x1xf32, #tpu.memory_space<vmem>>, vector<256x1xf32>
    tpu.vector_store %arg2[%swap3A, %swap3A_7], %add3A_6 {strides = array<i32>} : memref<256x1xf32, #tpu.memory_space<vmem>>, vector<256x1xf32>,
    return
  }
  func.func @transform_0(%arg0: i32) -> (i32, i32) {
    %c0_i32 = arith.constant 0 : i32
    %c0_i32_0 = arith.constant 0 : i32
    return %arg0, %c0_i32 : i32, i32
  }
  func.func @transform_1(%arg0: i32) -> (i32, i32) {
    %c0_i32 = arith.constant 0 : i32
    %c0_i32_0 = arith.constant 0 : i32
    return %arg0, %c0_i32 : i32, i32
  }
}

module attributes {stable_mosaic.version = 14 : i64} {
  func.func @_knorm_mm_kernel(%arg0: i32, %arg1: memref<256x2048xf32, #tpu.memory_space<vmem>>, %arg2: memref<256x1xf32, #tpu.memory_space<vmem>>, %arg3: memref<1x2048xf32, #tpu.memory_space<vmem>>, %arg4: memref<2048x512xf32, #tpu.memory_space<vmem>>, %arg5: memref<256x2048xf32, #tpu.memory_space<vmem>>, %arg6: memref<256x512xf32, #tpu.memory_space<vmem>>) attributes {dimension_semantics = [#tpu.dimension_semantics<arbitrary>], iteration_bounds = array<i64: 8>, scalar_prefetch = 0 : i64, scratch_operands = 0 : i64, tpu.core_type = #tpu.core_type<tc>, window_params = [{transform_indices = @transform_0, window_bounds = array<i64: 256, 2048>}, {transform_indices = @transform_1, window_bounds = array<i64: 256, 1>}, {pipeline_mode = #tpu.pipeline_mode<synchronous>, transform_indices = @transform_2, window_bounds = array<i64: 1, 2048>}, {pipeline_mode = #tpu.pipeline_mode<synchronous>, transform_indices = @transform_3, window_bounds = array<i64: 2048, 512>}, {transform_indices = @transform_4, window_bounds = array<i64: 256, 2048>}, {transform_indices = @transform_5, window_bounds = array<i64: 256, 512>}]} {
    %iota3A = tpu.iota {dimensions = array<i32: 0>} : vector<256x2048xi32>
    %mul3A = arith.constant 256 : i32
    %mul3A_0 = arith.muli %arg0, %mul3A : i32
    %add3A = vector.broadcast %mul3A_0 : i32 to vector<256x2048xi32>
    %add3A_1 = arith.addi %iota3A, %add3A : vector<256x2048xi32>
    %iota3A_2 = tpu.iota {dimensions = array<i32: 1>} : vector<256x2048xi32>
    %get3A = arith.constant 0 : index
    %get3A_3 = arith.constant 0 : index
    %get3A_4 = vector.load %arg1[%get3A, %get3A_3] : memref<256x2048xf32, #tpu.memory_space<vmem>>, vector<256x2048xf32>
    %mul3A_5 = arith.constant 1.100000e+00 : f32
    %mul3A_6 = vector.broadcast %mul3A_5 : f32 to vector<256x2048xf32>
    %mul3A_7 = arith.mulf %get3A_4, %mul3A_6 : vector<256x2048xf32>
    %eq3A = arith.cmpi eq, %add3A_1, %iota3A_2 : vector<256x2048xi32>
    %jit3A = arith.constant 9.99999997E-7 : f32
    %jit3A_8 = arith.constant 0.000000e+00 : f32
    %broadcast_in_dim3A = vector.broadcast %jit3A : f32 to vector<256x2048xf32>
    %broadcast_in_dim3A_9 = vector.broadcast %jit3A_8 : f32 to vector<256x2048xf32>
    %select_n3A = arith.select %eq3A, %broadcast_in_dim3A, %broadcast_in_dim3A_9 : vector<256x2048xi1>, vector<256x2048xf32>
    %add3A_10 = arith.addf %mul3A_7, %select_n3A : vector<256x2048xf32>
    %get3A_11 = arith.constant 0 : index
    %get3A_12 = arith.constant 0 : index
    %get3A_13 = vector.load %arg2[%get3A_11, %get3A_12] : memref<256x1xf32, #tpu.memory_space<vmem>>, vector<256x1xf32>
    %max3A = arith.constant 9.99999993E-9 : f32
    %max3A_14 = vector.broadcast %max3A : f32 to vector<256x1xf32>
    %max3A_15 = arith.maximumf %get3A_13, %max3A_14 : vector<256x1xf32>
    %rsqrt3A = math.rsqrt %max3A_15 : vector<256x1xf32>
    %get3A_16 = arith.constant 0 : index
    %get3A_17 = arith.constant 0 : index
    %get3A_18 = vector.load %arg3[%get3A_16, %get3A_17] : memref<1x2048xf32, #tpu.memory_space<vmem>>, vector<1x2048xf32>
    %max3A_19 = arith.constant 9.99999993E-9 : f32
    %max3A_20 = vector.broadcast %max3A_19 : f32 to vector<1x2048xf32>
    %max3A_21 = arith.maximumf %get3A_18, %max3A_20 : vector<1x2048xf32>
    %rsqrt3A_22 = math.rsqrt %max3A_21 : vector<1x2048xf32>
    %mul3A_23 = vector.broadcast %rsqrt3A : vector<256x1xf32> to vector<256x2048xf32>
    %mul3A_24 = arith.mulf %add3A_10, %mul3A_23 : vector<256x2048xf32>
    %mul3A_25 = vector.broadcast %rsqrt3A_22 : vector<1x2048xf32> to vector<256x2048xf32>
    %mul3A_26 = arith.mulf %mul3A_24, %mul3A_25 : vector<256x2048xf32>
    %swap3A = arith.constant 0 : index
    %swap3A_27 = arith.constant 0 : index
    %swap3A_28 = vector.load %arg5[%swap3A, %swap3A_27] : memref<256x2048xf32, #tpu.memory_space<vmem>>, vector<256x2048xf32>
    tpu.vector_store %arg5[%swap3A, %swap3A_27], %mul3A_26 {strides = array<i32>} : memref<256x2048xf32, #tpu.memory_space<vmem>>, vector<256x2048xf32>,
    %get3A_29 = arith.constant 0 : index
    %get3A_30 = arith.constant 0 : index
    %get3A_31 = vector.load %arg4[%get3A_29, %get3A_30] : memref<2048x512xf32, #tpu.memory_space<vmem>>, vector<2048x512xf32>
    %dot_general3A = arith.constant dense<0.000000e+00> : vector<256x512xf32>
    %dot_general3A_32 = tpu.matmul %mul3A_26, %get3A_31, %dot_general3A {dimension_numbers = #tpu.dot_dimension_numbers<[1], [0], [0], [1], [0, 0, 1, 1], [], []>, transpose_lhs_hint = false} : vector<256x2048xf32>, vector<2048x512xf32>, vector<256x512xf32> -> vector<256x512xf32>
    %swap3A_33 = arith.constant 0 : index
    %swap3A_34 = arith.constant 0 : index
    %swap3A_35 = vector.load %arg6[%swap3A_33, %swap3A_34] : memref<256x512xf32, #tpu.memory_space<vmem>>, vector<256x512xf32>
    tpu.vector_store %arg6[%swap3A_33, %swap3A_34], %dot_general3A_32 {strides = array<i32>} : memref<256x512xf32, #tpu.memory_space<vmem>>, vector<256x512xf32>,
    return
  }
  func.func @transform_0(%arg0: i32) -> (i32, i32) {
    %c0_i32 = arith.constant 0 : i32
    %c0_i32_0 = arith.constant 0 : i32
    return %arg0, %c0_i32 : i32, i32
  }
  func.func @transform_1(%arg0: i32) -> (i32, i32) {
    %c0_i32 = arith.constant 0 : i32
    %c0_i32_0 = arith.constant 0 : i32
    return %arg0, %c0_i32 : i32, i32
  }
  func.func @transform_2(%arg0: i32) -> (i32, i32) {
    %c0_i32 = arith.constant 0 : i32
    %c0_i32_0 = arith.constant 0 : i32
    %c0_i32_1 = arith.constant 0 : i32
    return %c0_i32, %c0_i32_0 : i32, i32
  }
  func.func @transform_3(%arg0: i32) -> (i32, i32) {
    %c0_i32 = arith.constant 0 : i32
    %c0_i32_0 = arith.constant 0 : i32
    %c0_i32_1 = arith.constant 0 : i32
    return %c0_i32, %c0_i32_0 : i32, i32
  }
  func.func @transform_4(%arg0: i32) -> (i32, i32) {
    %c0_i32 = arith.constant 0 : i32
    %c0_i32_0 = arith.constant 0 : i32
    return %arg0, %c0_i32 : i32, i32
  }
  func.func @transform_5(%arg0: i32) -> (i32, i32) {
    %c0_i32 = arith.constant 0 : i32
    %c0_i32_0 = arith.constant 0 : i32
    return %arg0, %c0_i32 : i32, i32
  }
}

module attributes {stable_mosaic.version = 14 : i64} {
  func.func @_bnstats_kernel(%arg0: i32, %arg1: memref<2048x512xf32, #tpu.memory_space<vmem>>, %arg2: memref<1x512xf32, #tpu.memory_space<vmem>>, %arg3: memref<1x512xf32, #tpu.memory_space<vmem>>) attributes {dimension_semantics = [#tpu.dimension_semantics<arbitrary>], iteration_bounds = array<i64: 1>, scalar_prefetch = 0 : i64, scratch_operands = 0 : i64, tpu.core_type = #tpu.core_type<tc>, window_params = [{pipeline_mode = #tpu.pipeline_mode<synchronous>, transform_indices = @transform_0, window_bounds = array<i64: 2048, 512>}, {pipeline_mode = #tpu.pipeline_mode<synchronous>, transform_indices = @transform_1, window_bounds = array<i64: 1, 512>}, {pipeline_mode = #tpu.pipeline_mode<synchronous>, transform_indices = @transform_2, window_bounds = array<i64: 1, 512>}]} {
    %get3A = arith.constant 0 : index
    %get3A_0 = arith.constant 0 : index
    %get3A_1 = vector.load %arg1[%get3A, %get3A_0] : memref<2048x512xf32, #tpu.memory_space<vmem>>, vector<2048x512xf32>
    %reduce_sum3A = arith.constant dense<0.000000e+00> : vector<512xf32>
    %reduce_sum3A_2 = vector.multi_reduction <add>, %get3A_1, %reduce_sum3A [0] : vector<2048x512xf32> to vector<512xf32>
    %broadcast_in_dim3A = vector.shape_cast %reduce_sum3A_2 : vector<512xf32> to vector<1x512xf32>
    %div3A = arith.constant 2.048000e+03 : f32
    %div3A_3 = vector.broadcast %div3A : f32 to vector<1x512xf32>
    %div3A_4 = arith.divf %broadcast_in_dim3A, %div3A_3 : vector<1x512xf32>
    %sub3A = vector.broadcast %div3A_4 : vector<1x512xf32> to vector<2048x512xf32>
    %sub3A_5 = arith.subf %get3A_1, %sub3A : vector<2048x512xf32>
    %integer_pow3A = arith.mulf %sub3A_5, %sub3A_5 : vector<2048x512xf32>
    %reduce_sum3A_6 = arith.constant dense<0.000000e+00> : vector<512xf32>
    %reduce_sum3A_7 = vector.multi_reduction <add>, %integer_pow3A, %reduce_sum3A_6 [0] : vector<2048x512xf32> to vector<512xf32>
    %broadcast_in_dim3A_8 = vector.shape_cast %reduce_sum3A_7 : vector<512xf32> to vector<1x512xf32>
    %div3A_9 = arith.constant 2.048000e+03 : f32
    %div3A_10 = vector.broadcast %div3A_9 : f32 to vector<1x512xf32>
    %div3A_11 = arith.divf %broadcast_in_dim3A_8, %div3A_10 : vector<1x512xf32>
    %swap3A = arith.constant 0 : index
    %swap3A_12 = arith.constant 0 : index
    %swap3A_13 = vector.load %arg2[%swap3A, %swap3A_12] : memref<1x512xf32, #tpu.memory_space<vmem>>, vector<1x512xf32>
    tpu.vector_store %arg2[%swap3A, %swap3A_12], %div3A_4 {strides = array<i32>} : memref<1x512xf32, #tpu.memory_space<vmem>>, vector<1x512xf32>,
    %swap3A_14 = arith.constant 0 : index
    %swap3A_15 = arith.constant 0 : index
    %swap3A_16 = vector.load %arg3[%swap3A_14, %swap3A_15] : memref<1x512xf32, #tpu.memory_space<vmem>>, vector<1x512xf32>
    tpu.vector_store %arg3[%swap3A_14, %swap3A_15], %div3A_11 {strides = array<i32>} : memref<1x512xf32, #tpu.memory_space<vmem>>, vector<1x512xf32>,
    return
  }
  func.func @transform_0(%arg0: i32) -> (i32, i32) {
    %c0_i32 = arith.constant 0 : i32
    %c0_i32_0 = arith.constant 0 : i32
    %c0_i32_1 = arith.constant 0 : i32
    return %c0_i32, %c0_i32_0 : i32, i32
  }
  func.func @transform_1(%arg0: i32) -> (i32, i32) {
    %c0_i32 = arith.constant 0 : i32
    %c0_i32_0 = arith.constant 0 : i32
    %c0_i32_1 = arith.constant 0 : i32
    return %c0_i32, %c0_i32_0 : i32, i32
  }
  func.func @transform_2(%arg0: i32) -> (i32, i32) {
    %c0_i32 = arith.constant 0 : i32
    %c0_i32_0 = arith.constant 0 : i32
    %c0_i32_1 = arith.constant 0 : i32
    return %c0_i32, %c0_i32_0 : i32, i32
  }
}

module attributes {stable_mosaic.version = 14 : i64} {
  func.func @_deg_kernel(%arg0: i32, %arg1: memref<256x2048xf32, #tpu.memory_space<vmem>>, %arg2: memref<256x1xf32, #tpu.memory_space<vmem>>) attributes {dimension_semantics = [#tpu.dimension_semantics<arbitrary>], iteration_bounds = array<i64: 8>, scalar_prefetch = 0 : i64, scratch_operands = 0 : i64, tpu.core_type = #tpu.core_type<tc>, window_params = [{transform_indices = @transform_0, window_bounds = array<i64: 256, 2048>}, {transform_indices = @transform_1, window_bounds = array<i64: 256, 1>}]} {
    %get3A = arith.constant 0 : index
    %get3A_0 = arith.constant 0 : index
    %get3A_1 = vector.load %arg1[%get3A, %get3A_0] : memref<256x2048xf32, #tpu.memory_space<vmem>>, vector<256x2048xf32>
    %reduce_sum3A = arith.constant dense<0.000000e+00> : vector<256xf32>
    %reduce_sum3A_2 = vector.multi_reduction <add>, %get3A_1, %reduce_sum3A [1] : vector<256x2048xf32> to vector<256xf32>
    %broadcast_in_dim3A = vector.shape_cast %reduce_sum3A_2 : vector<256xf32> to vector<256x1xf32>
    %mul3A = arith.constant 1.000000e+00 : f32
    %mul3A_3 = vector.broadcast %mul3A : f32 to vector<256x1xf32>
    %mul3A_4 = arith.mulf %mul3A_3, %broadcast_in_dim3A : vector<256x1xf32>
    %add3A = arith.constant 9.99999997E-7 : f32
    %add3A_5 = vector.broadcast %add3A : f32 to vector<256x1xf32>
    %add3A_6 = arith.addf %mul3A_4, %add3A_5 : vector<256x1xf32>
    %swap3A = arith.constant 0 : index
    %swap3A_7 = arith.constant 0 : index
    %swap3A_8 = vector.load %arg2[%swap3A, %swap3A_7] : memref<256x1xf32, #tpu.memory_space<vmem>>, vector<256x1xf32>
    tpu.vector_store %arg2[%swap3A, %swap3A_7], %add3A_6 {strides = array<i32>} : memref<256x1xf32, #tpu.memory_space<vmem>>, vector<256x1xf32>,
    return
  }
  func.func @transform_0(%arg0: i32) -> (i32, i32) {
    %c0_i32 = arith.constant 0 : i32
    %c0_i32_0 = arith.constant 0 : i32
    return %arg0, %c0_i32 : i32, i32
  }
  func.func @transform_1(%arg0: i32) -> (i32, i32) {
    %c0_i32 = arith.constant 0 : i32
    %c0_i32_0 = arith.constant 0 : i32
    return %arg0, %c0_i32 : i32, i32
  }
}

module attributes {stable_mosaic.version = 14 : i64} {
  func.func @_knorm_mm_kernel(%arg0: i32, %arg1: memref<256x2048xf32, #tpu.memory_space<vmem>>, %arg2: memref<256x1xf32, #tpu.memory_space<vmem>>, %arg3: memref<1x2048xf32, #tpu.memory_space<vmem>>, %arg4: memref<2048x512xf32, #tpu.memory_space<vmem>>, %arg5: memref<256x2048xf32, #tpu.memory_space<vmem>>, %arg6: memref<256x512xf32, #tpu.memory_space<vmem>>) attributes {dimension_semantics = [#tpu.dimension_semantics<arbitrary>], iteration_bounds = array<i64: 8>, scalar_prefetch = 0 : i64, scratch_operands = 0 : i64, tpu.core_type = #tpu.core_type<tc>, window_params = [{transform_indices = @transform_0, window_bounds = array<i64: 256, 2048>}, {transform_indices = @transform_1, window_bounds = array<i64: 256, 1>}, {pipeline_mode = #tpu.pipeline_mode<synchronous>, transform_indices = @transform_2, window_bounds = array<i64: 1, 2048>}, {pipeline_mode = #tpu.pipeline_mode<synchronous>, transform_indices = @transform_3, window_bounds = array<i64: 2048, 512>}, {transform_indices = @transform_4, window_bounds = array<i64: 256, 2048>}, {transform_indices = @transform_5, window_bounds = array<i64: 256, 512>}]} {
    %iota3A = tpu.iota {dimensions = array<i32: 0>} : vector<256x2048xi32>
    %mul3A = arith.constant 256 : i32
    %mul3A_0 = arith.muli %arg0, %mul3A : i32
    %add3A = vector.broadcast %mul3A_0 : i32 to vector<256x2048xi32>
    %add3A_1 = arith.addi %iota3A, %add3A : vector<256x2048xi32>
    %iota3A_2 = tpu.iota {dimensions = array<i32: 1>} : vector<256x2048xi32>
    %get3A = arith.constant 0 : index
    %get3A_3 = arith.constant 0 : index
    %get3A_4 = vector.load %arg1[%get3A, %get3A_3] : memref<256x2048xf32, #tpu.memory_space<vmem>>, vector<256x2048xf32>
    %mul3A_5 = arith.constant 1.000000e+00 : f32
    %mul3A_6 = vector.broadcast %mul3A_5 : f32 to vector<256x2048xf32>
    %mul3A_7 = arith.mulf %get3A_4, %mul3A_6 : vector<256x2048xf32>
    %eq3A = arith.cmpi eq, %add3A_1, %iota3A_2 : vector<256x2048xi32>
    %jit3A = arith.constant 9.99999997E-7 : f32
    %jit3A_8 = arith.constant 0.000000e+00 : f32
    %broadcast_in_dim3A = vector.broadcast %jit3A : f32 to vector<256x2048xf32>
    %broadcast_in_dim3A_9 = vector.broadcast %jit3A_8 : f32 to vector<256x2048xf32>
    %select_n3A = arith.select %eq3A, %broadcast_in_dim3A, %broadcast_in_dim3A_9 : vector<256x2048xi1>, vector<256x2048xf32>
    %add3A_10 = arith.addf %mul3A_7, %select_n3A : vector<256x2048xf32>
    %get3A_11 = arith.constant 0 : index
    %get3A_12 = arith.constant 0 : index
    %get3A_13 = vector.load %arg2[%get3A_11, %get3A_12] : memref<256x1xf32, #tpu.memory_space<vmem>>, vector<256x1xf32>
    %max3A = arith.constant 9.99999993E-9 : f32
    %max3A_14 = vector.broadcast %max3A : f32 to vector<256x1xf32>
    %max3A_15 = arith.maximumf %get3A_13, %max3A_14 : vector<256x1xf32>
    %rsqrt3A = math.rsqrt %max3A_15 : vector<256x1xf32>
    %get3A_16 = arith.constant 0 : index
    %get3A_17 = arith.constant 0 : index
    %get3A_18 = vector.load %arg3[%get3A_16, %get3A_17] : memref<1x2048xf32, #tpu.memory_space<vmem>>, vector<1x2048xf32>
    %max3A_19 = arith.constant 9.99999993E-9 : f32
    %max3A_20 = vector.broadcast %max3A_19 : f32 to vector<1x2048xf32>
    %max3A_21 = arith.maximumf %get3A_18, %max3A_20 : vector<1x2048xf32>
    %rsqrt3A_22 = math.rsqrt %max3A_21 : vector<1x2048xf32>
    %mul3A_23 = vector.broadcast %rsqrt3A : vector<256x1xf32> to vector<256x2048xf32>
    %mul3A_24 = arith.mulf %add3A_10, %mul3A_23 : vector<256x2048xf32>
    %mul3A_25 = vector.broadcast %rsqrt3A_22 : vector<1x2048xf32> to vector<256x2048xf32>
    %mul3A_26 = arith.mulf %mul3A_24, %mul3A_25 : vector<256x2048xf32>
    %swap3A = arith.constant 0 : index
    %swap3A_27 = arith.constant 0 : index
    %swap3A_28 = vector.load %arg5[%swap3A, %swap3A_27] : memref<256x2048xf32, #tpu.memory_space<vmem>>, vector<256x2048xf32>
    tpu.vector_store %arg5[%swap3A, %swap3A_27], %mul3A_26 {strides = array<i32>} : memref<256x2048xf32, #tpu.memory_space<vmem>>, vector<256x2048xf32>,
    %get3A_29 = arith.constant 0 : index
    %get3A_30 = arith.constant 0 : index
    %get3A_31 = vector.load %arg4[%get3A_29, %get3A_30] : memref<2048x512xf32, #tpu.memory_space<vmem>>, vector<2048x512xf32>
    %dot_general3A = arith.constant dense<0.000000e+00> : vector<256x512xf32>
    %dot_general3A_32 = tpu.matmul %mul3A_26, %get3A_31, %dot_general3A {dimension_numbers = #tpu.dot_dimension_numbers<[1], [0], [0], [1], [0, 0, 1, 1], [], []>, transpose_lhs_hint = false} : vector<256x2048xf32>, vector<2048x512xf32>, vector<256x512xf32> -> vector<256x512xf32>
    %swap3A_33 = arith.constant 0 : index
    %swap3A_34 = arith.constant 0 : index
    %swap3A_35 = vector.load %arg6[%swap3A_33, %swap3A_34] : memref<256x512xf32, #tpu.memory_space<vmem>>, vector<256x512xf32>
    tpu.vector_store %arg6[%swap3A_33, %swap3A_34], %dot_general3A_32 {strides = array<i32>} : memref<256x512xf32, #tpu.memory_space<vmem>>, vector<256x512xf32>,
    return
  }
  func.func @transform_0(%arg0: i32) -> (i32, i32) {
    %c0_i32 = arith.constant 0 : i32
    %c0_i32_0 = arith.constant 0 : i32
    return %arg0, %c0_i32 : i32, i32
  }
  func.func @transform_1(%arg0: i32) -> (i32, i32) {
    %c0_i32 = arith.constant 0 : i32
    %c0_i32_0 = arith.constant 0 : i32
    return %arg0, %c0_i32 : i32, i32
  }
  func.func @transform_2(%arg0: i32) -> (i32, i32) {
    %c0_i32 = arith.constant 0 : i32
    %c0_i32_0 = arith.constant 0 : i32
    %c0_i32_1 = arith.constant 0 : i32
    return %c0_i32, %c0_i32_0 : i32, i32
  }
  func.func @transform_3(%arg0: i32) -> (i32, i32) {
    %c0_i32 = arith.constant 0 : i32
    %c0_i32_0 = arith.constant 0 : i32
    %c0_i32_1 = arith.constant 0 : i32
    return %c0_i32, %c0_i32_0 : i32, i32
  }
  func.func @transform_4(%arg0: i32) -> (i32, i32) {
    %c0_i32 = arith.constant 0 : i32
    %c0_i32_0 = arith.constant 0 : i32
    return %arg0, %c0_i32 : i32, i32
  }
  func.func @transform_5(%arg0: i32) -> (i32, i32) {
    %c0_i32 = arith.constant 0 : i32
    %c0_i32_0 = arith.constant 0 : i32
    return %arg0, %c0_i32 : i32, i32
  }
}

module attributes {stable_mosaic.version = 14 : i64} {
  func.func @_bnmm_kernel(%arg0: i32, %arg1: memref<256x512xf32, #tpu.memory_space<vmem>>, %arg2: memref<1x512xf32, #tpu.memory_space<vmem>>, %arg3: memref<1x512xf32, #tpu.memory_space<vmem>>, %arg4: memref<1x512xf32, #tpu.memory_space<vmem>>, %arg5: memref<1x512xf32, #tpu.memory_space<vmem>>, %arg6: memref<512x512xf32, #tpu.memory_space<vmem>>, %arg7: memref<256x512xf32, #tpu.memory_space<vmem>>) attributes {dimension_semantics = [#tpu.dimension_semantics<arbitrary>], iteration_bounds = array<i64: 8>, scalar_prefetch = 0 : i64, scratch_operands = 0 : i64, tpu.core_type = #tpu.core_type<tc>, window_params = [{transform_indices = @transform_0, window_bounds = array<i64: 256, 512>}, {pipeline_mode = #tpu.pipeline_mode<synchronous>, transform_indices = @transform_1, window_bounds = array<i64: 1, 512>}, {pipeline_mode = #tpu.pipeline_mode<synchronous>, transform_indices = @transform_2, window_bounds = array<i64: 1, 512>}, {pipeline_mode = #tpu.pipeline_mode<synchronous>, transform_indices = @transform_3, window_bounds = array<i64: 1, 512>}, {pipeline_mode = #tpu.pipeline_mode<synchronous>, transform_indices = @transform_4, window_bounds = array<i64: 1, 512>}, {pipeline_mode = #tpu.pipeline_mode<synchronous>, transform_indices = @transform_5, window_bounds = array<i64: 512, 512>}, {transform_indices = @transform_6, window_bounds = array<i64: 256, 512>}]} {
    %get3A = arith.constant 0 : index
    %get3A_0 = arith.constant 0 : index
    %get3A_1 = vector.load %arg1[%get3A, %get3A_0] : memref<256x512xf32, #tpu.memory_space<vmem>>, vector<256x512xf32>
    %get3A_2 = arith.constant 0 : index
    %get3A_3 = arith.constant 0 : index
    %get3A_4 = vector.load %arg2[%get3A_2, %get3A_3] : memref<1x512xf32, #tpu.memory_space<vmem>>, vector<1x512xf32>
    %sub3A = vector.broadcast %get3A_4 : vector<1x512xf32> to vector<256x512xf32>
    %sub3A_5 = arith.subf %get3A_1, %sub3A : vector<256x512xf32>
    %get3A_6 = arith.constant 0 : index
    %get3A_7 = arith.constant 0 : index
    %get3A_8 = vector.load %arg3[%get3A_6, %get3A_7] : memref<1x512xf32, #tpu.memory_space<vmem>>, vector<1x512xf32>
    %add3A = arith.constant 9.99999974E-6 : f32
    %add3A_9 = vector.broadcast %add3A : f32 to vector<1x512xf32>
    %add3A_10 = arith.addf %get3A_8, %add3A_9 : vector<1x512xf32>
    %sqrt3A = math.sqrt %add3A_10 : vector<1x512xf32>
    %div3A = vector.broadcast %sqrt3A : vector<1x512xf32> to vector<256x512xf32>
    %div3A_11 = arith.divf %sub3A_5, %div3A : vector<256x512xf32>
    %get3A_12 = arith.constant 0 : index
    %get3A_13 = arith.constant 0 : index
    %get3A_14 = vector.load %arg4[%get3A_12, %get3A_13] : memref<1x512xf32, #tpu.memory_space<vmem>>, vector<1x512xf32>
    %mul3A = vector.broadcast %get3A_14 : vector<1x512xf32> to vector<256x512xf32>
    %mul3A_15 = arith.mulf %div3A_11, %mul3A : vector<256x512xf32>
    %get3A_16 = arith.constant 0 : index
    %get3A_17 = arith.constant 0 : index
    %get3A_18 = vector.load %arg5[%get3A_16, %get3A_17] : memref<1x512xf32, #tpu.memory_space<vmem>>, vector<1x512xf32>
    %add3A_19 = vector.broadcast %get3A_18 : vector<1x512xf32> to vector<256x512xf32>
    %add3A_20 = arith.addf %mul3A_15, %add3A_19 : vector<256x512xf32>
    %max3A = arith.constant 0.000000e+00 : f32
    %max3A_21 = vector.broadcast %max3A : f32 to vector<256x512xf32>
    %max3A_22 = arith.maximumf %add3A_20, %max3A_21 : vector<256x512xf32>
    %get3A_23 = arith.constant 0 : index
    %get3A_24 = arith.constant 0 : index
    %get3A_25 = vector.load %arg6[%get3A_23, %get3A_24] : memref<512x512xf32, #tpu.memory_space<vmem>>, vector<512x512xf32>
    %dot_general3A = arith.constant dense<0.000000e+00> : vector<256x512xf32>
    %dot_general3A_26 = tpu.matmul %max3A_22, %get3A_25, %dot_general3A {dimension_numbers = #tpu.dot_dimension_numbers<[1], [1], [0], [0], [0, 0, 1, 0], [], []>, transpose_lhs_hint = false} : vector<256x512xf32>, vector<512x512xf32>, vector<256x512xf32> -> vector<256x512xf32>
    %swap3A = arith.constant 0 : index
    %swap3A_27 = arith.constant 0 : index
    %swap3A_28 = vector.load %arg7[%swap3A, %swap3A_27] : memref<256x512xf32, #tpu.memory_space<vmem>>, vector<256x512xf32>
    tpu.vector_store %arg7[%swap3A, %swap3A_27], %dot_general3A_26 {strides = array<i32>} : memref<256x512xf32, #tpu.memory_space<vmem>>, vector<256x512xf32>,
    return
  }
  func.func @transform_0(%arg0: i32) -> (i32, i32) {
    %c0_i32 = arith.constant 0 : i32
    %c0_i32_0 = arith.constant 0 : i32
    return %arg0, %c0_i32 : i32, i32
  }
  func.func @transform_1(%arg0: i32) -> (i32, i32) {
    %c0_i32 = arith.constant 0 : i32
    %c0_i32_0 = arith.constant 0 : i32
    %c0_i32_1 = arith.constant 0 : i32
    return %c0_i32, %c0_i32_0 : i32, i32
  }
  func.func @transform_2(%arg0: i32) -> (i32, i32) {
    %c0_i32 = arith.constant 0 : i32
    %c0_i32_0 = arith.constant 0 : i32
    %c0_i32_1 = arith.constant 0 : i32
    return %c0_i32, %c0_i32_0 : i32, i32
  }
  func.func @transform_3(%arg0: i32) -> (i32, i32) {
    %c0_i32 = arith.constant 0 : i32
    %c0_i32_0 = arith.constant 0 : i32
    %c0_i32_1 = arith.constant 0 : i32
    return %c0_i32, %c0_i32_0 : i32, i32
  }
  func.func @transform_4(%arg0: i32) -> (i32, i32) {
    %c0_i32 = arith.constant 0 : i32
    %c0_i32_0 = arith.constant 0 : i32
    %c0_i32_1 = arith.constant 0 : i32
    return %c0_i32, %c0_i32_0 : i32, i32
  }
  func.func @transform_5(%arg0: i32) -> (i32, i32) {
    %c0_i32 = arith.constant 0 : i32
    %c0_i32_0 = arith.constant 0 : i32
    %c0_i32_1 = arith.constant 0 : i32
    return %c0_i32, %c0_i32_0 : i32, i32
  }
  func.func @transform_6(%arg0: i32) -> (i32, i32) {
    %c0_i32 = arith.constant 0 : i32
    %c0_i32_0 = arith.constant 0 : i32
    return %arg0, %c0_i32 : i32, i32
  }
}

module attributes {stable_mosaic.version = 14 : i64} {
  func.func @_mm_nn_add_kernel(%arg0: i32, %arg1: memref<256x2048xf32, #tpu.memory_space<vmem>>, %arg2: memref<2048x512xf32, #tpu.memory_space<vmem>>, %arg3: memref<256x512xf32, #tpu.memory_space<vmem>>, %arg4: memref<256x512xf32, #tpu.memory_space<vmem>>) attributes {dimension_semantics = [#tpu.dimension_semantics<arbitrary>], iteration_bounds = array<i64: 8>, scalar_prefetch = 0 : i64, scratch_operands = 0 : i64, tpu.core_type = #tpu.core_type<tc>, window_params = [{transform_indices = @transform_0, window_bounds = array<i64: 256, 2048>}, {pipeline_mode = #tpu.pipeline_mode<synchronous>, transform_indices = @transform_1, window_bounds = array<i64: 2048, 512>}, {transform_indices = @transform_2, window_bounds = array<i64: 256, 512>}, {transform_indices = @transform_3, window_bounds = array<i64: 256, 512>}]} {
    %get3A = arith.constant 0 : index
    %get3A_0 = arith.constant 0 : index
    %get3A_1 = vector.load %arg1[%get3A, %get3A_0] : memref<256x2048xf32, #tpu.memory_space<vmem>>, vector<256x2048xf32>
    %get3A_2 = arith.constant 0 : index
    %get3A_3 = arith.constant 0 : index
    %get3A_4 = vector.load %arg2[%get3A_2, %get3A_3] : memref<2048x512xf32, #tpu.memory_space<vmem>>, vector<2048x512xf32>
    %dot_general3A = arith.constant dense<0.000000e+00> : vector<256x512xf32>
    %dot_general3A_5 = tpu.matmul %get3A_1, %get3A_4, %dot_general3A {dimension_numbers = #tpu.dot_dimension_numbers<[1], [0], [0], [1], [0, 0, 1, 1], [], []>, transpose_lhs_hint = false} : vector<256x2048xf32>, vector<2048x512xf32>, vector<256x512xf32> -> vector<256x512xf32>
    %get3A_6 = arith.constant 0 : index
    %get3A_7 = arith.constant 0 : index
    %get3A_8 = vector.load %arg3[%get3A_6, %get3A_7] : memref<256x512xf32, #tpu.memory_space<vmem>>, vector<256x512xf32>
    %add3A = arith.addf %dot_general3A_5, %get3A_8 : vector<256x512xf32>
    %swap3A = arith.constant 0 : index
    %swap3A_9 = arith.constant 0 : index
    %swap3A_10 = vector.load %arg4[%swap3A, %swap3A_9] : memref<256x512xf32, #tpu.memory_space<vmem>>, vector<256x512xf32>
    tpu.vector_store %arg4[%swap3A, %swap3A_9], %add3A {strides = array<i32>} : memref<256x512xf32, #tpu.memory_space<vmem>>, vector<256x512xf32>,
    return
  }
  func.func @transform_0(%arg0: i32) -> (i32, i32) {
    %c0_i32 = arith.constant 0 : i32
    %c0_i32_0 = arith.constant 0 : i32
    return %arg0, %c0_i32 : i32, i32
  }
  func.func @transform_1(%arg0: i32) -> (i32, i32) {
    %c0_i32 = arith.constant 0 : i32
    %c0_i32_0 = arith.constant 0 : i32
    %c0_i32_1 = arith.constant 0 : i32
    return %c0_i32, %c0_i32_0 : i32, i32
  }
  func.func @transform_2(%arg0: i32) -> (i32, i32) {
    %c0_i32 = arith.constant 0 : i32
    %c0_i32_0 = arith.constant 0 : i32
    return %arg0, %c0_i32 : i32, i32
  }
  func.func @transform_3(%arg0: i32) -> (i32, i32) {
    %c0_i32 = arith.constant 0 : i32
    %c0_i32_0 = arith.constant 0 : i32
    return %arg0, %c0_i32 : i32, i32
  }
}

module attributes {stable_mosaic.version = 14 : i64} {
  func.func @_mm_nn_add_loss_kernel(%arg0: i32, %arg1: memref<256x2048xf32, #tpu.memory_space<vmem>>, %arg2: memref<2048x512xf32, #tpu.memory_space<vmem>>, %arg3: memref<256x512xf32, #tpu.memory_space<vmem>>, %arg4: memref<256x2048xf32, #tpu.memory_space<vmem>>, %arg5: memref<256x1xf32, #tpu.memory_space<vmem>>, %arg6: memref<1x2048xf32, #tpu.memory_space<vmem>>, %arg7: memref<256x512xf32, #tpu.memory_space<vmem>>, %arg8: memref<1x1x128xf32, #tpu.memory_space<vmem>>) attributes {dimension_semantics = [#tpu.dimension_semantics<arbitrary>], iteration_bounds = array<i64: 8>, scalar_prefetch = 0 : i64, scratch_operands = 0 : i64, tpu.core_type = #tpu.core_type<tc>, window_params = [{transform_indices = @transform_0, window_bounds = array<i64: 256, 2048>}, {pipeline_mode = #tpu.pipeline_mode<synchronous>, transform_indices = @transform_1, window_bounds = array<i64: 2048, 512>}, {transform_indices = @transform_2, window_bounds = array<i64: 256, 512>}, {transform_indices = @transform_3, window_bounds = array<i64: 256, 2048>}, {transform_indices = @transform_4, window_bounds = array<i64: 256, 1>}, {pipeline_mode = #tpu.pipeline_mode<synchronous>, transform_indices = @transform_5, window_bounds = array<i64: 1, 2048>}, {transform_indices = @transform_6, window_bounds = array<i64: 256, 512>}, {transform_indices = @transform_7, window_bounds = array<i64: 1, 1, 128>}]} {
    %get3A = arith.constant 0 : index
    %get3A_0 = arith.constant 0 : index
    %get3A_1 = vector.load %arg1[%get3A, %get3A_0] : memref<256x2048xf32, #tpu.memory_space<vmem>>, vector<256x2048xf32>
    %get3A_2 = arith.constant 0 : index
    %get3A_3 = arith.constant 0 : index
    %get3A_4 = vector.load %arg2[%get3A_2, %get3A_3] : memref<2048x512xf32, #tpu.memory_space<vmem>>, vector<2048x512xf32>
    %dot_general3A = arith.constant dense<0.000000e+00> : vector<256x512xf32>
    %dot_general3A_5 = tpu.matmul %get3A_1, %get3A_4, %dot_general3A {dimension_numbers = #tpu.dot_dimension_numbers<[1], [0], [0], [1], [0, 0, 1, 1], [], []>, transpose_lhs_hint = false} : vector<256x2048xf32>, vector<2048x512xf32>, vector<256x512xf32> -> vector<256x512xf32>
    %get3A_6 = arith.constant 0 : index
    %get3A_7 = arith.constant 0 : index
    %get3A_8 = vector.load %arg3[%get3A_6, %get3A_7] : memref<256x512xf32, #tpu.memory_space<vmem>>, vector<256x512xf32>
    %add3A = arith.addf %dot_general3A_5, %get3A_8 : vector<256x512xf32>
    %swap3A = arith.constant 0 : index
    %swap3A_9 = arith.constant 0 : index
    %swap3A_10 = vector.load %arg7[%swap3A, %swap3A_9] : memref<256x512xf32, #tpu.memory_space<vmem>>, vector<256x512xf32>
    tpu.vector_store %arg7[%swap3A, %swap3A_9], %add3A {strides = array<i32>} : memref<256x512xf32, #tpu.memory_space<vmem>>, vector<256x512xf32>,
    %get3A_11 = arith.constant 0 : index
    %get3A_12 = arith.constant 0 : index
    %get3A_13 = vector.load %arg4[%get3A_11, %get3A_12] : memref<256x2048xf32, #tpu.memory_space<vmem>>, vector<256x2048xf32>
    %sub3A = arith.subf %get3A_13, %get3A_1 : vector<256x2048xf32>
    %mul3A = arith.mulf %sub3A, %sub3A : vector<256x2048xf32>
    %reduce_sum3A = vector.shape_cast %mul3A : vector<256x2048xf32> to vector<1x256x2048xf32>
    %reduce_sum3A_14 = arith.constant dense<0.000000e+00> : vector<1xf32>
    %reduce_sum3A_15 = vector.multi_reduction <add>, %reduce_sum3A, %reduce_sum3A_14 [1, 2] : vector<1x256x2048xf32> to vector<1xf32>
    %reduce_sum3A_16 = vector.shape_cast %reduce_sum3A_15 : vector<1xf32> to vector<1x1x1xf32>
    %reduce_sum3A_17 = vector.extract %reduce_sum3A_16[0, 0, 0] : f32 from vector<1x1x1xf32>
    %iota3A = tpu.iota {dimensions = array<i32: 2>} : vector<1x1x128xi32>
    %eq3A = arith.constant 0 : i32
    %eq3A_18 = vector.broadcast %eq3A : i32 to vector<1x1x128xi32>
    %eq3A_19 = arith.cmpi eq, %iota3A, %eq3A_18 : vector<1x1x128xi32>
    %eq3A_20 = arith.constant 1 : i32
    %eq3A_21 = vector.broadcast %eq3A_20 : i32 to vector<1x1x128xi32>
    %eq3A_22 = arith.cmpi eq, %iota3A, %eq3A_21 : vector<1x1x128xi32>
    %jit3A = arith.constant 0.000000e+00 : f32
    %jit3A_23 = arith.constant 0.000000e+00 : f32
    %broadcast_in_dim3A = vector.broadcast %jit3A : f32 to vector<1x1x128xf32>
    %broadcast_in_dim3A_24 = vector.broadcast %jit3A_23 : f32 to vector<1x1x128xf32>
    %select_n3A = arith.select %eq3A_22, %broadcast_in_dim3A, %broadcast_in_dim3A_24 : vector<1x1x128xi1>, vector<1x1x128xf32>
    %broadcast_in_dim3A_25 = vector.broadcast %reduce_sum3A_17 : f32 to vector<1x1x128xf32>
    %select_n3A_26 = arith.select %eq3A_19, %broadcast_in_dim3A_25, %select_n3A : vector<1x1x128xi1>, vector<1x1x128xf32>
    %swap3A_27 = arith.constant 0 : index
    %swap3A_28 = arith.constant 0 : index
    %swap3A_29 = arith.constant 0 : index
    %swap3A_30 = vector.load %arg8[%swap3A_27, %swap3A_28, %swap3A_29] : memref<1x1x128xf32, #tpu.memory_space<vmem>>, vector<1x1x128xf32>
    tpu.vector_store %arg8[%swap3A_27, %swap3A_28, %swap3A_29], %select_n3A_26 {strides = array<i32>} : memref<1x1x128xf32, #tpu.memory_space<vmem>>, vector<1x1x128xf32>,
    return
  }
  func.func @transform_0(%arg0: i32) -> (i32, i32) {
    %c0_i32 = arith.constant 0 : i32
    %c0_i32_0 = arith.constant 0 : i32
    return %arg0, %c0_i32 : i32, i32
  }
  func.func @transform_1(%arg0: i32) -> (i32, i32) {
    %c0_i32 = arith.constant 0 : i32
    %c0_i32_0 = arith.constant 0 : i32
    %c0_i32_1 = arith.constant 0 : i32
    return %c0_i32, %c0_i32_0 : i32, i32
  }
  func.func @transform_2(%arg0: i32) -> (i32, i32) {
    %c0_i32 = arith.constant 0 : i32
    %c0_i32_0 = arith.constant 0 : i32
    return %arg0, %c0_i32 : i32, i32
  }
  func.func @transform_3(%arg0: i32) -> (i32, i32) {
    %c0_i32 = arith.constant 0 : i32
    %c0_i32_0 = arith.constant 0 : i32
    return %arg0, %c0_i32 : i32, i32
  }
  func.func @transform_4(%arg0: i32) -> (i32, i32) {
    %c0_i32 = arith.constant 0 : i32
    %c0_i32_0 = arith.constant 0 : i32
    return %arg0, %c0_i32 : i32, i32
  }
  func.func @transform_5(%arg0: i32) -> (i32, i32) {
    %c0_i32 = arith.constant 0 : i32
    %c0_i32_0 = arith.constant 0 : i32
    %c0_i32_1 = arith.constant 0 : i32
    return %c0_i32, %c0_i32_0 : i32, i32
  }
  func.func @transform_6(%arg0: i32) -> (i32, i32) {
    %c0_i32 = arith.constant 0 : i32
    %c0_i32_0 = arith.constant 0 : i32
    return %arg0, %c0_i32 : i32, i32
  }
  func.func @transform_7(%arg0: i32) -> (i32, i32, i32) {
    %c0_i32 = arith.constant 0 : i32
    %c0_i32_0 = arith.constant 0 : i32
    %c0_i32_1 = arith.constant 0 : i32
    return %arg0, %c0_i32, %c0_i32_0 : i32, i32, i32
  }
}

module attributes {stable_mosaic.version = 14 : i64} {
  func.func @_proj_kernel(%arg0: i32, %arg1: memref<256x512xf32, #tpu.memory_space<vmem>>, %arg2: memref<768x512xf32, #tpu.memory_space<vmem>>, %arg3: memref<256x768xf32, #tpu.memory_space<vmem>>) attributes {dimension_semantics = [#tpu.dimension_semantics<arbitrary>], iteration_bounds = array<i64: 8>, scalar_prefetch = 0 : i64, scratch_operands = 0 : i64, tpu.core_type = #tpu.core_type<tc>, window_params = [{transform_indices = @transform_0, window_bounds = array<i64: 256, 512>}, {pipeline_mode = #tpu.pipeline_mode<synchronous>, transform_indices = @transform_1, window_bounds = array<i64: 768, 512>}, {transform_indices = @transform_2, window_bounds = array<i64: 256, 768>}]} {
    %get3A = arith.constant 0 : index
    %get3A_0 = arith.constant 0 : index
    %get3A_1 = vector.load %arg1[%get3A, %get3A_0] : memref<256x512xf32, #tpu.memory_space<vmem>>, vector<256x512xf32>
    %get3A_2 = arith.constant 0 : index
    %get3A_3 = arith.constant 0 : index
    %get3A_4 = vector.load %arg2[%get3A_2, %get3A_3] : memref<768x512xf32, #tpu.memory_space<vmem>>, vector<768x512xf32>
    %dot_general3A = arith.constant dense<0.000000e+00> : vector<256x768xf32>
    %dot_general3A_5 = tpu.matmul %get3A_1, %get3A_4, %dot_general3A {dimension_numbers = #tpu.dot_dimension_numbers<[1], [1], [0], [0], [0, 0, 1, 0], [], []>, transpose_lhs_hint = false} : vector<256x512xf32>, vector<768x512xf32>, vector<256x768xf32> -> vector<256x768xf32>
    %mul3A = arith.mulf %dot_general3A_5, %dot_general3A_5 : vector<256x768xf32>
    %reduce_sum3A = arith.constant dense<0.000000e+00> : vector<256xf32>
    %reduce_sum3A_6 = vector.multi_reduction <add>, %mul3A, %reduce_sum3A [1] : vector<256x768xf32> to vector<256xf32>
    %broadcast_in_dim3A = vector.shape_cast %reduce_sum3A_6 : vector<256xf32> to vector<256x1xf32>
    %sqrt3A = math.sqrt %broadcast_in_dim3A : vector<256x1xf32>
    %max3A = arith.constant 9.99999996E-13 : f32
    %max3A_7 = vector.broadcast %max3A : f32 to vector<256x1xf32>
    %max3A_8 = arith.maximumf %sqrt3A, %max3A_7 : vector<256x1xf32>
    %div3A = vector.broadcast %max3A_8 : vector<256x1xf32> to vector<256x768xf32>
    %div3A_9 = arith.divf %dot_general3A_5, %div3A : vector<256x768xf32>
    %swap3A = arith.constant 0 : index
    %swap3A_10 = arith.constant 0 : index
    %swap3A_11 = vector.load %arg3[%swap3A, %swap3A_10] : memref<256x768xf32, #tpu.memory_space<vmem>>, vector<256x768xf32>
    tpu.vector_store %arg3[%swap3A, %swap3A_10], %div3A_9 {strides = array<i32>} : memref<256x768xf32, #tpu.memory_space<vmem>>, vector<256x768xf32>,
    return
  }
  func.func @transform_0(%arg0: i32) -> (i32, i32) {
    %c0_i32 = arith.constant 0 : i32
    %c0_i32_0 = arith.constant 0 : i32
    return %arg0, %c0_i32 : i32, i32
  }
  func.func @transform_1(%arg0: i32) -> (i32, i32) {
    %c0_i32 = arith.constant 0 : i32
    %c0_i32_0 = arith.constant 0 : i32
    %c0_i32_1 = arith.constant 0 : i32
    return %c0_i32, %c0_i32_0 : i32, i32
  }
  func.func @transform_2(%arg0: i32) -> (i32, i32) {
    %c0_i32 = arith.constant 0 : i32
    %c0_i32_0 = arith.constant 0 : i32
    return %arg0, %c0_i32 : i32, i32
  }
}

module attributes {stable_mosaic.version = 14 : i64} {
  func.func @_deg_kernel(%arg0: i32, %arg1: memref<256x2048xf32, #tpu.memory_space<vmem>>, %arg2: memref<256x1xf32, #tpu.memory_space<vmem>>) attributes {dimension_semantics = [#tpu.dimension_semantics<arbitrary>], iteration_bounds = array<i64: 8>, scalar_prefetch = 0 : i64, scratch_operands = 0 : i64, tpu.core_type = #tpu.core_type<tc>, window_params = [{transform_indices = @transform_0, window_bounds = array<i64: 256, 2048>}, {transform_indices = @transform_1, window_bounds = array<i64: 256, 1>}]} {
    %get3A = arith.constant 0 : index
    %get3A_0 = arith.constant 0 : index
    %get3A_1 = vector.load %arg1[%get3A, %get3A_0] : memref<256x2048xf32, #tpu.memory_space<vmem>>, vector<256x2048xf32>
    %reduce_sum3A = arith.constant dense<0.000000e+00> : vector<256xf32>
    %reduce_sum3A_2 = vector.multi_reduction <add>, %get3A_1, %reduce_sum3A [1] : vector<256x2048xf32> to vector<256xf32>
    %broadcast_in_dim3A = vector.shape_cast %reduce_sum3A_2 : vector<256xf32> to vector<256x1xf32>
    %mul3A = arith.constant 1.200000e+00 : f32
    %mul3A_3 = vector.broadcast %mul3A : f32 to vector<256x1xf32>
    %mul3A_4 = arith.mulf %mul3A_3, %broadcast_in_dim3A : vector<256x1xf32>
    %add3A = arith.constant 9.99999997E-7 : f32
    %add3A_5 = vector.broadcast %add3A : f32 to vector<256x1xf32>
    %add3A_6 = arith.addf %mul3A_4, %add3A_5 : vector<256x1xf32>
    %swap3A = arith.constant 0 : index
    %swap3A_7 = arith.constant 0 : index
    %swap3A_8 = vector.load %arg2[%swap3A, %swap3A_7] : memref<256x1xf32, #tpu.memory_space<vmem>>, vector<256x1xf32>
    tpu.vector_store %arg2[%swap3A, %swap3A_7], %add3A_6 {strides = array<i32>} : memref<256x1xf32, #tpu.memory_space<vmem>>, vector<256x1xf32>,
    return
  }
  func.func @transform_0(%arg0: i32) -> (i32, i32) {
    %c0_i32 = arith.constant 0 : i32
    %c0_i32_0 = arith.constant 0 : i32
    return %arg0, %c0_i32 : i32, i32
  }
  func.func @transform_1(%arg0: i32) -> (i32, i32) {
    %c0_i32 = arith.constant 0 : i32
    %c0_i32_0 = arith.constant 0 : i32
    return %arg0, %c0_i32 : i32, i32
  }
}

module attributes {stable_mosaic.version = 14 : i64} {
  func.func @_knorm_mm_kernel(%arg0: i32, %arg1: memref<256x2048xf32, #tpu.memory_space<vmem>>, %arg2: memref<256x1xf32, #tpu.memory_space<vmem>>, %arg3: memref<1x2048xf32, #tpu.memory_space<vmem>>, %arg4: memref<2048x512xf32, #tpu.memory_space<vmem>>, %arg5: memref<256x2048xf32, #tpu.memory_space<vmem>>, %arg6: memref<256x512xf32, #tpu.memory_space<vmem>>) attributes {dimension_semantics = [#tpu.dimension_semantics<arbitrary>], iteration_bounds = array<i64: 8>, scalar_prefetch = 0 : i64, scratch_operands = 0 : i64, tpu.core_type = #tpu.core_type<tc>, window_params = [{transform_indices = @transform_0, window_bounds = array<i64: 256, 2048>}, {transform_indices = @transform_1, window_bounds = array<i64: 256, 1>}, {pipeline_mode = #tpu.pipeline_mode<synchronous>, transform_indices = @transform_2, window_bounds = array<i64: 1, 2048>}, {pipeline_mode = #tpu.pipeline_mode<synchronous>, transform_indices = @transform_3, window_bounds = array<i64: 2048, 512>}, {transform_indices = @transform_4, window_bounds = array<i64: 256, 2048>}, {transform_indices = @transform_5, window_bounds = array<i64: 256, 512>}]} {
    %iota3A = tpu.iota {dimensions = array<i32: 0>} : vector<256x2048xi32>
    %mul3A = arith.constant 256 : i32
    %mul3A_0 = arith.muli %arg0, %mul3A : i32
    %add3A = vector.broadcast %mul3A_0 : i32 to vector<256x2048xi32>
    %add3A_1 = arith.addi %iota3A, %add3A : vector<256x2048xi32>
    %iota3A_2 = tpu.iota {dimensions = array<i32: 1>} : vector<256x2048xi32>
    %get3A = arith.constant 0 : index
    %get3A_3 = arith.constant 0 : index
    %get3A_4 = vector.load %arg1[%get3A, %get3A_3] : memref<256x2048xf32, #tpu.memory_space<vmem>>, vector<256x2048xf32>
    %mul3A_5 = arith.constant 1.200000e+00 : f32
    %mul3A_6 = vector.broadcast %mul3A_5 : f32 to vector<256x2048xf32>
    %mul3A_7 = arith.mulf %get3A_4, %mul3A_6 : vector<256x2048xf32>
    %eq3A = arith.cmpi eq, %add3A_1, %iota3A_2 : vector<256x2048xi32>
    %jit3A = arith.constant 9.99999997E-7 : f32
    %jit3A_8 = arith.constant 0.000000e+00 : f32
    %broadcast_in_dim3A = vector.broadcast %jit3A : f32 to vector<256x2048xf32>
    %broadcast_in_dim3A_9 = vector.broadcast %jit3A_8 : f32 to vector<256x2048xf32>
    %select_n3A = arith.select %eq3A, %broadcast_in_dim3A, %broadcast_in_dim3A_9 : vector<256x2048xi1>, vector<256x2048xf32>
    %add3A_10 = arith.addf %mul3A_7, %select_n3A : vector<256x2048xf32>
    %get3A_11 = arith.constant 0 : index
    %get3A_12 = arith.constant 0 : index
    %get3A_13 = vector.load %arg2[%get3A_11, %get3A_12] : memref<256x1xf32, #tpu.memory_space<vmem>>, vector<256x1xf32>
    %max3A = arith.constant 9.99999993E-9 : f32
    %max3A_14 = vector.broadcast %max3A : f32 to vector<256x1xf32>
    %max3A_15 = arith.maximumf %get3A_13, %max3A_14 : vector<256x1xf32>
    %rsqrt3A = math.rsqrt %max3A_15 : vector<256x1xf32>
    %get3A_16 = arith.constant 0 : index
    %get3A_17 = arith.constant 0 : index
    %get3A_18 = vector.load %arg3[%get3A_16, %get3A_17] : memref<1x2048xf32, #tpu.memory_space<vmem>>, vector<1x2048xf32>
    %max3A_19 = arith.constant 9.99999993E-9 : f32
    %max3A_20 = vector.broadcast %max3A_19 : f32 to vector<1x2048xf32>
    %max3A_21 = arith.maximumf %get3A_18, %max3A_20 : vector<1x2048xf32>
    %rsqrt3A_22 = math.rsqrt %max3A_21 : vector<1x2048xf32>
    %mul3A_23 = vector.broadcast %rsqrt3A : vector<256x1xf32> to vector<256x2048xf32>
    %mul3A_24 = arith.mulf %add3A_10, %mul3A_23 : vector<256x2048xf32>
    %mul3A_25 = vector.broadcast %rsqrt3A_22 : vector<1x2048xf32> to vector<256x2048xf32>
    %mul3A_26 = arith.mulf %mul3A_24, %mul3A_25 : vector<256x2048xf32>
    %swap3A = arith.constant 0 : index
    %swap3A_27 = arith.constant 0 : index
    %swap3A_28 = vector.load %arg5[%swap3A, %swap3A_27] : memref<256x2048xf32, #tpu.memory_space<vmem>>, vector<256x2048xf32>
    tpu.vector_store %arg5[%swap3A, %swap3A_27], %mul3A_26 {strides = array<i32>} : memref<256x2048xf32, #tpu.memory_space<vmem>>, vector<256x2048xf32>,
    %get3A_29 = arith.constant 0 : index
    %get3A_30 = arith.constant 0 : index
    %get3A_31 = vector.load %arg4[%get3A_29, %get3A_30] : memref<2048x512xf32, #tpu.memory_space<vmem>>, vector<2048x512xf32>
    %dot_general3A = arith.constant dense<0.000000e+00> : vector<256x512xf32>
    %dot_general3A_32 = tpu.matmul %mul3A_26, %get3A_31, %dot_general3A {dimension_numbers = #tpu.dot_dimension_numbers<[1], [0], [0], [1], [0, 0, 1, 1], [], []>, transpose_lhs_hint = false} : vector<256x2048xf32>, vector<2048x512xf32>, vector<256x512xf32> -> vector<256x512xf32>
    %swap3A_33 = arith.constant 0 : index
    %swap3A_34 = arith.constant 0 : index
    %swap3A_35 = vector.load %arg6[%swap3A_33, %swap3A_34] : memref<256x512xf32, #tpu.memory_space<vmem>>, vector<256x512xf32>
    tpu.vector_store %arg6[%swap3A_33, %swap3A_34], %dot_general3A_32 {strides = array<i32>} : memref<256x512xf32, #tpu.memory_space<vmem>>, vector<256x512xf32>,
    return
  }
  func.func @transform_0(%arg0: i32) -> (i32, i32) {
    %c0_i32 = arith.constant 0 : i32
    %c0_i32_0 = arith.constant 0 : i32
    return %arg0, %c0_i32 : i32, i32
  }
  func.func @transform_1(%arg0: i32) -> (i32, i32) {
    %c0_i32 = arith.constant 0 : i32
    %c0_i32_0 = arith.constant 0 : i32
    return %arg0, %c0_i32 : i32, i32
  }
  func.func @transform_2(%arg0: i32) -> (i32, i32) {
    %c0_i32 = arith.constant 0 : i32
    %c0_i32_0 = arith.constant 0 : i32
    %c0_i32_1 = arith.constant 0 : i32
    return %c0_i32, %c0_i32_0 : i32, i32
  }
  func.func @transform_3(%arg0: i32) -> (i32, i32) {
    %c0_i32 = arith.constant 0 : i32
    %c0_i32_0 = arith.constant 0 : i32
    %c0_i32_1 = arith.constant 0 : i32
    return %c0_i32, %c0_i32_0 : i32, i32
  }
  func.func @transform_4(%arg0: i32) -> (i32, i32) {
    %c0_i32 = arith.constant 0 : i32
    %c0_i32_0 = arith.constant 0 : i32
    return %arg0, %c0_i32 : i32, i32
  }
  func.func @transform_5(%arg0: i32) -> (i32, i32) {
    %c0_i32 = arith.constant 0 : i32
    %c0_i32_0 = arith.constant 0 : i32
    return %arg0, %c0_i32 : i32, i32
  }
}

module attributes {stable_mosaic.version = 14 : i64} {
  func.func @_mm_nn_add_loss_kernel(%arg0: i32, %arg1: memref<256x2048xf32, #tpu.memory_space<vmem>>, %arg2: memref<2048x512xf32, #tpu.memory_space<vmem>>, %arg3: memref<256x512xf32, #tpu.memory_space<vmem>>, %arg4: memref<256x2048xf32, #tpu.memory_space<vmem>>, %arg5: memref<256x1xf32, #tpu.memory_space<vmem>>, %arg6: memref<1x2048xf32, #tpu.memory_space<vmem>>, %arg7: memref<256x512xf32, #tpu.memory_space<vmem>>, %arg8: memref<1x1x128xf32, #tpu.memory_space<vmem>>) attributes {dimension_semantics = [#tpu.dimension_semantics<arbitrary>], iteration_bounds = array<i64: 8>, scalar_prefetch = 0 : i64, scratch_operands = 0 : i64, tpu.core_type = #tpu.core_type<tc>, window_params = [{transform_indices = @transform_0, window_bounds = array<i64: 256, 2048>}, {pipeline_mode = #tpu.pipeline_mode<synchronous>, transform_indices = @transform_1, window_bounds = array<i64: 2048, 512>}, {transform_indices = @transform_2, window_bounds = array<i64: 256, 512>}, {transform_indices = @transform_3, window_bounds = array<i64: 256, 2048>}, {transform_indices = @transform_4, window_bounds = array<i64: 256, 1>}, {pipeline_mode = #tpu.pipeline_mode<synchronous>, transform_indices = @transform_5, window_bounds = array<i64: 1, 2048>}, {transform_indices = @transform_6, window_bounds = array<i64: 256, 512>}, {transform_indices = @transform_7, window_bounds = array<i64: 1, 1, 128>}]} {
    %get3A = arith.constant 0 : index
    %get3A_0 = arith.constant 0 : index
    %get3A_1 = vector.load %arg1[%get3A, %get3A_0] : memref<256x2048xf32, #tpu.memory_space<vmem>>, vector<256x2048xf32>
    %get3A_2 = arith.constant 0 : index
    %get3A_3 = arith.constant 0 : index
    %get3A_4 = vector.load %arg2[%get3A_2, %get3A_3] : memref<2048x512xf32, #tpu.memory_space<vmem>>, vector<2048x512xf32>
    %dot_general3A = arith.constant dense<0.000000e+00> : vector<256x512xf32>
    %dot_general3A_5 = tpu.matmul %get3A_1, %get3A_4, %dot_general3A {dimension_numbers = #tpu.dot_dimension_numbers<[1], [0], [0], [1], [0, 0, 1, 1], [], []>, transpose_lhs_hint = false} : vector<256x2048xf32>, vector<2048x512xf32>, vector<256x512xf32> -> vector<256x512xf32>
    %get3A_6 = arith.constant 0 : index
    %get3A_7 = arith.constant 0 : index
    %get3A_8 = vector.load %arg3[%get3A_6, %get3A_7] : memref<256x512xf32, #tpu.memory_space<vmem>>, vector<256x512xf32>
    %add3A = arith.addf %dot_general3A_5, %get3A_8 : vector<256x512xf32>
    %swap3A = arith.constant 0 : index
    %swap3A_9 = arith.constant 0 : index
    %swap3A_10 = vector.load %arg7[%swap3A, %swap3A_9] : memref<256x512xf32, #tpu.memory_space<vmem>>, vector<256x512xf32>
    tpu.vector_store %arg7[%swap3A, %swap3A_9], %add3A {strides = array<i32>} : memref<256x512xf32, #tpu.memory_space<vmem>>, vector<256x512xf32>,
    %get3A_11 = arith.constant 0 : index
    %get3A_12 = arith.constant 0 : index
    %get3A_13 = vector.load %arg4[%get3A_11, %get3A_12] : memref<256x2048xf32, #tpu.memory_space<vmem>>, vector<256x2048xf32>
    %sub3A = arith.subf %get3A_13, %get3A_1 : vector<256x2048xf32>
    %mul3A = arith.mulf %sub3A, %sub3A : vector<256x2048xf32>
    %reduce_sum3A = vector.shape_cast %mul3A : vector<256x2048xf32> to vector<1x256x2048xf32>
    %reduce_sum3A_14 = arith.constant dense<0.000000e+00> : vector<1xf32>
    %reduce_sum3A_15 = vector.multi_reduction <add>, %reduce_sum3A, %reduce_sum3A_14 [1, 2] : vector<1x256x2048xf32> to vector<1xf32>
    %reduce_sum3A_16 = vector.shape_cast %reduce_sum3A_15 : vector<1xf32> to vector<1x1x1xf32>
    %reduce_sum3A_17 = vector.extract %reduce_sum3A_16[0, 0, 0] : f32 from vector<1x1x1xf32>
    %get3A_18 = arith.constant 0 : index
    %get3A_19 = arith.constant 0 : index
    %get3A_20 = vector.load %arg5[%get3A_18, %get3A_19] : memref<256x1xf32, #tpu.memory_space<vmem>>, vector<256x1xf32>
    %get3A_21 = arith.constant 0 : index
    %get3A_22 = arith.constant 0 : index
    %get3A_23 = vector.load %arg6[%get3A_21, %get3A_22] : memref<1x2048xf32, #tpu.memory_space<vmem>>, vector<1x2048xf32>
    %eq3A = vector.broadcast %get3A_20 : vector<256x1xf32> to vector<256x2048xf32>
    %eq3A_24 = vector.broadcast %get3A_23 : vector<1x2048xf32> to vector<256x2048xf32>
    %eq3A_25 = arith.cmpf oeq, %eq3A, %eq3A_24 : vector<256x2048xf32>
    %convert_element_type3A = arith.extui %eq3A_25 : vector<256x2048xi1> to vector<256x2048xi32>
    %convert_element_type3A_26 = arith.sitofp %convert_element_type3A : vector<256x2048xi32> to vector<256x2048xf32>
    %mul3A_27 = arith.constant 9.900000e-01 : f32
    %mul3A_28 = vector.broadcast %mul3A_27 : f32 to vector<256x2048xf32>
    %mul3A_29 = arith.mulf %mul3A_28, %convert_element_type3A_26 : vector<256x2048xf32>
    %sub3A_30 = arith.subf %get3A_1, %mul3A_29 : vector<256x2048xf32>
    %mul3A_31 = arith.mulf %sub3A_30, %sub3A_30 : vector<256x2048xf32>
    %reduce_sum3A_32 = vector.shape_cast %mul3A_31 : vector<256x2048xf32> to vector<1x256x2048xf32>
    %reduce_sum3A_33 = arith.constant dense<0.000000e+00> : vector<1xf32>
    %reduce_sum3A_34 = vector.multi_reduction <add>, %reduce_sum3A_32, %reduce_sum3A_33 [1, 2] : vector<1x256x2048xf32> to vector<1xf32>
    %reduce_sum3A_35 = vector.shape_cast %reduce_sum3A_34 : vector<1xf32> to vector<1x1x1xf32>
    %reduce_sum3A_36 = vector.extract %reduce_sum3A_35[0, 0, 0] : f32 from vector<1x1x1xf32>
    %iota3A = tpu.iota {dimensions = array<i32: 2>} : vector<1x1x128xi32>
    %eq3A_37 = arith.constant 0 : i32
    %eq3A_38 = vector.broadcast %eq3A_37 : i32 to vector<1x1x128xi32>
    %eq3A_39 = arith.cmpi eq, %iota3A, %eq3A_38 : vector<1x1x128xi32>
    %eq3A_40 = arith.constant 1 : i32
    %eq3A_41 = vector.broadcast %eq3A_40 : i32 to vector<1x1x128xi32>
    %eq3A_42 = arith.cmpi eq, %iota3A, %eq3A_41 : vector<1x1x128xi32>
    %jit3A = arith.constant 0.000000e+00 : f32
    %broadcast_in_dim3A = vector.broadcast %reduce_sum3A_36 : f32 to vector<1x1x128xf32>
    %broadcast_in_dim3A_43 = vector.broadcast %jit3A : f32 to vector<1x1x128xf32>
    %select_n3A = arith.select %eq3A_42, %broadcast_in_dim3A, %broadcast_in_dim3A_43 : vector<1x1x128xi1>, vector<1x1x128xf32>
    %broadcast_in_dim3A_44 = vector.broadcast %reduce_sum3A_17 : f32 to vector<1x1x128xf32>
    %select_n3A_45 = arith.select %eq3A_39, %broadcast_in_dim3A_44, %select_n3A : vector<1x1x128xi1>, vector<1x1x128xf32>
    %swap3A_46 = arith.constant 0 : index
    %swap3A_47 = arith.constant 0 : index
    %swap3A_48 = arith.constant 0 : index
    %swap3A_49 = vector.load %arg8[%swap3A_46, %swap3A_47, %swap3A_48] : memref<1x1x128xf32, #tpu.memory_space<vmem>>, vector<1x1x128xf32>
    tpu.vector_store %arg8[%swap3A_46, %swap3A_47, %swap3A_48], %select_n3A_45 {strides = array<i32>} : memref<1x1x128xf32, #tpu.memory_space<vmem>>, vector<1x1x128xf32>,
    return
  }
  func.func @transform_0(%arg0: i32) -> (i32, i32) {
    %c0_i32 = arith.constant 0 : i32
    %c0_i32_0 = arith.constant 0 : i32
    return %arg0, %c0_i32 : i32, i32
  }
  func.func @transform_1(%arg0: i32) -> (i32, i32) {
    %c0_i32 = arith.constant 0 : i32
    %c0_i32_0 = arith.constant 0 : i32
    %c0_i32_1 = arith.constant 0 : i32
    return %c0_i32, %c0_i32_0 : i32, i32
  }
  func.func @transform_2(%arg0: i32) -> (i32, i32) {
    %c0_i32 = arith.constant 0 : i32
    %c0_i32_0 = arith.constant 0 : i32
    return %arg0, %c0_i32 : i32, i32
  }
  func.func @transform_3(%arg0: i32) -> (i32, i32) {
    %c0_i32 = arith.constant 0 : i32
    %c0_i32_0 = arith.constant 0 : i32
    return %arg0, %c0_i32 : i32, i32
  }
  func.func @transform_4(%arg0: i32) -> (i32, i32) {
    %c0_i32 = arith.constant 0 : i32
    %c0_i32_0 = arith.constant 0 : i32
    return %arg0, %c0_i32 : i32, i32
  }
  func.func @transform_5(%arg0: i32) -> (i32, i32) {
    %c0_i32 = arith.constant 0 : i32
    %c0_i32_0 = arith.constant 0 : i32
    %c0_i32_1 = arith.constant 0 : i32
    return %c0_i32, %c0_i32_0 : i32, i32
  }
  func.func @transform_6(%arg0: i32) -> (i32, i32) {
    %c0_i32 = arith.constant 0 : i32
    %c0_i32_0 = arith.constant 0 : i32
    return %arg0, %c0_i32 : i32, i32
  }
  func.func @transform_7(%arg0: i32) -> (i32, i32, i32) {
    %c0_i32 = arith.constant 0 : i32
    %c0_i32_0 = arith.constant 0 : i32
    %c0_i32_1 = arith.constant 0 : i32
    return %arg0, %c0_i32, %c0_i32_0 : i32, i32, i32
  }
}

module attributes {stable_mosaic.version = 14 : i64} {
  func.func @_lossz_kernel(%arg0: i32, %arg1: memref<256x768xf32, #tpu.memory_space<vmem>>, %arg2: memref<256x768xf32, #tpu.memory_space<vmem>>, %arg3: memref<256x768xf32, #tpu.memory_space<vmem>>, %arg4: memref<1x1x128xf32, #tpu.memory_space<vmem>>) attributes {dimension_semantics = [#tpu.dimension_semantics<arbitrary>], iteration_bounds = array<i64: 8>, scalar_prefetch = 0 : i64, scratch_operands = 0 : i64, tpu.core_type = #tpu.core_type<tc>, window_params = [{transform_indices = @transform_0, window_bounds = array<i64: 256, 768>}, {transform_indices = @transform_1, window_bounds = array<i64: 256, 768>}, {transform_indices = @transform_2, window_bounds = array<i64: 256, 768>}, {transform_indices = @transform_3, window_bounds = array<i64: 1, 1, 128>}]} {
    %get3A = arith.constant 0 : index
    %get3A_0 = arith.constant 0 : index
    %get3A_1 = vector.load %arg1[%get3A, %get3A_0] : memref<256x768xf32, #tpu.memory_space<vmem>>, vector<256x768xf32>
    %get3A_2 = arith.constant 0 : index
    %get3A_3 = arith.constant 0 : index
    %get3A_4 = vector.load %arg2[%get3A_2, %get3A_3] : memref<256x768xf32, #tpu.memory_space<vmem>>, vector<256x768xf32>
    %sub3A = arith.subf %get3A_1, %get3A_4 : vector<256x768xf32>
    %get3A_5 = arith.constant 0 : index
    %get3A_6 = arith.constant 0 : index
    %get3A_7 = vector.load %arg2[%get3A_5, %get3A_6] : memref<256x768xf32, #tpu.memory_space<vmem>>, vector<256x768xf32>
    %get3A_8 = arith.constant 0 : index
    %get3A_9 = arith.constant 0 : index
    %get3A_10 = vector.load %arg3[%get3A_8, %get3A_9] : memref<256x768xf32, #tpu.memory_space<vmem>>, vector<256x768xf32>
    %sub3A_11 = arith.subf %get3A_7, %get3A_10 : vector<256x768xf32>
    %mul3A = arith.mulf %sub3A, %sub3A : vector<256x768xf32>
    %reduce_sum3A = vector.shape_cast %mul3A : vector<256x768xf32> to vector<1x256x768xf32>
    %reduce_sum3A_12 = arith.constant dense<0.000000e+00> : vector<1xf32>
    %reduce_sum3A_13 = vector.multi_reduction <add>, %reduce_sum3A, %reduce_sum3A_12 [1, 2] : vector<1x256x768xf32> to vector<1xf32>
    %reduce_sum3A_14 = vector.shape_cast %reduce_sum3A_13 : vector<1xf32> to vector<1x1x1xf32>
    %reduce_sum3A_15 = vector.extract %reduce_sum3A_14[0, 0, 0] : f32 from vector<1x1x1xf32>
    %mul3A_16 = arith.mulf %sub3A_11, %sub3A_11 : vector<256x768xf32>
    %reduce_sum3A_17 = vector.shape_cast %mul3A_16 : vector<256x768xf32> to vector<1x256x768xf32>
    %reduce_sum3A_18 = arith.constant dense<0.000000e+00> : vector<1xf32>
    %reduce_sum3A_19 = vector.multi_reduction <add>, %reduce_sum3A_17, %reduce_sum3A_18 [1, 2] : vector<1x256x768xf32> to vector<1xf32>
    %reduce_sum3A_20 = vector.shape_cast %reduce_sum3A_19 : vector<1xf32> to vector<1x1x1xf32>
    %reduce_sum3A_21 = vector.extract %reduce_sum3A_20[0, 0, 0] : f32 from vector<1x1x1xf32>
    %iota3A = tpu.iota {dimensions = array<i32: 2>} : vector<1x1x128xi32>
    %eq3A = arith.constant 0 : i32
    %eq3A_22 = vector.broadcast %eq3A : i32 to vector<1x1x128xi32>
    %eq3A_23 = arith.cmpi eq, %iota3A, %eq3A_22 : vector<1x1x128xi32>
    %eq3A_24 = arith.constant 1 : i32
    %eq3A_25 = vector.broadcast %eq3A_24 : i32 to vector<1x1x128xi32>
    %eq3A_26 = arith.cmpi eq, %iota3A, %eq3A_25 : vector<1x1x128xi32>
    %jit3A = arith.constant 0.000000e+00 : f32
    %broadcast_in_dim3A = vector.broadcast %reduce_sum3A_21 : f32 to vector<1x1x128xf32>
    %broadcast_in_dim3A_27 = vector.broadcast %jit3A : f32 to vector<1x1x128xf32>
    %select_n3A = arith.select %eq3A_26, %broadcast_in_dim3A, %broadcast_in_dim3A_27 : vector<1x1x128xi1>, vector<1x1x128xf32>
    %broadcast_in_dim3A_28 = vector.broadcast %reduce_sum3A_15 : f32 to vector<1x1x128xf32>
    %select_n3A_29 = arith.select %eq3A_23, %broadcast_in_dim3A_28, %select_n3A : vector<1x1x128xi1>, vector<1x1x128xf32>
    %swap3A = arith.constant 0 : index
    %swap3A_30 = arith.constant 0 : index
    %swap3A_31 = arith.constant 0 : index
    %swap3A_32 = vector.load %arg4[%swap3A, %swap3A_30, %swap3A_31] : memref<1x1x128xf32, #tpu.memory_space<vmem>>, vector<1x1x128xf32>
    tpu.vector_store %arg4[%swap3A, %swap3A_30, %swap3A_31], %select_n3A_29 {strides = array<i32>} : memref<1x1x128xf32, #tpu.memory_space<vmem>>, vector<1x1x128xf32>,
    return
  }
  func.func @transform_0(%arg0: i32) -> (i32, i32) {
    %c0_i32 = arith.constant 0 : i32
    %c0_i32_0 = arith.constant 0 : i32
    return %arg0, %c0_i32 : i32, i32
  }
  func.func @transform_1(%arg0: i32) -> (i32, i32) {
    %c0_i32 = arith.constant 0 : i32
    %c0_i32_0 = arith.constant 0 : i32
    return %arg0, %c0_i32 : i32, i32
  }
  func.func @transform_2(%arg0: i32) -> (i32, i32) {
    %c0_i32 = arith.constant 0 : i32
    %c0_i32_0 = arith.constant 0 : i32
    return %arg0, %c0_i32 : i32, i32
  }
  func.func @transform_3(%arg0: i32) -> (i32, i32, i32) {
    %c0_i32 = arith.constant 0 : i32
    %c0_i32_0 = arith.constant 0 : i32
    %c0_i32_1 = arith.constant 0 : i32
    return %arg0, %c0_i32, %c0_i32_0 : i32, i32, i32
  }
}

</mosaic_0001>

<sc_bundles>
// kernel: kernel.33.cloned.1.call-start
scs
__scs_entry_jumppad:
0x0: {  	(pc) =	sbr.rel $0x88, $3  }
0x1: {  	(tag) =	ssettag $0x0;
	lr =	simm.s32 $0x1  }
0x2: {  	[smem:$0x3F9A] =	sst lr;
	_ =	strace $0xD0000000  }
0x3: {  	_ = 	snop  }
0x4: {  	_ = 	snop  }
0x5: {  	_ = 	snop  }
0x6: {  	_ = 	snop  }
0x7: {  	_ = 	snop  }
__scs_overlays_trampoline_lowered:
0x8: {  	[smem:$0x3FA9] =	sst s0  }
0x9: {  	[smem:$0x3FAA] =	sst s1  }
0xa: {  	[smem:$0x3FAB] =	sst s2  }
0xb: {  	[smem:$0x3FAC] =	sst s3  }
0xc: {  	[smem:$0x3FAD] =	sst s4  }
0xd: {  	[smem:$0x3FAE] =	sst s5  }
0xe: {  	[smem:$0x3FAF] =	sst s6  }
0xf: {  	[smem:$0x3FB0] =	sst s7  }
0x10: {  	[smem:$0x3FB1] =	sst s8  }
0x11: {  	[smem:$0x3FB2] =	sst s9;
	s0 =	simm.s32 @!p0 $0x0  }
0x12: {  	s1 =	sld [smem:$0x3F98];
	s0 =	simm.s32 @p0 $0x1  }
0x13: {  	[smem:$0x3FB3] =	sst s0;
	s0 =	simm.s32 @!p1 $0x0  }
0x14: {  	s2 =	sld [smem:$0x3F97];
	s0 =	simm.s32 @p1 $0x1  }
0x15: {  	[smem:$0x3FB4] =	sst s0;
	s0 =	simm.s32 @!p2 $0x0  }
0x16: {  	s3 =	sld [smem:$0x3FDB];
	s0 =	simm.s32 @p2 $0x1  }
0x17: {  	s4 =	simm.s32 $0x1BF5;
	[smem:$0x3FB6] =	sst s0  }
0x18: {  	s0 =	sld [smem:$0x3F99];
	_ =	swait.ge [sflag:s4], $0x0  }
0x19: {  	s7 =	sld [smem:$0x3F9A]  }
0x1a: {  	s8 =	sadd.s32 $0xFFFFE003, lr  }
0x1b: {  	s9 =	sadd.s32 $0xFFFFFEF7, lr;
	s5 =	simm.s32 $0xFFFFFFFF;
	p2 =	slt.u32 s8, $0xFFFFF086  }
0x1c: {  	p1 =	slt.u32 s9, $0xF7A;
	s5 =	simm.s32 @!p2 $0x0  }
0x1d: {  	s5 =	simm.s32 @p1 $0x1;
	p0 =	seq.s32 s7, s2  }
0x1e: {  	s7 =	smul.u32 @!p0 $0xF7A, s2;
	p2 =	seq.s32 @!p0 s5, $0x0  }
0x1f: {  	s9 =	smul.u32 $0xF7A, s1;
	s8 =	simm.s32 @!p0 $0x1BF5;
	p2 =	por !p2, p0  }
0x20: {  	[sflag:s8] =	ssyncset.s32 @!p0 $0xFFFFF086;
	s6 =	sadd.s32 @!p0 s3, s7;
	s7 =	simm.s32 @!p0 $0x108  }
0x21: {  	s3 =	sadd.s32 s3, s9;
	s6 =	sadd.s32 @!p0 $0x88, s6;
	s7 =	simm.s32 @p2 $0x1082  }
0x22: {  	[simem:s7], [sflag:s8] =	dma.local @!p0 [hbm:s6], $0xF7A  }
0x23: {  	s9 =	sor.u32 $0xD0000000, s2;
	s6 =	simm.s32 $0x108;
	_ =	swait.ge @!p0 [sflag:s8], $0x0  }
0x24: {  	s3 =	sadd.s32 $0x88, s3;
	s6 =	simm.s32 @!p1 $0x1082;
	[sflag:s4] =	ssyncset.s32 $0xFFFFF086  }
0x25: {  	[simem:s6], [sflag:s4] =	dma.local [hbm:s3], $0xF7A  }
0x26: {  	[smem:$0x3F9A] =	sst s1;
	(tag) =	ssettag s2;
	_ =	strace s9  }
0x27: {  	s1 =	sld [smem:$0x3FAA]  }
0x28: {  	s2 =	sld [smem:$0x3FAB]  }
0x29: {  	s4 =	sld [smem:$0x3FAD]  }
0x2a: {  	p0 =	seq.s32 s5, $0x0;
	s5 =	sld [smem:$0x3FAE]  }
0x2b: {  	s6 =	sld [smem:$0x3FAF]  }
0x2c: {  	s7 =	sld [smem:$0x3FB0]  }
0x2d: {  	s3 =	simm.s32 $0x108;
	s8 =	sld [smem:$0x3FB1]  }
0x2e: {  	s3 =	simm.s32 @!p0 $0x1082;
	s9 =	sld [smem:$0x3FB2]  }
0x2f: {  	lr =	sadd.s32 s0, s3;
	s0 =	sld [smem:$0x3FA9]  }
0x30: {  	s3 =	sld [smem:$0x3FAC]  }
0x31: {  	[smem:$0x3FB5] =	sst s10  }
0x32: {  	s10 =	sld [smem:$0x3FB3];
	_ =	sdelay $0x3  }
0x33: {  	p0 =	seq.s32 s10, $0x1;
	s10 =	sld [smem:$0x3FB5];
	_ =	sdelay $0x3  }
0x34: {  	[smem:$0x3FB5] =	sst s10  }
0x35: {  	s10 =	sld [smem:$0x3FB4];
	_ =	sdelay $0x3  }
0x36: {  	p1 =	seq.s32 s10, $0x1;
	s10 =	sld [smem:$0x3FB5];
	_ =	sdelay $0x3  }
0x37: {  	[smem:$0x3FB5] =	sst s10  }
0x38: {  	s10 =	sld [smem:$0x3FB6]  }
0x39: {  	_ = 	snop;
	(pc) =	sbr.ind lr, $3  }
0x3a: {  	_ = 	snop  }
0x3b: {  	_ = 	snop  }
0x3c: {  	p2 =	seq.s32 s10, $0x1;
	s10 =	sld [smem:$0x3FB5]  }
0x3d: {  	_ =	shalt  }
0x3e: {  	_ =	shalt  }
0x3f: {  	_ =	shalt  }
0x40: {  	_ =	shalt  }
0x41: {  	_ =	shalt  }
0x42: {  	_ =	shalt  }
0x43: {  	_ =	shalt  }
0x44: {  	_ =	shalt  }
0x45: {  	_ =	shalt  }
0x46: {  	_ =	shalt  }
0x47: {  	_ =	shalt  }
0x48: {  	_ =	shalt  }
0x49: {  	_ =	shalt  }
0x4a: {  	_ =	shalt  }
0x4b: {  	_ =	shalt  }
0x4c: {  	_ =	shalt  }
0x4d: {  	_ =	shalt  }
0x4e: {  	_ =	shalt  }
0x4f: {  	_ =	shalt  }
0x50: {  	_ =	shalt  }
0x51: {  	_ =	shalt  }
0x52: {  	_ =	shalt  }
0x53: {  	_ =	shalt  }
0x54: {  	_ =	shalt  }
0x55: {  	_ =	shalt  }
0x56: {  	_ =	shalt  }
0x57: {  	_ =	shalt  }
0x58: {  	_ =	shalt  }
0x59: {  	_ =	shalt  }
0x5a: {  	_ =	shalt  }
0x5b: {  	_ =	shalt  }
0x5c: {  	_ =	shalt  }
0x5d: {  	_ =	shalt  }
0x5e: {  	_ =	shalt  }
0x5f: {  	_ =	shalt  }
0x60: {  	_ =	shalt  }
0x61: {  	_ =	shalt  }
0x62: {  	_ =	shalt  }
0x63: {  	_ =	shalt  }
0x64: {  	_ =	shalt  }
0x65: {  	_ =	shalt  }
0x66: {  	_ =	shalt  }
0x67: {  	_ =	shalt  }
0x68: {  	_ =	shalt  }
0x69: {  	_ =	shalt  }
0x6a: {  	_ =	shalt  }
0x6b: {  	_ =	shalt  }
0x6c: {  	_ =	shalt  }
0x6d: {  	_ =	shalt  }
0x6e: {  	_ =	shalt  }
0x6f: {  	_ =	shalt  }
0x70: {  	_ =	shalt  }
0x71: {  	_ =	shalt  }
0x72: {  	_ =	shalt  }
0x73: {  	_ =	shalt  }
0x74: {  	_ =	shalt  }
0x75: {  	_ =	shalt  }
0x76: {  	_ =	shalt  }
0x77: {  	_ =	shalt  }
0x78: {  	_ =	shalt  }
0x79: {  	_ =	shalt  }
0x7a: {  	_ =	shalt  }
0x7b: {  	_ =	shalt  }
0x7c: {  	_ =	shalt  }
0x7d: {  	_ =	shalt  }
0x7e: {  	_ =	shalt  }
0x7f: {  	_ =	shalt  }
0x80: {  	_ =	shalt  }
0x81: {  	_ =	shalt  }
0x82: {  	_ =	shalt  }
0x83: {  	_ =	shalt  }
0x84: {  	_ =	shalt  }
0x85: {  	_ =	shalt  }
0x86: {  	_ =	shalt  }
0x87: {  	_ =	shalt  }
.Lfunc_end0:
.L_simem_size_0:
called_computation_lowered:
.L_overlay_start_0:
0x88: {  	s2 =	sld [smem:$0x3FD9]  }
0x89: {  	s3 =	sld [smem:$0x3FFE];
	_ =	sdelay $0x1  }
0x8a: {  	s1 =	srdreg.scid  }
0x8b: {  	s0 =	sand.u32 $0x1, s1  }
0x8c: {  	s17 =	sshll.u32 s0, $0xA;
	s2 =	sadd.s32 s3, s2  }
0x8d: {  	s2 =	sadd.s32 s2, s17  }
0x8e: {  	[smem:$0x3FC1] =	sst s2  }
0x8f: {  	_ = 	snop  }
0x90: {  	(tm) =	ssettm $0x1  }
0x91: {  	s18 =	sld [smem:$0x3FFB];
	_ =	sdelay $0x3  }
0x92: {  	_ =	strace s18  }
0x93: {  	s2 =	sld [smem:$0x3FFC];
	_ =	sdelay $0x3  }
0x94: {  	_ =	strace s2  }
0x95: {  	s2 =	sld [smem:$0x3FFD];
	_ =	sdelay $0x3  }
0x96: {  	_ =	strace s2  }
0x97: {  	_ =	strace $0x8FFFFFFF  }
0x98: {  	s19 =	sld [smem:$0x3FDB];
	_ =	sdelay $0x1  }
0x99: {  	s20 =	simm.s32 $_scs_section_size  }
0x9a: {  	s4 =	simm.s32 $_size__tile_overlayer_lowered;
	s5 =	simm.s32 $_tile_overlayer_lowered  }
0x9b: {  	s6 =	simm.s32 $0x1BFF;
	s21 =	sshll.u32 s5, $0x1;
	s3 =	sadd.s32 s20, s19  }
0x9c: {  	s22 =	simm.s32 $0x0;
	s4 =	sshll.u32 s4, $0x1;
	s5 =	sadd.s32 s21, s3  }
0x9d: {  	[timem:s22], [sflag:s6] =	dma.local [hbm:s5], s4  }
0x9e: {  	_ =	swait.ge [sflag:s6], s4  }
0x9f: {  	s4 =	ssub.s32 $0x0, s4;
	[sflag:s6] =	ssyncset.done $0x0  }
0xa0: {  	[sflag:s6] =	ssyncadd.s32 s4;
	_ =	sdelay $0x1  }
0xa1: {  	s23 =	simm.s32 $0x1B8B  }
0xa2: {  	_ =	swait.ge [sflag:s23], $0x1  }
0xa3: {  	[sflag:s23] =	ssyncset.done $0x0  }
0xa4: {  	[sflag:s23] =	ssyncadd.s32 $0xFFFFFFFF  }
0xa5: {  	s4 =	sld [smem:$0x0]  }
0xa6: {  	s5 =	sand.u32 $0xFFFFFFFE, s1  }
0xa7: {  	p0 =	sne.s32 s1, s5  }
0xa8: {  	s5 =	sshll.u32 @p0 s5, $0xE  }
0xa9: {  	s5 =	sadd.s32 @p0 $0x11B8D, s5;
	s6 =	sshll.u32 @p0 s4, $0x11  }
0xaa: {  	s5 =	sor.u32 @p0 s6, s5  }
0xab: {  	[sflag:s5] =	ssyncadd.remote.s32 @p0 $0x1;
	_ =	sdelay $0x1  }
0xac: {  	s5 =	simm.s32 @p0 $0x1B8D  }
0xad: {  	_ =	swait.eq @p0 [sflag:s5], $0x1  }
0xae: {  	[sflag:s5] =	ssyncadd.s32 @p0 $0xFFFFFFFF  }
0xaf: {  	s6 =	sshll.u32 @!p0 s1, $0xE  }
0xb0: {  	s6 =	sor.u32 @!p0 $0x4000, s6;
	s5 =	simm.s32 @!p0 $0x1B8D  }
0xb1: {  	s4 =	sshll.u32 @!p0 s4, $0x11;
	s6 =	sadd.s32 @!p0 $0x11B8D, s6;
	_ =	swait.eq @!p0 [sflag:s5], $0x1  }
0xb2: {  	s4 =	sor.u32 @!p0 s4, s6;
	[sflag:s5] =	ssyncadd.s32 @!p0 $0xFFFFFFFF  }
0xb3: {  	s25 =	simm.s32 $0x1B8E;
	s24 =	sld [smem:$0x3FFE];
	[sflag:s4] =	ssyncadd.remote.s32 @!p0 $0x1  }
0xb4: {  	s26 =	simm.s32 $execute0_lowered;
	[smem:$0x3FD2] =	sst s25  }
0xb5: {  	s5 =	sshll.u32 s26, $0x1;
	_ =	strace $0x80000049;
	[dreg:$0x1] =	wrdreg $0xFFFFFFFF  }
0xb6: {  	s28 =	simm.s32 $_size_execute0_lowered;
	s3 =	sadd.s32 s3, s5;
	[dreg:$0x0] =	wrdreg $0x0  }
0xb7: {  	s5 =	sshll.u32 s28, $0x1;
	[dreg:$0x2] =	wrdreg s3  }
0xb8: {  	[dreg:$0x3] =	wrdreg s5  }
0xb9: {  	[dreg:$0x4] =	wrdreg $0xC0  }
0xba: {  	_ =	task [dreg:s22], $0x5FFFF  }
0xbb: {  	[dreg:$0x1] =	wrdreg $0xFFFFFFFF  }
0xbc: {  	[dreg:$0x0] =	wrdreg $0x60  }
0xbd: {  	[dreg:$0x2] =	wrdreg s24  }
0xbe: {  	[dreg:$0x3] =	wrdreg $0x9  }
0xbf: {  	_ =	task.clear_ibuf [dreg:s22], $0x4FFFF;
	_ =	strace $0x90000049  }
0xc0: {  	s29 =	simm.s32 $0x9;
	_ =	strace $0x8000004B  }
0xc1: {  	_ =	swait.ge [sflag:s29], $0x1  }
0xc2: {  	[sflag:s29] =	ssyncadd.s32 $0xFFFFFFFF  }
0xc3: {  	_ =	strace $0x9000004B  }
0xc4: {  	_ =	sfence  }
0xc5: {  	s30 =	sld [smem:$0x0];
	_ =	sdelay $0x2  }
0xc6: {  	s31 =	sshll.u32 s1, $0xD;
	s1 =	sshrl.u32 s1, $0x2  }
0xc7: {  	s4 =	sand.u32 $0x4000, s31;
	s1 =	sadd.s32 s1, s30  }
0xc8: {  	s0 =	sor.u32 s4, s0;
	s1 =	sshll.u32 s1, $0x11  }
0xc9: {  	s0 =	sor.u32 s1, s0  }
0xca: {  	s0 =	sadd.s32 $0x8F2B, s0  }
0xcb: {  	[sflag:s0] =	ssyncadd.remote.s32 $0x1  }
0xcc: {  	_ =	sfence.sel $0xFFFF  }
0xcd: {  	[dreg:$0x0] =	wrdreg $0xFFFFFFFF;
	(pc) =	sbr.abs _section_cstart, $3  }
0xce: {  	[dreg:$0x1] =	wrdreg $0xFFFFFFFF  }
0xcf: {  	_ =	task.clear_ibuf [dreg:s22], $0x2FFFF;
	_ =	strace $0x9FFFFFFF  }
0xd0: {  	(tm) =	ssettm $0x7FFFFFFF  }
0xd1: {  	_ =	shalt  }
tec
execute0_lowered:
.L_overlay_start_1:
0x0: {  	(tag) =	ssettag $0x1  }
0x1: {  	s0 =	srdreg.scid;
	s1 =	stileid.u32  }
0x2: {  	s2 =	sand.u32 $0x1, s0;
	s23 =	sshll.u32 s1, $0x1  }
0x3: {  	s0 =	sor.u32 s2, s23  }
0x4: {  	v0 =	vlaneseq.u32;
	s1 =	sshll.u32 s0, $0x9  }
0x5: {  	v1 =	vor.u32 s1, v0  }
0x6: {  	v36 =	vimm.f32 $0.0e+00;
	s3 =	sshll.u32 s0, $0x6;
	s4 =	sor.u32 $0x10, s1;
	s24 =	sor.u32 $0x20, s1;
	v2 =	vshrl.u32 v1, $0x3  }
0x7: {  	s25 =	sor.u32 $0x30, s1;
	s26 =	sor.u32 $0x40, s1;
	s5 =	sor.u32 $0x50, s1;
	v1 =	vmov s3;
	v3 =	vor.u32 s4, v0;
	v4 =	vor.u32 s24, v0  }
0x8: {  	s6 =	sor.u32 $0x60, s1;
	s7 =	sor.u32 $0x70, s1;
	s8 =	sor.u32 $0x80, s1;
	v5 =	vor.u32 s25, v0;
	v6 =	vor.u32 s26, v0;
	v7 =	vor.u32 s5, v0  }
0x9: {  	s10 =	sor.u32 $0x90, s1;
	s11 =	sor.u32 $0xA0, s1;
	s12 =	sor.u32 $0xB0, s1;
	v8 =	vor.u32 s6, v0;
	v9 =	vor.u32 s7, v0;
	v10 =	vor.u32 s8, v0  }
0xa: {  	s13 =	sor.u32 $0xC0, s1;
	s14 =	sor.u32 $0xD0, s1;
	s15 =	sor.u32 $0xE0, s1;
	v11 =	vor.u32 s10, v0;
	v12 =	vor.u32 s11, v0;
	v13 =	vor.u32 s12, v0  }
0xb: {  	s16 =	sor.u32 $0xF0, s1;
	v14 =	vor.u32 s13, v0;
	v15 =	vor.u32 s14, v0;
	v16 =	vor.u32 s15, v0  }
0xc: {  	v17 =	vor.u32 s16, v0;
	v2 =	vsub.s32 v2, v1;
	v3 =	vshrl.u32 v3, $0x3  }
0xd: {  	v4 =	vshrl.u32 v4, $0x3;
	v5 =	vshrl.u32 v5, $0x3;
	v6 =	vshrl.u32 v6, $0x3  }
0xe: {  	v7 =	vshrl.u32 v7, $0x3;
	v8 =	vshrl.u32 v8, $0x3;
	v9 =	vshrl.u32 v9, $0x3  }
0xf: {  	v10 =	vshrl.u32 v10, $0x3;
	v11 =	vshrl.u32 v11, $0x3;
	v12 =	vshrl.u32 v12, $0x3  }
0x10: {  	s9 =	sor.u32 $0x20, s3;
	[dreg:$0x3] =	wrdreg s24;
	s3 =	sadd.s32 $0x40, s3;
	v13 =	vshrl.u32 v13, $0x3;
	v14 =	vshrl.u32 v14, $0x3;
	v15 =	vshrl.u32 v15, $0x3  }
0x11: {  	[dreg:$0x4] =	wrdreg s25;
	v16 =	vshrl.u32 v16, $0x3;
	v23 =	vmov s3;
	v2 =	vshll.u32 v2, $0xB  }
0x12: {  	[dreg:$0x5] =	wrdreg s26;
	v3 =	vsub.s32 v3, v1;
	v4 =	vsub.s32 v4, v1;
	v5 =	vsub.s32 v5, v1  }
0x13: {  	[dreg:$0x6] =	wrdreg s5;
	v6 =	vsub.s32 v6, v1;
	v7 =	vsub.s32 v7, v1;
	v8 =	vsub.s32 v8, v1  }
0x14: {  	s2 =	ssub.s32 $0x2, s2;
	[dreg:$0x7] =	wrdreg s6;
	v9 =	vsub.s32 v9, v1;
	v10 =	vsub.s32 v10, v1;
	v11 =	vsub.s32 v11, v1  }
0x15: {  	s17 =	sshll.u32 s9, $0x3;
	s5 =	sshrl.u32 s2, $0x1;
	s6 =	sshll.u32 s0, $0xE;
	v12 =	vsub.s32 v12, v1;
	v13 =	vsub.s32 v13, v1;
	v14 =	vsub.s32 v14, v1  }
0x16: {  	s19 =	sor.u32 $0x20, s17;
	s20 =	sor.u32 $0x30, s17;
	s21 =	sor.u32 $0x40, s17;
	v15 =	vsub.s32 v15, v1;
	v18 =	vsub.s32 v16, v1;
	v16 =	vshrl.u32 v17, $0x3  }
0x17: {  	s22 =	sor.u32 $0x50, s17;
	s23 =	sor.u32 $0x60, s17;
	s24 =	sor.u32 $0x70, s17;
	v17 =	vor.u32 s17, v0;
	v21 =	vor.u32 s19, v0;
	v22 =	vor.u32 s20, v0  }
0x18: {  	s25 =	sor.u32 $0x80, s17;
	s26 =	sor.u32 $0x90, s17;
	s28 =	sor.u32 $0xA0, s17;
	v24 =	vor.u32 s21, v0;
	v25 =	vor.u32 s22, v0;
	v26 =	vor.u32 s23, v0  }
0x19: {  	s29 =	sor.u32 $0xB0, s17;
	s30 =	sor.u32 $0xC0, s17;
	s5 =	ssub.s32 s2, s5;
	v27 =	vor.u32 s24, v0;
	v28 =	vor.u32 s25, v0;
	v29 =	vor.u32 s26, v0  }
0x1a: {  	s0 =	sor.u32 $0xD0, s17;
	s2 =	sor.u32 $0xE0, s17;
	s3 =	sor.u32 $0xF0, s17;
	v30 =	vor.u32 s28, v0;
	v31 =	vor.u32 s29, v0;
	v32 =	vor.u32 s30, v0  }
0x1b: {  	v33 =	vor.u32 s0, v0;
	v34 =	vor.u32 s2, v0;
	v35 =	vor.u32 s3, v0  }
0x1c: {  	v3 =	vshll.u32 v3, $0xB;
	v4 =	vshll.u32 v4, $0xB;
	v5 =	vshll.u32 v5, $0xB  }
0x1d: {  	v6 =	vshll.u32 v6, $0xB;
	v7 =	vshll.u32 v7, $0xB;
	v8 =	vshll.u32 v8, $0xB  }
0x1e: {  	v9 =	vshll.u32 v9, $0xB;
	v10 =	vshll.u32 v10, $0xB;
	v11 =	vshll.u32 v11, $0xB  }
0x1f: {  	v12 =	vshll.u32 v12, $0xB;
	v13 =	vshll.u32 v13, $0xB;
	v14 =	vshll.u32 v14, $0xB  }
0x20: {  	v15 =	vshll.u32 v15, $0xB;
	v19 =	vsub.s32 v16, v1;
	v16 =	vmov s9  }
0x21: {  	v20 =	vshrl.u32 v17, $0x3;
	v17 =	vshll.u32 v18, $0xB;
	v21 =	vshrl.u32 v21, $0x3  }
0x22: {  	v22 =	vshrl.u32 v22, $0x3;
	v24 =	vshrl.u32 v24, $0x3;
	v25 =	vshrl.u32 v25, $0x3  }
0x23: {  	v26 =	vshrl.u32 v26, $0x3;
	v27 =	vshrl.u32 v27, $0x3;
	v28 =	vshrl.u32 v28, $0x3  }
0x24: {  	v29 =	vshrl.u32 v29, $0x3;
	v30 =	vshrl.u32 v30, $0x3;
	v31 =	vshrl.u32 v31, $0x3  }
0x25: {  	v32 =	vshrl.u32 v32, $0x3;
	v33 =	vshrl.u32 v33, $0x3;
	v34 =	vshrl.u32 v34, $0x3  }
0x26: {  	s18 =	sor.u32 $0x10, s17;
	v35 =	vshrl.u32 v35, $0x3;
	v18 =	vshll.u32 v19, $0xB;
	v19 =	vsub.s32 v20, v16  }
0x27: {  	s31 =	simm.s32 $0x0;
	v20 =	vor.u32 s18, v0;
	v21 =	vsub.s32 v21, v16;
	v22 =	vsub.s32 v22, v16  }
0x28: {  	[smem:$0x7FF] =	sst s31;
	v24 =	vsub.s32 v24, v16;
	v25 =	vsub.s32 v25, v16;
	v26 =	vsub.s32 v26, v16  }
0x29: {  	[dreg:$0x8] =	wrdreg s7;
	v27 =	vsub.s32 v27, v16;
	v28 =	vsub.s32 v28, v16;
	v29 =	vsub.s32 v29, v16  }
0x2a: {  	s7 =	rddreg [dreg:$0x0];
	v30 =	vsub.s32 v30, v16;
	v31 =	vsub.s32 v31, v16;
	v32 =	vsub.s32 v32, v16  }
0x2b: {  	[dreg:$0x9] =	wrdreg s8;
	s8 =	sadd.s32 $0x85800, s7;
	v33 =	vsub.s32 v33, v16;
	v34 =	vsub.s32 v34, v16;
	v35 =	vsub.s32 v35, v16  }
0x2c: {  	[dreg:$0x2] =	wrdreg s4;
	s4 =	sshll.u32 s9, $0x8;
	s6 =	sadd.s32 s8, s6;
	v19 =	vshll.u32 v19, $0xB;
	v20 =	vshrl.u32 v20, $0x3;
	v21 =	vshll.u32 v21, $0xB  }
0x2d: {  	s4 =	sadd.s32 s8, s4;
	[dreg:$0xa] =	wrdreg s6;
	v22 =	vshll.u32 v22, $0xB;
	v24 =	vshll.u32 v24, $0xB;
	v25 =	vshll.u32 v25, $0xB  }
0x2e: {  	[dreg:$0xb] =	wrdreg s4;
	s6 =	sadd.s32 $0x84800, s7;
	v26 =	vshll.u32 v26, $0xB;
	v27 =	vshll.u32 v27, $0xB;
	v28 =	vshll.u32 v28, $0xB  }
0x2f: {  	s8 =	sadd.s32 $0x85000, s7;
	_ =	strace $0x8000004A;
	[dreg:$0xc] =	wrdreg s6;
	v29 =	vshll.u32 v29, $0xB;
	v30 =	vshll.u32 v30, $0xB;
	v31 =	vshll.u32 v31, $0xB  }
0x30: {  	s9 =	smax.u32 s5, $0x1;
	[dreg:$0xd] =	wrdreg s8;
	v32 =	vshll.u32 v32, $0xB;
	v33 =	vshll.u32 v33, $0xB;
	v20 =	vsub.s32 v20, v16  }
0x31: {  	s4 =	simm.s32 $0x1;
	s5 =	simm.s32 $0x0;
	[dreg:$0xe] =	wrdreg s9;
	v34 =	vshll.u32 v34, $0xB;
	v35 =	vshll.u32 v35, $0xB;
	v20 =	vshll.u32 v20, $0xB  }
.LBB2_1:
0x32: {  	s6 =	rddreg [dreg:$0xc];
	s7 =	simm.s32 $0x10000  }
0x33: {  	[tilespmem:s7], [sflag:$0x1] =	stream.linear.gather [hbm4b:s6+s31], $0x4000, $0x38;
	[tilespmem:$0x18000] =	vst v63  }
0x34: {  	_ =	swait.ge [sflag:s4], $0x4000  }
0x35: {  	[sflag:s4] =	ssyncset.done $0x0  }
0x36: {  	s9 =	simm.s32 $0x14000;
	s8 =	rddreg [dreg:$0xd];
	[sflag:s4] =	ssyncadd.s32 $0xFFFFC000  }
0x37: {  	[tilespmem:s9], [sflag:$0x1] =	stream.linear.gather [hbm4b:s8+s31], $0x4000, $0x38;
	[tilespmem:$0x18000] =	vst v63  }
0x38: {  	_ =	swait.ge [sflag:s4], $0x4000  }
0x39: {  	[sflag:s4] =	ssyncset.done $0x0  }
0x3a: {  	s6 =	simm.s32 $0x0;
	s7 =	simm.s32 $0x200;
	[sflag:s4] =	ssyncadd.s32 $0xFFFFC000  }
.LBB2_2:
0x3b: {  	p0 =	sne.s32 s7, $0x3FE00;
	[tilespmem:s6+$0x70] =	vst v36  }
0x3c: {  	[tilespmem:s6+$0x0] =	vst v36  }
0x3d: {  	[tilespmem:s6+$0x10] =	vst v36  }
.Ltmp0:
0x3e: {  	[tilespmem:s6+$0x20] =	vst v36;
	(pc) =	sbr.rel @p0 .LBB2_2-.Ltmp0, $4  }
0x3f: {  	[tilespmem:s6+$0x30] =	vst v36  }
0x40: {  	[tilespmem:s6+$0x40] =	vst v36  }
0x41: {  	[tilespmem:s6+$0x50] =	vst v36  }
0x42: {  	[tilespmem:s6+$0x60] =	vst v36;
	s6 =	sshra.s32 s7, $0x2;
	s7 =	sadd.s32 $0x200, s7  }
0x43: {  	[tilespmem:s6+$0x70] =	vst v36  }
0x44: {  	[tilespmem:s6+$0x0] =	vst v36  }
0x45: {  	[tilespmem:s6+$0x10] =	vst v36  }
0x46: {  	[tilespmem:s6+$0x20] =	vst v36  }
0x47: {  	[tilespmem:s6+$0x30] =	vst v36  }
0x48: {  	[tilespmem:s6+$0x40] =	vst v36  }
0x49: {  	[tilespmem:s6+$0x50] =	vst v36  }
0x4a: {  	[tilespmem:s6+$0x60] =	vst v36  }
0x4b: {  	v37 =	vld [tilespmem:s1+$0x10000];
	_ =	sdelay $0x3  }
0x4c: {  	v38 =	vld [tilespmem:s1+$0x14000]  }
0x4d: {  	v37 =	vadd.s32 v2, v37;
	_ =	sdelay $0x3  }
0x4e: {  	s6 =	simm.s32 $0x0;
	v38 =	vmax.f32 v38, $0.0e+00  }
0x4f: {  	s7 =	rddreg [dreg:$0x2];
	[tilespmem:v37+s6+$0x0] =	vst.idx.msk $0xffff, v38  }
0x50: {  	v37 =	vld [tilespmem:s7+$0x10000];
	_ =	sdelay $0x3  }
0x51: {  	v38 =	vld [tilespmem:s7+$0x14000]  }
0x52: {  	v37 =	vadd.s32 v3, v37;
	_ =	sdelay $0x3  }
0x53: {  	v38 =	vmax.f32 v38, $0.0e+00  }
0x54: {  	s9 =	rddreg [dreg:$0x3];
	[tilespmem:v37+s6+$0x0] =	vst.idx.msk $0xffff, v38  }
0x55: {  	v37 =	vld [tilespmem:s9+$0x10000];
	_ =	sdelay $0x3  }
0x56: {  	v38 =	vld [tilespmem:s9+$0x14000]  }
0x57: {  	v37 =	vadd.s32 v4, v37;
	_ =	sdelay $0x3  }
0x58: {  	v38 =	vmax.f32 v38, $0.0e+00  }
0x59: {  	s8 =	rddreg [dreg:$0x4];
	[tilespmem:v37+s6+$0x0] =	vst.idx.msk $0xffff, v38  }
0x5a: {  	v37 =	vld [tilespmem:s8+$0x10000];
	_ =	sdelay $0x3  }
0x5b: {  	v38 =	vld [tilespmem:s8+$0x14000]  }
0x5c: {  	v37 =	vadd.s32 v5, v37;
	_ =	sdelay $0x3  }
0x5d: {  	v38 =	vmax.f32 v38, $0.0e+00  }
0x5e: {  	s9 =	rddreg [dreg:$0x5];
	[tilespmem:v37+s6+$0x0] =	vst.idx.msk $0xffff, v38  }
0x5f: {  	v37 =	vld [tilespmem:s9+$0x10000];
	_ =	sdelay $0x3  }
0x60: {  	v38 =	vld [tilespmem:s9+$0x14000]  }
0x61: {  	v37 =	vadd.s32 v6, v37;
	_ =	sdelay $0x3  }
0x62: {  	v38 =	vmax.f32 v38, $0.0e+00  }
0x63: {  	s8 =	rddreg [dreg:$0x6];
	[tilespmem:v37+s6+$0x0] =	vst.idx.msk $0xffff, v38  }
0x64: {  	v37 =	vld [tilespmem:s8+$0x10000];
	_ =	sdelay $0x3  }
0x65: {  	v38 =	vld [tilespmem:s8+$0x14000]  }
0x66: {  	v37 =	vadd.s32 v7, v37;
	_ =	sdelay $0x3  }
0x67: {  	v38 =	vmax.f32 v38, $0.0e+00  }
0x68: {  	s9 =	rddreg [dreg:$0x7];
	[tilespmem:v37+s6+$0x0] =	vst.idx.msk $0xffff, v38  }
0x69: {  	v37 =	vld [tilespmem:s9+$0x10000];
	_ =	sdelay $0x3  }
0x6a: {  	v38 =	vld [tilespmem:s9+$0x14000]  }
0x6b: {  	v37 =	vadd.s32 v8, v37;
	_ =	sdelay $0x3  }
0x6c: {  	v38 =	vmax.f32 v38, $0.0e+00  }
0x6d: {  	s8 =	rddreg [dreg:$0x8];
	[tilespmem:v37+s6+$0x0] =	vst.idx.msk $0xffff, v38  }
0x6e: {  	v37 =	vld [tilespmem:s8+$0x10000];
	_ =	sdelay $0x3  }
0x6f: {  	v38 =	vld [tilespmem:s8+$0x14000]  }
0x70: {  	v37 =	vadd.s32 v9, v37;
	_ =	sdelay $0x3  }
0x71: {  	v38 =	vmax.f32 v38, $0.0e+00  }
0x72: {  	s9 =	rddreg [dreg:$0x9];
	[tilespmem:v37+s6+$0x0] =	vst.idx.msk $0xffff, v38  }
0x73: {  	v37 =	vld [tilespmem:s9+$0x10000];
	_ =	sdelay $0x3  }
0x74: {  	v38 =	vld [tilespmem:s9+$0x14000]  }
0x75: {  	v37 =	vadd.s32 v10, v37;
	_ =	sdelay $0x3  }
0x76: {  	v38 =	vmax.f32 v38, $0.0e+00  }
0x77: {  	[tilespmem:v37+s6+$0x0] =	vst.idx.msk $0xffff, v38  }
0x78: {  	v37 =	vld [tilespmem:s10+$0x10000];
	_ =	sdelay $0x3  }
0x79: {  	v38 =	vld [tilespmem:s10+$0x14000]  }
0x7a: {  	v37 =	vadd.s32 v11, v37;
	_ =	sdelay $0x3  }
0x7b: {  	v38 =	vmax.f32 v38, $0.0e+00  }
0x7c: {  	[tilespmem:v37+s6+$0x0] =	vst.idx.msk $0xffff, v38  }
0x7d: {  	v37 =	vld [tilespmem:s11+$0x10000];
	_ =	sdelay $0x3  }
0x7e: {  	v38 =	vld [tilespmem:s11+$0x14000]  }
0x7f: {  	v37 =	vadd.s32 v12, v37;
	_ =	sdelay $0x3  }
0x80: {  	v38 =	vmax.f32 v38, $0.0e+00  }
0x81: {  	[tilespmem:v37+s6+$0x0] =	vst.idx.msk $0xffff, v38  }
0x82: {  	v37 =	vld [tilespmem:s12+$0x10000];
	_ =	sdelay $0x3  }
0x83: {  	v38 =	vld [tilespmem:s12+$0x14000]  }
0x84: {  	v37 =	vadd.s32 v13, v37;
	_ =	sdelay $0x3  }
0x85: {  	v38 =	vmax.f32 v38, $0.0e+00  }
0x86: {  	[tilespmem:v37+s6+$0x0] =	vst.idx.msk $0xffff, v38  }
0x87: {  	v37 =	vld [tilespmem:s13+$0x10000];
	_ =	sdelay $0x3  }
0x88: {  	v38 =	vld [tilespmem:s13+$0x14000]  }
0x89: {  	v37 =	vadd.s32 v14, v37;
	_ =	sdelay $0x3  }
0x8a: {  	v38 =	vmax.f32 v38, $0.0e+00  }
0x8b: {  	[tilespmem:v37+s6+$0x0] =	vst.idx.msk $0xffff, v38  }
0x8c: {  	v37 =	vld [tilespmem:s14+$0x10000];
	_ =	sdelay $0x3  }
0x8d: {  	v38 =	vld [tilespmem:s14+$0x14000]  }
0x8e: {  	v37 =	vadd.s32 v15, v37;
	_ =	sdelay $0x3  }
0x8f: {  	v38 =	vmax.f32 v38, $0.0e+00  }
0x90: {  	[tilespmem:v37+s6+$0x0] =	vst.idx.msk $0xffff, v38  }
0x91: {  	v37 =	vld [tilespmem:s15+$0x10000];
	_ =	sdelay $0x3  }
0x92: {  	v38 =	vld [tilespmem:s15+$0x14000]  }
0x93: {  	v37 =	vadd.s32 v17, v37;
	_ =	sdelay $0x3  }
0x94: {  	v38 =	vmax.f32 v38, $0.0e+00  }
0x95: {  	[tilespmem:v37+s6+$0x0] =	vst.idx.msk $0xffff, v38  }
0x96: {  	v37 =	vld [tilespmem:s16+$0x10000];
	_ =	sdelay $0x3  }
0x97: {  	v38 =	vld [tilespmem:s16+$0x14000]  }
0x98: {  	v37 =	vadd.s32 v18, v37;
	_ =	sdelay $0x3  }
0x99: {  	v38 =	vmax.f32 v38, $0.0e+00  }
0x9a: {  	s7 =	simm.s32 $0x10010;
	s8 =	simm.s32 $0x14010;
	[tilespmem:v37+s6+$0x0] =	vst.idx.msk $0xffff, v38  }
.LBB2_4:
0x9b: {  	v37 =	vld [tilespmem:s7+$0xFFFFFFF0];
	_ =	sdelay $0x3  }
0x9c: {  	v38 =	vor.u32 s6, v0  }
0x9d: {  	v38 =	vshrl.u32 v38, $0x3;
	v39 =	vsub.s32 v37, v1  }
0x9e: {  	vm0 =	vge.s32 v37, v1;
	vm1 =	vlt.s32 v37, v16;
	v56 =	vshll.u32 v39, $0xB  }
0x9f: {  	v57 =	vld [tilespmem:s8+$0xFFFFFFF0];
	vm0 =	vmand vm0, vm1;
	v37 =	vadd.s32 v38, v56  }
0xa0: {  	v37 =	vnsel vm0, $0x0, v37;
	_ =	sdelay $0x3  }
0xa1: {  	v58 =	vmax.f32 v57, $0.0e+00  }
0xa2: {  	[tilespmem:v37+s31+$0x0] =	vst.idx.msk vm0, v58  }
0xa3: {  	v37 =	vld [tilespmem:s7+$0x0];
	_ =	sdelay $0x2  }
0xa4: {  	s9 =	sadd.s32 $0x10, s6  }
0xa5: {  	v59 =	vor.u32 s9, v0  }
0xa6: {  	v38 =	vshrl.u32 v59, $0x3;
	v60 =	vsub.s32 v37, v1  }
0xa7: {  	vm14 =	vge.s32 v37, v1;
	vm15 =	vlt.s32 v37, v16;
	v61 =	vshll.u32 v60, $0xB  }
0xa8: {  	v62 =	vld [tilespmem:s8+$0x0];
	vm0 =	vmand vm14, vm15;
	v37 =	vadd.s32 v38, v61  }
0xa9: {  	p0 =	sne.s32 s6, $0x3FE0;
	v37 =	vnsel vm0, $0x0, v37  }
.Ltmp1:
0xaa: {  	_ = 	snop;
	(pc) =	sbr.rel @p0 .LBB2_4-.Ltmp1, $3  }
0xab: {  	_ =	sdelay $0x1  }
0xac: {  	v63 =	vmax.f32 v62, $0.0e+00  }
0xad: {  	s6 =	sadd.s32 $0x20, s6;
	s7 =	sadd.s32 $0x20, s7;
	s8 =	sadd.s32 $0x20, s8;
	[tilespmem:v37+s31+$0x0] =	vst.idx.msk vm0, v63  }
0xae: {  	s6 =	simm.s32 $0x0;
	s7 =	rddreg [dreg:$0xa]  }
0xaf: {  	[hbm4b:s7+s6] =	stream.linear.scatter [tilespmem:s6], [sflag:$0x1], $0x10000, $0x38;
	[tilespmem:$0x18000] =	vst v63  }
0xb0: {  	_ =	swait.ge [sflag:s4], $0x10000  }
0xb1: {  	[sflag:s4] =	ssyncset.done $0x0  }
0xb2: {  	s6 =	simm.s32 $0x0;
	s7 =	simm.s32 $0x200;
	[sflag:s4] =	ssyncadd.s32 $0xFFFF0000  }
.LBB2_6:
0xb3: {  	p0 =	sne.s32 s7, $0x3FE00;
	[tilespmem:s6+$0x70] =	vst v36  }
0xb4: {  	[tilespmem:s6+$0x0] =	vst v36  }
0xb5: {  	[tilespmem:s6+$0x10] =	vst v36  }
.Ltmp2:
0xb6: {  	[tilespmem:s6+$0x20] =	vst v36;
	(pc) =	sbr.rel @p0 .LBB2_6-.Ltmp2, $4  }
0xb7: {  	[tilespmem:s6+$0x30] =	vst v36  }
0xb8: {  	[tilespmem:s6+$0x40] =	vst v36  }
0xb9: {  	[tilespmem:s6+$0x50] =	vst v36  }
0xba: {  	[tilespmem:s6+$0x60] =	vst v36;
	s6 =	sshra.s32 s7, $0x2;
	s7 =	sadd.s32 $0x200, s7  }
0xbb: {  	[tilespmem:s6+$0x70] =	vst v36  }
0xbc: {  	[tilespmem:s6+$0x0] =	vst v36  }
0xbd: {  	[tilespmem:s6+$0x10] =	vst v36  }
0xbe: {  	[tilespmem:s6+$0x20] =	vst v36  }
0xbf: {  	[tilespmem:s6+$0x30] =	vst v36  }
0xc0: {  	[tilespmem:s6+$0x40] =	vst v36  }
0xc1: {  	[tilespmem:s6+$0x50] =	vst v36  }
0xc2: {  	[tilespmem:s6+$0x60] =	vst v36  }
0xc3: {  	v37 =	vld [tilespmem:s17+$0x10000];
	_ =	sdelay $0x3  }
0xc4: {  	v38 =	vld [tilespmem:s17+$0x14000]  }
0xc5: {  	v37 =	vadd.s32 v19, v37;
	_ =	sdelay $0x3  }
0xc6: {  	s6 =	simm.s32 $0x0;
	v38 =	vmax.f32 v38, $0.0e+00  }
0xc7: {  	[tilespmem:v37+s6+$0x0] =	vst.idx.msk $0xffff, v38  }
0xc8: {  	v37 =	vld [tilespmem:s18+$0x10000];
	_ =	sdelay $0x3  }
0xc9: {  	v38 =	vld [tilespmem:s18+$0x14000]  }
0xca: {  	v37 =	vadd.s32 v20, v37;
	_ =	sdelay $0x3  }
0xcb: {  	v38 =	vmax.f32 v38, $0.0e+00  }
0xcc: {  	[tilespmem:v37+s6+$0x0] =	vst.idx.msk $0xffff, v38  }
0xcd: {  	v37 =	vld [tilespmem:s19+$0x10000];
	_ =	sdelay $0x3  }
0xce: {  	v38 =	vld [tilespmem:s19+$0x14000]  }
0xcf: {  	v37 =	vadd.s32 v21, v37;
	_ =	sdelay $0x3  }
0xd0: {  	v38 =	vmax.f32 v38, $0.0e+00  }
0xd1: {  	[tilespmem:v37+s6+$0x0] =	vst.idx.msk $0xffff, v38  }
0xd2: {  	v37 =	vld [tilespmem:s20+$0x10000];
	_ =	sdelay $0x3  }
0xd3: {  	v38 =	vld [tilespmem:s20+$0x14000]  }
0xd4: {  	v37 =	vadd.s32 v22, v37;
	_ =	sdelay $0x3  }
0xd5: {  	v38 =	vmax.f32 v38, $0.0e+00  }
0xd6: {  	[tilespmem:v37+s6+$0x0] =	vst.idx.msk $0xffff, v38  }
0xd7: {  	v37 =	vld [tilespmem:s21+$0x10000];
	_ =	sdelay $0x3  }
0xd8: {  	v38 =	vld [tilespmem:s21+$0x14000]  }
0xd9: {  	v37 =	vadd.s32 v24, v37;
	_ =	sdelay $0x3  }
0xda: {  	v38 =	vmax.f32 v38, $0.0e+00  }
0xdb: {  	[tilespmem:v37+s6+$0x0] =	vst.idx.msk $0xffff, v38  }
0xdc: {  	v37 =	vld [tilespmem:s22+$0x10000];
	_ =	sdelay $0x3  }
0xdd: {  	v38 =	vld [tilespmem:s22+$0x14000]  }
0xde: {  	v37 =	vadd.s32 v25, v37;
	_ =	sdelay $0x3  }
0xdf: {  	v38 =	vmax.f32 v38, $0.0e+00  }
0xe0: {  	[tilespmem:v37+s6+$0x0] =	vst.idx.msk $0xffff, v38  }
0xe1: {  	v37 =	vld [tilespmem:s23+$0x10000];
	_ =	sdelay $0x3  }
0xe2: {  	v38 =	vld [tilespmem:s23+$0x14000]  }
0xe3: {  	v37 =	vadd.s32 v26, v37;
	_ =	sdelay $0x3  }
0xe4: {  	v38 =	vmax.f32 v38, $0.0e+00  }
0xe5: {  	[tilespmem:v37+s6+$0x0] =	vst.idx.msk $0xffff, v38  }
0xe6: {  	v37 =	vld [tilespmem:s24+$0x10000];
	_ =	sdelay $0x3  }
0xe7: {  	v38 =	vld [tilespmem:s24+$0x14000]  }
0xe8: {  	v37 =	vadd.s32 v27, v37;
	_ =	sdelay $0x3  }
0xe9: {  	v38 =	vmax.f32 v38, $0.0e+00  }
0xea: {  	[tilespmem:v37+s6+$0x0] =	vst.idx.msk $0xffff, v38  }
0xeb: {  	v37 =	vld [tilespmem:s25+$0x10000];
	_ =	sdelay $0x3  }
0xec: {  	v38 =	vld [tilespmem:s25+$0x14000]  }
0xed: {  	v37 =	vadd.s32 v28, v37;
	_ =	sdelay $0x3  }
0xee: {  	v38 =	vmax.f32 v38, $0.0e+00  }
0xef: {  	[tilespmem:v37+s6+$0x0] =	vst.idx.msk $0xffff, v38  }
0xf0: {  	v37 =	vld [tilespmem:s26+$0x10000];
	_ =	sdelay $0x3  }
0xf1: {  	v38 =	vld [tilespmem:s26+$0x14000]  }
0xf2: {  	v37 =	vadd.s32 v29, v37;
	_ =	sdelay $0x3  }
0xf3: {  	v38 =	vmax.f32 v38, $0.0e+00  }
0xf4: {  	[tilespmem:v37+s6+$0x0] =	vst.idx.msk $0xffff, v38  }
0xf5: {  	v37 =	vld [tilespmem:s28+$0x10000];
	_ =	sdelay $0x3  }
0xf6: {  	v38 =	vld [tilespmem:s28+$0x14000]  }
0xf7: {  	v37 =	vadd.s32 v30, v37;
	_ =	sdelay $0x3  }
0xf8: {  	v38 =	vmax.f32 v38, $0.0e+00  }
0xf9: {  	[tilespmem:v37+s6+$0x0] =	vst.idx.msk $0xffff, v38  }
0xfa: {  	v37 =	vld [tilespmem:s29+$0x10000];
	_ =	sdelay $0x3  }
0xfb: {  	v38 =	vld [tilespmem:s29+$0x14000]  }
0xfc: {  	v37 =	vadd.s32 v31, v37;
	_ =	sdelay $0x3  }
0xfd: {  	v38 =	vmax.f32 v38, $0.0e+00  }
0xfe: {  	[tilespmem:v37+s6+$0x0] =	vst.idx.msk $0xffff, v38  }
0xff: {  	v37 =	vld [tilespmem:s30+$0x10000];
	_ =	sdelay $0x3  }
0x100: {  	v38 =	vld [tilespmem:s30+$0x14000]  }
0x101: {  	v37 =	vadd.s32 v32, v37;
	_ =	sdelay $0x3  }
0x102: {  	v38 =	vmax.f32 v38, $0.0e+00  }
0x103: {  	[tilespmem:v37+s6+$0x0] =	vst.idx.msk $0xffff, v38  }
0x104: {  	v37 =	vld [tilespmem:s0+$0x10000];
	_ =	sdelay $0x3  }
0x105: {  	v38 =	vld [tilespmem:s0+$0x14000]  }
0x106: {  	v37 =	vadd.s32 v33, v37;
	_ =	sdelay $0x3  }
0x107: {  	v38 =	vmax.f32 v38, $0.0e+00  }
0x108: {  	[tilespmem:v37+s6+$0x0] =	vst.idx.msk $0xffff, v38  }
0x109: {  	v37 =	vld [tilespmem:s2+$0x10000];
	_ =	sdelay $0x3  }
0x10a: {  	v38 =	vld [tilespmem:s2+$0x14000]  }
0x10b: {  	v37 =	vadd.s32 v34, v37;
	_ =	sdelay $0x3  }
0x10c: {  	v38 =	vmax.f32 v38, $0.0e+00  }
0x10d: {  	[tilespmem:v37+s6+$0x0] =	vst.idx.msk $0xffff, v38  }
0x10e: {  	v37 =	vld [tilespmem:s3+$0x10000];
	_ =	sdelay $0x3  }
0x10f: {  	v38 =	vld [tilespmem:s3+$0x14000]  }
0x110: {  	v37 =	vadd.s32 v35, v37;
	_ =	sdelay $0x3  }
0x111: {  	v38 =	vmax.f32 v38, $0.0e+00  }
0x112: {  	s7 =	simm.s32 $0x10010;
	s8 =	simm.s32 $0x14010;
	[tilespmem:v37+s6+$0x0] =	vst.idx.msk $0xffff, v38  }
.LBB2_8:
0x113: {  	v37 =	vld [tilespmem:s7+$0xFFFFFFF0];
	_ =	sdelay $0x3  }
0x114: {  	v38 =	vor.u32 s6, v0  }
0x115: {  	v38 =	vshrl.u32 v38, $0x3;
	v39 =	vsub.s32 v37, v16  }
0x116: {  	vm0 =	vge.s32 v37, v16;
	vm1 =	vlt.s32 v37, v23;
	v56 =	vshll.u32 v39, $0xB  }
0x117: {  	v57 =	vld [tilespmem:s8+$0xFFFFFFF0];
	vm0 =	vmand vm0, vm1;
	v37 =	vadd.s32 v38, v56  }
0x118: {  	v37 =	vnsel vm0, $0x0, v37;
	_ =	sdelay $0x3  }
0x119: {  	v58 =	vmax.f32 v57, $0.0e+00  }
0x11a: {  	[tilespmem:v37+s31+$0x0] =	vst.idx.msk vm0, v58  }
0x11b: {  	v37 =	vld [tilespmem:s7+$0x0];
	_ =	sdelay $0x2  }
0x11c: {  	s9 =	sadd.s32 $0x10, s6  }
0x11d: {  	v59 =	vor.u32 s9, v0  }
0x11e: {  	v38 =	vshrl.u32 v59, $0x3;
	v60 =	vsub.s32 v37, v16  }
0x11f: {  	vm14 =	vge.s32 v37, v16;
	vm15 =	vlt.s32 v37, v23;
	v61 =	vshll.u32 v60, $0xB  }
0x120: {  	v62 =	vld [tilespmem:s8+$0x0];
	vm0 =	vmand vm14, vm15;
	v37 =	vadd.s32 v38, v61  }
0x121: {  	p0 =	sne.s32 s6, $0x3FE0;
	v37 =	vnsel vm0, $0x0, v37  }
.Ltmp3:
0x122: {  	_ = 	snop;
	(pc) =	sbr.rel @p0 .LBB2_8-.Ltmp3, $3  }
0x123: {  	_ =	sdelay $0x1  }
0x124: {  	v63 =	vmax.f32 v62, $0.0e+00  }
0x125: {  	s6 =	sadd.s32 $0x20, s6;
	s7 =	sadd.s32 $0x20, s7;
	s8 =	sadd.s32 $0x20, s8;
	[tilespmem:v37+s31+$0x0] =	vst.idx.msk vm0, v63  }
0x126: {  	s6 =	rddreg [dreg:$0xb]  }
0x127: {  	[hbm4b:s6+s31] =	stream.linear.scatter [tilespmem:s31], [sflag:$0x1], $0x10000, $0x38;
	[tilespmem:$0x18000] =	vst v63  }
0x128: {  	_ =	swait.ge [sflag:s4], $0x10000  }
0x129: {  	s5 =	sadd.s32 $0x1, s5;
	s9 =	rddreg [dreg:$0xe]  }
0x12a: {  	p0 =	sne.s32 s5, s9  }
.Ltmp4:
0x12b: {  	_ = 	snop;
	(pc) =	sbr.rel @p0 .LBB2_1-.Ltmp4, $3  }
0x12c: {  	_ =	sdelay $0x1  }
0x12d: {  	[sflag:s4] =	ssyncset.done $0x0  }
0x12e: {  	[sflag:s4] =	ssyncadd.s32 $0xFFFF0000  }
0x12f: {  	_ =	sfence.sel $0x180000  }
0x130: {  	[bflag:$0x0] =	sbarrier.arrive $0xFFFF  }
0x131: {  	_ =	strace $0x9000004A  }
0x132: {  	s0 =	stileid.u32;
	[bflag:$0x2] =	sbarrier.arrive $0xFFFF  }
0x133: {  	p0 =	sne.s32 s0, $0x0;
	s0 =	rddreg [dreg:$0x1]  }
0x134: {  	s0 =	sadd.s32 @!p0 $0x100000, s0  }
0x135: {  	[sflag:s0] =	ssyncadd.tile.s32 @!p0 $0x1;
	_ =	shalt  }
.Lfunc_end2:
_tile_overlayer_lowered:
.L_overlay_start_2:
0x136: {  	(tag) =	ssettag $0x2  }
0x137: {  	s0 =	rddreg [dreg:$0x0];
	s2 =	stileid.u32  }
0x138: {  	s1 =	rddreg [dreg:$0x1];
	p0 =	sne.s32 s2, $0x0  }
0x139: {  	s3 =	rddreg [dreg:$0x2];
	[bflag:$0x3] =	sbarrier.arrive $0xFFFF;
	s2 =	simm.s32 @!p0 $0x1C01  }
0x13a: {  	[timem:s3], [sflag:s2] =	dma.local @!p0 [hbm:s0], s1  }
0x13b: {  	s0 =	simm.s32 @!p0 $0x1  }
0x13c: {  	_ =	swait.ge @!p0 [sflag:s0], s1  }
0x13d: {  	s1 =	ssub.s32 @!p0 $0x0, s1;
	[sflag:s0] =	ssyncset.done @!p0 $0x0  }
0x13e: {  	[sflag:s0] =	ssyncadd.s32 @!p0 s1  }
0x13f: {  	[bflag:$0x3] =	sbarrier.arrive $0xFFFF  }
0x140: {  	_ =	shalt  }

// kernel: kernel.36.cloned.1.call-start
scs
__scs_entry_jumppad:
0x0: {  	(pc) =	sbr.rel $0x88, $3  }
0x1: {  	(tag) =	ssettag $0x0;
	lr =	simm.s32 $0x1  }
0x2: {  	[smem:$0x3F9A] =	sst lr;
	_ =	strace $0xD0000000  }
0x3: {  	_ = 	snop  }
0x4: {  	_ = 	snop  }
0x5: {  	_ = 	snop  }
0x6: {  	_ = 	snop  }
0x7: {  	_ = 	snop  }
__scs_overlays_trampoline_lowered:
0x8: {  	[smem:$0x3FA9] =	sst s0  }
0x9: {  	[smem:$0x3FAA] =	sst s1  }
0xa: {  	[smem:$0x3FAB] =	sst s2  }
0xb: {  	[smem:$0x3FAC] =	sst s3  }
0xc: {  	[smem:$0x3FAD] =	sst s4  }
0xd: {  	[smem:$0x3FAE] =	sst s5  }
0xe: {  	[smem:$0x3FAF] =	sst s6  }
0xf: {  	[smem:$0x3FB0] =	sst s7  }
0x10: {  	[smem:$0x3FB1] =	sst s8  }
0x11: {  	[smem:$0x3FB2] =	sst s9;
	s0 =	simm.s32 @!p0 $0x0  }
0x12: {  	s1 =	sld [smem:$0x3F98];
	s0 =	simm.s32 @p0 $0x1  }
0x13: {  	[smem:$0x3FB3] =	sst s0;
	s0 =	simm.s32 @!p1 $0x0  }
0x14: {  	s2 =	sld [smem:$0x3F97];
	s0 =	simm.s32 @p1 $0x1  }
0x15: {  	[smem:$0x3FB4] =	sst s0;
	s0 =	simm.s32 @!p2 $0x0  }
0x16: {  	s3 =	sld [smem:$0x3FDB];
	s0 =	simm.s32 @p2 $0x1  }
0x17: {  	s4 =	simm.s32 $0x1BF5;
	[smem:$0x3FB6] =	sst s0  }
0x18: {  	s0 =	sld [smem:$0x3F99];
	_ =	swait.ge [sflag:s4], $0x0  }
0x19: {  	s7 =	sld [smem:$0x3F9A]  }
0x1a: {  	s8 =	sadd.s32 $0xFFFFE003, lr  }
0x1b: {  	s9 =	sadd.s32 $0xFFFFFEF7, lr;
	s5 =	simm.s32 $0xFFFFFFFF;
	p2 =	slt.u32 s8, $0xFFFFF086  }
0x1c: {  	p1 =	slt.u32 s9, $0xF7A;
	s5 =	simm.s32 @!p2 $0x0  }
0x1d: {  	s5 =	simm.s32 @p1 $0x1;
	p0 =	seq.s32 s7, s2  }
0x1e: {  	s7 =	smul.u32 @!p0 $0xF7A, s2;
	p2 =	seq.s32 @!p0 s5, $0x0  }
0x1f: {  	s9 =	smul.u32 $0xF7A, s1;
	s8 =	simm.s32 @!p0 $0x1BF5;
	p2 =	por !p2, p0  }
0x20: {  	[sflag:s8] =	ssyncset.s32 @!p0 $0xFFFFF086;
	s6 =	sadd.s32 @!p0 s3, s7;
	s7 =	simm.s32 @!p0 $0x108  }
0x21: {  	s3 =	sadd.s32 s3, s9;
	s6 =	sadd.s32 @!p0 $0x88, s6;
	s7 =	simm.s32 @p2 $0x1082  }
0x22: {  	[simem:s7], [sflag:s8] =	dma.local @!p0 [hbm:s6], $0xF7A  }
0x23: {  	s9 =	sor.u32 $0xD0000000, s2;
	s6 =	simm.s32 $0x108;
	_ =	swait.ge @!p0 [sflag:s8], $0x0  }
0x24: {  	s3 =	sadd.s32 $0x88, s3;
	s6 =	simm.s32 @!p1 $0x1082;
	[sflag:s4] =	ssyncset.s32 $0xFFFFF086  }
0x25: {  	[simem:s6], [sflag:s4] =	dma.local [hbm:s3], $0xF7A  }
0x26: {  	[smem:$0x3F9A] =	sst s1;
	(tag) =	ssettag s2;
	_ =	strace s9  }
0x27: {  	s1 =	sld [smem:$0x3FAA]  }
0x28: {  	s2 =	sld [smem:$0x3FAB]  }
0x29: {  	s4 =	sld [smem:$0x3FAD]  }
0x2a: {  	p0 =	seq.s32 s5, $0x0;
	s5 =	sld [smem:$0x3FAE]  }
0x2b: {  	s6 =	sld [smem:$0x3FAF]  }
0x2c: {  	s7 =	sld [smem:$0x3FB0]  }
0x2d: {  	s3 =	simm.s32 $0x108;
	s8 =	sld [smem:$0x3FB1]  }
0x2e: {  	s3 =	simm.s32 @!p0 $0x1082;
	s9 =	sld [smem:$0x3FB2]  }
0x2f: {  	lr =	sadd.s32 s0, s3;
	s0 =	sld [smem:$0x3FA9]  }
0x30: {  	s3 =	sld [smem:$0x3FAC]  }
0x31: {  	[smem:$0x3FB5] =	sst s10  }
0x32: {  	s10 =	sld [smem:$0x3FB3];
	_ =	sdelay $0x3  }
0x33: {  	p0 =	seq.s32 s10, $0x1;
	s10 =	sld [smem:$0x3FB5];
	_ =	sdelay $0x3  }
0x34: {  	[smem:$0x3FB5] =	sst s10  }
0x35: {  	s10 =	sld [smem:$0x3FB4];
	_ =	sdelay $0x3  }
0x36: {  	p1 =	seq.s32 s10, $0x1;
	s10 =	sld [smem:$0x3FB5];
	_ =	sdelay $0x3  }
0x37: {  	[smem:$0x3FB5] =	sst s10  }
0x38: {  	s10 =	sld [smem:$0x3FB6]  }
0x39: {  	_ = 	snop;
	(pc) =	sbr.ind lr, $3  }
0x3a: {  	_ = 	snop  }
0x3b: {  	_ = 	snop  }
0x3c: {  	p2 =	seq.s32 s10, $0x1;
	s10 =	sld [smem:$0x3FB5]  }
0x3d: {  	_ =	shalt  }
0x3e: {  	_ =	shalt  }
0x3f: {  	_ =	shalt  }
0x40: {  	_ =	shalt  }
0x41: {  	_ =	shalt  }
0x42: {  	_ =	shalt  }
0x43: {  	_ =	shalt  }
0x44: {  	_ =	shalt  }
0x45: {  	_ =	shalt  }
0x46: {  	_ =	shalt  }
0x47: {  	_ =	shalt  }
0x48: {  	_ =	shalt  }
0x49: {  	_ =	shalt  }
0x4a: {  	_ =	shalt  }
0x4b: {  	_ =	shalt  }
0x4c: {  	_ =	shalt  }
0x4d: {  	_ =	shalt  }
0x4e: {  	_ =	shalt  }
0x4f: {  	_ =	shalt  }
0x50: {  	_ =	shalt  }
0x51: {  	_ =	shalt  }
0x52: {  	_ =	shalt  }
0x53: {  	_ =	shalt  }
0x54: {  	_ =	shalt  }
0x55: {  	_ =	shalt  }
0x56: {  	_ =	shalt  }
0x57: {  	_ =	shalt  }
0x58: {  	_ =	shalt  }
0x59: {  	_ =	shalt  }
0x5a: {  	_ =	shalt  }
0x5b: {  	_ =	shalt  }
0x5c: {  	_ =	shalt  }
0x5d: {  	_ =	shalt  }
0x5e: {  	_ =	shalt  }
0x5f: {  	_ =	shalt  }
0x60: {  	_ =	shalt  }
0x61: {  	_ =	shalt  }
0x62: {  	_ =	shalt  }
0x63: {  	_ =	shalt  }
0x64: {  	_ =	shalt  }
0x65: {  	_ =	shalt  }
0x66: {  	_ =	shalt  }
0x67: {  	_ =	shalt  }
0x68: {  	_ =	shalt  }
0x69: {  	_ =	shalt  }
0x6a: {  	_ =	shalt  }
0x6b: {  	_ =	shalt  }
0x6c: {  	_ =	shalt  }
0x6d: {  	_ =	shalt  }
0x6e: {  	_ =	shalt  }
0x6f: {  	_ =	shalt  }
0x70: {  	_ =	shalt  }
0x71: {  	_ =	shalt  }
0x72: {  	_ =	shalt  }
0x73: {  	_ =	shalt  }
0x74: {  	_ =	shalt  }
0x75: {  	_ =	shalt  }
0x76: {  	_ =	shalt  }
0x77: {  	_ =	shalt  }
0x78: {  	_ =	shalt  }
0x79: {  	_ =	shalt  }
0x7a: {  	_ =	shalt  }
0x7b: {  	_ =	shalt  }
0x7c: {  	_ =	shalt  }
0x7d: {  	_ =	shalt  }
0x7e: {  	_ =	shalt  }
0x7f: {  	_ =	shalt  }
0x80: {  	_ =	shalt  }
0x81: {  	_ =	shalt  }
0x82: {  	_ =	shalt  }
0x83: {  	_ =	shalt  }
0x84: {  	_ =	shalt  }
0x85: {  	_ =	shalt  }
0x86: {  	_ =	shalt  }
0x87: {  	_ =	shalt  }
.Lfunc_end0:
.L_simem_size_0:
called_computation.1_lowered:
.L_overlay_start_0:
0x88: {  	s2 =	sld [smem:$0x3FD9]  }
0x89: {  	s3 =	sld [smem:$0x3FFE];
	_ =	sdelay $0x1  }
0x8a: {  	s1 =	srdreg.scid  }
0x8b: {  	s0 =	sand.u32 $0x1, s1  }
0x8c: {  	s16 =	sshll.u32 s0, $0xA;
	s2 =	sadd.s32 s3, s2  }
0x8d: {  	s2 =	sadd.s32 s2, s16  }
0x8e: {  	[smem:$0x3FC1] =	sst s2  }
0x8f: {  	_ = 	snop  }
0x90: {  	(tm) =	ssettm $0x1  }
0x91: {  	s17 =	sld [smem:$0x3FFB];
	_ =	sdelay $0x3  }
0x92: {  	_ =	strace s17  }
0x93: {  	s2 =	sld [smem:$0x3FFC];
	_ =	sdelay $0x3  }
0x94: {  	_ =	strace s2  }
0x95: {  	s2 =	sld [smem:$0x3FFD];
	_ =	sdelay $0x3  }
0x96: {  	_ =	strace s2  }
0x97: {  	_ =	strace $0x8FFFFFFF  }
0x98: {  	s18 =	sld [smem:$0x3FDB];
	_ =	sdelay $0x1  }
0x99: {  	s19 =	simm.s32 $_scs_section_size  }
0x9a: {  	s4 =	simm.s32 $_size__tile_overlayer_lowered;
	s5 =	simm.s32 $_tile_overlayer_lowered  }
0x9b: {  	s22 =	simm.s32 $0x1BFF;
	s21 =	sshll.u32 s5, $0x1;
	s2 =	sadd.s32 s19, s18  }
0x9c: {  	s6 =	simm.s32 $0x0;
	s20 =	sshll.u32 s4, $0x1;
	s4 =	sadd.s32 s21, s2  }
0x9d: {  	[timem:s6], [sflag:s22] =	dma.local [hbm:s4], s20  }
0x9e: {  	_ =	swait.ge [sflag:s22], s20  }
0x9f: {  	s3 =	ssub.s32 $0x0, s20;
	[sflag:s22] =	ssyncset.done $0x0  }
0xa0: {  	[sflag:s22] =	ssyncadd.s32 s3;
	_ =	sdelay $0x1  }
0xa1: {  	s23 =	simm.s32 $0x1B8B  }
0xa2: {  	_ =	swait.ge [sflag:s23], $0x1  }
0xa3: {  	[sflag:s23] =	ssyncset.done $0x0  }
0xa4: {  	s25 =	simm.s32 $0x1B8E;
	s24 =	sld [smem:$0x3FFE];
	[sflag:s23] =	ssyncadd.s32 $0xFFFFFFFF  }
0xa5: {  	s26 =	simm.s32 $execute0_lowered;
	[smem:$0x3FD2] =	sst s25  }
0xa6: {  	s4 =	sshll.u32 s26, $0x1;
	_ =	strace $0x80000046;
	[dreg:$0x1] =	wrdreg $0xFFFFFFFF  }
0xa7: {  	s28 =	simm.s32 $_size_execute0_lowered;
	s2 =	sadd.s32 s2, s4;
	[dreg:$0x0] =	wrdreg $0x0  }
0xa8: {  	s4 =	sshll.u32 s28, $0x1;
	[dreg:$0x2] =	wrdreg s2  }
0xa9: {  	[dreg:$0x3] =	wrdreg s4  }
0xaa: {  	[dreg:$0x4] =	wrdreg $0xC0  }
0xab: {  	_ =	task [dreg:s6], $0x5FFFF  }
0xac: {  	[dreg:$0x1] =	wrdreg $0xFFFFFFFF  }
0xad: {  	[dreg:$0x0] =	wrdreg $0x60  }
0xae: {  	[dreg:$0x2] =	wrdreg s24  }
0xaf: {  	[dreg:$0x3] =	wrdreg $0xA  }
0xb0: {  	_ =	task.clear_ibuf [dreg:s6], $0x4FFFF;
	_ =	strace $0x90000046  }
0xb1: {  	s29 =	simm.s32 $0xA;
	_ =	strace $0x80000048  }
0xb2: {  	_ =	swait.ge [sflag:s29], $0x1  }
0xb3: {  	[sflag:s29] =	ssyncadd.s32 $0xFFFFFFFF  }
0xb4: {  	_ =	strace $0x90000048  }
0xb5: {  	_ =	sfence  }
0xb6: {  	s30 =	sld [smem:$0x0];
	_ =	sdelay $0x2  }
0xb7: {  	s31 =	sshll.u32 s1, $0xD;
	s1 =	sshrl.u32 s1, $0x2  }
0xb8: {  	s3 =	sand.u32 $0x4000, s31;
	s1 =	sadd.s32 s1, s30  }
0xb9: {  	s0 =	sor.u32 s3, s0;
	s1 =	sshll.u32 s1, $0x11  }
0xba: {  	s0 =	sor.u32 s1, s0  }
0xbb: {  	s0 =	sadd.s32 $0x8F2B, s0  }
0xbc: {  	[sflag:s0] =	ssyncadd.remote.s32 $0x1  }
0xbd: {  	_ =	sfence.sel $0xFFFF  }
0xbe: {  	[dreg:$0x0] =	wrdreg $0xFFFFFFFF;
	(pc) =	sbr.abs _section_cstart, $3  }
0xbf: {  	[dreg:$0x1] =	wrdreg $0xFFFFFFFF  }
0xc0: {  	_ =	task.clear_ibuf [dreg:s6], $0x2FFFF;
	_ =	strace $0x9FFFFFFF  }
0xc1: {  	(tm) =	ssettm $0x7FFFFFFF  }
tec
execute0_lowered:
.L_overlay_start_1:
0x0: {  	(tag) =	ssettag $0x1  }
0x1: {  	s0 =	srdreg.scid;
	s1 =	stileid.u32  }
0x2: {  	s2 =	sand.u32 $0x1, s0;
	s23 =	sshll.u32 s1, $0x1  }
0x3: {  	s0 =	sor.u32 s2, s23  }
0x4: {  	v0 =	vlaneseq.u32;
	s1 =	sshll.u32 s0, $0x9  }
0x5: {  	v1 =	vor.u32 s1, v0  }
0x6: {  	v36 =	vimm.f32 $0.0e+00;
	s3 =	sshll.u32 s0, $0x6;
	s4 =	sor.u32 $0x10, s1;
	s24 =	sor.u32 $0x20, s1;
	v2 =	vshrl.u32 v1, $0x3  }
0x7: {  	s25 =	sor.u32 $0x30, s1;
	s26 =	sor.u32 $0x40, s1;
	s5 =	sor.u32 $0x50, s1;
	v1 =	vmov s3;
	v3 =	vor.u32 s4, v0;
	v4 =	vor.u32 s24, v0  }
0x8: {  	s6 =	sor.u32 $0x60, s1;
	s7 =	sor.u32 $0x70, s1;
	s8 =	sor.u32 $0x80, s1;
	v5 =	vor.u32 s25, v0;
	v6 =	vor.u32 s26, v0;
	v7 =	vor.u32 s5, v0  }
0x9: {  	s10 =	sor.u32 $0x90, s1;
	s11 =	sor.u32 $0xA0, s1;
	s12 =	sor.u32 $0xB0, s1;
	v8 =	vor.u32 s6, v0;
	v9 =	vor.u32 s7, v0;
	v10 =	vor.u32 s8, v0  }
0xa: {  	s13 =	sor.u32 $0xC0, s1;
	s14 =	sor.u32 $0xD0, s1;
	s15 =	sor.u32 $0xE0, s1;
	v11 =	vor.u32 s10, v0;
	v12 =	vor.u32 s11, v0;
	v13 =	vor.u32 s12, v0  }
0xb: {  	s16 =	sor.u32 $0xF0, s1;
	v14 =	vor.u32 s13, v0;
	v15 =	vor.u32 s14, v0;
	v16 =	vor.u32 s15, v0  }
0xc: {  	v17 =	vor.u32 s16, v0;
	v2 =	vsub.s32 v2, v1;
	v3 =	vshrl.u32 v3, $0x3  }
0xd: {  	v4 =	vshrl.u32 v4, $0x3;
	v5 =	vshrl.u32 v5, $0x3;
	v6 =	vshrl.u32 v6, $0x3  }
0xe: {  	v7 =	vshrl.u32 v7, $0x3;
	v8 =	vshrl.u32 v8, $0x3;
	v9 =	vshrl.u32 v9, $0x3  }
0xf: {  	v10 =	vshrl.u32 v10, $0x3;
	v11 =	vshrl.u32 v11, $0x3;
	v12 =	vshrl.u32 v12, $0x3  }
0x10: {  	s9 =	sor.u32 $0x20, s3;
	[dreg:$0x3] =	wrdreg s24;
	s3 =	sadd.s32 $0x40, s3;
	v13 =	vshrl.u32 v13, $0x3;
	v14 =	vshrl.u32 v14, $0x3;
	v15 =	vshrl.u32 v15, $0x3  }
0x11: {  	[dreg:$0x4] =	wrdreg s25;
	v16 =	vshrl.u32 v16, $0x3;
	v23 =	vmov s3;
	v2 =	vshll.u32 v2, $0xB  }
0x12: {  	[dreg:$0x5] =	wrdreg s26;
	v3 =	vsub.s32 v3, v1;
	v4 =	vsub.s32 v4, v1;
	v5 =	vsub.s32 v5, v1  }
0x13: {  	[dreg:$0x6] =	wrdreg s5;
	v6 =	vsub.s32 v6, v1;
	v7 =	vsub.s32 v7, v1;
	v8 =	vsub.s32 v8, v1  }
0x14: {  	s2 =	ssub.s32 $0x2, s2;
	[dreg:$0x7] =	wrdreg s6;
	v9 =	vsub.s32 v9, v1;
	v10 =	vsub.s32 v10, v1;
	v11 =	vsub.s32 v11, v1  }
0x15: {  	s17 =	sshll.u32 s9, $0x3;
	s5 =	sshrl.u32 s2, $0x1;
	s6 =	sshll.u32 s0, $0xE;
	v12 =	vsub.s32 v12, v1;
	v13 =	vsub.s32 v13, v1;
	v14 =	vsub.s32 v14, v1  }
0x16: {  	s19 =	sor.u32 $0x20, s17;
	s20 =	sor.u32 $0x30, s17;
	s21 =	sor.u32 $0x40, s17;
	v15 =	vsub.s32 v15, v1;
	v18 =	vsub.s32 v16, v1;
	v16 =	vshrl.u32 v17, $0x3  }
0x17: {  	s22 =	sor.u32 $0x50, s17;
	s23 =	sor.u32 $0x60, s17;
	s24 =	sor.u32 $0x70, s17;
	v17 =	vor.u32 s17, v0;
	v21 =	vor.u32 s19, v0;
	v22 =	vor.u32 s20, v0  }
0x18: {  	s25 =	sor.u32 $0x80, s17;
	s26 =	sor.u32 $0x90, s17;
	s28 =	sor.u32 $0xA0, s17;
	v24 =	vor.u32 s21, v0;
	v25 =	vor.u32 s22, v0;
	v26 =	vor.u32 s23, v0  }
0x19: {  	s29 =	sor.u32 $0xB0, s17;
	s30 =	sor.u32 $0xC0, s17;
	s5 =	ssub.s32 s2, s5;
	v27 =	vor.u32 s24, v0;
	v28 =	vor.u32 s25, v0;
	v29 =	vor.u32 s26, v0  }
0x1a: {  	s0 =	sor.u32 $0xD0, s17;
	s2 =	sor.u32 $0xE0, s17;
	s3 =	sor.u32 $0xF0, s17;
	v30 =	vor.u32 s28, v0;
	v31 =	vor.u32 s29, v0;
	v32 =	vor.u32 s30, v0  }
0x1b: {  	v33 =	vor.u32 s0, v0;
	v34 =	vor.u32 s2, v0;
	v35 =	vor.u32 s3, v0  }
0x1c: {  	v3 =	vshll.u32 v3, $0xB;
	v4 =	vshll.u32 v4, $0xB;
	v5 =	vshll.u32 v5, $0xB  }
0x1d: {  	v6 =	vshll.u32 v6, $0xB;
	v7 =	vshll.u32 v7, $0xB;
	v8 =	vshll.u32 v8, $0xB  }
0x1e: {  	v9 =	vshll.u32 v9, $0xB;
	v10 =	vshll.u32 v10, $0xB;
	v11 =	vshll.u32 v11, $0xB  }
0x1f: {  	v12 =	vshll.u32 v12, $0xB;
	v13 =	vshll.u32 v13, $0xB;
	v14 =	vshll.u32 v14, $0xB  }
0x20: {  	v15 =	vshll.u32 v15, $0xB;
	v19 =	vsub.s32 v16, v1;
	v16 =	vmov s9  }
0x21: {  	v20 =	vshrl.u32 v17, $0x3;
	v17 =	vshll.u32 v18, $0xB;
	v21 =	vshrl.u32 v21, $0x3  }
0x22: {  	v22 =	vshrl.u32 v22, $0x3;
	v24 =	vshrl.u32 v24, $0x3;
	v25 =	vshrl.u32 v25, $0x3  }
0x23: {  	v26 =	vshrl.u32 v26, $0x3;
	v27 =	vshrl.u32 v27, $0x3;
	v28 =	vshrl.u32 v28, $0x3  }
0x24: {  	v29 =	vshrl.u32 v29, $0x3;
	v30 =	vshrl.u32 v30, $0x3;
	v31 =	vshrl.u32 v31, $0x3  }
0x25: {  	v32 =	vshrl.u32 v32, $0x3;
	v33 =	vshrl.u32 v33, $0x3;
	v34 =	vshrl.u32 v34, $0x3  }
0x26: {  	s18 =	sor.u32 $0x10, s17;
	v35 =	vshrl.u32 v35, $0x3;
	v18 =	vshll.u32 v19, $0xB;
	v19 =	vsub.s32 v20, v16  }
0x27: {  	s31 =	simm.s32 $0x0;
	v20 =	vor.u32 s18, v0;
	v21 =	vsub.s32 v21, v16;
	v22 =	vsub.s32 v22, v16  }
0x28: {  	[smem:$0x7FF] =	sst s31;
	v24 =	vsub.s32 v24, v16;
	v25 =	vsub.s32 v25, v16;
	v26 =	vsub.s32 v26, v16  }
0x29: {  	[dreg:$0x8] =	wrdreg s7;
	v27 =	vsub.s32 v27, v16;
	v28 =	vsub.s32 v28, v16;
	v29 =	vsub.s32 v29, v16  }
0x2a: {  	s7 =	rddreg [dreg:$0x0];
	v30 =	vsub.s32 v30, v16;
	v31 =	vsub.s32 v31, v16;
	v32 =	vsub.s32 v32, v16  }
0x2b: {  	[dreg:$0x9] =	wrdreg s8;
	s8 =	sadd.s32 $0x4800, s7;
	v33 =	vsub.s32 v33, v16;
	v34 =	vsub.s32 v34, v16;
	v35 =	vsub.s32 v35, v16  }
0x2c: {  	[dreg:$0x2] =	wrdreg s4;
	s4 =	sshll.u32 s9, $0x8;
	s6 =	sadd.s32 s8, s6;
	v19 =	vshll.u32 v19, $0xB;
	v20 =	vshrl.u32 v20, $0x3;
	v21 =	vshll.u32 v21, $0xB  }
0x2d: {  	s4 =	sadd.s32 s8, s4;
	[dreg:$0xa] =	wrdreg s6;
	v22 =	vshll.u32 v22, $0xB;
	v24 =	vshll.u32 v24, $0xB;
	v25 =	vshll.u32 v25, $0xB  }
0x2e: {  	[dreg:$0xb] =	wrdreg s4;
	s6 =	sadd.s32 $0x3800, s7;
	v26 =	vshll.u32 v26, $0xB;
	v27 =	vshll.u32 v27, $0xB;
	v28 =	vshll.u32 v28, $0xB  }
0x2f: {  	s8 =	sadd.s32 $0x4000, s7;
	_ =	strace $0x80000047;
	[dreg:$0xc] =	wrdreg s6;
	v29 =	vshll.u32 v29, $0xB;
	v30 =	vshll.u32 v30, $0xB;
	v31 =	vshll.u32 v31, $0xB  }
0x30: {  	s9 =	smax.u32 s5, $0x1;
	[dreg:$0xd] =	wrdreg s8;
	v32 =	vshll.u32 v32, $0xB;
	v33 =	vshll.u32 v33, $0xB;
	v20 =	vsub.s32 v20, v16  }
0x31: {  	s4 =	simm.s32 $0x1;
	s5 =	simm.s32 $0x0;
	[dreg:$0xe] =	wrdreg s9;
	v34 =	vshll.u32 v34, $0xB;
	v35 =	vshll.u32 v35, $0xB;
	v20 =	vshll.u32 v20, $0xB  }
.LBB2_1:
0x32: {  	s6 =	rddreg [dreg:$0xc];
	s7 =	simm.s32 $0x10000  }
0x33: {  	[tilespmem:s7], [sflag:$0x1] =	stream.linear.gather [hbm4b:s6+s31], $0x4000, $0x38;
	[tilespmem:$0x18000] =	vst v63  }
0x34: {  	_ =	swait.ge [sflag:s4], $0x4000  }
0x35: {  	[sflag:s4] =	ssyncset.done $0x0  }
0x36: {  	s9 =	simm.s32 $0x14000;
	s8 =	rddreg [dreg:$0xd];
	[sflag:s4] =	ssyncadd.s32 $0xFFFFC000  }
0x37: {  	[tilespmem:s9], [sflag:$0x1] =	stream.linear.gather [hbm4b:s8+s31], $0x4000, $0x38;
	[tilespmem:$0x18000] =	vst v63  }
0x38: {  	_ =	swait.ge [sflag:s4], $0x4000  }
0x39: {  	[sflag:s4] =	ssyncset.done $0x0  }
0x3a: {  	s6 =	simm.s32 $0x0;
	s7 =	simm.s32 $0x200;
	[sflag:s4] =	ssyncadd.s32 $0xFFFFC000  }
.LBB2_2:
0x3b: {  	p0 =	sne.s32 s7, $0x3FE00;
	[tilespmem:s6+$0x70] =	vst v36  }
0x3c: {  	[tilespmem:s6+$0x0] =	vst v36  }
0x3d: {  	[tilespmem:s6+$0x10] =	vst v36  }
.Ltmp0:
0x3e: {  	[tilespmem:s6+$0x20] =	vst v36;
	(pc) =	sbr.rel @p0 .LBB2_2-.Ltmp0, $4  }
0x3f: {  	[tilespmem:s6+$0x30] =	vst v36  }
0x40: {  	[tilespmem:s6+$0x40] =	vst v36  }
0x41: {  	[tilespmem:s6+$0x50] =	vst v36  }
0x42: {  	[tilespmem:s6+$0x60] =	vst v36;
	s6 =	sshra.s32 s7, $0x2;
	s7 =	sadd.s32 $0x200, s7  }
0x43: {  	[tilespmem:s6+$0x70] =	vst v36  }
0x44: {  	[tilespmem:s6+$0x0] =	vst v36  }
0x45: {  	[tilespmem:s6+$0x10] =	vst v36  }
0x46: {  	[tilespmem:s6+$0x20] =	vst v36  }
0x47: {  	[tilespmem:s6+$0x30] =	vst v36  }
0x48: {  	[tilespmem:s6+$0x40] =	vst v36  }
0x49: {  	[tilespmem:s6+$0x50] =	vst v36  }
0x4a: {  	[tilespmem:s6+$0x60] =	vst v36  }
0x4b: {  	v37 =	vld [tilespmem:s1+$0x10000];
	_ =	sdelay $0x3  }
0x4c: {  	v38 =	vld [tilespmem:s1+$0x14000]  }
0x4d: {  	v37 =	vadd.s32 v2, v37;
	_ =	sdelay $0x3  }
0x4e: {  	s6 =	simm.s32 $0x0;
	v38 =	vmax.f32 v38, $0.0e+00  }
0x4f: {  	s7 =	rddreg [dreg:$0x2];
	[tilespmem:v37+s6+$0x0] =	vst.idx.msk $0xffff, v38  }
0x50: {  	v37 =	vld [tilespmem:s7+$0x10000];
	_ =	sdelay $0x3  }
0x51: {  	v38 =	vld [tilespmem:s7+$0x14000]  }
0x52: {  	v37 =	vadd.s32 v3, v37;
	_ =	sdelay $0x3  }
0x53: {  	v38 =	vmax.f32 v38, $0.0e+00  }
0x54: {  	s9 =	rddreg [dreg:$0x3];
	[tilespmem:v37+s6+$0x0] =	vst.idx.msk $0xffff, v38  }
0x55: {  	v37 =	vld [tilespmem:s9+$0x10000];
	_ =	sdelay $0x3  }
0x56: {  	v38 =	vld [tilespmem:s9+$0x14000]  }
0x57: {  	v37 =	vadd.s32 v4, v37;
	_ =	sdelay $0x3  }
0x58: {  	v38 =	vmax.f32 v38, $0.0e+00  }
0x59: {  	s8 =	rddreg [dreg:$0x4];
	[tilespmem:v37+s6+$0x0] =	vst.idx.msk $0xffff, v38  }
0x5a: {  	v37 =	vld [tilespmem:s8+$0x10000];
	_ =	sdelay $0x3  }
0x5b: {  	v38 =	vld [tilespmem:s8+$0x14000]  }
0x5c: {  	v37 =	vadd.s32 v5, v37;
	_ =	sdelay $0x3  }
0x5d: {  	v38 =	vmax.f32 v38, $0.0e+00  }
0x5e: {  	s9 =	rddreg [dreg:$0x5];
	[tilespmem:v37+s6+$0x0] =	vst.idx.msk $0xffff, v38  }
0x5f: {  	v37 =	vld [tilespmem:s9+$0x10000];
	_ =	sdelay $0x3  }
0x60: {  	v38 =	vld [tilespmem:s9+$0x14000]  }
0x61: {  	v37 =	vadd.s32 v6, v37;
	_ =	sdelay $0x3  }
0x62: {  	v38 =	vmax.f32 v38, $0.0e+00  }
0x63: {  	s8 =	rddreg [dreg:$0x6];
	[tilespmem:v37+s6+$0x0] =	vst.idx.msk $0xffff, v38  }
0x64: {  	v37 =	vld [tilespmem:s8+$0x10000];
	_ =	sdelay $0x3  }
0x65: {  	v38 =	vld [tilespmem:s8+$0x14000]  }
0x66: {  	v37 =	vadd.s32 v7, v37;
	_ =	sdelay $0x3  }
0x67: {  	v38 =	vmax.f32 v38, $0.0e+00  }
0x68: {  	s9 =	rddreg [dreg:$0x7];
	[tilespmem:v37+s6+$0x0] =	vst.idx.msk $0xffff, v38  }
0x69: {  	v37 =	vld [tilespmem:s9+$0x10000];
	_ =	sdelay $0x3  }
0x6a: {  	v38 =	vld [tilespmem:s9+$0x14000]  }
0x6b: {  	v37 =	vadd.s32 v8, v37;
	_ =	sdelay $0x3  }
0x6c: {  	v38 =	vmax.f32 v38, $0.0e+00  }
0x6d: {  	s8 =	rddreg [dreg:$0x8];
	[tilespmem:v37+s6+$0x0] =	vst.idx.msk $0xffff, v38  }
0x6e: {  	v37 =	vld [tilespmem:s8+$0x10000];
	_ =	sdelay $0x3  }
0x6f: {  	v38 =	vld [tilespmem:s8+$0x14000]  }
0x70: {  	v37 =	vadd.s32 v9, v37;
	_ =	sdelay $0x3  }
0x71: {  	v38 =	vmax.f32 v38, $0.0e+00  }
0x72: {  	s9 =	rddreg [dreg:$0x9];
	[tilespmem:v37+s6+$0x0] =	vst.idx.msk $0xffff, v38  }
0x73: {  	v37 =	vld [tilespmem:s9+$0x10000];
	_ =	sdelay $0x3  }
0x74: {  	v38 =	vld [tilespmem:s9+$0x14000]  }
0x75: {  	v37 =	vadd.s32 v10, v37;
	_ =	sdelay $0x3  }
0x76: {  	v38 =	vmax.f32 v38, $0.0e+00  }
0x77: {  	[tilespmem:v37+s6+$0x0] =	vst.idx.msk $0xffff, v38  }
0x78: {  	v37 =	vld [tilespmem:s10+$0x10000];
	_ =	sdelay $0x3  }
0x79: {  	v38 =	vld [tilespmem:s10+$0x14000]  }
0x7a: {  	v37 =	vadd.s32 v11, v37;
	_ =	sdelay $0x3  }
0x7b: {  	v38 =	vmax.f32 v38, $0.0e+00  }
0x7c: {  	[tilespmem:v37+s6+$0x0] =	vst.idx.msk $0xffff, v38  }
0x7d: {  	v37 =	vld [tilespmem:s11+$0x10000];
	_ =	sdelay $0x3  }
0x7e: {  	v38 =	vld [tilespmem:s11+$0x14000]  }
0x7f: {  	v37 =	vadd.s32 v12, v37;
	_ =	sdelay $0x3  }
0x80: {  	v38 =	vmax.f32 v38, $0.0e+00  }
0x81: {  	[tilespmem:v37+s6+$0x0] =	vst.idx.msk $0xffff, v38  }
0x82: {  	v37 =	vld [tilespmem:s12+$0x10000];
	_ =	sdelay $0x3  }
0x83: {  	v38 =	vld [tilespmem:s12+$0x14000]  }
0x84: {  	v37 =	vadd.s32 v13, v37;
	_ =	sdelay $0x3  }
0x85: {  	v38 =	vmax.f32 v38, $0.0e+00  }
0x86: {  	[tilespmem:v37+s6+$0x0] =	vst.idx.msk $0xffff, v38  }
0x87: {  	v37 =	vld [tilespmem:s13+$0x10000];
	_ =	sdelay $0x3  }
0x88: {  	v38 =	vld [tilespmem:s13+$0x14000]  }
0x89: {  	v37 =	vadd.s32 v14, v37;
	_ =	sdelay $0x3  }
0x8a: {  	v38 =	vmax.f32 v38, $0.0e+00  }
0x8b: {  	[tilespmem:v37+s6+$0x0] =	vst.idx.msk $0xffff, v38  }
0x8c: {  	v37 =	vld [tilespmem:s14+$0x10000];
	_ =	sdelay $0x3  }
0x8d: {  	v38 =	vld [tilespmem:s14+$0x14000]  }
0x8e: {  	v37 =	vadd.s32 v15, v37;
	_ =	sdelay $0x3  }
0x8f: {  	v38 =	vmax.f32 v38, $0.0e+00  }
0x90: {  	[tilespmem:v37+s6+$0x0] =	vst.idx.msk $0xffff, v38  }
0x91: {  	v37 =	vld [tilespmem:s15+$0x10000];
	_ =	sdelay $0x3  }
0x92: {  	v38 =	vld [tilespmem:s15+$0x14000]  }
0x93: {  	v37 =	vadd.s32 v17, v37;
	_ =	sdelay $0x3  }
0x94: {  	v38 =	vmax.f32 v38, $0.0e+00  }
0x95: {  	[tilespmem:v37+s6+$0x0] =	vst.idx.msk $0xffff, v38  }
0x96: {  	v37 =	vld [tilespmem:s16+$0x10000];
	_ =	sdelay $0x3  }
0x97: {  	v38 =	vld [tilespmem:s16+$0x14000]  }
0x98: {  	v37 =	vadd.s32 v18, v37;
	_ =	sdelay $0x3  }
0x99: {  	v38 =	vmax.f32 v38, $0.0e+00  }
0x9a: {  	s7 =	simm.s32 $0x10010;
	s8 =	simm.s32 $0x14010;
	[tilespmem:v37+s6+$0x0] =	vst.idx.msk $0xffff, v38  }
.LBB2_4:
0x9b: {  	v37 =	vld [tilespmem:s7+$0xFFFFFFF0];
	_ =	sdelay $0x3  }
0x9c: {  	v38 =	vor.u32 s6, v0  }
0x9d: {  	v38 =	vshrl.u32 v38, $0x3;
	v39 =	vsub.s32 v37, v1  }
0x9e: {  	vm0 =	vge.s32 v37, v1;
	vm1 =	vlt.s32 v37, v16;
	v56 =	vshll.u32 v39, $0xB  }
0x9f: {  	v57 =	vld [tilespmem:s8+$0xFFFFFFF0];
	vm0 =	vmand vm0, vm1;
	v37 =	vadd.s32 v38, v56  }
0xa0: {  	v37 =	vnsel vm0, $0x0, v37;
	_ =	sdelay $0x3  }
0xa1: {  	v58 =	vmax.f32 v57, $0.0e+00  }
0xa2: {  	[tilespmem:v37+s31+$0x0] =	vst.idx.msk vm0, v58  }
0xa3: {  	v37 =	vld [tilespmem:s7+$0x0];
	_ =	sdelay $0x2  }
0xa4: {  	s9 =	sadd.s32 $0x10, s6  }
0xa5: {  	v59 =	vor.u32 s9, v0  }
0xa6: {  	v38 =	vshrl.u32 v59, $0x3;
	v60 =	vsub.s32 v37, v1  }
0xa7: {  	vm14 =	vge.s32 v37, v1;
	vm15 =	vlt.s32 v37, v16;
	v61 =	vshll.u32 v60, $0xB  }
0xa8: {  	v62 =	vld [tilespmem:s8+$0x0];
	vm0 =	vmand vm14, vm15;
	v37 =	vadd.s32 v38, v61  }
0xa9: {  	p0 =	sne.s32 s6, $0x3FE0;
	v37 =	vnsel vm0, $0x0, v37  }
.Ltmp1:
0xaa: {  	_ = 	snop;
	(pc) =	sbr.rel @p0 .LBB2_4-.Ltmp1, $3  }
0xab: {  	_ =	sdelay $0x1  }
0xac: {  	v63 =	vmax.f32 v62, $0.0e+00  }
0xad: {  	s6 =	sadd.s32 $0x20, s6;
	s7 =	sadd.s32 $0x20, s7;
	s8 =	sadd.s32 $0x20, s8;
	[tilespmem:v37+s31+$0x0] =	vst.idx.msk vm0, v63  }
0xae: {  	s6 =	simm.s32 $0x0;
	s7 =	rddreg [dreg:$0xa]  }
0xaf: {  	[hbm4b:s7+s6] =	stream.linear.scatter [tilespmem:s6], [sflag:$0x1], $0x10000, $0x38;
	[tilespmem:$0x18000] =	vst v63  }
0xb0: {  	_ =	swait.ge [sflag:s4], $0x10000  }
0xb1: {  	[sflag:s4] =	ssyncset.done $0x0  }
0xb2: {  	s6 =	simm.s32 $0x0;
	s7 =	simm.s32 $0x200;
	[sflag:s4] =	ssyncadd.s32 $0xFFFF0000  }
.LBB2_6:
0xb3: {  	p0 =	sne.s32 s7, $0x3FE00;
	[tilespmem:s6+$0x70] =	vst v36  }
0xb4: {  	[tilespmem:s6+$0x0] =	vst v36  }
0xb5: {  	[tilespmem:s6+$0x10] =	vst v36  }
.Ltmp2:
0xb6: {  	[tilespmem:s6+$0x20] =	vst v36;
	(pc) =	sbr.rel @p0 .LBB2_6-.Ltmp2, $4  }
0xb7: {  	[tilespmem:s6+$0x30] =	vst v36  }
0xb8: {  	[tilespmem:s6+$0x40] =	vst v36  }
0xb9: {  	[tilespmem:s6+$0x50] =	vst v36  }
0xba: {  	[tilespmem:s6+$0x60] =	vst v36;
	s6 =	sshra.s32 s7, $0x2;
	s7 =	sadd.s32 $0x200, s7  }
0xbb: {  	[tilespmem:s6+$0x70] =	vst v36  }
0xbc: {  	[tilespmem:s6+$0x0] =	vst v36  }
0xbd: {  	[tilespmem:s6+$0x10] =	vst v36  }
0xbe: {  	[tilespmem:s6+$0x20] =	vst v36  }
0xbf: {  	[tilespmem:s6+$0x30] =	vst v36  }
0xc0: {  	[tilespmem:s6+$0x40] =	vst v36  }
0xc1: {  	[tilespmem:s6+$0x50] =	vst v36  }
0xc2: {  	[tilespmem:s6+$0x60] =	vst v36  }
0xc3: {  	v37 =	vld [tilespmem:s17+$0x10000];
	_ =	sdelay $0x3  }
0xc4: {  	v38 =	vld [tilespmem:s17+$0x14000]  }
0xc5: {  	v37 =	vadd.s32 v19, v37;
	_ =	sdelay $0x3  }
0xc6: {  	s6 =	simm.s32 $0x0;
	v38 =	vmax.f32 v38, $0.0e+00  }
0xc7: {  	[tilespmem:v37+s6+$0x0] =	vst.idx.msk $0xffff, v38  }
0xc8: {  	v37 =	vld [tilespmem:s18+$0x10000];
	_ =	sdelay $0x3  }
0xc9: {  	v38 =	vld [tilespmem:s18+$0x14000]  }
0xca: {  	v37 =	vadd.s32 v20, v37;
	_ =	sdelay $0x3  }
0xcb: {  	v38 =	vmax.f32 v38, $0.0e+00  }
0xcc: {  	[tilespmem:v37+s6+$0x0] =	vst.idx.msk $0xffff, v38  }
0xcd: {  	v37 =	vld [tilespmem:s19+$0x10000];
	_ =	sdelay $0x3  }
0xce: {  	v38 =	vld [tilespmem:s19+$0x14000]  }
0xcf: {  	v37 =	vadd.s32 v21, v37;
	_ =	sdelay $0x3  }
0xd0: {  	v38 =	vmax.f32 v38, $0.0e+00  }
0xd1: {  	[tilespmem:v37+s6+$0x0] =	vst.idx.msk $0xffff, v38  }
0xd2: {  	v37 =	vld [tilespmem:s20+$0x10000];
	_ =	sdelay $0x3  }
0xd3: {  	v38 =	vld [tilespmem:s20+$0x14000]  }
0xd4: {  	v37 =	vadd.s32 v22, v37;
	_ =	sdelay $0x3  }
0xd5: {  	v38 =	vmax.f32 v38, $0.0e+00  }
0xd6: {  	[tilespmem:v37+s6+$0x0] =	vst.idx.msk $0xffff, v38  }
0xd7: {  	v37 =	vld [tilespmem:s21+$0x10000];
	_ =	sdelay $0x3  }
0xd8: {  	v38 =	vld [tilespmem:s21+$0x14000]  }
0xd9: {  	v37 =	vadd.s32 v24, v37;
	_ =	sdelay $0x3  }
0xda: {  	v38 =	vmax.f32 v38, $0.0e+00  }
0xdb: {  	[tilespmem:v37+s6+$0x0] =	vst.idx.msk $0xffff, v38  }
0xdc: {  	v37 =	vld [tilespmem:s22+$0x10000];
	_ =	sdelay $0x3  }
0xdd: {  	v38 =	vld [tilespmem:s22+$0x14000]  }
0xde: {  	v37 =	vadd.s32 v25, v37;
	_ =	sdelay $0x3  }
0xdf: {  	v38 =	vmax.f32 v38, $0.0e+00  }
0xe0: {  	[tilespmem:v37+s6+$0x0] =	vst.idx.msk $0xffff, v38  }
0xe1: {  	v37 =	vld [tilespmem:s23+$0x10000];
	_ =	sdelay $0x3  }
0xe2: {  	v38 =	vld [tilespmem:s23+$0x14000]  }
0xe3: {  	v37 =	vadd.s32 v26, v37;
	_ =	sdelay $0x3  }
0xe4: {  	v38 =	vmax.f32 v38, $0.0e+00  }
0xe5: {  	[tilespmem:v37+s6+$0x0] =	vst.idx.msk $0xffff, v38  }
0xe6: {  	v37 =	vld [tilespmem:s24+$0x10000];
	_ =	sdelay $0x3  }
0xe7: {  	v38 =	vld [tilespmem:s24+$0x14000]  }
0xe8: {  	v37 =	vadd.s32 v27, v37;
	_ =	sdelay $0x3  }
0xe9: {  	v38 =	vmax.f32 v38, $0.0e+00  }
0xea: {  	[tilespmem:v37+s6+$0x0] =	vst.idx.msk $0xffff, v38  }
0xeb: {  	v37 =	vld [tilespmem:s25+$0x10000];
	_ =	sdelay $0x3  }
0xec: {  	v38 =	vld [tilespmem:s25+$0x14000]  }
0xed: {  	v37 =	vadd.s32 v28, v37;
	_ =	sdelay $0x3  }
0xee: {  	v38 =	vmax.f32 v38, $0.0e+00  }
0xef: {  	[tilespmem:v37+s6+$0x0] =	vst.idx.msk $0xffff, v38  }
0xf0: {  	v37 =	vld [tilespmem:s26+$0x10000];
	_ =	sdelay $0x3  }
0xf1: {  	v38 =	vld [tilespmem:s26+$0x14000]  }
0xf2: {  	v37 =	vadd.s32 v29, v37;
	_ =	sdelay $0x3  }
0xf3: {  	v38 =	vmax.f32 v38, $0.0e+00  }
0xf4: {  	[tilespmem:v37+s6+$0x0] =	vst.idx.msk $0xffff, v38  }
0xf5: {  	v37 =	vld [tilespmem:s28+$0x10000];
	_ =	sdelay $0x3  }
0xf6: {  	v38 =	vld [tilespmem:s28+$0x14000]  }
0xf7: {  	v37 =	vadd.s32 v30, v37;
	_ =	sdelay $0x3  }
0xf8: {  	v38 =	vmax.f32 v38, $0.0e+00  }
0xf9: {  	[tilespmem:v37+s6+$0x0] =	vst.idx.msk $0xffff, v38  }
0xfa: {  	v37 =	vld [tilespmem:s29+$0x10000];
	_ =	sdelay $0x3  }
0xfb: {  	v38 =	vld [tilespmem:s29+$0x14000]  }
0xfc: {  	v37 =	vadd.s32 v31, v37;
	_ =	sdelay $0x3  }
0xfd: {  	v38 =	vmax.f32 v38, $0.0e+00  }
0xfe: {  	[tilespmem:v37+s6+$0x0] =	vst.idx.msk $0xffff, v38  }
0xff: {  	v37 =	vld [tilespmem:s30+$0x10000];
	_ =	sdelay $0x3  }
0x100: {  	v38 =	vld [tilespmem:s30+$0x14000]  }
0x101: {  	v37 =	vadd.s32 v32, v37;
	_ =	sdelay $0x3  }
0x102: {  	v38 =	vmax.f32 v38, $0.0e+00  }
0x103: {  	[tilespmem:v37+s6+$0x0] =	vst.idx.msk $0xffff, v38  }
0x104: {  	v37 =	vld [tilespmem:s0+$0x10000];
	_ =	sdelay $0x3  }
0x105: {  	v38 =	vld [tilespmem:s0+$0x14000]  }
0x106: {  	v37 =	vadd.s32 v33, v37;
	_ =	sdelay $0x3  }
0x107: {  	v38 =	vmax.f32 v38, $0.0e+00  }
0x108: {  	[tilespmem:v37+s6+$0x0] =	vst.idx.msk $0xffff, v38  }
0x109: {  	v37 =	vld [tilespmem:s2+$0x10000];
	_ =	sdelay $0x3  }
0x10a: {  	v38 =	vld [tilespmem:s2+$0x14000]  }
0x10b: {  	v37 =	vadd.s32 v34, v37;
	_ =	sdelay $0x3  }
0x10c: {  	v38 =	vmax.f32 v38, $0.0e+00  }
0x10d: {  	[tilespmem:v37+s6+$0x0] =	vst.idx.msk $0xffff, v38  }
0x10e: {  	v37 =	vld [tilespmem:s3+$0x10000];
	_ =	sdelay $0x3  }
0x10f: {  	v38 =	vld [tilespmem:s3+$0x14000]  }
0x110: {  	v37 =	vadd.s32 v35, v37;
	_ =	sdelay $0x3  }
0x111: {  	v38 =	vmax.f32 v38, $0.0e+00  }
0x112: {  	s7 =	simm.s32 $0x10010;
	s8 =	simm.s32 $0x14010;
	[tilespmem:v37+s6+$0x0] =	vst.idx.msk $0xffff, v38  }
.LBB2_8:
0x113: {  	v37 =	vld [tilespmem:s7+$0xFFFFFFF0];
	_ =	sdelay $0x3  }
0x114: {  	v38 =	vor.u32 s6, v0  }
0x115: {  	v38 =	vshrl.u32 v38, $0x3;
	v39 =	vsub.s32 v37, v16  }
0x116: {  	vm0 =	vge.s32 v37, v16;
	vm1 =	vlt.s32 v37, v23;
	v56 =	vshll.u32 v39, $0xB  }
0x117: {  	v57 =	vld [tilespmem:s8+$0xFFFFFFF0];
	vm0 =	vmand vm0, vm1;
	v37 =	vadd.s32 v38, v56  }
0x118: {  	v37 =	vnsel vm0, $0x0, v37;
	_ =	sdelay $0x3  }
0x119: {  	v58 =	vmax.f32 v57, $0.0e+00  }
0x11a: {  	[tilespmem:v37+s31+$0x0] =	vst.idx.msk vm0, v58  }
0x11b: {  	v37 =	vld [tilespmem:s7+$0x0];
	_ =	sdelay $0x2  }
0x11c: {  	s9 =	sadd.s32 $0x10, s6  }
0x11d: {  	v59 =	vor.u32 s9, v0  }
0x11e: {  	v38 =	vshrl.u32 v59, $0x3;
	v60 =	vsub.s32 v37, v16  }
0x11f: {  	vm14 =	vge.s32 v37, v16;
	vm15 =	vlt.s32 v37, v23;
	v61 =	vshll.u32 v60, $0xB  }
0x120: {  	v62 =	vld [tilespmem:s8+$0x0];
	vm0 =	vmand vm14, vm15;
	v37 =	vadd.s32 v38, v61  }
0x121: {  	p0 =	sne.s32 s6, $0x3FE0;
	v37 =	vnsel vm0, $0x0, v37  }
.Ltmp3:
0x122: {  	_ = 	snop;
	(pc) =	sbr.rel @p0 .LBB2_8-.Ltmp3, $3  }
0x123: {  	_ =	sdelay $0x1  }
0x124: {  	v63 =	vmax.f32 v62, $0.0e+00  }
0x125: {  	s6 =	sadd.s32 $0x20, s6;
	s7 =	sadd.s32 $0x20, s7;
	s8 =	sadd.s32 $0x20, s8;
	[tilespmem:v37+s31+$0x0] =	vst.idx.msk vm0, v63  }
0x126: {  	s6 =	rddreg [dreg:$0xb]  }
0x127: {  	[hbm4b:s6+s31] =	stream.linear.scatter [tilespmem:s31], [sflag:$0x1], $0x10000, $0x38;
	[tilespmem:$0x18000] =	vst v63  }
0x128: {  	_ =	swait.ge [sflag:s4], $0x10000  }
0x129: {  	s5 =	sadd.s32 $0x1, s5;
	s9 =	rddreg [dreg:$0xe]  }
0x12a: {  	p0 =	sne.s32 s5, s9  }
.Ltmp4:
0x12b: {  	_ = 	snop;
	(pc) =	sbr.rel @p0 .LBB2_1-.Ltmp4, $3  }
0x12c: {  	_ =	sdelay $0x1  }
0x12d: {  	[sflag:s4] =	ssyncset.done $0x0  }
0x12e: {  	[sflag:s4] =	ssyncadd.s32 $0xFFFF0000  }
0x12f: {  	_ =	sfence.sel $0x180000  }
0x130: {  	[bflag:$0x0] =	sbarrier.arrive $0xFFFF  }
0x131: {  	_ =	strace $0x90000047  }
0x132: {  	s0 =	stileid.u32;
	[bflag:$0x2] =	sbarrier.arrive $0xFFFF  }
0x133: {  	p0 =	sne.s32 s0, $0x0;
	s0 =	rddreg [dreg:$0x1]  }
0x134: {  	s0 =	sadd.s32 @!p0 $0x100000, s0  }
0x135: {  	[sflag:s0] =	ssyncadd.tile.s32 @!p0 $0x1;
	_ =	shalt  }
.Lfunc_end2:
_tile_overlayer_lowered:
.L_overlay_start_2:
0x136: {  	(tag) =	ssettag $0x2  }
0x137: {  	s0 =	rddreg [dreg:$0x0];
	s2 =	stileid.u32  }
0x138: {  	s1 =	rddreg [dreg:$0x1];
	p0 =	sne.s32 s2, $0x0  }
0x139: {  	s3 =	rddreg [dreg:$0x2];
	[bflag:$0x3] =	sbarrier.arrive $0xFFFF;
	s2 =	simm.s32 @!p0 $0x1C01  }
0x13a: {  	[timem:s3], [sflag:s2] =	dma.local @!p0 [hbm:s0], s1  }
0x13b: {  	s0 =	simm.s32 @!p0 $0x1  }
0x13c: {  	_ =	swait.ge @!p0 [sflag:s0], s1  }
0x13d: {  	s1 =	ssub.s32 @!p0 $0x0, s1;
	[sflag:s0] =	ssyncset.done @!p0 $0x0  }
0x13e: {  	[sflag:s0] =	ssyncadd.s32 @!p0 s1  }
0x13f: {  	[bflag:$0x3] =	sbarrier.arrive $0xFFFF  }
0x140: {  	_ =	shalt  }

// kernel: kernel.39.cloned.1.call-start
scs
__scs_entry_jumppad:
0x0: {  	(pc) =	sbr.rel $0x88, $3  }
0x1: {  	(tag) =	ssettag $0x0;
	lr =	simm.s32 $0x1  }
0x2: {  	[smem:$0x3F9A] =	sst lr;
	_ =	strace $0xD0000000  }
0x3: {  	_ = 	snop  }
0x4: {  	_ = 	snop  }
0x5: {  	_ = 	snop  }
0x6: {  	_ = 	snop  }
0x7: {  	_ = 	snop  }
__scs_overlays_trampoline_lowered:
0x8: {  	[smem:$0x3FA9] =	sst s0  }
0x9: {  	[smem:$0x3FAA] =	sst s1  }
0xa: {  	[smem:$0x3FAB] =	sst s2  }
0xb: {  	[smem:$0x3FAC] =	sst s3  }
0xc: {  	[smem:$0x3FAD] =	sst s4  }
0xd: {  	[smem:$0x3FAE] =	sst s5  }
0xe: {  	[smem:$0x3FAF] =	sst s6  }
0xf: {  	[smem:$0x3FB0] =	sst s7  }
0x10: {  	[smem:$0x3FB1] =	sst s8  }
0x11: {  	[smem:$0x3FB2] =	sst s9;
	s0 =	simm.s32 @!p0 $0x0  }
0x12: {  	s1 =	sld [smem:$0x3F98];
	s0 =	simm.s32 @p0 $0x1  }
0x13: {  	[smem:$0x3FB3] =	sst s0;
	s0 =	simm.s32 @!p1 $0x0  }
0x14: {  	s2 =	sld [smem:$0x3F97];
	s0 =	simm.s32 @p1 $0x1  }
0x15: {  	[smem:$0x3FB4] =	sst s0;
	s0 =	simm.s32 @!p2 $0x0  }
0x16: {  	s3 =	sld [smem:$0x3FDB];
	s0 =	simm.s32 @p2 $0x1  }
0x17: {  	s4 =	simm.s32 $0x1BF5;
	[smem:$0x3FB6] =	sst s0  }
0x18: {  	s0 =	sld [smem:$0x3F99];
	_ =	swait.ge [sflag:s4], $0x0  }
0x19: {  	s7 =	sld [smem:$0x3F9A]  }
0x1a: {  	s8 =	sadd.s32 $0xFFFFE003, lr  }
0x1b: {  	s9 =	sadd.s32 $0xFFFFFEF7, lr;
	s5 =	simm.s32 $0xFFFFFFFF;
	p2 =	slt.u32 s8, $0xFFFFF086  }
0x1c: {  	p1 =	slt.u32 s9, $0xF7A;
	s5 =	simm.s32 @!p2 $0x0  }
0x1d: {  	s5 =	simm.s32 @p1 $0x1;
	p0 =	seq.s32 s7, s2  }
0x1e: {  	s7 =	smul.u32 @!p0 $0xF7A, s2;
	p2 =	seq.s32 @!p0 s5, $0x0  }
0x1f: {  	s9 =	smul.u32 $0xF7A, s1;
	s8 =	simm.s32 @!p0 $0x1BF5;
	p2 =	por !p2, p0  }
0x20: {  	[sflag:s8] =	ssyncset.s32 @!p0 $0xFFFFF086;
	s6 =	sadd.s32 @!p0 s3, s7;
	s7 =	simm.s32 @!p0 $0x108  }
0x21: {  	s3 =	sadd.s32 s3, s9;
	s6 =	sadd.s32 @!p0 $0x88, s6;
	s7 =	simm.s32 @p2 $0x1082  }
0x22: {  	[simem:s7], [sflag:s8] =	dma.local @!p0 [hbm:s6], $0xF7A  }
0x23: {  	s9 =	sor.u32 $0xD0000000, s2;
	s6 =	simm.s32 $0x108;
	_ =	swait.ge @!p0 [sflag:s8], $0x0  }
0x24: {  	s3 =	sadd.s32 $0x88, s3;
	s6 =	simm.s32 @!p1 $0x1082;
	[sflag:s4] =	ssyncset.s32 $0xFFFFF086  }
0x25: {  	[simem:s6], [sflag:s4] =	dma.local [hbm:s3], $0xF7A  }
0x26: {  	[smem:$0x3F9A] =	sst s1;
	(tag) =	ssettag s2;
	_ =	strace s9  }
0x27: {  	s1 =	sld [smem:$0x3FAA]  }
0x28: {  	s2 =	sld [smem:$0x3FAB]  }
0x29: {  	s4 =	sld [smem:$0x3FAD]  }
0x2a: {  	p0 =	seq.s32 s5, $0x0;
	s5 =	sld [smem:$0x3FAE]  }
0x2b: {  	s6 =	sld [smem:$0x3FAF]  }
0x2c: {  	s7 =	sld [smem:$0x3FB0]  }
0x2d: {  	s3 =	simm.s32 $0x108;
	s8 =	sld [smem:$0x3FB1]  }
0x2e: {  	s3 =	simm.s32 @!p0 $0x1082;
	s9 =	sld [smem:$0x3FB2]  }
0x2f: {  	lr =	sadd.s32 s0, s3;
	s0 =	sld [smem:$0x3FA9]  }
0x30: {  	s3 =	sld [smem:$0x3FAC]  }
0x31: {  	[smem:$0x3FB5] =	sst s10  }
0x32: {  	s10 =	sld [smem:$0x3FB3];
	_ =	sdelay $0x3  }
0x33: {  	p0 =	seq.s32 s10, $0x1;
	s10 =	sld [smem:$0x3FB5];
	_ =	sdelay $0x3  }
0x34: {  	[smem:$0x3FB5] =	sst s10  }
0x35: {  	s10 =	sld [smem:$0x3FB4];
	_ =	sdelay $0x3  }
0x36: {  	p1 =	seq.s32 s10, $0x1;
	s10 =	sld [smem:$0x3FB5];
	_ =	sdelay $0x3  }
0x37: {  	[smem:$0x3FB5] =	sst s10  }
0x38: {  	s10 =	sld [smem:$0x3FB6]  }
0x39: {  	_ = 	snop;
	(pc) =	sbr.ind lr, $3  }
0x3a: {  	_ = 	snop  }
0x3b: {  	_ = 	snop  }
0x3c: {  	p2 =	seq.s32 s10, $0x1;
	s10 =	sld [smem:$0x3FB5]  }
0x3d: {  	_ =	shalt  }
0x3e: {  	_ =	shalt  }
0x3f: {  	_ =	shalt  }
0x40: {  	_ =	shalt  }
0x41: {  	_ =	shalt  }
0x42: {  	_ =	shalt  }
0x43: {  	_ =	shalt  }
0x44: {  	_ =	shalt  }
0x45: {  	_ =	shalt  }
0x46: {  	_ =	shalt  }
0x47: {  	_ =	shalt  }
0x48: {  	_ =	shalt  }
0x49: {  	_ =	shalt  }
0x4a: {  	_ =	shalt  }
0x4b: {  	_ =	shalt  }
0x4c: {  	_ =	shalt  }
0x4d: {  	_ =	shalt  }
0x4e: {  	_ =	shalt  }
0x4f: {  	_ =	shalt  }
0x50: {  	_ =	shalt  }
0x51: {  	_ =	shalt  }
0x52: {  	_ =	shalt  }
0x53: {  	_ =	shalt  }
0x54: {  	_ =	shalt  }
0x55: {  	_ =	shalt  }
0x56: {  	_ =	shalt  }
0x57: {  	_ =	shalt  }
0x58: {  	_ =	shalt  }
0x59: {  	_ =	shalt  }
0x5a: {  	_ =	shalt  }
0x5b: {  	_ =	shalt  }
0x5c: {  	_ =	shalt  }
0x5d: {  	_ =	shalt  }
0x5e: {  	_ =	shalt  }
0x5f: {  	_ =	shalt  }
0x60: {  	_ =	shalt  }
0x61: {  	_ =	shalt  }
0x62: {  	_ =	shalt  }
0x63: {  	_ =	shalt  }
0x64: {  	_ =	shalt  }
0x65: {  	_ =	shalt  }
0x66: {  	_ =	shalt  }
0x67: {  	_ =	shalt  }
0x68: {  	_ =	shalt  }
0x69: {  	_ =	shalt  }
0x6a: {  	_ =	shalt  }
0x6b: {  	_ =	shalt  }
0x6c: {  	_ =	shalt  }
0x6d: {  	_ =	shalt  }
0x6e: {  	_ =	shalt  }
0x6f: {  	_ =	shalt  }
0x70: {  	_ =	shalt  }
0x71: {  	_ =	shalt  }
0x72: {  	_ =	shalt  }
0x73: {  	_ =	shalt  }
0x74: {  	_ =	shalt  }
0x75: {  	_ =	shalt  }
0x76: {  	_ =	shalt  }
0x77: {  	_ =	shalt  }
0x78: {  	_ =	shalt  }
0x79: {  	_ =	shalt  }
0x7a: {  	_ =	shalt  }
0x7b: {  	_ =	shalt  }
0x7c: {  	_ =	shalt  }
0x7d: {  	_ =	shalt  }
0x7e: {  	_ =	shalt  }
0x7f: {  	_ =	shalt  }
0x80: {  	_ =	shalt  }
0x81: {  	_ =	shalt  }
0x82: {  	_ =	shalt  }
0x83: {  	_ =	shalt  }
0x84: {  	_ =	shalt  }
0x85: {  	_ =	shalt  }
0x86: {  	_ =	shalt  }
0x87: {  	_ =	shalt  }
.Lfunc_end0:
.L_simem_size_0:
called_computation.2_lowered:
.L_overlay_start_0:
0x88: {  	s2 =	sld [smem:$0x3FD9]  }
0x89: {  	s3 =	sld [smem:$0x3FFE];
	_ =	sdelay $0x1  }
0x8a: {  	s1 =	srdreg.scid  }
0x8b: {  	s0 =	sand.u32 $0x1, s1  }
0x8c: {  	s17 =	sshll.u32 s0, $0xA;
	s2 =	sadd.s32 s3, s2  }
0x8d: {  	s2 =	sadd.s32 s2, s17  }
0x8e: {  	[smem:$0x3FC1] =	sst s2  }
0x8f: {  	_ = 	snop  }
0x90: {  	(tm) =	ssettm $0x1  }
0x91: {  	s18 =	sld [smem:$0x3FFB];
	_ =	sdelay $0x3  }
0x92: {  	_ =	strace s18  }
0x93: {  	s2 =	sld [smem:$0x3FFC];
	_ =	sdelay $0x3  }
0x94: {  	_ =	strace s2  }
0x95: {  	s2 =	sld [smem:$0x3FFD];
	_ =	sdelay $0x3  }
0x96: {  	_ =	strace s2  }
0x97: {  	_ =	strace $0x8FFFFFFF  }
0x98: {  	s19 =	sld [smem:$0x3FDB];
	_ =	sdelay $0x1  }
0x99: {  	s20 =	simm.s32 $_scs_section_size  }
0x9a: {  	s4 =	simm.s32 $_size__tile_overlayer_lowered;
	s5 =	simm.s32 $_tile_overlayer_lowered  }
0x9b: {  	s6 =	simm.s32 $0x1BFF;
	s21 =	sshll.u32 s5, $0x1;
	s3 =	sadd.s32 s20, s19  }
0x9c: {  	s22 =	simm.s32 $0x0;
	s4 =	sshll.u32 s4, $0x1;
	s5 =	sadd.s32 s21, s3  }
0x9d: {  	[timem:s22], [sflag:s6] =	dma.local [hbm:s5], s4  }
0x9e: {  	_ =	swait.ge [sflag:s6], s4  }
0x9f: {  	s4 =	ssub.s32 $0x0, s4;
	[sflag:s6] =	ssyncset.done $0x0  }
0xa0: {  	[sflag:s6] =	ssyncadd.s32 s4;
	_ =	sdelay $0x1  }
0xa1: {  	s23 =	simm.s32 $0x1B8B  }
0xa2: {  	_ =	swait.ge [sflag:s23], $0x1  }
0xa3: {  	[sflag:s23] =	ssyncset.done $0x0  }
0xa4: {  	[sflag:s23] =	ssyncadd.s32 $0xFFFFFFFF  }
0xa5: {  	s4 =	sld [smem:$0x0]  }
0xa6: {  	s5 =	sand.u32 $0xFFFFFFFE, s1  }
0xa7: {  	p0 =	sne.s32 s1, s5  }
0xa8: {  	s5 =	sshll.u32 @p0 s5, $0xE  }
0xa9: {  	s5 =	sadd.s32 @p0 $0x11B8D, s5;
	s6 =	sshll.u32 @p0 s4, $0x11  }
0xaa: {  	s5 =	sor.u32 @p0 s6, s5  }
0xab: {  	[sflag:s5] =	ssyncadd.remote.s32 @p0 $0x1;
	_ =	sdelay $0x1  }
0xac: {  	s5 =	simm.s32 @p0 $0x1B8D  }
0xad: {  	_ =	swait.eq @p0 [sflag:s5], $0x1  }
0xae: {  	[sflag:s5] =	ssyncadd.s32 @p0 $0xFFFFFFFF  }
0xaf: {  	s6 =	sshll.u32 @!p0 s1, $0xE  }
0xb0: {  	s6 =	sor.u32 @!p0 $0x4000, s6;
	s5 =	simm.s32 @!p0 $0x1B8D  }
0xb1: {  	s4 =	sshll.u32 @!p0 s4, $0x11;
	s6 =	sadd.s32 @!p0 $0x11B8D, s6;
	_ =	swait.eq @!p0 [sflag:s5], $0x1  }
0xb2: {  	s4 =	sor.u32 @!p0 s4, s6;
	[sflag:s5] =	ssyncadd.s32 @!p0 $0xFFFFFFFF  }
0xb3: {  	s25 =	simm.s32 $0x1B8E;
	s24 =	sld [smem:$0x3FFE];
	[sflag:s4] =	ssyncadd.remote.s32 @!p0 $0x1  }
0xb4: {  	s26 =	simm.s32 $execute0_lowered;
	[smem:$0x3FD2] =	sst s25  }
0xb5: {  	s5 =	sshll.u32 s26, $0x1;
	_ =	strace $0x8000004C;
	[dreg:$0x1] =	wrdreg $0xFFFFFFFF  }
0xb6: {  	s28 =	simm.s32 $_size_execute0_lowered;
	s3 =	sadd.s32 s3, s5;
	[dreg:$0x0] =	wrdreg $0x0  }
0xb7: {  	s5 =	sshll.u32 s28, $0x1;
	[dreg:$0x2] =	wrdreg s3  }
0xb8: {  	[dreg:$0x3] =	wrdreg s5  }
0xb9: {  	[dreg:$0x4] =	wrdreg $0xC0  }
0xba: {  	_ =	task [dreg:s22], $0x5FFFF  }
0xbb: {  	[dreg:$0x1] =	wrdreg $0xFFFFFFFF  }
0xbc: {  	[dreg:$0x0] =	wrdreg $0x60  }
0xbd: {  	[dreg:$0x2] =	wrdreg s24  }
0xbe: {  	[dreg:$0x3] =	wrdreg $0xB  }
0xbf: {  	_ =	task.clear_ibuf [dreg:s22], $0x4FFFF;
	_ =	strace $0x9000004C  }
0xc0: {  	s29 =	simm.s32 $0xB;
	_ =	strace $0x8000004E  }
0xc1: {  	_ =	swait.ge [sflag:s29], $0x1  }
0xc2: {  	[sflag:s29] =	ssyncadd.s32 $0xFFFFFFFF  }
0xc3: {  	_ =	strace $0x9000004E  }
0xc4: {  	_ =	sfence  }
0xc5: {  	s30 =	sld [smem:$0x0];
	_ =	sdelay $0x2  }
0xc6: {  	s31 =	sshll.u32 s1, $0xD;
	s1 =	sshrl.u32 s1, $0x2  }
0xc7: {  	s4 =	sand.u32 $0x4000, s31;
	s1 =	sadd.s32 s1, s30  }
0xc8: {  	s0 =	sor.u32 s4, s0;
	s1 =	sshll.u32 s1, $0x11  }
0xc9: {  	s0 =	sor.u32 s1, s0  }
0xca: {  	s0 =	sadd.s32 $0x8F2B, s0  }
0xcb: {  	[sflag:s0] =	ssyncadd.remote.s32 $0x1  }
0xcc: {  	_ =	sfence.sel $0xFFFF  }
0xcd: {  	[dreg:$0x0] =	wrdreg $0xFFFFFFFF;
	(pc) =	sbr.abs _section_cstart, $3  }
0xce: {  	[dreg:$0x1] =	wrdreg $0xFFFFFFFF  }
0xcf: {  	_ =	task.clear_ibuf [dreg:s22], $0x2FFFF;
	_ =	strace $0x9FFFFFFF  }
0xd0: {  	(tm) =	ssettm $0x7FFFFFFF  }
0xd1: {  	_ =	shalt  }
tec
execute0_lowered:
.L_overlay_start_1:
0x0: {  	(tag) =	ssettag $0x1  }
0x1: {  	s0 =	srdreg.scid;
	s1 =	stileid.u32  }
0x2: {  	s2 =	sand.u32 $0x1, s0;
	s23 =	sshll.u32 s1, $0x1  }
0x3: {  	s0 =	sor.u32 s2, s23  }
0x4: {  	v0 =	vlaneseq.u32;
	s1 =	sshll.u32 s0, $0x9  }
0x5: {  	v1 =	vor.u32 s1, v0  }
0x6: {  	v36 =	vimm.f32 $0.0e+00;
	s3 =	sshll.u32 s0, $0x6;
	s4 =	sor.u32 $0x10, s1;
	s24 =	sor.u32 $0x20, s1;
	v2 =	vshrl.u32 v1, $0x3  }
0x7: {  	s25 =	sor.u32 $0x30, s1;
	s26 =	sor.u32 $0x40, s1;
	s5 =	sor.u32 $0x50, s1;
	v1 =	vmov s3;
	v3 =	vor.u32 s4, v0;
	v4 =	vor.u32 s24, v0  }
0x8: {  	s6 =	sor.u32 $0x60, s1;
	s7 =	sor.u32 $0x70, s1;
	s8 =	sor.u32 $0x80, s1;
	v5 =	vor.u32 s25, v0;
	v6 =	vor.u32 s26, v0;
	v7 =	vor.u32 s5, v0  }
0x9: {  	s10 =	sor.u32 $0x90, s1;
	s11 =	sor.u32 $0xA0, s1;
	s12 =	sor.u32 $0xB0, s1;
	v8 =	vor.u32 s6, v0;
	v9 =	vor.u32 s7, v0;
	v10 =	vor.u32 s8, v0  }
0xa: {  	s13 =	sor.u32 $0xC0, s1;
	s14 =	sor.u32 $0xD0, s1;
	s15 =	sor.u32 $0xE0, s1;
	v11 =	vor.u32 s10, v0;
	v12 =	vor.u32 s11, v0;
	v13 =	vor.u32 s12, v0  }
0xb: {  	s16 =	sor.u32 $0xF0, s1;
	v14 =	vor.u32 s13, v0;
	v15 =	vor.u32 s14, v0;
	v16 =	vor.u32 s15, v0  }
0xc: {  	v17 =	vor.u32 s16, v0;
	v2 =	vsub.s32 v2, v1;
	v3 =	vshrl.u32 v3, $0x3  }
0xd: {  	v4 =	vshrl.u32 v4, $0x3;
	v5 =	vshrl.u32 v5, $0x3;
	v6 =	vshrl.u32 v6, $0x3  }
0xe: {  	v7 =	vshrl.u32 v7, $0x3;
	v8 =	vshrl.u32 v8, $0x3;
	v9 =	vshrl.u32 v9, $0x3  }
0xf: {  	v10 =	vshrl.u32 v10, $0x3;
	v11 =	vshrl.u32 v11, $0x3;
	v12 =	vshrl.u32 v12, $0x3  }
0x10: {  	s9 =	sor.u32 $0x20, s3;
	[dreg:$0x3] =	wrdreg s24;
	s3 =	sadd.s32 $0x40, s3;
	v13 =	vshrl.u32 v13, $0x3;
	v14 =	vshrl.u32 v14, $0x3;
	v15 =	vshrl.u32 v15, $0x3  }
0x11: {  	[dreg:$0x4] =	wrdreg s25;
	v16 =	vshrl.u32 v16, $0x3;
	v23 =	vmov s3;
	v2 =	vshll.u32 v2, $0xB  }
0x12: {  	[dreg:$0x5] =	wrdreg s26;
	v3 =	vsub.s32 v3, v1;
	v4 =	vsub.s32 v4, v1;
	v5 =	vsub.s32 v5, v1  }
0x13: {  	[dreg:$0x6] =	wrdreg s5;
	v6 =	vsub.s32 v6, v1;
	v7 =	vsub.s32 v7, v1;
	v8 =	vsub.s32 v8, v1  }
0x14: {  	s2 =	ssub.s32 $0x2, s2;
	[dreg:$0x7] =	wrdreg s6;
	v9 =	vsub.s32 v9, v1;
	v10 =	vsub.s32 v10, v1;
	v11 =	vsub.s32 v11, v1  }
0x15: {  	s17 =	sshll.u32 s9, $0x3;
	s5 =	sshrl.u32 s2, $0x1;
	s6 =	sshll.u32 s0, $0xE;
	v12 =	vsub.s32 v12, v1;
	v13 =	vsub.s32 v13, v1;
	v14 =	vsub.s32 v14, v1  }
0x16: {  	s19 =	sor.u32 $0x20, s17;
	s20 =	sor.u32 $0x30, s17;
	s21 =	sor.u32 $0x40, s17;
	v15 =	vsub.s32 v15, v1;
	v18 =	vsub.s32 v16, v1;
	v16 =	vshrl.u32 v17, $0x3  }
0x17: {  	s22 =	sor.u32 $0x50, s17;
	s23 =	sor.u32 $0x60, s17;
	s24 =	sor.u32 $0x70, s17;
	v17 =	vor.u32 s17, v0;
	v21 =	vor.u32 s19, v0;
	v22 =	vor.u32 s20, v0  }
0x18: {  	s25 =	sor.u32 $0x80, s17;
	s26 =	sor.u32 $0x90, s17;
	s28 =	sor.u32 $0xA0, s17;
	v24 =	vor.u32 s21, v0;
	v25 =	vor.u32 s22, v0;
	v26 =	vor.u32 s23, v0  }
0x19: {  	s29 =	sor.u32 $0xB0, s17;
	s30 =	sor.u32 $0xC0, s17;
	s5 =	ssub.s32 s2, s5;
	v27 =	vor.u32 s24, v0;
	v28 =	vor.u32 s25, v0;
	v29 =	vor.u32 s26, v0  }
0x1a: {  	s0 =	sor.u32 $0xD0, s17;
	s2 =	sor.u32 $0xE0, s17;
	s3 =	sor.u32 $0xF0, s17;
	v30 =	vor.u32 s28, v0;
	v31 =	vor.u32 s29, v0;
	v32 =	vor.u32 s30, v0  }
0x1b: {  	v33 =	vor.u32 s0, v0;
	v34 =	vor.u32 s2, v0;
	v35 =	vor.u32 s3, v0  }
0x1c: {  	v3 =	vshll.u32 v3, $0xB;
	v4 =	vshll.u32 v4, $0xB;
	v5 =	vshll.u32 v5, $0xB  }
0x1d: {  	v6 =	vshll.u32 v6, $0xB;
	v7 =	vshll.u32 v7, $0xB;
	v8 =	vshll.u32 v8, $0xB  }
0x1e: {  	v9 =	vshll.u32 v9, $0xB;
	v10 =	vshll.u32 v10, $0xB;
	v11 =	vshll.u32 v11, $0xB  }
0x1f: {  	v12 =	vshll.u32 v12, $0xB;
	v13 =	vshll.u32 v13, $0xB;
	v14 =	vshll.u32 v14, $0xB  }
0x20: {  	v15 =	vshll.u32 v15, $0xB;
	v19 =	vsub.s32 v16, v1;
	v16 =	vmov s9  }
0x21: {  	v20 =	vshrl.u32 v17, $0x3;
	v17 =	vshll.u32 v18, $0xB;
	v21 =	vshrl.u32 v21, $0x3  }
0x22: {  	v22 =	vshrl.u32 v22, $0x3;
	v24 =	vshrl.u32 v24, $0x3;
	v25 =	vshrl.u32 v25, $0x3  }
0x23: {  	v26 =	vshrl.u32 v26, $0x3;
	v27 =	vshrl.u32 v27, $0x3;
	v28 =	vshrl.u32 v28, $0x3  }
0x24: {  	v29 =	vshrl.u32 v29, $0x3;
	v30 =	vshrl.u32 v30, $0x3;
	v31 =	vshrl.u32 v31, $0x3  }
0x25: {  	v32 =	vshrl.u32 v32, $0x3;
	v33 =	vshrl.u32 v33, $0x3;
	v34 =	vshrl.u32 v34, $0x3  }
0x26: {  	s18 =	sor.u32 $0x10, s17;
	v35 =	vshrl.u32 v35, $0x3;
	v18 =	vshll.u32 v19, $0xB;
	v19 =	vsub.s32 v20, v16  }
0x27: {  	s31 =	simm.s32 $0x0;
	v20 =	vor.u32 s18, v0;
	v21 =	vsub.s32 v21, v16;
	v22 =	vsub.s32 v22, v16  }
0x28: {  	[smem:$0x7FF] =	sst s31;
	v24 =	vsub.s32 v24, v16;
	v25 =	vsub.s32 v25, v16;
	v26 =	vsub.s32 v26, v16  }
0x29: {  	[dreg:$0x8] =	wrdreg s7;
	v27 =	vsub.s32 v27, v16;
	v28 =	vsub.s32 v28, v16;
	v29 =	vsub.s32 v29, v16  }
0x2a: {  	s7 =	rddreg [dreg:$0x0];
	v30 =	vsub.s32 v30, v16;
	v31 =	vsub.s32 v31, v16;
	v32 =	vsub.s32 v32, v16  }
0x2b: {  	[dreg:$0x9] =	wrdreg s8;
	s8 =	sadd.s32 $0x106800, s7;
	v33 =	vsub.s32 v33, v16;
	v34 =	vsub.s32 v34, v16;
	v35 =	vsub.s32 v35, v16  }
0x2c: {  	[dreg:$0x2] =	wrdreg s4;
	s4 =	sshll.u32 s9, $0x8;
	s6 =	sadd.s32 s8, s6;
	v19 =	vshll.u32 v19, $0xB;
	v20 =	vshrl.u32 v20, $0x3;
	v21 =	vshll.u32 v21, $0xB  }
0x2d: {  	s4 =	sadd.s32 s8, s4;
	[dreg:$0xa] =	wrdreg s6;
	v22 =	vshll.u32 v22, $0xB;
	v24 =	vshll.u32 v24, $0xB;
	v25 =	vshll.u32 v25, $0xB  }
0x2e: {  	[dreg:$0xb] =	wrdreg s4;
	s6 =	sadd.s32 $0x105800, s7;
	v26 =	vshll.u32 v26, $0xB;
	v27 =	vshll.u32 v27, $0xB;
	v28 =	vshll.u32 v28, $0xB  }
0x2f: {  	s8 =	sadd.s32 $0x106000, s7;
	_ =	strace $0x8000004D;
	[dreg:$0xc] =	wrdreg s6;
	v29 =	vshll.u32 v29, $0xB;
	v30 =	vshll.u32 v30, $0xB;
	v31 =	vshll.u32 v31, $0xB  }
0x30: {  	s9 =	smax.u32 s5, $0x1;
	[dreg:$0xd] =	wrdreg s8;
	v32 =	vshll.u32 v32, $0xB;
	v33 =	vshll.u32 v33, $0xB;
	v20 =	vsub.s32 v20, v16  }
0x31: {  	s4 =	simm.s32 $0x1;
	s5 =	simm.s32 $0x0;
	[dreg:$0xe] =	wrdreg s9;
	v34 =	vshll.u32 v34, $0xB;
	v35 =	vshll.u32 v35, $0xB;
	v20 =	vshll.u32 v20, $0xB  }
.LBB2_1:
0x32: {  	s6 =	rddreg [dreg:$0xc];
	s7 =	simm.s32 $0x10000  }
0x33: {  	[tilespmem:s7], [sflag:$0x1] =	stream.linear.gather [hbm4b:s6+s31], $0x4000, $0x38;
	[tilespmem:$0x18000] =	vst v63  }
0x34: {  	_ =	swait.ge [sflag:s4], $0x4000  }
0x35: {  	[sflag:s4] =	ssyncset.done $0x0  }
0x36: {  	s9 =	simm.s32 $0x14000;
	s8 =	rddreg [dreg:$0xd];
	[sflag:s4] =	ssyncadd.s32 $0xFFFFC000  }
0x37: {  	[tilespmem:s9], [sflag:$0x1] =	stream.linear.gather [hbm4b:s8+s31], $0x4000, $0x38;
	[tilespmem:$0x18000] =	vst v63  }
0x38: {  	_ =	swait.ge [sflag:s4], $0x4000  }
0x39: {  	[sflag:s4] =	ssyncset.done $0x0  }
0x3a: {  	s6 =	simm.s32 $0x0;
	s7 =	simm.s32 $0x200;
	[sflag:s4] =	ssyncadd.s32 $0xFFFFC000  }
.LBB2_2:
0x3b: {  	p0 =	sne.s32 s7, $0x3FE00;
	[tilespmem:s6+$0x70] =	vst v36  }
0x3c: {  	[tilespmem:s6+$0x0] =	vst v36  }
0x3d: {  	[tilespmem:s6+$0x10] =	vst v36  }
.Ltmp0:
0x3e: {  	[tilespmem:s6+$0x20] =	vst v36;
	(pc) =	sbr.rel @p0 .LBB2_2-.Ltmp0, $4  }
0x3f: {  	[tilespmem:s6+$0x30] =	vst v36  }
0x40: {  	[tilespmem:s6+$0x40] =	vst v36  }
0x41: {  	[tilespmem:s6+$0x50] =	vst v36  }
0x42: {  	[tilespmem:s6+$0x60] =	vst v36;
	s6 =	sshra.s32 s7, $0x2;
	s7 =	sadd.s32 $0x200, s7  }
0x43: {  	[tilespmem:s6+$0x70] =	vst v36  }
0x44: {  	[tilespmem:s6+$0x0] =	vst v36  }
0x45: {  	[tilespmem:s6+$0x10] =	vst v36  }
0x46: {  	[tilespmem:s6+$0x20] =	vst v36  }
0x47: {  	[tilespmem:s6+$0x30] =	vst v36  }
0x48: {  	[tilespmem:s6+$0x40] =	vst v36  }
0x49: {  	[tilespmem:s6+$0x50] =	vst v36  }
0x4a: {  	[tilespmem:s6+$0x60] =	vst v36  }
0x4b: {  	v37 =	vld [tilespmem:s1+$0x10000];
	_ =	sdelay $0x3  }
0x4c: {  	v38 =	vld [tilespmem:s1+$0x14000]  }
0x4d: {  	v37 =	vadd.s32 v2, v37;
	_ =	sdelay $0x3  }
0x4e: {  	s6 =	simm.s32 $0x0;
	v38 =	vmax.f32 v38, $0.0e+00  }
0x4f: {  	s7 =	rddreg [dreg:$0x2];
	[tilespmem:v37+s6+$0x0] =	vst.idx.msk $0xffff, v38  }
0x50: {  	v37 =	vld [tilespmem:s7+$0x10000];
	_ =	sdelay $0x3  }
0x51: {  	v38 =	vld [tilespmem:s7+$0x14000]  }
0x52: {  	v37 =	vadd.s32 v3, v37;
	_ =	sdelay $0x3  }
0x53: {  	v38 =	vmax.f32 v38, $0.0e+00  }
0x54: {  	s9 =	rddreg [dreg:$0x3];
	[tilespmem:v37+s6+$0x0] =	vst.idx.msk $0xffff, v38  }
0x55: {  	v37 =	vld [tilespmem:s9+$0x10000];
	_ =	sdelay $0x3  }
0x56: {  	v38 =	vld [tilespmem:s9+$0x14000]  }
0x57: {  	v37 =	vadd.s32 v4, v37;
	_ =	sdelay $0x3  }
0x58: {  	v38 =	vmax.f32 v38, $0.0e+00  }
0x59: {  	s8 =	rddreg [dreg:$0x4];
	[tilespmem:v37+s6+$0x0] =	vst.idx.msk $0xffff, v38  }
0x5a: {  	v37 =	vld [tilespmem:s8+$0x10000];
	_ =	sdelay $0x3  }
0x5b: {  	v38 =	vld [tilespmem:s8+$0x14000]  }
0x5c: {  	v37 =	vadd.s32 v5, v37;
	_ =	sdelay $0x3  }
0x5d: {  	v38 =	vmax.f32 v38, $0.0e+00  }
0x5e: {  	s9 =	rddreg [dreg:$0x5];
	[tilespmem:v37+s6+$0x0] =	vst.idx.msk $0xffff, v38  }
0x5f: {  	v37 =	vld [tilespmem:s9+$0x10000];
	_ =	sdelay $0x3  }
0x60: {  	v38 =	vld [tilespmem:s9+$0x14000]  }
0x61: {  	v37 =	vadd.s32 v6, v37;
	_ =	sdelay $0x3  }
0x62: {  	v38 =	vmax.f32 v38, $0.0e+00  }
0x63: {  	s8 =	rddreg [dreg:$0x6];
	[tilespmem:v37+s6+$0x0] =	vst.idx.msk $0xffff, v38  }
0x64: {  	v37 =	vld [tilespmem:s8+$0x10000];
	_ =	sdelay $0x3  }
0x65: {  	v38 =	vld [tilespmem:s8+$0x14000]  }
0x66: {  	v37 =	vadd.s32 v7, v37;
	_ =	sdelay $0x3  }
0x67: {  	v38 =	vmax.f32 v38, $0.0e+00  }
0x68: {  	s9 =	rddreg [dreg:$0x7];
	[tilespmem:v37+s6+$0x0] =	vst.idx.msk $0xffff, v38  }
0x69: {  	v37 =	vld [tilespmem:s9+$0x10000];
	_ =	sdelay $0x3  }
0x6a: {  	v38 =	vld [tilespmem:s9+$0x14000]  }
0x6b: {  	v37 =	vadd.s32 v8, v37;
	_ =	sdelay $0x3  }
0x6c: {  	v38 =	vmax.f32 v38, $0.0e+00  }
0x6d: {  	s8 =	rddreg [dreg:$0x8];
	[tilespmem:v37+s6+$0x0] =	vst.idx.msk $0xffff, v38  }
0x6e: {  	v37 =	vld [tilespmem:s8+$0x10000];
	_ =	sdelay $0x3  }
0x6f: {  	v38 =	vld [tilespmem:s8+$0x14000]  }
0x70: {  	v37 =	vadd.s32 v9, v37;
	_ =	sdelay $0x3  }
0x71: {  	v38 =	vmax.f32 v38, $0.0e+00  }
0x72: {  	s9 =	rddreg [dreg:$0x9];
	[tilespmem:v37+s6+$0x0] =	vst.idx.msk $0xffff, v38  }
0x73: {  	v37 =	vld [tilespmem:s9+$0x10000];
	_ =	sdelay $0x3  }
0x74: {  	v38 =	vld [tilespmem:s9+$0x14000]  }
0x75: {  	v37 =	vadd.s32 v10, v37;
	_ =	sdelay $0x3  }
0x76: {  	v38 =	vmax.f32 v38, $0.0e+00  }
0x77: {  	[tilespmem:v37+s6+$0x0] =	vst.idx.msk $0xffff, v38  }
0x78: {  	v37 =	vld [tilespmem:s10+$0x10000];
	_ =	sdelay $0x3  }
0x79: {  	v38 =	vld [tilespmem:s10+$0x14000]  }
0x7a: {  	v37 =	vadd.s32 v11, v37;
	_ =	sdelay $0x3  }
0x7b: {  	v38 =	vmax.f32 v38, $0.0e+00  }
0x7c: {  	[tilespmem:v37+s6+$0x0] =	vst.idx.msk $0xffff, v38  }
0x7d: {  	v37 =	vld [tilespmem:s11+$0x10000];
	_ =	sdelay $0x3  }
0x7e: {  	v38 =	vld [tilespmem:s11+$0x14000]  }
0x7f: {  	v37 =	vadd.s32 v12, v37;
	_ =	sdelay $0x3  }
0x80: {  	v38 =	vmax.f32 v38, $0.0e+00  }
0x81: {  	[tilespmem:v37+s6+$0x0] =	vst.idx.msk $0xffff, v38  }
0x82: {  	v37 =	vld [tilespmem:s12+$0x10000];
	_ =	sdelay $0x3  }
0x83: {  	v38 =	vld [tilespmem:s12+$0x14000]  }
0x84: {  	v37 =	vadd.s32 v13, v37;
	_ =	sdelay $0x3  }
0x85: {  	v38 =	vmax.f32 v38, $0.0e+00  }
0x86: {  	[tilespmem:v37+s6+$0x0] =	vst.idx.msk $0xffff, v38  }
0x87: {  	v37 =	vld [tilespmem:s13+$0x10000];
	_ =	sdelay $0x3  }
0x88: {  	v38 =	vld [tilespmem:s13+$0x14000]  }
0x89: {  	v37 =	vadd.s32 v14, v37;
	_ =	sdelay $0x3  }
0x8a: {  	v38 =	vmax.f32 v38, $0.0e+00  }
0x8b: {  	[tilespmem:v37+s6+$0x0] =	vst.idx.msk $0xffff, v38  }
0x8c: {  	v37 =	vld [tilespmem:s14+$0x10000];
	_ =	sdelay $0x3  }
0x8d: {  	v38 =	vld [tilespmem:s14+$0x14000]  }
0x8e: {  	v37 =	vadd.s32 v15, v37;
	_ =	sdelay $0x3  }
0x8f: {  	v38 =	vmax.f32 v38, $0.0e+00  }
0x90: {  	[tilespmem:v37+s6+$0x0] =	vst.idx.msk $0xffff, v38  }
0x91: {  	v37 =	vld [tilespmem:s15+$0x10000];
	_ =	sdelay $0x3  }
0x92: {  	v38 =	vld [tilespmem:s15+$0x14000]  }
0x93: {  	v37 =	vadd.s32 v17, v37;
	_ =	sdelay $0x3  }
0x94: {  	v38 =	vmax.f32 v38, $0.0e+00  }
0x95: {  	[tilespmem:v37+s6+$0x0] =	vst.idx.msk $0xffff, v38  }
0x96: {  	v37 =	vld [tilespmem:s16+$0x10000];
	_ =	sdelay $0x3  }
0x97: {  	v38 =	vld [tilespmem:s16+$0x14000]  }
0x98: {  	v37 =	vadd.s32 v18, v37;
	_ =	sdelay $0x3  }
0x99: {  	v38 =	vmax.f32 v38, $0.0e+00  }
0x9a: {  	s7 =	simm.s32 $0x10010;
	s8 =	simm.s32 $0x14010;
	[tilespmem:v37+s6+$0x0] =	vst.idx.msk $0xffff, v38  }
.LBB2_4:
0x9b: {  	v37 =	vld [tilespmem:s7+$0xFFFFFFF0];
	_ =	sdelay $0x3  }
0x9c: {  	v38 =	vor.u32 s6, v0  }
0x9d: {  	v38 =	vshrl.u32 v38, $0x3;
	v39 =	vsub.s32 v37, v1  }
0x9e: {  	vm0 =	vge.s32 v37, v1;
	vm1 =	vlt.s32 v37, v16;
	v56 =	vshll.u32 v39, $0xB  }
0x9f: {  	v57 =	vld [tilespmem:s8+$0xFFFFFFF0];
	vm0 =	vmand vm0, vm1;
	v37 =	vadd.s32 v38, v56  }
0xa0: {  	v37 =	vnsel vm0, $0x0, v37;
	_ =	sdelay $0x3  }
0xa1: {  	v58 =	vmax.f32 v57, $0.0e+00  }
0xa2: {  	[tilespmem:v37+s31+$0x0] =	vst.idx.msk vm0, v58  }
0xa3: {  	v37 =	vld [tilespmem:s7+$0x0];
	_ =	sdelay $0x2  }
0xa4: {  	s9 =	sadd.s32 $0x10, s6  }
0xa5: {  	v59 =	vor.u32 s9, v0  }
0xa6: {  	v38 =	vshrl.u32 v59, $0x3;
	v60 =	vsub.s32 v37, v1  }
0xa7: {  	vm14 =	vge.s32 v37, v1;
	vm15 =	vlt.s32 v37, v16;
	v61 =	vshll.u32 v60, $0xB  }
0xa8: {  	v62 =	vld [tilespmem:s8+$0x0];
	vm0 =	vmand vm14, vm15;
	v37 =	vadd.s32 v38, v61  }
0xa9: {  	p0 =	sne.s32 s6, $0x3FE0;
	v37 =	vnsel vm0, $0x0, v37  }
.Ltmp1:
0xaa: {  	_ = 	snop;
	(pc) =	sbr.rel @p0 .LBB2_4-.Ltmp1, $3  }
0xab: {  	_ =	sdelay $0x1  }
0xac: {  	v63 =	vmax.f32 v62, $0.0e+00  }
0xad: {  	s6 =	sadd.s32 $0x20, s6;
	s7 =	sadd.s32 $0x20, s7;
	s8 =	sadd.s32 $0x20, s8;
	[tilespmem:v37+s31+$0x0] =	vst.idx.msk vm0, v63  }
0xae: {  	s6 =	simm.s32 $0x0;
	s7 =	rddreg [dreg:$0xa]  }
0xaf: {  	[hbm4b:s7+s6] =	stream.linear.scatter [tilespmem:s6], [sflag:$0x1], $0x10000, $0x38;
	[tilespmem:$0x18000] =	vst v63  }
0xb0: {  	_ =	swait.ge [sflag:s4], $0x10000  }
0xb1: {  	[sflag:s4] =	ssyncset.done $0x0  }
0xb2: {  	s6 =	simm.s32 $0x0;
	s7 =	simm.s32 $0x200;
	[sflag:s4] =	ssyncadd.s32 $0xFFFF0000  }
.LBB2_6:
0xb3: {  	p0 =	sne.s32 s7, $0x3FE00;
	[tilespmem:s6+$0x70] =	vst v36  }
0xb4: {  	[tilespmem:s6+$0x0] =	vst v36  }
0xb5: {  	[tilespmem:s6+$0x10] =	vst v36  }
.Ltmp2:
0xb6: {  	[tilespmem:s6+$0x20] =	vst v36;
	(pc) =	sbr.rel @p0 .LBB2_6-.Ltmp2, $4  }
0xb7: {  	[tilespmem:s6+$0x30] =	vst v36  }
0xb8: {  	[tilespmem:s6+$0x40] =	vst v36  }
0xb9: {  	[tilespmem:s6+$0x50] =	vst v36  }
0xba: {  	[tilespmem:s6+$0x60] =	vst v36;
	s6 =	sshra.s32 s7, $0x2;
	s7 =	sadd.s32 $0x200, s7  }
0xbb: {  	[tilespmem:s6+$0x70] =	vst v36  }
0xbc: {  	[tilespmem:s6+$0x0] =	vst v36  }
0xbd: {  	[tilespmem:s6+$0x10] =	vst v36  }
0xbe: {  	[tilespmem:s6+$0x20] =	vst v36  }
0xbf: {  	[tilespmem:s6+$0x30] =	vst v36  }
0xc0: {  	[tilespmem:s6+$0x40] =	vst v36  }
0xc1: {  	[tilespmem:s6+$0x50] =	vst v36  }
0xc2: {  	[tilespmem:s6+$0x60] =	vst v36  }
0xc3: {  	v37 =	vld [tilespmem:s17+$0x10000];
	_ =	sdelay $0x3  }
0xc4: {  	v38 =	vld [tilespmem:s17+$0x14000]  }
0xc5: {  	v37 =	vadd.s32 v19, v37;
	_ =	sdelay $0x3  }
0xc6: {  	s6 =	simm.s32 $0x0;
	v38 =	vmax.f32 v38, $0.0e+00  }
0xc7: {  	[tilespmem:v37+s6+$0x0] =	vst.idx.msk $0xffff, v38  }
0xc8: {  	v37 =	vld [tilespmem:s18+$0x10000];
	_ =	sdelay $0x3  }
0xc9: {  	v38 =	vld [tilespmem:s18+$0x14000]  }
0xca: {  	v37 =	vadd.s32 v20, v37;
	_ =	sdelay $0x3  }
0xcb: {  	v38 =	vmax.f32 v38, $0.0e+00  }
0xcc: {  	[tilespmem:v37+s6+$0x0] =	vst.idx.msk $0xffff, v38  }
0xcd: {  	v37 =	vld [tilespmem:s19+$0x10000];
	_ =	sdelay $0x3  }
0xce: {  	v38 =	vld [tilespmem:s19+$0x14000]  }
0xcf: {  	v37 =	vadd.s32 v21, v37;
	_ =	sdelay $0x3  }
0xd0: {  	v38 =	vmax.f32 v38, $0.0e+00  }
0xd1: {  	[tilespmem:v37+s6+$0x0] =	vst.idx.msk $0xffff, v38  }
0xd2: {  	v37 =	vld [tilespmem:s20+$0x10000];
	_ =	sdelay $0x3  }
0xd3: {  	v38 =	vld [tilespmem:s20+$0x14000]  }
0xd4: {  	v37 =	vadd.s32 v22, v37;
	_ =	sdelay $0x3  }
0xd5: {  	v38 =	vmax.f32 v38, $0.0e+00  }
0xd6: {  	[tilespmem:v37+s6+$0x0] =	vst.idx.msk $0xffff, v38  }
0xd7: {  	v37 =	vld [tilespmem:s21+$0x10000];
	_ =	sdelay $0x3  }
0xd8: {  	v38 =	vld [tilespmem:s21+$0x14000]  }
0xd9: {  	v37 =	vadd.s32 v24, v37;
	_ =	sdelay $0x3  }
0xda: {  	v38 =	vmax.f32 v38, $0.0e+00  }
0xdb: {  	[tilespmem:v37+s6+$0x0] =	vst.idx.msk $0xffff, v38  }
0xdc: {  	v37 =	vld [tilespmem:s22+$0x10000];
	_ =	sdelay $0x3  }
0xdd: {  	v38 =	vld [tilespmem:s22+$0x14000]  }
0xde: {  	v37 =	vadd.s32 v25, v37;
	_ =	sdelay $0x3  }
0xdf: {  	v38 =	vmax.f32 v38, $0.0e+00  }
0xe0: {  	[tilespmem:v37+s6+$0x0] =	vst.idx.msk $0xffff, v38  }
0xe1: {  	v37 =	vld [tilespmem:s23+$0x10000];
	_ =	sdelay $0x3  }
0xe2: {  	v38 =	vld [tilespmem:s23+$0x14000]  }
0xe3: {  	v37 =	vadd.s32 v26, v37;
	_ =	sdelay $0x3  }
0xe4: {  	v38 =	vmax.f32 v38, $0.0e+00  }
0xe5: {  	[tilespmem:v37+s6+$0x0] =	vst.idx.msk $0xffff, v38  }
0xe6: {  	v37 =	vld [tilespmem:s24+$0x10000];
	_ =	sdelay $0x3  }
0xe7: {  	v38 =	vld [tilespmem:s24+$0x14000]  }
0xe8: {  	v37 =	vadd.s32 v27, v37;
	_ =	sdelay $0x3  }
0xe9: {  	v38 =	vmax.f32 v38, $0.0e+00  }
0xea: {  	[tilespmem:v37+s6+$0x0] =	vst.idx.msk $0xffff, v38  }
0xeb: {  	v37 =	vld [tilespmem:s25+$0x10000];
	_ =	sdelay $0x3  }
0xec: {  	v38 =	vld [tilespmem:s25+$0x14000]  }
0xed: {  	v37 =	vadd.s32 v28, v37;
	_ =	sdelay $0x3  }
0xee: {  	v38 =	vmax.f32 v38, $0.0e+00  }
0xef: {  	[tilespmem:v37+s6+$0x0] =	vst.idx.msk $0xffff, v38  }
0xf0: {  	v37 =	vld [tilespmem:s26+$0x10000];
	_ =	sdelay $0x3  }
0xf1: {  	v38 =	vld [tilespmem:s26+$0x14000]  }
0xf2: {  	v37 =	vadd.s32 v29, v37;
	_ =	sdelay $0x3  }
0xf3: {  	v38 =	vmax.f32 v38, $0.0e+00  }
0xf4: {  	[tilespmem:v37+s6+$0x0] =	vst.idx.msk $0xffff, v38  }
0xf5: {  	v37 =	vld [tilespmem:s28+$0x10000];
	_ =	sdelay $0x3  }
0xf6: {  	v38 =	vld [tilespmem:s28+$0x14000]  }
0xf7: {  	v37 =	vadd.s32 v30, v37;
	_ =	sdelay $0x3  }
0xf8: {  	v38 =	vmax.f32 v38, $0.0e+00  }
0xf9: {  	[tilespmem:v37+s6+$0x0] =	vst.idx.msk $0xffff, v38  }
0xfa: {  	v37 =	vld [tilespmem:s29+$0x10000];
	_ =	sdelay $0x3  }
0xfb: {  	v38 =	vld [tilespmem:s29+$0x14000]  }
0xfc: {  	v37 =	vadd.s32 v31, v37;
	_ =	sdelay $0x3  }
0xfd: {  	v38 =	vmax.f32 v38, $0.0e+00  }
0xfe: {  	[tilespmem:v37+s6+$0x0] =	vst.idx.msk $0xffff, v38  }
0xff: {  	v37 =	vld [tilespmem:s30+$0x10000];
	_ =	sdelay $0x3  }
0x100: {  	v38 =	vld [tilespmem:s30+$0x14000]  }
0x101: {  	v37 =	vadd.s32 v32, v37;
	_ =	sdelay $0x3  }
0x102: {  	v38 =	vmax.f32 v38, $0.0e+00  }
0x103: {  	[tilespmem:v37+s6+$0x0] =	vst.idx.msk $0xffff, v38  }
0x104: {  	v37 =	vld [tilespmem:s0+$0x10000];
	_ =	sdelay $0x3  }
0x105: {  	v38 =	vld [tilespmem:s0+$0x14000]  }
0x106: {  	v37 =	vadd.s32 v33, v37;
	_ =	sdelay $0x3  }
0x107: {  	v38 =	vmax.f32 v38, $0.0e+00  }
0x108: {  	[tilespmem:v37+s6+$0x0] =	vst.idx.msk $0xffff, v38  }
0x109: {  	v37 =	vld [tilespmem:s2+$0x10000];
	_ =	sdelay $0x3  }
0x10a: {  	v38 =	vld [tilespmem:s2+$0x14000]  }
0x10b: {  	v37 =	vadd.s32 v34, v37;
	_ =	sdelay $0x3  }
0x10c: {  	v38 =	vmax.f32 v38, $0.0e+00  }
0x10d: {  	[tilespmem:v37+s6+$0x0] =	vst.idx.msk $0xffff, v38  }
0x10e: {  	v37 =	vld [tilespmem:s3+$0x10000];
	_ =	sdelay $0x3  }
0x10f: {  	v38 =	vld [tilespmem:s3+$0x14000]  }
0x110: {  	v37 =	vadd.s32 v35, v37;
	_ =	sdelay $0x3  }
0x111: {  	v38 =	vmax.f32 v38, $0.0e+00  }
0x112: {  	s7 =	simm.s32 $0x10010;
	s8 =	simm.s32 $0x14010;
	[tilespmem:v37+s6+$0x0] =	vst.idx.msk $0xffff, v38  }
.LBB2_8:
0x113: {  	v37 =	vld [tilespmem:s7+$0xFFFFFFF0];
	_ =	sdelay $0x3  }
0x114: {  	v38 =	vor.u32 s6, v0  }
0x115: {  	v38 =	vshrl.u32 v38, $0x3;
	v39 =	vsub.s32 v37, v16  }
0x116: {  	vm0 =	vge.s32 v37, v16;
	vm1 =	vlt.s32 v37, v23;
	v56 =	vshll.u32 v39, $0xB  }
0x117: {  	v57 =	vld [tilespmem:s8+$0xFFFFFFF0];
	vm0 =	vmand vm0, vm1;
	v37 =	vadd.s32 v38, v56  }
0x118: {  	v37 =	vnsel vm0, $0x0, v37;
	_ =	sdelay $0x3  }
0x119: {  	v58 =	vmax.f32 v57, $0.0e+00  }
0x11a: {  	[tilespmem:v37+s31+$0x0] =	vst.idx.msk vm0, v58  }
0x11b: {  	v37 =	vld [tilespmem:s7+$0x0];
	_ =	sdelay $0x2  }
0x11c: {  	s9 =	sadd.s32 $0x10, s6  }
0x11d: {  	v59 =	vor.u32 s9, v0  }
0x11e: {  	v38 =	vshrl.u32 v59, $0x3;
	v60 =	vsub.s32 v37, v16  }
0x11f: {  	vm14 =	vge.s32 v37, v16;
	vm15 =	vlt.s32 v37, v23;
	v61 =	vshll.u32 v60, $0xB  }
0x120: {  	v62 =	vld [tilespmem:s8+$0x0];
	vm0 =	vmand vm14, vm15;
	v37 =	vadd.s32 v38, v61  }
0x121: {  	p0 =	sne.s32 s6, $0x3FE0;
	v37 =	vnsel vm0, $0x0, v37  }
.Ltmp3:
0x122: {  	_ = 	snop;
	(pc) =	sbr.rel @p0 .LBB2_8-.Ltmp3, $3  }
0x123: {  	_ =	sdelay $0x1  }
0x124: {  	v63 =	vmax.f32 v62, $0.0e+00  }
0x125: {  	s6 =	sadd.s32 $0x20, s6;
	s7 =	sadd.s32 $0x20, s7;
	s8 =	sadd.s32 $0x20, s8;
	[tilespmem:v37+s31+$0x0] =	vst.idx.msk vm0, v63  }
0x126: {  	s6 =	rddreg [dreg:$0xb]  }
0x127: {  	[hbm4b:s6+s31] =	stream.linear.scatter [tilespmem:s31], [sflag:$0x1], $0x10000, $0x38;
	[tilespmem:$0x18000] =	vst v63  }
0x128: {  	_ =	swait.ge [sflag:s4], $0x10000  }
0x129: {  	s5 =	sadd.s32 $0x1, s5;
	s9 =	rddreg [dreg:$0xe]  }
0x12a: {  	p0 =	sne.s32 s5, s9  }
.Ltmp4:
0x12b: {  	_ = 	snop;
	(pc) =	sbr.rel @p0 .LBB2_1-.Ltmp4, $3  }
0x12c: {  	_ =	sdelay $0x1  }
0x12d: {  	[sflag:s4] =	ssyncset.done $0x0  }
0x12e: {  	[sflag:s4] =	ssyncadd.s32 $0xFFFF0000  }
0x12f: {  	_ =	sfence.sel $0x180000  }
0x130: {  	[bflag:$0x0] =	sbarrier.arrive $0xFFFF  }
0x131: {  	_ =	strace $0x9000004D  }
0x132: {  	s0 =	stileid.u32;
	[bflag:$0x2] =	sbarrier.arrive $0xFFFF  }
0x133: {  	p0 =	sne.s32 s0, $0x0;
	s0 =	rddreg [dreg:$0x1]  }
0x134: {  	s0 =	sadd.s32 @!p0 $0x100000, s0  }
0x135: {  	[sflag:s0] =	ssyncadd.tile.s32 @!p0 $0x1;
	_ =	shalt  }
.Lfunc_end2:
_tile_overlayer_lowered:
.L_overlay_start_2:
0x136: {  	(tag) =	ssettag $0x2  }
0x137: {  	s0 =	rddreg [dreg:$0x0];
	s2 =	stileid.u32  }
0x138: {  	s1 =	rddreg [dreg:$0x1];
	p0 =	sne.s32 s2, $0x0  }
0x139: {  	s3 =	rddreg [dreg:$0x2];
	[bflag:$0x3] =	sbarrier.arrive $0xFFFF;
	s2 =	simm.s32 @!p0 $0x1C01  }
0x13a: {  	[timem:s3], [sflag:s2] =	dma.local @!p0 [hbm:s0], s1  }
0x13b: {  	s0 =	simm.s32 @!p0 $0x1  }
0x13c: {  	_ =	swait.ge @!p0 [sflag:s0], s1  }
0x13d: {  	s1 =	ssub.s32 @!p0 $0x0, s1;
	[sflag:s0] =	ssyncset.done @!p0 $0x0  }
0x13e: {  	[sflag:s0] =	ssyncadd.s32 @!p0 s1  }
0x13f: {  	[bflag:$0x3] =	sbarrier.arrive $0xFFFF  }
0x140: {  	_ =	shalt  }

</sc_bundles>
